<compile_context>
chip_gen: v7x
topology: tpu7x:2x2x1
jax: 0.10.2.dev20260603
libtpu: 0.0.44.dev20260713+nightly
codegen_flags: <defaults>
</compile_context>

<pallas_src>
import jax
import jax.numpy as jnp
from jax import lax
from jax.experimental import pallas as pl
from jax.experimental.pallas import tpu as pltpu
from jax.experimental.pallas import tpu_sc as plsc

_N = 50000
_E = 800000
_IN = 73
_K = 3
_NC = 2
_NS = 16
_NW = _NC * _NS
_LB = 128
_TOT = 6400
_SOPS = _TOT // _NS
_CHOPS = 16
_EPAD = _TOT * _LB
_DEG_OPS = _TOT // _NW
_DEG_CH = 40
_RCH = 184
_NP = 50048
_RPS = _NP // _NS
_DW = 8
_TN = 2000


def _mesh():
    return plsc.VectorSubcoreMesh(core_axis_name="c", subcore_axis_name="s",
                                  num_cores=_NC, num_subcores=_NS)



def _deg_body(dstw, ones_hbm, zeros_hbm, out, dst_v, ones_v, acc):
    c = lax.axis_index("c")
    s = lax.axis_index("s")
    wid = s * _NC + c
    r0 = s * _RPS
    pltpu.sync_copy(zeros_hbm, acc.at[pl.ds(r0, _RPS), :])
    pltpu.sync_copy(ones_hbm, ones_v)
    plsc.subcore_barrier()
    base = wid * _DEG_OPS

    def outer(o, carry):
        pltpu.sync_copy(dstw.at[pl.ds(base + o * _DEG_CH, _DEG_CH)], dst_v)

        def body(j, carry2):
            pltpu.sync_copy(ones_v, acc.at[dst_v.at[j]], add=True)
            return carry2

        return lax.fori_loop(0, _DEG_CH, body, carry)

    lax.fori_loop(0, _DEG_OPS // _DEG_CH, outer, 0)
    plsc.subcore_barrier()
    pltpu.sync_copy(acc.at[pl.ds(r0, _RPS), :], out.at[c, pl.ds(r0, _RPS), :])


_deg_call = pl.kernel(
    _deg_body,
    out_type=jax.ShapeDtypeStruct((_NC, _NP, _DW), jnp.float32),
    mesh=_mesh(),
    compiler_params=pltpu.CompilerParams(use_tc_tiling_on_sc=False),
    scratch_types=[
        pltpu.VMEM((_DEG_CH, _LB), jnp.int32),
        pltpu.VMEM((_LB, _DW), jnp.float32),
        pltpu.VMEM_SHARED((_NP, _DW), jnp.float32),
    ],
)



_NBUF = 4
_NGRP = _CHOPS // _NBUF


def _mega_body(u1, srcw, dstw, q, dis2, zeros16, out,
               src_v, dst_v, rows_v, cb_a, cb_q, cb_u, cb_d, acc, uS, *gsem):
    c = lax.axis_index("c")
    s = lax.axis_index("s")
    r0 = s * _RPS
    base = s * _SOPS

    def scatter_phase(table):
        def outer(o, carry):
            row = base + o * _CHOPS
            pltpu.sync_copy(srcw.at[pl.ds(row, _CHOPS)], src_v)
            pltpu.sync_copy(dstw.at[pl.ds(row, _CHOPS)], dst_v)
            for b in range(_NBUF):
                pltpu.async_copy(table.at[src_v.at[b]], rows_v.at[b], gsem[b])

            def group(g, carry2):
                for b in range(_NBUF):
                    j = g * _NBUF + b
                    pltpu.make_async_copy(table.at[src_v.at[j]], rows_v.at[b], gsem[b]).wait()
                    pltpu.sync_copy(rows_v.at[b], acc.at[dst_v.at[j]], add=True)
                    nxt = j + _NBUF

                    @pl.when(nxt < _CHOPS)
                    def _():
                        pltpu.async_copy(table.at[src_v.at[nxt]], rows_v.at[b], gsem[b])

                return carry2

            return lax.fori_loop(0, _NGRP, group, carry)

        lax.fori_loop(0, _SOPS // _CHOPS, outer, 0)

    def combine_phase(qoff):
        def chunk(k, carry):
            row = r0 + k * _RCH
            pltpu.sync_copy(acc.at[pl.ds(row, _RCH), :], cb_a)
            pltpu.sync_copy(q.at[pl.ds(row, _RCH), pl.ds(qoff, 16)], cb_q)
            pltpu.sync_copy(dis2.at[pl.ds(row, _RCH)], cb_d)

            def rowloop(r, carry2):
                d = plsc.load_gather(cb_d, [jnp.full((16,), r, jnp.int32)])
                cb_u[r, :] = d * cb_a[r, :] + cb_q[r, :]
                return carry2

            lax.fori_loop(0, _RCH, rowloop, carry)
            pltpu.sync_copy(cb_u, uS.at[pl.ds(row, _RCH), :])
            return carry

        lax.fori_loop(0, _RPS // _RCH, chunk, 0)
        pltpu.sync_copy(zeros16, acc.at[pl.ds(r0, _RPS), :])

    qc = 16 * c
    pltpu.sync_copy(zeros16, acc.at[pl.ds(r0, _RPS), :])
    pltpu.sync_copy(u1.at[c, pl.ds(r0, _RPS), :], uS.at[pl.ds(r0, _RPS), :])
    plsc.subcore_barrier()
    scatter_phase(uS)
    plsc.subcore_barrier()
    combine_phase(qc)
    plsc.subcore_barrier()
    scatter_phase(uS)
    plsc.subcore_barrier()
    combine_phase(32 + qc)
    plsc.subcore_barrier()
    scatter_phase(uS)
    plsc.subcore_barrier()
    pltpu.sync_copy(acc.at[pl.ds(r0, _RPS), :], out.at[pl.ds(r0, _RPS), pl.ds(qc, 16)])


_mega_call = pl.kernel(
    _mega_body,
    out_type=jax.ShapeDtypeStruct((_NP, 32), jnp.float32),
    mesh=_mesh(),
    compiler_params=pltpu.CompilerParams(use_tc_tiling_on_sc=False,
                                         needs_layout_passes=False),
    scratch_types=[
        pltpu.VMEM((_CHOPS, _LB), jnp.int32),
        pltpu.VMEM((_CHOPS, _LB), jnp.int32),
        pltpu.VMEM((_NBUF, _LB, 16), jnp.float32),
        pltpu.VMEM((_RCH, 16), jnp.float32),
        pltpu.VMEM((_RCH, 16), jnp.float32),
        pltpu.VMEM((_RCH, 16), jnp.float32),
        pltpu.VMEM((_RCH,), jnp.float32),
        pltpu.VMEM_SHARED((_NP, 16), jnp.float32),
        pltpu.VMEM_SHARED((_NP, 16), jnp.float32),
    ] + [pltpu.SemaphoreType.DMA] * _NBUF,
)



def _pb_kernel(x_ref, w_ref, bt_ref, dp_ref,
               r0_ref, q_ref, u1_ref, dis_ref, dis2_ref):
    P = jnp.dot(x_ref[...], w_ref[...], preferred_element_type=jnp.float32)
    deg = dp_ref[0, :, 0:1] + dp_ref[1, :, 0:1]
    dis = jnp.where(deg > 0, lax.rsqrt(jnp.maximum(deg, 1.0)), 0.0)
    r0_ref[...] = P[:, 0:32] + bt_ref[...]
    q_ref[:, 0:32] = dis * P[:, 64:96]
    q_ref[:, 32:64] = dis * P[:, 32:64]
    u1 = dis * P[:, 96:128]
    u1_ref[0] = u1[:, 0:16]
    u1_ref[1] = u1[:, 16:32]
    dis_ref[...] = dis
    dis2_ref[...] = dis * dis


def _pb_call(x, wcat, bt2, degp):
    f32 = jnp.float32
    g = _N // _TN
    return pl.pallas_call(
        _pb_kernel,
        grid=(g,),
        in_specs=[
            pl.BlockSpec((_TN, _IN), lambda i: (i, 0)),
            pl.BlockSpec((_IN, 4 * 32), lambda i: (0, 0)),
            pl.BlockSpec((1, 32), lambda i: (0, 0)),
            pl.BlockSpec((_NC, _TN, _DW), lambda i: (0, i, 0)),
        ],
        out_specs=[
            pl.BlockSpec((_TN, 32), lambda i: (i, 0)),
            pl.BlockSpec((_TN, 64), lambda i: (i, 0)),
            pl.BlockSpec((_NC, _TN, 16), lambda i: (0, i, 0)),
            pl.BlockSpec((_TN, 1), lambda i: (i, 0)),
            pl.BlockSpec((_TN, 1), lambda i: (i, 0)),
        ],
        out_shape=[
            jax.ShapeDtypeStruct((_N, 32), f32),
            jax.ShapeDtypeStruct((_N, 64), f32),
            jax.ShapeDtypeStruct((_NC, _NP, 16), f32),
            jax.ShapeDtypeStruct((_N, 1), f32),
            jax.ShapeDtypeStruct((_N, 1), f32),
        ],
    )(x, wcat, bt2, degp)



def _acc_stats(i, h, s_ref, q_ref):
    s = jnp.sum(h, axis=0, keepdims=True)
    q = jnp.sum(h * h, axis=0, keepdims=True)

    @pl.when(i == 0)
    def _():
        s_ref[...] = s
        q_ref[...] = q

    @pl.when(i > 0)
    def _():
        s_ref[...] += s
        q_ref[...] += q


def _bn_leaky(h, s, q, g, b):
    m = s * (1.0 / _N)
    v = q * (1.0 / _N) - m * m
    hn = (h - m) * lax.rsqrt(v + 1e-5) * g + b
    return jnp.where(hn >= 0, hn, 0.1 * hn)


def _comb3_kernel(pa_ref, dis_ref, r0_ref, h_ref, s_ref, q_ref):
    i = pl.program_id(0)
    h = dis_ref[...] * pa_ref[...] + r0_ref[...]
    h_ref[...] = h
    _acc_stats(i, h, s_ref, q_ref)


def _comb3_call(h3, dis, r0):
    f32 = jnp.float32
    return pl.pallas_call(
        _comb3_kernel,
        grid=(_N // _TN,),
        in_specs=[
            pl.BlockSpec((_TN, 32), lambda i: (i, 0)),
            pl.BlockSpec((_TN, 1), lambda i: (i, 0)),
            pl.BlockSpec((_TN, 32), lambda i: (i, 0)),
        ],
        out_specs=[
            pl.BlockSpec((_TN, 32), lambda i: (i, 0)),
            pl.BlockSpec((1, 32), lambda i: (0, 0)),
            pl.BlockSpec((1, 32), lambda i: (0, 0)),
        ],
        out_shape=[
            jax.ShapeDtypeStruct((_N, 32), f32),
            jax.ShapeDtypeStruct((1, 32), f32),
            jax.ShapeDtypeStruct((1, 32), f32),
        ],
    )(h3, dis, r0)


def _layer_kernel(h_ref, s_ref, q_ref, w_ref, b_ref, g_ref, be_ref,
                  o_ref, so_ref, qo_ref):
    i = pl.program_id(0)
    hn = _bn_leaky(h_ref[...], s_ref[...], q_ref[...], g_ref[...], be_ref[...])
    y = jnp.dot(hn, w_ref[...], preferred_element_type=jnp.float32) + b_ref[...]
    o_ref[...] = y
    _acc_stats(i, y, so_ref, qo_ref)


def _layer_call(h, s, q, w, b, g, be):
    f32 = jnp.float32
    fi, fo = w.shape
    return pl.pallas_call(
        _layer_kernel,
        grid=(_N // _TN,),
        in_specs=[
            pl.BlockSpec((_TN, fi), lambda i: (i, 0)),
            pl.BlockSpec((1, fi), lambda i: (0, 0)),
            pl.BlockSpec((1, fi), lambda i: (0, 0)),
            pl.BlockSpec((fi, fo), lambda i: (0, 0)),
            pl.BlockSpec((1, fo), lambda i: (0, 0)),
            pl.BlockSpec((1, fi), lambda i: (0, 0)),
            pl.BlockSpec((1, fi), lambda i: (0, 0)),
        ],
        out_specs=[
            pl.BlockSpec((_TN, fo), lambda i: (i, 0)),
            pl.BlockSpec((1, fo), lambda i: (0, 0)),
            pl.BlockSpec((1, fo), lambda i: (0, 0)),
        ],
        out_shape=[
            jax.ShapeDtypeStruct((_N, fo), f32),
            jax.ShapeDtypeStruct((1, fo), f32),
            jax.ShapeDtypeStruct((1, fo), f32),
        ],
    )(h, s, q, w, b, g, be)


def _fin_kernel(h_ref, s_ref, q_ref, g_ref, be_ref, out_ref):
    hn = _bn_leaky(h_ref[...], s_ref[...], q_ref[...], g_ref[...], be_ref[...])
    m = jnp.max(hn, axis=1, keepdims=True)
    e = jnp.exp(hn - m)
    out_ref[...] = e / jnp.sum(e, axis=1, keepdims=True)


def _fin_call(h, s, q, g, be):
    return pl.pallas_call(
        _fin_kernel,
        grid=(_N // _TN,),
        in_specs=[
            pl.BlockSpec((_TN, 2), lambda i: (i, 0)),
            pl.BlockSpec((1, 2), lambda i: (0, 0)),
            pl.BlockSpec((1, 2), lambda i: (0, 0)),
            pl.BlockSpec((1, 2), lambda i: (0, 0)),
            pl.BlockSpec((1, 2), lambda i: (0, 0)),
        ],
        out_specs=pl.BlockSpec((_TN, 2), lambda i: (i, 0)),
        out_shape=jax.ShapeDtypeStruct((_N, 2), jnp.float32),
    )(h, s, q, g, be)



def kernel(x, edge_index, W_tag, b_tag, W1, B1, W2, B2, W3, B3, W4, B4,
           g1, be1, g2, be2, g3, be3, g4, be4, g5, be5):
    f32 = jnp.float32
    i32 = jnp.int32
    src = edge_index[0].astype(i32)
    dst = edge_index[1].astype(i32)
    pad = _EPAD - _E
    srcw = jnp.concatenate([src, jnp.zeros((pad,), i32)]).reshape(_TOT, _LB)
    dstw = jnp.concatenate([dst, jnp.full((pad,), _N, i32)]).reshape(_TOT, _LB)
    ones8 = jnp.ones((_LB, _DW), f32)
    zeros8 = jnp.zeros((_RPS, _DW), f32)
    zeros16 = jnp.zeros((_RPS, 16), f32)

    degp = _deg_call(dstw, ones8, zeros8)

    wcat = W_tag.reshape(_K + 1, _IN, 32).transpose(1, 0, 2).reshape(_IN, (_K + 1) * 32)
    bt2 = b_tag.reshape(1, 32)
    r0, qq, u1, dis, dis2 = _pb_call(x, wcat, bt2, degp)

    h3 = _mega_call(u1, srcw, dstw, qq, dis2.reshape(_N), zeros16)

    h, s, q = _comb3_call(h3, dis, r0)
    h, s, q = _layer_call(h, s, q, W1, B1.reshape(1, -1), g1.reshape(1, -1), be1.reshape(1, -1))
    h, s, q = _layer_call(h, s, q, W2, B2.reshape(1, -1), g2.reshape(1, -1), be2.reshape(1, -1))
    h, s, q = _layer_call(h, s, q, W3, B3.reshape(1, -1), g3.reshape(1, -1), be3.reshape(1, -1))
    h, s, q = _layer_call(h, s, q, W4, B4.reshape(1, -1), g4.reshape(1, -1), be4.reshape(1, -1))
    return _fin_call(h, s, q, g5.reshape(1, -1), be5.reshape(1, -1))

# --- scband reference (transcript-rebuilt; emitter-appended) ---
"""Pipeline reference for scband-net-55800215109702 (READ-ONLY COPY).

The authoritative reference and input builder live on the scoring server;
editing this copy changes nothing except your own understanding.
"""

import jax, jax.numpy as jnp
import numpy as np

N = 50000
E = 800000
K = 3
IN = 73

def _leaky(x):
    return jnp.where(x >= 0, x, 0.1 * x)

def _bn(x, g, b):
    m = jnp.mean(x, axis=0)
    v = jnp.var(x, axis=0)
    return (x - m) * jax.lax.rsqrt(v + 1e-5) * g + b

def _lin_init(k, fi, fo):
    kw, kb = jax.random.split(k)
    s = 1.0 / float(np.sqrt(fi))
    W = jax.random.uniform(kw, (fi, fo), jnp.float32, -s, s)
    b = jax.random.uniform(kb, (fo,), jnp.float32, -s, s)
    return W, b

def setup_inputs(seed: int = 0):
    key = jax.random.key(seed)
    ks = jax.random.split(key, 8)
    x = jax.random.normal(ks[0], (N, IN), dtype=jnp.float32)
    edge_index = jax.random.randint(ks[1], (2, E), 0, N, dtype=jnp.int32)
    W_tag, b_tag = _lin_init(ks[2], (K + 1) * IN, 32)
    W1, B1 = _lin_init(ks[3], 32, 16)
    W2, B2 = _lin_init(ks[4], 16, 8)
    W3, B3 = _lin_init(ks[5], 8, 4)
    W4, B4 = _lin_init(ks[6], 4, 2)
    g1 = jnp.ones((32,), jnp.float32); be1 = jnp.zeros((32,), jnp.float32)
    g2 = jnp.ones((16,), jnp.float32); be2 = jnp.zeros((16,), jnp.float32)
    g3 = jnp.ones((8,), jnp.float32); be3 = jnp.zeros((8,), jnp.float32)
    g4 = jnp.ones((4,), jnp.float32); be4 = jnp.zeros((4,), jnp.float32)
    g5 = jnp.ones((2,), jnp.float32); be5 = jnp.zeros((2,), jnp.float32)
    return {"x": x, "edge_index": edge_index, "W_tag": W_tag, "b_tag": b_tag,
            "W1": W1, "B1": B1, "W2": W2, "B2": B2, "W3": W3, "B3": B3, "W4": W4, "B4": B4,
            "g1": g1, "be1": be1, "g2": g2, "be2": be2, "g3": g3, "be3": be3,
            "g4": g4, "be4": be4, "g5": g5, "be5": be5}

def _tagconv(x, edge_index, W, b):
    src = edge_index[0]
    dst = edge_index[1]
    deg = jnp.zeros((N,), jnp.float32).at[dst].add(1.0)
    dis = jnp.where(deg > 0, jax.lax.rsqrt(jnp.maximum(deg, 1.0)), 0.0)
    norm = dis[src] * dis[dst]
    feats = [x]
    h = x
    for _ in range(K):
        msg = h[src] * norm[:, None]
        h = jnp.zeros_like(h).at[dst].add(msg)
        feats.append(h)
    return jnp.concatenate(feats, axis=1) @ W + b

def reference(x, edge_index, W_tag, b_tag, W1, B1, W2, B2, W3, B3, W4, B4,
              g1, be1, g2, be2, g3, be3, g4, be4, g5, be5):
    h = _tagconv(x, edge_index, W_tag, b_tag)
    h = _leaky(_bn(h, g1, be1))
    h = h @ W1 + B1
    h = _leaky(_bn(h, g2, be2))
    h = h @ W2 + B2
    h = _leaky(_bn(h, g3, be3))
    h = h @ W3 + B3
    h = _leaky(_bn(h, g4, be4))
    h = h @ W4 + B4
    h = _leaky(_bn(h, g5, be5))
    return jax.nn.softmax(h, axis=1)

if __name__ == "__main__":
    import jax
    _d = setup_inputs()
    print(jax.jit(kernel)(*tuple(_d.values())))

</pallas_src>

<mosaic_0001>
#map = affine_map<(d0, d1) -> (0, 0)>
#map1 = affine_map<(d0, d1) -> (0, 0, 0)>
module attributes {stable_mosaic.version = 14 : i64} {
  func.func @_deg_body(%arg0: i32, %arg1: i32, %arg2: memref<6400x128xi32, #tpu.memory_space<hbm>>, %arg3: memref<128x8xf32, #tpu.memory_space<hbm>>, %arg4: memref<3128x8xf32, #tpu.memory_space<hbm>>, %arg5: memref<2x50048x8xf32, #tpu.memory_space<hbm>>, %arg6: memref<40x128xi32, #tpu.memory_space<vmem>>, %arg7: memref<128x8xf32, #tpu.memory_space<vmem>>, %arg8: memref<50048x8xf32, #tpu.memory_space<vmem_shared>>) attributes {dimension_semantics = [#tpu.dimension_semantics<core_parallel>, #tpu.dimension_semantics<subcore_parallel>], iteration_bounds = array<i64: 2, 16>, scalar_prefetch = 0 : i64, scratch_operands = 3 : i64, tpu.core_type = #tpu.core_type<sc_vector_subcore>, window_params = [{transform_indices = #map}, {transform_indices = #map}, {transform_indices = #map}, {transform_indices = #map1}]} {
    %mul3A = arith.constant 2 : i32
    %mul3A_0 = arith.muli %arg1, %mul3A : i32
    %add3A = arith.addi %mul3A_0, %arg0 : i32
    %mul3A_1 = arith.constant 3128 : i32
    %mul3A_2 = arith.muli %arg1, %mul3A_1 : i32
    "tpu.region"() ({
      %run_scoped3A = tpu.sem_alloc : memref<!tpu.dma_semaphore, #tpu.memory_space<semaphore_mem>>
      %dma_start3A = arith.constant 0 : i32
      %dma_start3A_11 = tpu.memref_slice %arg8[%mul3A_2, %dma_start3A] : memref<50048x8xf32, #tpu.memory_space<vmem_shared>> -> memref<3128x8xf32, #tpu.memory_space<vmem_shared>>
      tpu.enqueue_dma source(%arg4 : memref<3128x8xf32, #tpu.memory_space<hbm>>) target(%dma_start3A_11 : memref<3128x8xf32, #tpu.memory_space<vmem_shared>>) target_semaphore(%run_scoped3A : memref<!tpu.dma_semaphore, #tpu.memory_space<semaphore_mem>>)
      %dma_wait3A = arith.constant 0 : i32
      %dma_wait3A_12 = tpu.memref_slice %arg8[%mul3A_2, %dma_wait3A] : memref<50048x8xf32, #tpu.memory_space<vmem_shared>> -> memref<3128x8xf32, #tpu.memory_space<vmem_shared>>
      tpu.wait_dma2 semaphore(%run_scoped3A : memref<!tpu.dma_semaphore, #tpu.memory_space<semaphore_mem>>) src(%arg4 : memref<3128x8xf32, #tpu.memory_space<hbm>>) dst(%dma_wait3A_12 : memref<3128x8xf32, #tpu.memory_space<vmem_shared>>)
      tpu.yield
    }) : () -> ()
    "tpu.region"() ({
      %run_scoped3A = tpu.sem_alloc : memref<!tpu.dma_semaphore, #tpu.memory_space<semaphore_mem>>
      tpu.enqueue_dma source(%arg3 : memref<128x8xf32, #tpu.memory_space<hbm>>) target(%arg7 : memref<128x8xf32, #tpu.memory_space<vmem>>) target_semaphore(%run_scoped3A : memref<!tpu.dma_semaphore, #tpu.memory_space<semaphore_mem>>)
      tpu.wait_dma2 semaphore(%run_scoped3A : memref<!tpu.dma_semaphore, #tpu.memory_space<semaphore_mem>>) src(%arg3 : memref<128x8xf32, #tpu.memory_space<hbm>>) dst(%arg7 : memref<128x8xf32, #tpu.memory_space<vmem>>)
      tpu.yield
    }) : () -> ()
    %barrier3A = arith.constant 0 : index
    tpu.barrier barrier_id(%barrier3A)
    %mul3A_3 = arith.constant 200 : i32
    %mul3A_4 = arith.muli %add3A, %mul3A_3 : i32
    %scan3A = arith.constant 0 : i32
    %scan3A_5 = arith.constant 0 : i32
    %scan3A_6 = arith.constant 5 : i32
    %scan3A_7 = arith.addi %scan3A_5, %scan3A_6 : i32
    %scan3A_8 = arith.constant 1 : i32
    scf.for %scan3A_11 = %scan3A_5 to %scan3A_7 step %scan3A_8  : i32 {
      %mul3A_12 = arith.constant 40 : i32
      %mul3A_13 = arith.muli %scan3A_11, %mul3A_12 : i32
      %add3A_14 = arith.addi %mul3A_4, %mul3A_13 : i32
      "tpu.region"() ({
        %run_scoped3A = tpu.sem_alloc : memref<!tpu.dma_semaphore, #tpu.memory_space<semaphore_mem>>
        %dma_start3A = arith.constant 0 : i32
        %dma_start3A_20 = tpu.memref_slice %arg2[%add3A_14, %dma_start3A] : memref<6400x128xi32, #tpu.memory_space<hbm>> -> memref<40x128xi32, #tpu.memory_space<hbm>>
        %dma_start3A_21 = arith.constant 0 : i32
        %dma_start3A_22 = tpu.memref_slice %arg2[%add3A_14, %dma_start3A_21] : memref<6400x128xi32, #tpu.memory_space<hbm>> -> memref<40x128xi32, #tpu.memory_space<hbm>>
        tpu.enqueue_dma source(%dma_start3A_22 : memref<40x128xi32, #tpu.memory_space<hbm>>) target(%arg6 : memref<40x128xi32, #tpu.memory_space<vmem>>) target_semaphore(%run_scoped3A : memref<!tpu.dma_semaphore, #tpu.memory_space<semaphore_mem>>)
        %dma_wait3A = arith.constant 0 : i32
        %dma_wait3A_23 = tpu.memref_slice %arg2[%add3A_14, %dma_wait3A] : memref<6400x128xi32, #tpu.memory_space<hbm>> -> memref<40x128xi32, #tpu.memory_space<hbm>>
        %dma_wait3A_24 = arith.constant 0 : i32
        %dma_wait3A_25 = tpu.memref_slice %arg2[%add3A_14, %dma_wait3A_24] : memref<6400x128xi32, #tpu.memory_space<hbm>> -> memref<40x128xi32, #tpu.memory_space<hbm>>
        tpu.wait_dma2 semaphore(%run_scoped3A : memref<!tpu.dma_semaphore, #tpu.memory_space<semaphore_mem>>) src(%dma_wait3A_25 : memref<40x128xi32, #tpu.memory_space<hbm>>) dst(%arg6 : memref<40x128xi32, #tpu.memory_space<vmem>>)
        tpu.yield
      }) : () -> ()
      %scan3A_15 = arith.constant 0 : i32
      %scan3A_16 = arith.constant 40 : i32
      %scan3A_17 = arith.addi %scan3A_15, %scan3A_16 : i32
      %scan3A_18 = arith.constant 1 : i32
      scf.for %scan3A_20 = %scan3A_15 to %scan3A_17 step %scan3A_18  : i32 {
        "tpu.region"() ({
          %run_scoped3A = tpu.sem_alloc : memref<!tpu.dma_semaphore, #tpu.memory_space<semaphore_mem>>
          %dma_start3A = arith.constant 0 : i32
          %dma_start3A_21 = tpu.memref_slice %arg6[%scan3A_20, %dma_start3A] : memref<40x128xi32, #tpu.memory_space<vmem>> -> memref<1x128xi32, #tpu.memory_space<vmem>>
          %dma_start3A_22 = tpu.memref_squeeze %dma_start3A_21 : memref<1x128xi32, #tpu.memory_space<vmem>> -> memref<128xi32, #tpu.memory_space<vmem>>
          %dma_start3A_23 = arith.constant 0 : i32
          %dma_start3A_24 = arith.constant 0 : i32
          %dma_start3A_25 = tpu.memref_slice %arg8[%dma_start3A_23, %dma_start3A_24] : memref<50048x8xf32, #tpu.memory_space<vmem_shared>> -> memref<50048x8xf32, #tpu.memory_space<vmem_shared>>
          tpu.enqueue_indirect_dma source(%arg7 : memref<128x8xf32, #tpu.memory_space<vmem>>) target(%dma_start3A_25 : memref<50048x8xf32, #tpu.memory_space<vmem_shared>>) offsets(%dma_start3A_22 : memref<128xi32, #tpu.memory_space<vmem>>) semaphore(%run_scoped3A : memref<!tpu.dma_semaphore, #tpu.memory_space<semaphore_mem>>) {add = true}
          %dma_wait3A = arith.constant 0 : i32
          %dma_wait3A_26 = tpu.memref_slice %arg6[%scan3A_20, %dma_wait3A] : memref<40x128xi32, #tpu.memory_space<vmem>> -> memref<1x128xi32, #tpu.memory_space<vmem>>
          %dma_wait3A_27 = tpu.memref_squeeze %dma_wait3A_26 : memref<1x128xi32, #tpu.memory_space<vmem>> -> memref<128xi32, #tpu.memory_space<vmem>>
          %dma_wait3A_28 = arith.constant 0 : i32
          %dma_wait3A_29 = arith.constant 0 : i32
          %dma_wait3A_30 = tpu.memref_slice %arg8[%dma_wait3A_28, %dma_wait3A_29] : memref<50048x8xf32, #tpu.memory_space<vmem_shared>> -> memref<50048x8xf32, #tpu.memory_space<vmem_shared>>
          tpu.wait_indirect_dma semaphore(%run_scoped3A : memref<!tpu.dma_semaphore, #tpu.memory_space<semaphore_mem>>) src(%arg7 : memref<128x8xf32, #tpu.memory_space<vmem>>) dst(%dma_wait3A_30 : memref<50048x8xf32, #tpu.memory_space<vmem_shared>>)
          tpu.yield
        }) : () -> ()
      }
      %scan3A_19 = arith.constant 40 : i32
    }
    %scan3A_9 = arith.constant 5 : i32
    %barrier3A_10 = arith.constant 0 : index
    tpu.barrier barrier_id(%barrier3A_10)
    "tpu.region"() ({
      %run_scoped3A = tpu.sem_alloc : memref<!tpu.dma_semaphore, #tpu.memory_space<semaphore_mem>>
      %dma_start3A = arith.constant 0 : i32
      %dma_start3A_11 = tpu.memref_slice %arg5[%arg0, %mul3A_2, %dma_start3A] : memref<2x50048x8xf32, #tpu.memory_space<hbm>> -> memref<1x3128x8xf32, #tpu.memory_space<hbm>>
      %dma_start3A_12 = tpu.memref_squeeze %dma_start3A_11 : memref<1x3128x8xf32, #tpu.memory_space<hbm>> -> memref<3128x8xf32, #tpu.memory_space<hbm>>
      %dma_start3A_13 = arith.constant 0 : i32
      %dma_start3A_14 = tpu.memref_slice %arg8[%mul3A_2, %dma_start3A_13] : memref<50048x8xf32, #tpu.memory_space<vmem_shared>> -> memref<3128x8xf32, #tpu.memory_space<vmem_shared>>
      tpu.enqueue_dma source(%dma_start3A_14 : memref<3128x8xf32, #tpu.memory_space<vmem_shared>>) target(%dma_start3A_12 : memref<3128x8xf32, #tpu.memory_space<hbm>>) target_semaphore(%run_scoped3A : memref<!tpu.dma_semaphore, #tpu.memory_space<semaphore_mem>>)
      %dma_wait3A = arith.constant 0 : i32
      %dma_wait3A_15 = tpu.memref_slice %arg5[%arg0, %mul3A_2, %dma_wait3A] : memref<2x50048x8xf32, #tpu.memory_space<hbm>> -> memref<1x3128x8xf32, #tpu.memory_space<hbm>>
      %dma_wait3A_16 = tpu.memref_squeeze %dma_wait3A_15 : memref<1x3128x8xf32, #tpu.memory_space<hbm>> -> memref<3128x8xf32, #tpu.memory_space<hbm>>
      %dma_wait3A_17 = arith.constant 0 : i32
      %dma_wait3A_18 = tpu.memref_slice %arg8[%mul3A_2, %dma_wait3A_17] : memref<50048x8xf32, #tpu.memory_space<vmem_shared>> -> memref<3128x8xf32, #tpu.memory_space<vmem_shared>>
      tpu.wait_dma2 semaphore(%run_scoped3A : memref<!tpu.dma_semaphore, #tpu.memory_space<semaphore_mem>>) src(%dma_wait3A_18 : memref<3128x8xf32, #tpu.memory_space<vmem_shared>>) dst(%dma_wait3A_16 : memref<3128x8xf32, #tpu.memory_space<hbm>>)
      tpu.yield
    }) : () -> ()
    return
  }
}

#map = affine_map<(d0, d1) -> (0, 0, 0)>
#map1 = affine_map<(d0, d1) -> (0, 0)>
#map2 = affine_map<(d0, d1) -> (0)>
module attributes {stable_mosaic.version = 14 : i64} {
  func.func @_mega_body(%arg0: i32, %arg1: i32, %arg2: memref<2x50048x16xf32, #tpu.memory_space<hbm>>, %arg3: memref<6400x128xi32, #tpu.memory_space<hbm>>, %arg4: memref<6400x128xi32, #tpu.memory_space<hbm>>, %arg5: memref<50000x64xf32, #tpu.memory_space<hbm>>, %arg6: memref<50000xf32, #tpu.memory_space<hbm>>, %arg7: memref<3128x16xf32, #tpu.memory_space<hbm>>, %arg8: memref<50048x32xf32, #tpu.memory_space<hbm>>, %arg9: memref<16x128xi32, #tpu.memory_space<vmem>>, %arg10: memref<16x128xi32, #tpu.memory_space<vmem>>, %arg11: memref<4x128x16xf32, #tpu.memory_space<vmem>>, %arg12: memref<184x16xf32, #tpu.memory_space<vmem>>, %arg13: memref<184x16xf32, #tpu.memory_space<vmem>>, %arg14: memref<184x16xf32, #tpu.memory_space<vmem>>, %arg15: memref<184xf32, #tpu.memory_space<vmem>>, %arg16: memref<50048x16xf32, #tpu.memory_space<vmem_shared>>, %arg17: memref<50048x16xf32, #tpu.memory_space<vmem_shared>>, %arg18: memref<!tpu.dma_semaphore, #tpu.memory_space<semaphore_mem>>, %arg19: memref<!tpu.dma_semaphore, #tpu.memory_space<semaphore_mem>>, %arg20: memref<!tpu.dma_semaphore, #tpu.memory_space<semaphore_mem>>, %arg21: memref<!tpu.dma_semaphore, #tpu.memory_space<semaphore_mem>>) attributes {dimension_semantics = [#tpu.dimension_semantics<core_parallel>, #tpu.dimension_semantics<subcore_parallel>], iteration_bounds = array<i64: 2, 16>, scalar_prefetch = 0 : i64, scratch_operands = 13 : i64, tpu.core_type = #tpu.core_type<sc_vector_subcore>, window_params = [{transform_indices = #map}, {transform_indices = #map1}, {transform_indices = #map1}, {transform_indices = #map1}, {transform_indices = #map2}, {transform_indices = #map1}, {transform_indices = #map1}]} {
    %mul3A = arith.constant 3128 : i32
    %mul3A_0 = arith.muli %arg1, %mul3A : i32
    %mul3A_1 = arith.constant 400 : i32
    %mul3A_2 = arith.muli %arg1, %mul3A_1 : i32
    %mul3A_3 = arith.constant 16 : i32
    %mul3A_4 = arith.muli %mul3A_3, %arg0 : i32
    "tpu.region"() ({
      %run_scoped3A = tpu.sem_alloc : memref<!tpu.dma_semaphore, #tpu.memory_space<semaphore_mem>>
      %dma_start3A = arith.constant 0 : i32
      %dma_start3A_40 = tpu.memref_slice %arg16[%mul3A_0, %dma_start3A] : memref<50048x16xf32, #tpu.memory_space<vmem_shared>> -> memref<3128x16xf32, #tpu.memory_space<vmem_shared>>
      tpu.enqueue_dma source(%arg7 : memref<3128x16xf32, #tpu.memory_space<hbm>>) target(%dma_start3A_40 : memref<3128x16xf32, #tpu.memory_space<vmem_shared>>) target_semaphore(%run_scoped3A : memref<!tpu.dma_semaphore, #tpu.memory_space<semaphore_mem>>)
      %dma_wait3A = arith.constant 0 : i32
      %dma_wait3A_41 = tpu.memref_slice %arg16[%mul3A_0, %dma_wait3A] : memref<50048x16xf32, #tpu.memory_space<vmem_shared>> -> memref<3128x16xf32, #tpu.memory_space<vmem_shared>>
      tpu.wait_dma2 semaphore(%run_scoped3A : memref<!tpu.dma_semaphore, #tpu.memory_space<semaphore_mem>>) src(%arg7 : memref<3128x16xf32, #tpu.memory_space<hbm>>) dst(%dma_wait3A_41 : memref<3128x16xf32, #tpu.memory_space<vmem_shared>>)
      tpu.yield
    }) : () -> ()
    "tpu.region"() ({
      %run_scoped3A = tpu.sem_alloc : memref<!tpu.dma_semaphore, #tpu.memory_space<semaphore_mem>>
      %dma_start3A = arith.constant 0 : i32
      %dma_start3A_40 = tpu.memref_slice %arg17[%mul3A_0, %dma_start3A] : memref<50048x16xf32, #tpu.memory_space<vmem_shared>> -> memref<3128x16xf32, #tpu.memory_space<vmem_shared>>
      %dma_start3A_41 = arith.constant 0 : i32
      %dma_start3A_42 = tpu.memref_slice %arg2[%arg0, %mul3A_0, %dma_start3A_41] : memref<2x50048x16xf32, #tpu.memory_space<hbm>> -> memref<1x3128x16xf32, #tpu.memory_space<hbm>>
      %dma_start3A_43 = tpu.memref_squeeze %dma_start3A_42 : memref<1x3128x16xf32, #tpu.memory_space<hbm>> -> memref<3128x16xf32, #tpu.memory_space<hbm>>
      tpu.enqueue_dma source(%dma_start3A_43 : memref<3128x16xf32, #tpu.memory_space<hbm>>) target(%dma_start3A_40 : memref<3128x16xf32, #tpu.memory_space<vmem_shared>>) target_semaphore(%run_scoped3A : memref<!tpu.dma_semaphore, #tpu.memory_space<semaphore_mem>>)
      %dma_wait3A = arith.constant 0 : i32
      %dma_wait3A_44 = tpu.memref_slice %arg17[%mul3A_0, %dma_wait3A] : memref<50048x16xf32, #tpu.memory_space<vmem_shared>> -> memref<3128x16xf32, #tpu.memory_space<vmem_shared>>
      %dma_wait3A_45 = arith.constant 0 : i32
      %dma_wait3A_46 = tpu.memref_slice %arg2[%arg0, %mul3A_0, %dma_wait3A_45] : memref<2x50048x16xf32, #tpu.memory_space<hbm>> -> memref<1x3128x16xf32, #tpu.memory_space<hbm>>
      %dma_wait3A_47 = tpu.memref_squeeze %dma_wait3A_46 : memref<1x3128x16xf32, #tpu.memory_space<hbm>> -> memref<3128x16xf32, #tpu.memory_space<hbm>>
      tpu.wait_dma2 semaphore(%run_scoped3A : memref<!tpu.dma_semaphore, #tpu.memory_space<semaphore_mem>>) src(%dma_wait3A_47 : memref<3128x16xf32, #tpu.memory_space<hbm>>) dst(%dma_wait3A_44 : memref<3128x16xf32, #tpu.memory_space<vmem_shared>>)
      tpu.yield
    }) : () -> ()
    %barrier3A = arith.constant 0 : index
    tpu.barrier barrier_id(%barrier3A)
    %scan3A = arith.constant 0 : i32
    %scan3A_5 = arith.constant 0 : i32
    %scan3A_6 = arith.constant 25 : i32
    %scan3A_7 = arith.addi %scan3A_5, %scan3A_6 : i32
    %scan3A_8 = arith.constant 1 : i32
    scf.for %scan3A_40 = %scan3A_5 to %scan3A_7 step %scan3A_8  : i32 {
      %mul3A_41 = arith.constant 16 : i32
      %mul3A_42 = arith.muli %scan3A_40, %mul3A_41 : i32
      %add3A_43 = arith.addi %mul3A_2, %mul3A_42 : i32
      "tpu.region"() ({
        %run_scoped3A = tpu.sem_alloc : memref<!tpu.dma_semaphore, #tpu.memory_space<semaphore_mem>>
        %dma_start3A_96 = arith.constant 0 : i32
        %dma_start3A_97 = tpu.memref_slice %arg3[%add3A_43, %dma_start3A_96] : memref<6400x128xi32, #tpu.memory_space<hbm>> -> memref<16x128xi32, #tpu.memory_space<hbm>>
        %dma_start3A_98 = arith.constant 0 : i32
        %dma_start3A_99 = tpu.memref_slice %arg3[%add3A_43, %dma_start3A_98] : memref<6400x128xi32, #tpu.memory_space<hbm>> -> memref<16x128xi32, #tpu.memory_space<hbm>>
        tpu.enqueue_dma source(%dma_start3A_99 : memref<16x128xi32, #tpu.memory_space<hbm>>) target(%arg9 : memref<16x128xi32, #tpu.memory_space<vmem>>) target_semaphore(%run_scoped3A : memref<!tpu.dma_semaphore, #tpu.memory_space<semaphore_mem>>)
        %dma_wait3A = arith.constant 0 : i32
        %dma_wait3A_100 = tpu.memref_slice %arg3[%add3A_43, %dma_wait3A] : memref<6400x128xi32, #tpu.memory_space<hbm>> -> memref<16x128xi32, #tpu.memory_space<hbm>>
        %dma_wait3A_101 = arith.constant 0 : i32
        %dma_wait3A_102 = tpu.memref_slice %arg3[%add3A_43, %dma_wait3A_101] : memref<6400x128xi32, #tpu.memory_space<hbm>> -> memref<16x128xi32, #tpu.memory_space<hbm>>
        tpu.wait_dma2 semaphore(%run_scoped3A : memref<!tpu.dma_semaphore, #tpu.memory_space<semaphore_mem>>) src(%dma_wait3A_102 : memref<16x128xi32, #tpu.memory_space<hbm>>) dst(%arg9 : memref<16x128xi32, #tpu.memory_space<vmem>>)
        tpu.yield
      }) : () -> ()
      "tpu.region"() ({
        %run_scoped3A = tpu.sem_alloc : memref<!tpu.dma_semaphore, #tpu.memory_space<semaphore_mem>>
        %dma_start3A_96 = arith.constant 0 : i32
        %dma_start3A_97 = tpu.memref_slice %arg4[%add3A_43, %dma_start3A_96] : memref<6400x128xi32, #tpu.memory_space<hbm>> -> memref<16x128xi32, #tpu.memory_space<hbm>>
        %dma_start3A_98 = arith.constant 0 : i32
        %dma_start3A_99 = tpu.memref_slice %arg4[%add3A_43, %dma_start3A_98] : memref<6400x128xi32, #tpu.memory_space<hbm>> -> memref<16x128xi32, #tpu.memory_space<hbm>>
        tpu.enqueue_dma source(%dma_start3A_99 : memref<16x128xi32, #tpu.memory_space<hbm>>) target(%arg10 : memref<16x128xi32, #tpu.memory_space<vmem>>) target_semaphore(%run_scoped3A : memref<!tpu.dma_semaphore, #tpu.memory_space<semaphore_mem>>)
        %dma_wait3A = arith.constant 0 : i32
        %dma_wait3A_100 = tpu.memref_slice %arg4[%add3A_43, %dma_wait3A] : memref<6400x128xi32, #tpu.memory_space<hbm>> -> memref<16x128xi32, #tpu.memory_space<hbm>>
        %dma_wait3A_101 = arith.constant 0 : i32
        %dma_wait3A_102 = tpu.memref_slice %arg4[%add3A_43, %dma_wait3A_101] : memref<6400x128xi32, #tpu.memory_space<hbm>> -> memref<16x128xi32, #tpu.memory_space<hbm>>
        tpu.wait_dma2 semaphore(%run_scoped3A : memref<!tpu.dma_semaphore, #tpu.memory_space<semaphore_mem>>) src(%dma_wait3A_102 : memref<16x128xi32, #tpu.memory_space<hbm>>) dst(%arg10 : memref<16x128xi32, #tpu.memory_space<vmem>>)
        tpu.yield
      }) : () -> ()
      %dma_start3A = arith.constant 0 : i32
      %dma_start3A_44 = arith.constant 0 : i32
      %dma_start3A_45 = arith.constant 0 : i32
      %dma_start3A_46 = arith.constant 0 : i32
      %dma_start3A_47 = tpu.memref_slice %arg11[%dma_start3A_44, %dma_start3A_45, %dma_start3A_46] : memref<4x128x16xf32, #tpu.memory_space<vmem>> -> memref<1x128x16xf32, #tpu.memory_space<vmem>>
      %dma_start3A_48 = tpu.memref_squeeze %dma_start3A_47 : memref<1x128x16xf32, #tpu.memory_space<vmem>> -> memref<128x16xf32, #tpu.memory_space<vmem>>
      %dma_start3A_49 = arith.constant 0 : i32
      %dma_start3A_50 = tpu.memref_slice %arg9[%dma_start3A, %dma_start3A_49] : memref<16x128xi32, #tpu.memory_space<vmem>> -> memref<1x128xi32, #tpu.memory_space<vmem>>
      %dma_start3A_51 = tpu.memref_squeeze %dma_start3A_50 : memref<1x128xi32, #tpu.memory_space<vmem>> -> memref<128xi32, #tpu.memory_space<vmem>>
      %dma_start3A_52 = arith.constant 0 : i32
      %dma_start3A_53 = arith.constant 0 : i32
      %dma_start3A_54 = tpu.memref_slice %arg17[%dma_start3A_52, %dma_start3A_53] : memref<50048x16xf32, #tpu.memory_space<vmem_shared>> -> memref<50048x16xf32, #tpu.memory_space<vmem_shared>>
      tpu.enqueue_indirect_dma source(%dma_start3A_54 : memref<50048x16xf32, #tpu.memory_space<vmem_shared>>) target(%dma_start3A_48 : memref<128x16xf32, #tpu.memory_space<vmem>>) offsets(%dma_start3A_51 : memref<128xi32, #tpu.memory_space<vmem>>) semaphore(%arg18 : memref<!tpu.dma_semaphore, #tpu.memory_space<semaphore_mem>>)
      %dma_start3A_55 = arith.constant 1 : i32
      %dma_start3A_56 = arith.constant 1 : i32
      %dma_start3A_57 = arith.constant 0 : i32
      %dma_start3A_58 = arith.constant 0 : i32
      %dma_start3A_59 = tpu.memref_slice %arg11[%dma_start3A_56, %dma_start3A_57, %dma_start3A_58] : memref<4x128x16xf32, #tpu.memory_space<vmem>> -> memref<1x128x16xf32, #tpu.memory_space<vmem>>
      %dma_start3A_60 = tpu.memref_squeeze %dma_start3A_59 : memref<1x128x16xf32, #tpu.memory_space<vmem>> -> memref<128x16xf32, #tpu.memory_space<vmem>>
      %dma_start3A_61 = arith.constant 0 : i32
      %dma_start3A_62 = tpu.memref_slice %arg9[%dma_start3A_55, %dma_start3A_61] : memref<16x128xi32, #tpu.memory_space<vmem>> -> memref<1x128xi32, #tpu.memory_space<vmem>>
      %dma_start3A_63 = tpu.memref_squeeze %dma_start3A_62 : memref<1x128xi32, #tpu.memory_space<vmem>> -> memref<128xi32, #tpu.memory_space<vmem>>
      %dma_start3A_64 = arith.constant 0 : i32
      %dma_start3A_65 = arith.constant 0 : i32
      %dma_start3A_66 = tpu.memref_slice %arg17[%dma_start3A_64, %dma_start3A_65] : memref<50048x16xf32, #tpu.memory_space<vmem_shared>> -> memref<50048x16xf32, #tpu.memory_space<vmem_shared>>
      tpu.enqueue_indirect_dma source(%dma_start3A_66 : memref<50048x16xf32, #tpu.memory_space<vmem_shared>>) target(%dma_start3A_60 : memref<128x16xf32, #tpu.memory_space<vmem>>) offsets(%dma_start3A_63 : memref<128xi32, #tpu.memory_space<vmem>>) semaphore(%arg19 : memref<!tpu.dma_semaphore, #tpu.memory_space<semaphore_mem>>)
      %dma_start3A_67 = arith.constant 2 : i32
      %dma_start3A_68 = arith.constant 2 : i32
      %dma_start3A_69 = arith.constant 0 : i32
      %dma_start3A_70 = arith.constant 0 : i32
      %dma_start3A_71 = tpu.memref_slice %arg11[%dma_start3A_68, %dma_start3A_69, %dma_start3A_70] : memref<4x128x16xf32, #tpu.memory_space<vmem>> -> memref<1x128x16xf32, #tpu.memory_space<vmem>>
      %dma_start3A_72 = tpu.memref_squeeze %dma_start3A_71 : memref<1x128x16xf32, #tpu.memory_space<vmem>> -> memref<128x16xf32, #tpu.memory_space<vmem>>
      %dma_start3A_73 = arith.constant 0 : i32
      %dma_start3A_74 = tpu.memref_slice %arg9[%dma_start3A_67, %dma_start3A_73] : memref<16x128xi32, #tpu.memory_space<vmem>> -> memref<1x128xi32, #tpu.memory_space<vmem>>
      %dma_start3A_75 = tpu.memref_squeeze %dma_start3A_74 : memref<1x128xi32, #tpu.memory_space<vmem>> -> memref<128xi32, #tpu.memory_space<vmem>>
      %dma_start3A_76 = arith.constant 0 : i32
      %dma_start3A_77 = arith.constant 0 : i32
      %dma_start3A_78 = tpu.memref_slice %arg17[%dma_start3A_76, %dma_start3A_77] : memref<50048x16xf32, #tpu.memory_space<vmem_shared>> -> memref<50048x16xf32, #tpu.memory_space<vmem_shared>>
      tpu.enqueue_indirect_dma source(%dma_start3A_78 : memref<50048x16xf32, #tpu.memory_space<vmem_shared>>) target(%dma_start3A_72 : memref<128x16xf32, #tpu.memory_space<vmem>>) offsets(%dma_start3A_75 : memref<128xi32, #tpu.memory_space<vmem>>) semaphore(%arg20 : memref<!tpu.dma_semaphore, #tpu.memory_space<semaphore_mem>>)
      %dma_start3A_79 = arith.constant 3 : i32
      %dma_start3A_80 = arith.constant 3 : i32
      %dma_start3A_81 = arith.constant 0 : i32
      %dma_start3A_82 = arith.constant 0 : i32
      %dma_start3A_83 = tpu.memref_slice %arg11[%dma_start3A_80, %dma_start3A_81, %dma_start3A_82] : memref<4x128x16xf32, #tpu.memory_space<vmem>> -> memref<1x128x16xf32, #tpu.memory_space<vmem>>
      %dma_start3A_84 = tpu.memref_squeeze %dma_start3A_83 : memref<1x128x16xf32, #tpu.memory_space<vmem>> -> memref<128x16xf32, #tpu.memory_space<vmem>>
      %dma_start3A_85 = arith.constant 0 : i32
      %dma_start3A_86 = tpu.memref_slice %arg9[%dma_start3A_79, %dma_start3A_85] : memref<16x128xi32, #tpu.memory_space<vmem>> -> memref<1x128xi32, #tpu.memory_space<vmem>>
      %dma_start3A_87 = tpu.memref_squeeze %dma_start3A_86 : memref<1x128xi32, #tpu.memory_space<vmem>> -> memref<128xi32, #tpu.memory_space<vmem>>
      %dma_start3A_88 = arith.constant 0 : i32
      %dma_start3A_89 = arith.constant 0 : i32
      %dma_start3A_90 = tpu.memref_slice %arg17[%dma_start3A_88, %dma_start3A_89] : memref<50048x16xf32, #tpu.memory_space<vmem_shared>> -> memref<50048x16xf32, #tpu.memory_space<vmem_shared>>
      tpu.enqueue_indirect_dma source(%dma_start3A_90 : memref<50048x16xf32, #tpu.memory_space<vmem_shared>>) target(%dma_start3A_84 : memref<128x16xf32, #tpu.memory_space<vmem>>) offsets(%dma_start3A_87 : memref<128xi32, #tpu.memory_space<vmem>>) semaphore(%arg21 : memref<!tpu.dma_semaphore, #tpu.memory_space<semaphore_mem>>)
      %scan3A_91 = arith.constant 0 : i32
      %scan3A_92 = arith.constant 4 : i32
      %scan3A_93 = arith.addi %scan3A_91, %scan3A_92 : i32
      %scan3A_94 = arith.constant 1 : i32
      scf.for %scan3A_96 = %scan3A_91 to %scan3A_93 step %scan3A_94  : i32 {
        %mul3A_97 = arith.constant 4 : i32
        %mul3A_98 = arith.muli %scan3A_96, %mul3A_97 : i32
        %add3A_99 = arith.constant 0 : i32
        %add3A_100 = arith.addi %mul3A_98, %add3A_99 : i32
        %dma_wait3A = arith.constant 0 : i32
        %dma_wait3A_101 = arith.constant 0 : i32
        %dma_wait3A_102 = arith.constant 0 : i32
        %dma_wait3A_103 = tpu.memref_slice %arg11[%dma_wait3A, %dma_wait3A_101, %dma_wait3A_102] : memref<4x128x16xf32, #tpu.memory_space<vmem>> -> memref<1x128x16xf32, #tpu.memory_space<vmem>>
        %dma_wait3A_104 = tpu.memref_squeeze %dma_wait3A_103 : memref<1x128x16xf32, #tpu.memory_space<vmem>> -> memref<128x16xf32, #tpu.memory_space<vmem>>
        %dma_wait3A_105 = arith.constant 0 : i32
        %dma_wait3A_106 = tpu.memref_slice %arg9[%add3A_100, %dma_wait3A_105] : memref<16x128xi32, #tpu.memory_space<vmem>> -> memref<1x128xi32, #tpu.memory_space<vmem>>
        %dma_wait3A_107 = tpu.memref_squeeze %dma_wait3A_106 : memref<1x128xi32, #tpu.memory_space<vmem>> -> memref<128xi32, #tpu.memory_space<vmem>>
        %dma_wait3A_108 = arith.constant 0 : i32
        %dma_wait3A_109 = arith.constant 0 : i32
        %dma_wait3A_110 = tpu.memref_slice %arg17[%dma_wait3A_108, %dma_wait3A_109] : memref<50048x16xf32, #tpu.memory_space<vmem_shared>> -> memref<50048x16xf32, #tpu.memory_space<vmem_shared>>
        tpu.wait_indirect_dma semaphore(%arg18 : memref<!tpu.dma_semaphore, #tpu.memory_space<semaphore_mem>>) src(%dma_wait3A_110 : memref<50048x16xf32, #tpu.memory_space<vmem_shared>>) dst(%dma_wait3A_104 : memref<128x16xf32, #tpu.memory_space<vmem>>)
        %run_scoped3A = arith.constant 0 : i32
        "tpu.region"() ({
          %run_scoped3A_184 = tpu.sem_alloc : memref<!tpu.dma_semaphore, #tpu.memory_space<semaphore_mem>>
          %dma_start3A_185 = arith.constant 0 : i32
          %dma_start3A_186 = arith.constant 0 : i32
          %dma_start3A_187 = tpu.memref_slice %arg11[%run_scoped3A, %dma_start3A_185, %dma_start3A_186] : memref<4x128x16xf32, #tpu.memory_space<vmem>> -> memref<1x128x16xf32, #tpu.memory_space<vmem>>
          %dma_start3A_188 = tpu.memref_squeeze %dma_start3A_187 : memref<1x128x16xf32, #tpu.memory_space<vmem>> -> memref<128x16xf32, #tpu.memory_space<vmem>>
          %dma_start3A_189 = arith.constant 0 : i32
          %dma_start3A_190 = tpu.memref_slice %arg10[%add3A_100, %dma_start3A_189] : memref<16x128xi32, #tpu.memory_space<vmem>> -> memref<1x128xi32, #tpu.memory_space<vmem>>
          %dma_start3A_191 = tpu.memref_squeeze %dma_start3A_190 : memref<1x128xi32, #tpu.memory_space<vmem>> -> memref<128xi32, #tpu.memory_space<vmem>>
          %dma_start3A_192 = arith.constant 0 : i32
          %dma_start3A_193 = arith.constant 0 : i32
          %dma_start3A_194 = tpu.memref_slice %arg16[%dma_start3A_192, %dma_start3A_193] : memref<50048x16xf32, #tpu.memory_space<vmem_shared>> -> memref<50048x16xf32, #tpu.memory_space<vmem_shared>>
          tpu.enqueue_indirect_dma source(%dma_start3A_188 : memref<128x16xf32, #tpu.memory_space<vmem>>) target(%dma_start3A_194 : memref<50048x16xf32, #tpu.memory_space<vmem_shared>>) offsets(%dma_start3A_191 : memref<128xi32, #tpu.memory_space<vmem>>) semaphore(%run_scoped3A_184 : memref<!tpu.dma_semaphore, #tpu.memory_space<semaphore_mem>>) {add = true}
          %dma_wait3A_195 = arith.constant 0 : i32
          %dma_wait3A_196 = arith.constant 0 : i32
          %dma_wait3A_197 = tpu.memref_slice %arg11[%run_scoped3A, %dma_wait3A_195, %dma_wait3A_196] : memref<4x128x16xf32, #tpu.memory_space<vmem>> -> memref<1x128x16xf32, #tpu.memory_space<vmem>>
          %dma_wait3A_198 = tpu.memref_squeeze %dma_wait3A_197 : memref<1x128x16xf32, #tpu.memory_space<vmem>> -> memref<128x16xf32, #tpu.memory_space<vmem>>
          %dma_wait3A_199 = arith.constant 0 : i32
          %dma_wait3A_200 = tpu.memref_slice %arg10[%add3A_100, %dma_wait3A_199] : memref<16x128xi32, #tpu.memory_space<vmem>> -> memref<1x128xi32, #tpu.memory_space<vmem>>
          %dma_wait3A_201 = tpu.memref_squeeze %dma_wait3A_200 : memref<1x128xi32, #tpu.memory_space<vmem>> -> memref<128xi32, #tpu.memory_space<vmem>>
          %dma_wait3A_202 = arith.constant 0 : i32
          %dma_wait3A_203 = arith.constant 0 : i32
          %dma_wait3A_204 = tpu.memref_slice %arg16[%dma_wait3A_202, %dma_wait3A_203] : memref<50048x16xf32, #tpu.memory_space<vmem_shared>> -> memref<50048x16xf32, #tpu.memory_space<vmem_shared>>
          tpu.wait_indirect_dma semaphore(%run_scoped3A_184 : memref<!tpu.dma_semaphore, #tpu.memory_space<semaphore_mem>>) src(%dma_wait3A_198 : memref<128x16xf32, #tpu.memory_space<vmem>>) dst(%dma_wait3A_204 : memref<50048x16xf32, #tpu.memory_space<vmem_shared>>)
          tpu.yield
        }) : () -> ()
        %add3A_111 = arith.constant 4 : i32
        %add3A_112 = arith.addi %add3A_100, %add3A_111 : i32
        %lt3A = arith.constant 16 : i32
        %lt3A_113 = arith.cmpi slt, %add3A_112, %lt3A : i32
        %convert_element_type3A = arith.extui %lt3A_113 : i1 to i32
        %cond3A = arith.constant 0 : i32
        %cond3A_114 = arith.cmpi ne, %convert_element_type3A, %cond3A : i32
        scf.if %cond3A_114 {
          %dma_start3A_184 = arith.constant 0 : i32
          %dma_start3A_185 = arith.constant 0 : i32
          %dma_start3A_186 = arith.constant 0 : i32
          %dma_start3A_187 = tpu.memref_slice %arg11[%dma_start3A_184, %dma_start3A_185, %dma_start3A_186] : memref<4x128x16xf32, #tpu.memory_space<vmem>> -> memref<1x128x16xf32, #tpu.memory_space<vmem>>
          %dma_start3A_188 = tpu.memref_squeeze %dma_start3A_187 : memref<1x128x16xf32, #tpu.memory_space<vmem>> -> memref<128x16xf32, #tpu.memory_space<vmem>>
          %dma_start3A_189 = arith.constant 0 : i32
          %dma_start3A_190 = tpu.memref_slice %arg9[%add3A_112, %dma_start3A_189] : memref<16x128xi32, #tpu.memory_space<vmem>> -> memref<1x128xi32, #tpu.memory_space<vmem>>
          %dma_start3A_191 = tpu.memref_squeeze %dma_start3A_190 : memref<1x128xi32, #tpu.memory_space<vmem>> -> memref<128xi32, #tpu.memory_space<vmem>>
          %dma_start3A_192 = arith.constant 0 : i32
          %dma_start3A_193 = arith.constant 0 : i32
          %dma_start3A_194 = tpu.memref_slice %arg17[%dma_start3A_192, %dma_start3A_193] : memref<50048x16xf32, #tpu.memory_space<vmem_shared>> -> memref<50048x16xf32, #tpu.memory_space<vmem_shared>>
          tpu.enqueue_indirect_dma source(%dma_start3A_194 : memref<50048x16xf32, #tpu.memory_space<vmem_shared>>) target(%dma_start3A_188 : memref<128x16xf32, #tpu.memory_space<vmem>>) offsets(%dma_start3A_191 : memref<128xi32, #tpu.memory_space<vmem>>) semaphore(%arg18 : memref<!tpu.dma_semaphore, #tpu.memory_space<semaphore_mem>>)
        } else {
        }
        %mul3A_115 = arith.constant 4 : i32
        %mul3A_116 = arith.muli %scan3A_96, %mul3A_115 : i32
        %add3A_117 = arith.constant 1 : i32
        %add3A_118 = arith.addi %mul3A_116, %add3A_117 : i32
        %dma_wait3A_119 = arith.constant 1 : i32
        %dma_wait3A_120 = arith.constant 0 : i32
        %dma_wait3A_121 = arith.constant 0 : i32
        %dma_wait3A_122 = tpu.memref_slice %arg11[%dma_wait3A_119, %dma_wait3A_120, %dma_wait3A_121] : memref<4x128x16xf32, #tpu.memory_space<vmem>> -> memref<1x128x16xf32, #tpu.memory_space<vmem>>
        %dma_wait3A_123 = tpu.memref_squeeze %dma_wait3A_122 : memref<1x128x16xf32, #tpu.memory_space<vmem>> -> memref<128x16xf32, #tpu.memory_space<vmem>>
        %dma_wait3A_124 = arith.constant 0 : i32
        %dma_wait3A_125 = tpu.memref_slice %arg9[%add3A_118, %dma_wait3A_124] : memref<16x128xi32, #tpu.memory_space<vmem>> -> memref<1x128xi32, #tpu.memory_space<vmem>>
        %dma_wait3A_126 = tpu.memref_squeeze %dma_wait3A_125 : memref<1x128xi32, #tpu.memory_space<vmem>> -> memref<128xi32, #tpu.memory_space<vmem>>
        %dma_wait3A_127 = arith.constant 0 : i32
        %dma_wait3A_128 = arith.constant 0 : i32
        %dma_wait3A_129 = tpu.memref_slice %arg17[%dma_wait3A_127, %dma_wait3A_128] : memref<50048x16xf32, #tpu.memory_space<vmem_shared>> -> memref<50048x16xf32, #tpu.memory_space<vmem_shared>>
        tpu.wait_indirect_dma semaphore(%arg19 : memref<!tpu.dma_semaphore, #tpu.memory_space<semaphore_mem>>) src(%dma_wait3A_129 : memref<50048x16xf32, #tpu.memory_space<vmem_shared>>) dst(%dma_wait3A_123 : memref<128x16xf32, #tpu.memory_space<vmem>>)
        %run_scoped3A_130 = arith.constant 1 : i32
        "tpu.region"() ({
          %run_scoped3A_184 = tpu.sem_alloc : memref<!tpu.dma_semaphore, #tpu.memory_space<semaphore_mem>>
          %dma_start3A_185 = arith.constant 0 : i32
          %dma_start3A_186 = arith.constant 0 : i32
          %dma_start3A_187 = tpu.memref_slice %arg11[%run_scoped3A_130, %dma_start3A_185, %dma_start3A_186] : memref<4x128x16xf32, #tpu.memory_space<vmem>> -> memref<1x128x16xf32, #tpu.memory_space<vmem>>
          %dma_start3A_188 = tpu.memref_squeeze %dma_start3A_187 : memref<1x128x16xf32, #tpu.memory_space<vmem>> -> memref<128x16xf32, #tpu.memory_space<vmem>>
          %dma_start3A_189 = arith.constant 0 : i32
          %dma_start3A_190 = tpu.memref_slice %arg10[%add3A_118, %dma_start3A_189] : memref<16x128xi32, #tpu.memory_space<vmem>> -> memref<1x128xi32, #tpu.memory_space<vmem>>
          %dma_start3A_191 = tpu.memref_squeeze %dma_start3A_190 : memref<1x128xi32, #tpu.memory_space<vmem>> -> memref<128xi32, #tpu.memory_space<vmem>>
          %dma_start3A_192 = arith.constant 0 : i32
          %dma_start3A_193 = arith.constant 0 : i32
          %dma_start3A_194 = tpu.memref_slice %arg16[%dma_start3A_192, %dma_start3A_193] : memref<50048x16xf32, #tpu.memory_space<vmem_shared>> -> memref<50048x16xf32, #tpu.memory_space<vmem_shared>>
          tpu.enqueue_indirect_dma source(%dma_start3A_188 : memref<128x16xf32, #tpu.memory_space<vmem>>) target(%dma_start3A_194 : memref<50048x16xf32, #tpu.memory_space<vmem_shared>>) offsets(%dma_start3A_191 : memref<128xi32, #tpu.memory_space<vmem>>) semaphore(%run_scoped3A_184 : memref<!tpu.dma_semaphore, #tpu.memory_space<semaphore_mem>>) {add = true}
          %dma_wait3A_195 = arith.constant 0 : i32
          %dma_wait3A_196 = arith.constant 0 : i32
          %dma_wait3A_197 = tpu.memref_slice %arg11[%run_scoped3A_130, %dma_wait3A_195, %dma_wait3A_196] : memref<4x128x16xf32, #tpu.memory_space<vmem>> -> memref<1x128x16xf32, #tpu.memory_space<vmem>>
          %dma_wait3A_198 = tpu.memref_squeeze %dma_wait3A_197 : memref<1x128x16xf32, #tpu.memory_space<vmem>> -> memref<128x16xf32, #tpu.memory_space<vmem>>
          %dma_wait3A_199 = arith.constant 0 : i32
          %dma_wait3A_200 = tpu.memref_slice %arg10[%add3A_118, %dma_wait3A_199] : memref<16x128xi32, #tpu.memory_space<vmem>> -> memref<1x128xi32, #tpu.memory_space<vmem>>
          %dma_wait3A_201 = tpu.memref_squeeze %dma_wait3A_200 : memref<1x128xi32, #tpu.memory_space<vmem>> -> memref<128xi32, #tpu.memory_space<vmem>>
          %dma_wait3A_202 = arith.constant 0 : i32
          %dma_wait3A_203 = arith.constant 0 : i32
          %dma_wait3A_204 = tpu.memref_slice %arg16[%dma_wait3A_202, %dma_wait3A_203] : memref<50048x16xf32, #tpu.memory_space<vmem_shared>> -> memref<50048x16xf32, #tpu.memory_space<vmem_shared>>
          tpu.wait_indirect_dma semaphore(%run_scoped3A_184 : memref<!tpu.dma_semaphore, #tpu.memory_space<semaphore_mem>>) src(%dma_wait3A_198 : memref<128x16xf32, #tpu.memory_space<vmem>>) dst(%dma_wait3A_204 : memref<50048x16xf32, #tpu.memory_space<vmem_shared>>)
          tpu.yield
        }) : () -> ()
        %add3A_131 = arith.constant 4 : i32
        %add3A_132 = arith.addi %add3A_118, %add3A_131 : i32
        %lt3A_133 = arith.constant 16 : i32
        %lt3A_134 = arith.cmpi slt, %add3A_132, %lt3A_133 : i32
        %convert_element_type3A_135 = arith.extui %lt3A_134 : i1 to i32
        %cond3A_136 = arith.constant 0 : i32
        %cond3A_137 = arith.cmpi ne, %convert_element_type3A_135, %cond3A_136 : i32
        scf.if %cond3A_137 {
          %dma_start3A_184 = arith.constant 1 : i32
          %dma_start3A_185 = arith.constant 0 : i32
          %dma_start3A_186 = arith.constant 0 : i32
          %dma_start3A_187 = tpu.memref_slice %arg11[%dma_start3A_184, %dma_start3A_185, %dma_start3A_186] : memref<4x128x16xf32, #tpu.memory_space<vmem>> -> memref<1x128x16xf32, #tpu.memory_space<vmem>>
          %dma_start3A_188 = tpu.memref_squeeze %dma_start3A_187 : memref<1x128x16xf32, #tpu.memory_space<vmem>> -> memref<128x16xf32, #tpu.memory_space<vmem>>
          %dma_start3A_189 = arith.constant 0 : i32
          %dma_start3A_190 = tpu.memref_slice %arg9[%add3A_132, %dma_start3A_189] : memref<16x128xi32, #tpu.memory_space<vmem>> -> memref<1x128xi32, #tpu.memory_space<vmem>>
          %dma_start3A_191 = tpu.memref_squeeze %dma_start3A_190 : memref<1x128xi32, #tpu.memory_space<vmem>> -> memref<128xi32, #tpu.memory_space<vmem>>
          %dma_start3A_192 = arith.constant 0 : i32
          %dma_start3A_193 = arith.constant 0 : i32
          %dma_start3A_194 = tpu.memref_slice %arg17[%dma_start3A_192, %dma_start3A_193] : memref<50048x16xf32, #tpu.memory_space<vmem_shared>> -> memref<50048x16xf32, #tpu.memory_space<vmem_shared>>
          tpu.enqueue_indirect_dma source(%dma_start3A_194 : memref<50048x16xf32, #tpu.memory_space<vmem_shared>>) target(%dma_start3A_188 : memref<128x16xf32, #tpu.memory_space<vmem>>) offsets(%dma_start3A_191 : memref<128xi32, #tpu.memory_space<vmem>>) semaphore(%arg19 : memref<!tpu.dma_semaphore, #tpu.memory_space<semaphore_mem>>)
        } else {
        }
        %mul3A_138 = arith.constant 4 : i32
        %mul3A_139 = arith.muli %scan3A_96, %mul3A_138 : i32
        %add3A_140 = arith.constant 2 : i32
        %add3A_141 = arith.addi %mul3A_139, %add3A_140 : i32
        %dma_wait3A_142 = arith.constant 2 : i32
        %dma_wait3A_143 = arith.constant 0 : i32
        %dma_wait3A_144 = arith.constant 0 : i32
        %dma_wait3A_145 = tpu.memref_slice %arg11[%dma_wait3A_142, %dma_wait3A_143, %dma_wait3A_144] : memref<4x128x16xf32, #tpu.memory_space<vmem>> -> memref<1x128x16xf32, #tpu.memory_space<vmem>>
        %dma_wait3A_146 = tpu.memref_squeeze %dma_wait3A_145 : memref<1x128x16xf32, #tpu.memory_space<vmem>> -> memref<128x16xf32, #tpu.memory_space<vmem>>
        %dma_wait3A_147 = arith.constant 0 : i32
        %dma_wait3A_148 = tpu.memref_slice %arg9[%add3A_141, %dma_wait3A_147] : memref<16x128xi32, #tpu.memory_space<vmem>> -> memref<1x128xi32, #tpu.memory_space<vmem>>
        %dma_wait3A_149 = tpu.memref_squeeze %dma_wait3A_148 : memref<1x128xi32, #tpu.memory_space<vmem>> -> memref<128xi32, #tpu.memory_space<vmem>>
        %dma_wait3A_150 = arith.constant 0 : i32
        %dma_wait3A_151 = arith.constant 0 : i32
        %dma_wait3A_152 = tpu.memref_slice %arg17[%dma_wait3A_150, %dma_wait3A_151] : memref<50048x16xf32, #tpu.memory_space<vmem_shared>> -> memref<50048x16xf32, #tpu.memory_space<vmem_shared>>
        tpu.wait_indirect_dma semaphore(%arg20 : memref<!tpu.dma_semaphore, #tpu.memory_space<semaphore_mem>>) src(%dma_wait3A_152 : memref<50048x16xf32, #tpu.memory_space<vmem_shared>>) dst(%dma_wait3A_146 : memref<128x16xf32, #tpu.memory_space<vmem>>)
        %run_scoped3A_153 = arith.constant 2 : i32
        "tpu.region"() ({
          %run_scoped3A_184 = tpu.sem_alloc : memref<!tpu.dma_semaphore, #tpu.memory_space<semaphore_mem>>
          %dma_start3A_185 = arith.constant 0 : i32
          %dma_start3A_186 = arith.constant 0 : i32
          %dma_start3A_187 = tpu.memref_slice %arg11[%run_scoped3A_153, %dma_start3A_185, %dma_start3A_186] : memref<4x128x16xf32, #tpu.memory_space<vmem>> -> memref<1x128x16xf32, #tpu.memory_space<vmem>>
          %dma_start3A_188 = tpu.memref_squeeze %dma_start3A_187 : memref<1x128x16xf32, #tpu.memory_space<vmem>> -> memref<128x16xf32, #tpu.memory_space<vmem>>
          %dma_start3A_189 = arith.constant 0 : i32
          %dma_start3A_190 = tpu.memref_slice %arg10[%add3A_141, %dma_start3A_189] : memref<16x128xi32, #tpu.memory_space<vmem>> -> memref<1x128xi32, #tpu.memory_space<vmem>>
          %dma_start3A_191 = tpu.memref_squeeze %dma_start3A_190 : memref<1x128xi32, #tpu.memory_space<vmem>> -> memref<128xi32, #tpu.memory_space<vmem>>
          %dma_start3A_192 = arith.constant 0 : i32
          %dma_start3A_193 = arith.constant 0 : i32
          %dma_start3A_194 = tpu.memref_slice %arg16[%dma_start3A_192, %dma_start3A_193] : memref<50048x16xf32, #tpu.memory_space<vmem_shared>> -> memref<50048x16xf32, #tpu.memory_space<vmem_shared>>
          tpu.enqueue_indirect_dma source(%dma_start3A_188 : memref<128x16xf32, #tpu.memory_space<vmem>>) target(%dma_start3A_194 : memref<50048x16xf32, #tpu.memory_space<vmem_shared>>) offsets(%dma_start3A_191 : memref<128xi32, #tpu.memory_space<vmem>>) semaphore(%run_scoped3A_184 : memref<!tpu.dma_semaphore, #tpu.memory_space<semaphore_mem>>) {add = true}
          %dma_wait3A_195 = arith.constant 0 : i32
          %dma_wait3A_196 = arith.constant 0 : i32
          %dma_wait3A_197 = tpu.memref_slice %arg11[%run_scoped3A_153, %dma_wait3A_195, %dma_wait3A_196] : memref<4x128x16xf32, #tpu.memory_space<vmem>> -> memref<1x128x16xf32, #tpu.memory_space<vmem>>
          %dma_wait3A_198 = tpu.memref_squeeze %dma_wait3A_197 : memref<1x128x16xf32, #tpu.memory_space<vmem>> -> memref<128x16xf32, #tpu.memory_space<vmem>>
          %dma_wait3A_199 = arith.constant 0 : i32
          %dma_wait3A_200 = tpu.memref_slice %arg10[%add3A_141, %dma_wait3A_199] : memref<16x128xi32, #tpu.memory_space<vmem>> -> memref<1x128xi32, #tpu.memory_space<vmem>>
          %dma_wait3A_201 = tpu.memref_squeeze %dma_wait3A_200 : memref<1x128xi32, #tpu.memory_space<vmem>> -> memref<128xi32, #tpu.memory_space<vmem>>
          %dma_wait3A_202 = arith.constant 0 : i32
          %dma_wait3A_203 = arith.constant 0 : i32
          %dma_wait3A_204 = tpu.memref_slice %arg16[%dma_wait3A_202, %dma_wait3A_203] : memref<50048x16xf32, #tpu.memory_space<vmem_shared>> -> memref<50048x16xf32, #tpu.memory_space<vmem_shared>>
          tpu.wait_indirect_dma semaphore(%run_scoped3A_184 : memref<!tpu.dma_semaphore, #tpu.memory_space<semaphore_mem>>) src(%dma_wait3A_198 : memref<128x16xf32, #tpu.memory_space<vmem>>) dst(%dma_wait3A_204 : memref<50048x16xf32, #tpu.memory_space<vmem_shared>>)
          tpu.yield
        }) : () -> ()
        %add3A_154 = arith.constant 4 : i32
        %add3A_155 = arith.addi %add3A_141, %add3A_154 : i32
        %lt3A_156 = arith.constant 16 : i32
        %lt3A_157 = arith.cmpi slt, %add3A_155, %lt3A_156 : i32
        %convert_element_type3A_158 = arith.extui %lt3A_157 : i1 to i32
        %cond3A_159 = arith.constant 0 : i32
        %cond3A_160 = arith.cmpi ne, %convert_element_type3A_158, %cond3A_159 : i32
        scf.if %cond3A_160 {
          %dma_start3A_184 = arith.constant 2 : i32
          %dma_start3A_185 = arith.constant 0 : i32
          %dma_start3A_186 = arith.constant 0 : i32
          %dma_start3A_187 = tpu.memref_slice %arg11[%dma_start3A_184, %dma_start3A_185, %dma_start3A_186] : memref<4x128x16xf32, #tpu.memory_space<vmem>> -> memref<1x128x16xf32, #tpu.memory_space<vmem>>
          %dma_start3A_188 = tpu.memref_squeeze %dma_start3A_187 : memref<1x128x16xf32, #tpu.memory_space<vmem>> -> memref<128x16xf32, #tpu.memory_space<vmem>>
          %dma_start3A_189 = arith.constant 0 : i32
          %dma_start3A_190 = tpu.memref_slice %arg9[%add3A_155, %dma_start3A_189] : memref<16x128xi32, #tpu.memory_space<vmem>> -> memref<1x128xi32, #tpu.memory_space<vmem>>
          %dma_start3A_191 = tpu.memref_squeeze %dma_start3A_190 : memref<1x128xi32, #tpu.memory_space<vmem>> -> memref<128xi32, #tpu.memory_space<vmem>>
          %dma_start3A_192 = arith.constant 0 : i32
          %dma_start3A_193 = arith.constant 0 : i32
          %dma_start3A_194 = tpu.memref_slice %arg17[%dma_start3A_192, %dma_start3A_193] : memref<50048x16xf32, #tpu.memory_space<vmem_shared>> -> memref<50048x16xf32, #tpu.memory_space<vmem_shared>>
          tpu.enqueue_indirect_dma source(%dma_start3A_194 : memref<50048x16xf32, #tpu.memory_space<vmem_shared>>) target(%dma_start3A_188 : memref<128x16xf32, #tpu.memory_space<vmem>>) offsets(%dma_start3A_191 : memref<128xi32, #tpu.memory_space<vmem>>) semaphore(%arg20 : memref<!tpu.dma_semaphore, #tpu.memory_space<semaphore_mem>>)
        } else {
        }
        %mul3A_161 = arith.constant 4 : i32
        %mul3A_162 = arith.muli %scan3A_96, %mul3A_161 : i32
        %add3A_163 = arith.constant 3 : i32
        %add3A_164 = arith.addi %mul3A_162, %add3A_163 : i32
        %dma_wait3A_165 = arith.constant 3 : i32
        %dma_wait3A_166 = arith.constant 0 : i32
        %dma_wait3A_167 = arith.constant 0 : i32
        %dma_wait3A_168 = tpu.memref_slice %arg11[%dma_wait3A_165, %dma_wait3A_166, %dma_wait3A_167] : memref<4x128x16xf32, #tpu.memory_space<vmem>> -> memref<1x128x16xf32, #tpu.memory_space<vmem>>
        %dma_wait3A_169 = tpu.memref_squeeze %dma_wait3A_168 : memref<1x128x16xf32, #tpu.memory_space<vmem>> -> memref<128x16xf32, #tpu.memory_space<vmem>>
        %dma_wait3A_170 = arith.constant 0 : i32
        %dma_wait3A_171 = tpu.memref_slice %arg9[%add3A_164, %dma_wait3A_170] : memref<16x128xi32, #tpu.memory_space<vmem>> -> memref<1x128xi32, #tpu.memory_space<vmem>>
        %dma_wait3A_172 = tpu.memref_squeeze %dma_wait3A_171 : memref<1x128xi32, #tpu.memory_space<vmem>> -> memref<128xi32, #tpu.memory_space<vmem>>
        %dma_wait3A_173 = arith.constant 0 : i32
        %dma_wait3A_174 = arith.constant 0 : i32
        %dma_wait3A_175 = tpu.memref_slice %arg17[%dma_wait3A_173, %dma_wait3A_174] : memref<50048x16xf32, #tpu.memory_space<vmem_shared>> -> memref<50048x16xf32, #tpu.memory_space<vmem_shared>>
        tpu.wait_indirect_dma semaphore(%arg21 : memref<!tpu.dma_semaphore, #tpu.memory_space<semaphore_mem>>) src(%dma_wait3A_175 : memref<50048x16xf32, #tpu.memory_space<vmem_shared>>) dst(%dma_wait3A_169 : memref<128x16xf32, #tpu.memory_space<vmem>>)
        %run_scoped3A_176 = arith.constant 3 : i32
        "tpu.region"() ({
          %run_scoped3A_184 = tpu.sem_alloc : memref<!tpu.dma_semaphore, #tpu.memory_space<semaphore_mem>>
          %dma_start3A_185 = arith.constant 0 : i32
          %dma_start3A_186 = arith.constant 0 : i32
          %dma_start3A_187 = tpu.memref_slice %arg11[%run_scoped3A_176, %dma_start3A_185, %dma_start3A_186] : memref<4x128x16xf32, #tpu.memory_space<vmem>> -> memref<1x128x16xf32, #tpu.memory_space<vmem>>
          %dma_start3A_188 = tpu.memref_squeeze %dma_start3A_187 : memref<1x128x16xf32, #tpu.memory_space<vmem>> -> memref<128x16xf32, #tpu.memory_space<vmem>>
          %dma_start3A_189 = arith.constant 0 : i32
          %dma_start3A_190 = tpu.memref_slice %arg10[%add3A_164, %dma_start3A_189] : memref<16x128xi32, #tpu.memory_space<vmem>> -> memref<1x128xi32, #tpu.memory_space<vmem>>
          %dma_start3A_191 = tpu.memref_squeeze %dma_start3A_190 : memref<1x128xi32, #tpu.memory_space<vmem>> -> memref<128xi32, #tpu.memory_space<vmem>>
          %dma_start3A_192 = arith.constant 0 : i32
          %dma_start3A_193 = arith.constant 0 : i32
          %dma_start3A_194 = tpu.memref_slice %arg16[%dma_start3A_192, %dma_start3A_193] : memref<50048x16xf32, #tpu.memory_space<vmem_shared>> -> memref<50048x16xf32, #tpu.memory_space<vmem_shared>>
          tpu.enqueue_indirect_dma source(%dma_start3A_188 : memref<128x16xf32, #tpu.memory_space<vmem>>) target(%dma_start3A_194 : memref<50048x16xf32, #tpu.memory_space<vmem_shared>>) offsets(%dma_start3A_191 : memref<128xi32, #tpu.memory_space<vmem>>) semaphore(%run_scoped3A_184 : memref<!tpu.dma_semaphore, #tpu.memory_space<semaphore_mem>>) {add = true}
          %dma_wait3A_195 = arith.constant 0 : i32
          %dma_wait3A_196 = arith.constant 0 : i32
          %dma_wait3A_197 = tpu.memref_slice %arg11[%run_scoped3A_176, %dma_wait3A_195, %dma_wait3A_196] : memref<4x128x16xf32, #tpu.memory_space<vmem>> -> memref<1x128x16xf32, #tpu.memory_space<vmem>>
          %dma_wait3A_198 = tpu.memref_squeeze %dma_wait3A_197 : memref<1x128x16xf32, #tpu.memory_space<vmem>> -> memref<128x16xf32, #tpu.memory_space<vmem>>
          %dma_wait3A_199 = arith.constant 0 : i32
          %dma_wait3A_200 = tpu.memref_slice %arg10[%add3A_164, %dma_wait3A_199] : memref<16x128xi32, #tpu.memory_space<vmem>> -> memref<1x128xi32, #tpu.memory_space<vmem>>
          %dma_wait3A_201 = tpu.memref_squeeze %dma_wait3A_200 : memref<1x128xi32, #tpu.memory_space<vmem>> -> memref<128xi32, #tpu.memory_space<vmem>>
          %dma_wait3A_202 = arith.constant 0 : i32
          %dma_wait3A_203 = arith.constant 0 : i32
          %dma_wait3A_204 = tpu.memref_slice %arg16[%dma_wait3A_202, %dma_wait3A_203] : memref<50048x16xf32, #tpu.memory_space<vmem_shared>> -> memref<50048x16xf32, #tpu.memory_space<vmem_shared>>
          tpu.wait_indirect_dma semaphore(%run_scoped3A_184 : memref<!tpu.dma_semaphore, #tpu.memory_space<semaphore_mem>>) src(%dma_wait3A_198 : memref<128x16xf32, #tpu.memory_space<vmem>>) dst(%dma_wait3A_204 : memref<50048x16xf32, #tpu.memory_space<vmem_shared>>)
          tpu.yield
        }) : () -> ()
        %add3A_177 = arith.constant 4 : i32
        %add3A_178 = arith.addi %add3A_164, %add3A_177 : i32
        %lt3A_179 = arith.constant 16 : i32
        %lt3A_180 = arith.cmpi slt, %add3A_178, %lt3A_179 : i32
        %convert_element_type3A_181 = arith.extui %lt3A_180 : i1 to i32
        %cond3A_182 = arith.constant 0 : i32
        %cond3A_183 = arith.cmpi ne, %convert_element_type3A_181, %cond3A_182 : i32
        scf.if %cond3A_183 {
          %dma_start3A_184 = arith.constant 3 : i32
          %dma_start3A_185 = arith.constant 0 : i32
          %dma_start3A_186 = arith.constant 0 : i32
          %dma_start3A_187 = tpu.memref_slice %arg11[%dma_start3A_184, %dma_start3A_185, %dma_start3A_186] : memref<4x128x16xf32, #tpu.memory_space<vmem>> -> memref<1x128x16xf32, #tpu.memory_space<vmem>>
          %dma_start3A_188 = tpu.memref_squeeze %dma_start3A_187 : memref<1x128x16xf32, #tpu.memory_space<vmem>> -> memref<128x16xf32, #tpu.memory_space<vmem>>
          %dma_start3A_189 = arith.constant 0 : i32
          %dma_start3A_190 = tpu.memref_slice %arg9[%add3A_178, %dma_start3A_189] : memref<16x128xi32, #tpu.memory_space<vmem>> -> memref<1x128xi32, #tpu.memory_space<vmem>>
          %dma_start3A_191 = tpu.memref_squeeze %dma_start3A_190 : memref<1x128xi32, #tpu.memory_space<vmem>> -> memref<128xi32, #tpu.memory_space<vmem>>
          %dma_start3A_192 = arith.constant 0 : i32
          %dma_start3A_193 = arith.constant 0 : i32
          %dma_start3A_194 = tpu.memref_slice %arg17[%dma_start3A_192, %dma_start3A_193] : memref<50048x16xf32, #tpu.memory_space<vmem_shared>> -> memref<50048x16xf32, #tpu.memory_space<vmem_shared>>
          tpu.enqueue_indirect_dma source(%dma_start3A_194 : memref<50048x16xf32, #tpu.memory_space<vmem_shared>>) target(%dma_start3A_188 : memref<128x16xf32, #tpu.memory_space<vmem>>) offsets(%dma_start3A_191 : memref<128xi32, #tpu.memory_space<vmem>>) semaphore(%arg21 : memref<!tpu.dma_semaphore, #tpu.memory_space<semaphore_mem>>)
        } else {
        }
      }
      %scan3A_95 = arith.constant 4 : i32
    }
    %scan3A_9 = arith.constant 25 : i32
    %barrier3A_10 = arith.constant 0 : index
    tpu.barrier barrier_id(%barrier3A_10)
    %scan3A_11 = arith.constant 0 : i32
    %scan3A_12 = arith.constant 0 : i32
    %scan3A_13 = arith.constant 17 : i32
    %scan3A_14 = arith.addi %scan3A_12, %scan3A_13 : i32
    %scan3A_15 = arith.constant 1 : i32
    scf.for %scan3A_40 = %scan3A_12 to %scan3A_14 step %scan3A_15  : i32 {
      %mul3A_41 = arith.constant 184 : i32
      %mul3A_42 = arith.muli %scan3A_40, %mul3A_41 : i32
      %add3A_43 = arith.addi %mul3A_0, %mul3A_42 : i32
      "tpu.region"() ({
        %run_scoped3A = tpu.sem_alloc : memref<!tpu.dma_semaphore, #tpu.memory_space<semaphore_mem>>
        %dma_start3A = arith.constant 0 : i32
        %dma_start3A_49 = tpu.memref_slice %arg16[%add3A_43, %dma_start3A] : memref<50048x16xf32, #tpu.memory_space<vmem_shared>> -> memref<184x16xf32, #tpu.memory_space<vmem_shared>>
        %dma_start3A_50 = arith.constant 0 : i32
        %dma_start3A_51 = tpu.memref_slice %arg16[%add3A_43, %dma_start3A_50] : memref<50048x16xf32, #tpu.memory_space<vmem_shared>> -> memref<184x16xf32, #tpu.memory_space<vmem_shared>>
        tpu.enqueue_dma source(%dma_start3A_51 : memref<184x16xf32, #tpu.memory_space<vmem_shared>>) target(%arg12 : memref<184x16xf32, #tpu.memory_space<vmem>>) target_semaphore(%run_scoped3A : memref<!tpu.dma_semaphore, #tpu.memory_space<semaphore_mem>>)
        %dma_wait3A = arith.constant 0 : i32
        %dma_wait3A_52 = tpu.memref_slice %arg16[%add3A_43, %dma_wait3A] : memref<50048x16xf32, #tpu.memory_space<vmem_shared>> -> memref<184x16xf32, #tpu.memory_space<vmem_shared>>
        %dma_wait3A_53 = arith.constant 0 : i32
        %dma_wait3A_54 = tpu.memref_slice %arg16[%add3A_43, %dma_wait3A_53] : memref<50048x16xf32, #tpu.memory_space<vmem_shared>> -> memref<184x16xf32, #tpu.memory_space<vmem_shared>>
        tpu.wait_dma2 semaphore(%run_scoped3A : memref<!tpu.dma_semaphore, #tpu.memory_space<semaphore_mem>>) src(%dma_wait3A_54 : memref<184x16xf32, #tpu.memory_space<vmem_shared>>) dst(%arg12 : memref<184x16xf32, #tpu.memory_space<vmem>>)
        tpu.yield
      }) : () -> ()
      "tpu.region"() ({
        %run_scoped3A = tpu.sem_alloc : memref<!tpu.dma_semaphore, #tpu.memory_space<semaphore_mem>>
        %dma_start3A = tpu.memref_slice %arg5[%add3A_43, %mul3A_4] : memref<50000x64xf32, #tpu.memory_space<hbm>> -> memref<184x16xf32, #tpu.memory_space<hbm>>
        %dma_start3A_49 = tpu.memref_slice %arg5[%add3A_43, %mul3A_4] : memref<50000x64xf32, #tpu.memory_space<hbm>> -> memref<184x16xf32, #tpu.memory_space<hbm>>
        tpu.enqueue_dma source(%dma_start3A_49 : memref<184x16xf32, #tpu.memory_space<hbm>>) target(%arg13 : memref<184x16xf32, #tpu.memory_space<vmem>>) target_semaphore(%run_scoped3A : memref<!tpu.dma_semaphore, #tpu.memory_space<semaphore_mem>>)
        %dma_wait3A = tpu.memref_slice %arg5[%add3A_43, %mul3A_4] : memref<50000x64xf32, #tpu.memory_space<hbm>> -> memref<184x16xf32, #tpu.memory_space<hbm>>
        %dma_wait3A_50 = tpu.memref_slice %arg5[%add3A_43, %mul3A_4] : memref<50000x64xf32, #tpu.memory_space<hbm>> -> memref<184x16xf32, #tpu.memory_space<hbm>>
        tpu.wait_dma2 semaphore(%run_scoped3A : memref<!tpu.dma_semaphore, #tpu.memory_space<semaphore_mem>>) src(%dma_wait3A_50 : memref<184x16xf32, #tpu.memory_space<hbm>>) dst(%arg13 : memref<184x16xf32, #tpu.memory_space<vmem>>)
        tpu.yield
      }) : () -> ()
      "tpu.region"() ({
        %run_scoped3A = tpu.sem_alloc : memref<!tpu.dma_semaphore, #tpu.memory_space<semaphore_mem>>
        %dma_start3A = tpu.memref_slice %arg6[%add3A_43] : memref<50000xf32, #tpu.memory_space<hbm>> -> memref<184xf32, #tpu.memory_space<hbm>>
        %dma_start3A_49 = tpu.memref_slice %arg6[%add3A_43] : memref<50000xf32, #tpu.memory_space<hbm>> -> memref<184xf32, #tpu.memory_space<hbm>>
        tpu.enqueue_dma source(%dma_start3A_49 : memref<184xf32, #tpu.memory_space<hbm>>) target(%arg15 : memref<184xf32, #tpu.memory_space<vmem>>) target_semaphore(%run_scoped3A : memref<!tpu.dma_semaphore, #tpu.memory_space<semaphore_mem>>)
        %dma_wait3A = tpu.memref_slice %arg6[%add3A_43] : memref<50000xf32, #tpu.memory_space<hbm>> -> memref<184xf32, #tpu.memory_space<hbm>>
        %dma_wait3A_50 = tpu.memref_slice %arg6[%add3A_43] : memref<50000xf32, #tpu.memory_space<hbm>> -> memref<184xf32, #tpu.memory_space<hbm>>
        tpu.wait_dma2 semaphore(%run_scoped3A : memref<!tpu.dma_semaphore, #tpu.memory_space<semaphore_mem>>) src(%dma_wait3A_50 : memref<184xf32, #tpu.memory_space<hbm>>) dst(%arg15 : memref<184xf32, #tpu.memory_space<vmem>>)
        tpu.yield
      }) : () -> ()
      %scan3A_44 = arith.constant 0 : i32
      %scan3A_45 = arith.constant 184 : i32
      %scan3A_46 = arith.addi %scan3A_44, %scan3A_45 : i32
      %scan3A_47 = arith.constant 1 : i32
      scf.for %scan3A_49 = %scan3A_44 to %scan3A_46 step %scan3A_47  : i32 {
        %broadcast_in_dim3A = vector.broadcast %scan3A_49 : i32 to vector<16xi32>
        %gather3A = tpu.vector_load_idx %arg15[%broadcast_in_dim3A] : memref<184xf32, #tpu.memory_space<vmem>>[vector<16xi32>], vector<16xf32>,
        %get3A = arith.index_cast %scan3A_49 : i32 to index
        %get3A_50 = arith.constant 0 : index
        %get3A_51 = tpu.vector_load %arg12[%get3A, %get3A_50] {strides = array<i32>} : memref<184x16xf32, #tpu.memory_space<vmem>>, vector<16xf32>,
        %mul3A_52 = arith.mulf %gather3A, %get3A_51 : vector<16xf32>
        %get3A_53 = arith.index_cast %scan3A_49 : i32 to index
        %get3A_54 = arith.constant 0 : index
        %get3A_55 = tpu.vector_load %arg13[%get3A_53, %get3A_54] {strides = array<i32>} : memref<184x16xf32, #tpu.memory_space<vmem>>, vector<16xf32>,
        %add3A_56 = arith.addf %mul3A_52, %get3A_55 : vector<16xf32>
        %swap3A = arith.index_cast %scan3A_49 : i32 to index
        %swap3A_57 = arith.constant 0 : index
        %swap3A_58 = tpu.vector_load %arg14[%swap3A, %swap3A_57] {strides = array<i32>} : memref<184x16xf32, #tpu.memory_space<vmem>>, vector<16xf32>,
        tpu.vector_store %arg14[%swap3A, %swap3A_57], %add3A_56 {strides = array<i32>} : memref<184x16xf32, #tpu.memory_space<vmem>>, vector<16xf32>,
      }
      %scan3A_48 = arith.constant 184 : i32
      "tpu.region"() ({
        %run_scoped3A = tpu.sem_alloc : memref<!tpu.dma_semaphore, #tpu.memory_space<semaphore_mem>>
        %dma_start3A = arith.constant 0 : i32
        %dma_start3A_49 = tpu.memref_slice %arg17[%add3A_43, %dma_start3A] : memref<50048x16xf32, #tpu.memory_space<vmem_shared>> -> memref<184x16xf32, #tpu.memory_space<vmem_shared>>
        %dma_start3A_50 = arith.constant 0 : i32
        %dma_start3A_51 = tpu.memref_slice %arg17[%add3A_43, %dma_start3A_50] : memref<50048x16xf32, #tpu.memory_space<vmem_shared>> -> memref<184x16xf32, #tpu.memory_space<vmem_shared>>
        tpu.enqueue_dma source(%arg14 : memref<184x16xf32, #tpu.memory_space<vmem>>) target(%dma_start3A_51 : memref<184x16xf32, #tpu.memory_space<vmem_shared>>) target_semaphore(%run_scoped3A : memref<!tpu.dma_semaphore, #tpu.memory_space<semaphore_mem>>)
        %dma_wait3A = arith.constant 0 : i32
        %dma_wait3A_52 = tpu.memref_slice %arg17[%add3A_43, %dma_wait3A] : memref<50048x16xf32, #tpu.memory_space<vmem_shared>> -> memref<184x16xf32, #tpu.memory_space<vmem_shared>>
        %dma_wait3A_53 = arith.constant 0 : i32
        %dma_wait3A_54 = tpu.memref_slice %arg17[%add3A_43, %dma_wait3A_53] : memref<50048x16xf32, #tpu.memory_space<vmem_shared>> -> memref<184x16xf32, #tpu.memory_space<vmem_shared>>
        tpu.wait_dma2 semaphore(%run_scoped3A : memref<!tpu.dma_semaphore, #tpu.memory_space<semaphore_mem>>) src(%arg14 : memref<184x16xf32, #tpu.memory_space<vmem>>) dst(%dma_wait3A_54 : memref<184x16xf32, #tpu.memory_space<vmem_shared>>)
        tpu.yield
      }) : () -> ()
    }
    %scan3A_16 = arith.constant 17 : i32
    "tpu.region"() ({
      %run_scoped3A = tpu.sem_alloc : memref<!tpu.dma_semaphore, #tpu.memory_space<semaphore_mem>>
      %dma_start3A = arith.constant 0 : i32
      %dma_start3A_40 = tpu.memref_slice %arg16[%mul3A_0, %dma_start3A] : memref<50048x16xf32, #tpu.memory_space<vmem_shared>> -> memref<3128x16xf32, #tpu.memory_space<vmem_shared>>
      tpu.enqueue_dma source(%arg7 : memref<3128x16xf32, #tpu.memory_space<hbm>>) target(%dma_start3A_40 : memref<3128x16xf32, #tpu.memory_space<vmem_shared>>) target_semaphore(%run_scoped3A : memref<!tpu.dma_semaphore, #tpu.memory_space<semaphore_mem>>)
      %dma_wait3A = arith.constant 0 : i32
      %dma_wait3A_41 = tpu.memref_slice %arg16[%mul3A_0, %dma_wait3A] : memref<50048x16xf32, #tpu.memory_space<vmem_shared>> -> memref<3128x16xf32, #tpu.memory_space<vmem_shared>>
      tpu.wait_dma2 semaphore(%run_scoped3A : memref<!tpu.dma_semaphore, #tpu.memory_space<semaphore_mem>>) src(%arg7 : memref<3128x16xf32, #tpu.memory_space<hbm>>) dst(%dma_wait3A_41 : memref<3128x16xf32, #tpu.memory_space<vmem_shared>>)
      tpu.yield
    }) : () -> ()
    %barrier3A_17 = arith.constant 0 : index
    tpu.barrier barrier_id(%barrier3A_17)
    %scan3A_18 = arith.constant 0 : i32
    %scan3A_19 = arith.constant 0 : i32
    %scan3A_20 = arith.constant 25 : i32
    %scan3A_21 = arith.addi %scan3A_19, %scan3A_20 : i32
    %scan3A_22 = arith.constant 1 : i32
    scf.for %scan3A_40 = %scan3A_19 to %scan3A_21 step %scan3A_22  : i32 {
      %mul3A_41 = arith.constant 16 : i32
      %mul3A_42 = arith.muli %scan3A_40, %mul3A_41 : i32
      %add3A_43 = arith.addi %mul3A_2, %mul3A_42 : i32
      "tpu.region"() ({
        %run_scoped3A = tpu.sem_alloc : memref<!tpu.dma_semaphore, #tpu.memory_space<semaphore_mem>>
        %dma_start3A_96 = arith.constant 0 : i32
        %dma_start3A_97 = tpu.memref_slice %arg3[%add3A_43, %dma_start3A_96] : memref<6400x128xi32, #tpu.memory_space<hbm>> -> memref<16x128xi32, #tpu.memory_space<hbm>>
        %dma_start3A_98 = arith.constant 0 : i32
        %dma_start3A_99 = tpu.memref_slice %arg3[%add3A_43, %dma_start3A_98] : memref<6400x128xi32, #tpu.memory_space<hbm>> -> memref<16x128xi32, #tpu.memory_space<hbm>>
        tpu.enqueue_dma source(%dma_start3A_99 : memref<16x128xi32, #tpu.memory_space<hbm>>) target(%arg9 : memref<16x128xi32, #tpu.memory_space<vmem>>) target_semaphore(%run_scoped3A : memref<!tpu.dma_semaphore, #tpu.memory_space<semaphore_mem>>)
        %dma_wait3A = arith.constant 0 : i32
        %dma_wait3A_100 = tpu.memref_slice %arg3[%add3A_43, %dma_wait3A] : memref<6400x128xi32, #tpu.memory_space<hbm>> -> memref<16x128xi32, #tpu.memory_space<hbm>>
        %dma_wait3A_101 = arith.constant 0 : i32
        %dma_wait3A_102 = tpu.memref_slice %arg3[%add3A_43, %dma_wait3A_101] : memref<6400x128xi32, #tpu.memory_space<hbm>> -> memref<16x128xi32, #tpu.memory_space<hbm>>
        tpu.wait_dma2 semaphore(%run_scoped3A : memref<!tpu.dma_semaphore, #tpu.memory_space<semaphore_mem>>) src(%dma_wait3A_102 : memref<16x128xi32, #tpu.memory_space<hbm>>) dst(%arg9 : memref<16x128xi32, #tpu.memory_space<vmem>>)
        tpu.yield
      }) : () -> ()
      "tpu.region"() ({
        %run_scoped3A = tpu.sem_alloc : memref<!tpu.dma_semaphore, #tpu.memory_space<semaphore_mem>>
        %dma_start3A_96 = arith.constant 0 : i32
        %dma_start3A_97 = tpu.memref_slice %arg4[%add3A_43, %dma_start3A_96] : memref<6400x128xi32, #tpu.memory_space<hbm>> -> memref<16x128xi32, #tpu.memory_space<hbm>>
        %dma_start3A_98 = arith.constant 0 : i32
        %dma_start3A_99 = tpu.memref_slice %arg4[%add3A_43, %dma_start3A_98] : memref<6400x128xi32, #tpu.memory_space<hbm>> -> memref<16x128xi32, #tpu.memory_space<hbm>>
        tpu.enqueue_dma source(%dma_start3A_99 : memref<16x128xi32, #tpu.memory_space<hbm>>) target(%arg10 : memref<16x128xi32, #tpu.memory_space<vmem>>) target_semaphore(%run_scoped3A : memref<!tpu.dma_semaphore, #tpu.memory_space<semaphore_mem>>)
        %dma_wait3A = arith.constant 0 : i32
        %dma_wait3A_100 = tpu.memref_slice %arg4[%add3A_43, %dma_wait3A] : memref<6400x128xi32, #tpu.memory_space<hbm>> -> memref<16x128xi32, #tpu.memory_space<hbm>>
        %dma_wait3A_101 = arith.constant 0 : i32
        %dma_wait3A_102 = tpu.memref_slice %arg4[%add3A_43, %dma_wait3A_101] : memref<6400x128xi32, #tpu.memory_space<hbm>> -> memref<16x128xi32, #tpu.memory_space<hbm>>
        tpu.wait_dma2 semaphore(%run_scoped3A : memref<!tpu.dma_semaphore, #tpu.memory_space<semaphore_mem>>) src(%dma_wait3A_102 : memref<16x128xi32, #tpu.memory_space<hbm>>) dst(%arg10 : memref<16x128xi32, #tpu.memory_space<vmem>>)
        tpu.yield
      }) : () -> ()
      %dma_start3A = arith.constant 0 : i32
      %dma_start3A_44 = arith.constant 0 : i32
      %dma_start3A_45 = arith.constant 0 : i32
      %dma_start3A_46 = arith.constant 0 : i32
      %dma_start3A_47 = tpu.memref_slice %arg11[%dma_start3A_44, %dma_start3A_45, %dma_start3A_46] : memref<4x128x16xf32, #tpu.memory_space<vmem>> -> memref<1x128x16xf32, #tpu.memory_space<vmem>>
      %dma_start3A_48 = tpu.memref_squeeze %dma_start3A_47 : memref<1x128x16xf32, #tpu.memory_space<vmem>> -> memref<128x16xf32, #tpu.memory_space<vmem>>
      %dma_start3A_49 = arith.constant 0 : i32
      %dma_start3A_50 = tpu.memref_slice %arg9[%dma_start3A, %dma_start3A_49] : memref<16x128xi32, #tpu.memory_space<vmem>> -> memref<1x128xi32, #tpu.memory_space<vmem>>
      %dma_start3A_51 = tpu.memref_squeeze %dma_start3A_50 : memref<1x128xi32, #tpu.memory_space<vmem>> -> memref<128xi32, #tpu.memory_space<vmem>>
      %dma_start3A_52 = arith.constant 0 : i32
      %dma_start3A_53 = arith.constant 0 : i32
      %dma_start3A_54 = tpu.memref_slice %arg17[%dma_start3A_52, %dma_start3A_53] : memref<50048x16xf32, #tpu.memory_space<vmem_shared>> -> memref<50048x16xf32, #tpu.memory_space<vmem_shared>>
      tpu.enqueue_indirect_dma source(%dma_start3A_54 : memref<50048x16xf32, #tpu.memory_space<vmem_shared>>) target(%dma_start3A_48 : memref<128x16xf32, #tpu.memory_space<vmem>>) offsets(%dma_start3A_51 : memref<128xi32, #tpu.memory_space<vmem>>) semaphore(%arg18 : memref<!tpu.dma_semaphore, #tpu.memory_space<semaphore_mem>>)
      %dma_start3A_55 = arith.constant 1 : i32
      %dma_start3A_56 = arith.constant 1 : i32
      %dma_start3A_57 = arith.constant 0 : i32
      %dma_start3A_58 = arith.constant 0 : i32
      %dma_start3A_59 = tpu.memref_slice %arg11[%dma_start3A_56, %dma_start3A_57, %dma_start3A_58] : memref<4x128x16xf32, #tpu.memory_space<vmem>> -> memref<1x128x16xf32, #tpu.memory_space<vmem>>
      %dma_start3A_60 = tpu.memref_squeeze %dma_start3A_59 : memref<1x128x16xf32, #tpu.memory_space<vmem>> -> memref<128x16xf32, #tpu.memory_space<vmem>>
      %dma_start3A_61 = arith.constant 0 : i32
      %dma_start3A_62 = tpu.memref_slice %arg9[%dma_start3A_55, %dma_start3A_61] : memref<16x128xi32, #tpu.memory_space<vmem>> -> memref<1x128xi32, #tpu.memory_space<vmem>>
      %dma_start3A_63 = tpu.memref_squeeze %dma_start3A_62 : memref<1x128xi32, #tpu.memory_space<vmem>> -> memref<128xi32, #tpu.memory_space<vmem>>
      %dma_start3A_64 = arith.constant 0 : i32
      %dma_start3A_65 = arith.constant 0 : i32
      %dma_start3A_66 = tpu.memref_slice %arg17[%dma_start3A_64, %dma_start3A_65] : memref<50048x16xf32, #tpu.memory_space<vmem_shared>> -> memref<50048x16xf32, #tpu.memory_space<vmem_shared>>
      tpu.enqueue_indirect_dma source(%dma_start3A_66 : memref<50048x16xf32, #tpu.memory_space<vmem_shared>>) target(%dma_start3A_60 : memref<128x16xf32, #tpu.memory_space<vmem>>) offsets(%dma_start3A_63 : memref<128xi32, #tpu.memory_space<vmem>>) semaphore(%arg19 : memref<!tpu.dma_semaphore, #tpu.memory_space<semaphore_mem>>)
      %dma_start3A_67 = arith.constant 2 : i32
      %dma_start3A_68 = arith.constant 2 : i32
      %dma_start3A_69 = arith.constant 0 : i32
      %dma_start3A_70 = arith.constant 0 : i32
      %dma_start3A_71 = tpu.memref_slice %arg11[%dma_start3A_68, %dma_start3A_69, %dma_start3A_70] : memref<4x128x16xf32, #tpu.memory_space<vmem>> -> memref<1x128x16xf32, #tpu.memory_space<vmem>>
      %dma_start3A_72 = tpu.memref_squeeze %dma_start3A_71 : memref<1x128x16xf32, #tpu.memory_space<vmem>> -> memref<128x16xf32, #tpu.memory_space<vmem>>
      %dma_start3A_73 = arith.constant 0 : i32
      %dma_start3A_74 = tpu.memref_slice %arg9[%dma_start3A_67, %dma_start3A_73] : memref<16x128xi32, #tpu.memory_space<vmem>> -> memref<1x128xi32, #tpu.memory_space<vmem>>
      %dma_start3A_75 = tpu.memref_squeeze %dma_start3A_74 : memref<1x128xi32, #tpu.memory_space<vmem>> -> memref<128xi32, #tpu.memory_space<vmem>>
      %dma_start3A_76 = arith.constant 0 : i32
      %dma_start3A_77 = arith.constant 0 : i32
      %dma_start3A_78 = tpu.memref_slice %arg17[%dma_start3A_76, %dma_start3A_77] : memref<50048x16xf32, #tpu.memory_space<vmem_shared>> -> memref<50048x16xf32, #tpu.memory_space<vmem_shared>>
      tpu.enqueue_indirect_dma source(%dma_start3A_78 : memref<50048x16xf32, #tpu.memory_space<vmem_shared>>) target(%dma_start3A_72 : memref<128x16xf32, #tpu.memory_space<vmem>>) offsets(%dma_start3A_75 : memref<128xi32, #tpu.memory_space<vmem>>) semaphore(%arg20 : memref<!tpu.dma_semaphore, #tpu.memory_space<semaphore_mem>>)
      %dma_start3A_79 = arith.constant 3 : i32
      %dma_start3A_80 = arith.constant 3 : i32
      %dma_start3A_81 = arith.constant 0 : i32
      %dma_start3A_82 = arith.constant 0 : i32
      %dma_start3A_83 = tpu.memref_slice %arg11[%dma_start3A_80, %dma_start3A_81, %dma_start3A_82] : memref<4x128x16xf32, #tpu.memory_space<vmem>> -> memref<1x128x16xf32, #tpu.memory_space<vmem>>
      %dma_start3A_84 = tpu.memref_squeeze %dma_start3A_83 : memref<1x128x16xf32, #tpu.memory_space<vmem>> -> memref<128x16xf32, #tpu.memory_space<vmem>>
      %dma_start3A_85 = arith.constant 0 : i32
      %dma_start3A_86 = tpu.memref_slice %arg9[%dma_start3A_79, %dma_start3A_85] : memref<16x128xi32, #tpu.memory_space<vmem>> -> memref<1x128xi32, #tpu.memory_space<vmem>>
      %dma_start3A_87 = tpu.memref_squeeze %dma_start3A_86 : memref<1x128xi32, #tpu.memory_space<vmem>> -> memref<128xi32, #tpu.memory_space<vmem>>
      %dma_start3A_88 = arith.constant 0 : i32
      %dma_start3A_89 = arith.constant 0 : i32
      %dma_start3A_90 = tpu.memref_slice %arg17[%dma_start3A_88, %dma_start3A_89] : memref<50048x16xf32, #tpu.memory_space<vmem_shared>> -> memref<50048x16xf32, #tpu.memory_space<vmem_shared>>
      tpu.enqueue_indirect_dma source(%dma_start3A_90 : memref<50048x16xf32, #tpu.memory_space<vmem_shared>>) target(%dma_start3A_84 : memref<128x16xf32, #tpu.memory_space<vmem>>) offsets(%dma_start3A_87 : memref<128xi32, #tpu.memory_space<vmem>>) semaphore(%arg21 : memref<!tpu.dma_semaphore, #tpu.memory_space<semaphore_mem>>)
      %scan3A_91 = arith.constant 0 : i32
      %scan3A_92 = arith.constant 4 : i32
      %scan3A_93 = arith.addi %scan3A_91, %scan3A_92 : i32
      %scan3A_94 = arith.constant 1 : i32
      scf.for %scan3A_96 = %scan3A_91 to %scan3A_93 step %scan3A_94  : i32 {
        %mul3A_97 = arith.constant 4 : i32
        %mul3A_98 = arith.muli %scan3A_96, %mul3A_97 : i32
        %add3A_99 = arith.constant 0 : i32
        %add3A_100 = arith.addi %mul3A_98, %add3A_99 : i32
        %dma_wait3A = arith.constant 0 : i32
        %dma_wait3A_101 = arith.constant 0 : i32
        %dma_wait3A_102 = arith.constant 0 : i32
        %dma_wait3A_103 = tpu.memref_slice %arg11[%dma_wait3A, %dma_wait3A_101, %dma_wait3A_102] : memref<4x128x16xf32, #tpu.memory_space<vmem>> -> memref<1x128x16xf32, #tpu.memory_space<vmem>>
        %dma_wait3A_104 = tpu.memref_squeeze %dma_wait3A_103 : memref<1x128x16xf32, #tpu.memory_space<vmem>> -> memref<128x16xf32, #tpu.memory_space<vmem>>
        %dma_wait3A_105 = arith.constant 0 : i32
        %dma_wait3A_106 = tpu.memref_slice %arg9[%add3A_100, %dma_wait3A_105] : memref<16x128xi32, #tpu.memory_space<vmem>> -> memref<1x128xi32, #tpu.memory_space<vmem>>
        %dma_wait3A_107 = tpu.memref_squeeze %dma_wait3A_106 : memref<1x128xi32, #tpu.memory_space<vmem>> -> memref<128xi32, #tpu.memory_space<vmem>>
        %dma_wait3A_108 = arith.constant 0 : i32
        %dma_wait3A_109 = arith.constant 0 : i32
        %dma_wait3A_110 = tpu.memref_slice %arg17[%dma_wait3A_108, %dma_wait3A_109] : memref<50048x16xf32, #tpu.memory_space<vmem_shared>> -> memref<50048x16xf32, #tpu.memory_space<vmem_shared>>
        tpu.wait_indirect_dma semaphore(%arg18 : memref<!tpu.dma_semaphore, #tpu.memory_space<semaphore_mem>>) src(%dma_wait3A_110 : memref<50048x16xf32, #tpu.memory_space<vmem_shared>>) dst(%dma_wait3A_104 : memref<128x16xf32, #tpu.memory_space<vmem>>)
        %run_scoped3A = arith.constant 0 : i32
        "tpu.region"() ({
          %run_scoped3A_184 = tpu.sem_alloc : memref<!tpu.dma_semaphore, #tpu.memory_space<semaphore_mem>>
          %dma_start3A_185 = arith.constant 0 : i32
          %dma_start3A_186 = arith.constant 0 : i32
          %dma_start3A_187 = tpu.memref_slice %arg11[%run_scoped3A, %dma_start3A_185, %dma_start3A_186] : memref<4x128x16xf32, #tpu.memory_space<vmem>> -> memref<1x128x16xf32, #tpu.memory_space<vmem>>
          %dma_start3A_188 = tpu.memref_squeeze %dma_start3A_187 : memref<1x128x16xf32, #tpu.memory_space<vmem>> -> memref<128x16xf32, #tpu.memory_space<vmem>>
          %dma_start3A_189 = arith.constant 0 : i32
          %dma_start3A_190 = tpu.memref_slice %arg10[%add3A_100, %dma_start3A_189] : memref<16x128xi32, #tpu.memory_space<vmem>> -> memref<1x128xi32, #tpu.memory_space<vmem>>
          %dma_start3A_191 = tpu.memref_squeeze %dma_start3A_190 : memref<1x128xi32, #tpu.memory_space<vmem>> -> memref<128xi32, #tpu.memory_space<vmem>>
          %dma_start3A_192 = arith.constant 0 : i32
          %dma_start3A_193 = arith.constant 0 : i32
          %dma_start3A_194 = tpu.memref_slice %arg16[%dma_start3A_192, %dma_start3A_193] : memref<50048x16xf32, #tpu.memory_space<vmem_shared>> -> memref<50048x16xf32, #tpu.memory_space<vmem_shared>>
          tpu.enqueue_indirect_dma source(%dma_start3A_188 : memref<128x16xf32, #tpu.memory_space<vmem>>) target(%dma_start3A_194 : memref<50048x16xf32, #tpu.memory_space<vmem_shared>>) offsets(%dma_start3A_191 : memref<128xi32, #tpu.memory_space<vmem>>) semaphore(%run_scoped3A_184 : memref<!tpu.dma_semaphore, #tpu.memory_space<semaphore_mem>>) {add = true}
          %dma_wait3A_195 = arith.constant 0 : i32
          %dma_wait3A_196 = arith.constant 0 : i32
          %dma_wait3A_197 = tpu.memref_slice %arg11[%run_scoped3A, %dma_wait3A_195, %dma_wait3A_196] : memref<4x128x16xf32, #tpu.memory_space<vmem>> -> memref<1x128x16xf32, #tpu.memory_space<vmem>>
          %dma_wait3A_198 = tpu.memref_squeeze %dma_wait3A_197 : memref<1x128x16xf32, #tpu.memory_space<vmem>> -> memref<128x16xf32, #tpu.memory_space<vmem>>
          %dma_wait3A_199 = arith.constant 0 : i32
          %dma_wait3A_200 = tpu.memref_slice %arg10[%add3A_100, %dma_wait3A_199] : memref<16x128xi32, #tpu.memory_space<vmem>> -> memref<1x128xi32, #tpu.memory_space<vmem>>
          %dma_wait3A_201 = tpu.memref_squeeze %dma_wait3A_200 : memref<1x128xi32, #tpu.memory_space<vmem>> -> memref<128xi32, #tpu.memory_space<vmem>>
          %dma_wait3A_202 = arith.constant 0 : i32
          %dma_wait3A_203 = arith.constant 0 : i32
          %dma_wait3A_204 = tpu.memref_slice %arg16[%dma_wait3A_202, %dma_wait3A_203] : memref<50048x16xf32, #tpu.memory_space<vmem_shared>> -> memref<50048x16xf32, #tpu.memory_space<vmem_shared>>
          tpu.wait_indirect_dma semaphore(%run_scoped3A_184 : memref<!tpu.dma_semaphore, #tpu.memory_space<semaphore_mem>>) src(%dma_wait3A_198 : memref<128x16xf32, #tpu.memory_space<vmem>>) dst(%dma_wait3A_204 : memref<50048x16xf32, #tpu.memory_space<vmem_shared>>)
          tpu.yield
        }) : () -> ()
        %add3A_111 = arith.constant 4 : i32
        %add3A_112 = arith.addi %add3A_100, %add3A_111 : i32
        %lt3A = arith.constant 16 : i32
        %lt3A_113 = arith.cmpi slt, %add3A_112, %lt3A : i32
        %convert_element_type3A = arith.extui %lt3A_113 : i1 to i32
        %cond3A = arith.constant 0 : i32
        %cond3A_114 = arith.cmpi ne, %convert_element_type3A, %cond3A : i32
        scf.if %cond3A_114 {
          %dma_start3A_184 = arith.constant 0 : i32
          %dma_start3A_185 = arith.constant 0 : i32
          %dma_start3A_186 = arith.constant 0 : i32
          %dma_start3A_187 = tpu.memref_slice %arg11[%dma_start3A_184, %dma_start3A_185, %dma_start3A_186] : memref<4x128x16xf32, #tpu.memory_space<vmem>> -> memref<1x128x16xf32, #tpu.memory_space<vmem>>
          %dma_start3A_188 = tpu.memref_squeeze %dma_start3A_187 : memref<1x128x16xf32, #tpu.memory_space<vmem>> -> memref<128x16xf32, #tpu.memory_space<vmem>>
          %dma_start3A_189 = arith.constant 0 : i32
          %dma_start3A_190 = tpu.memref_slice %arg9[%add3A_112, %dma_start3A_189] : memref<16x128xi32, #tpu.memory_space<vmem>> -> memref<1x128xi32, #tpu.memory_space<vmem>>
          %dma_start3A_191 = tpu.memref_squeeze %dma_start3A_190 : memref<1x128xi32, #tpu.memory_space<vmem>> -> memref<128xi32, #tpu.memory_space<vmem>>
          %dma_start3A_192 = arith.constant 0 : i32
          %dma_start3A_193 = arith.constant 0 : i32
          %dma_start3A_194 = tpu.memref_slice %arg17[%dma_start3A_192, %dma_start3A_193] : memref<50048x16xf32, #tpu.memory_space<vmem_shared>> -> memref<50048x16xf32, #tpu.memory_space<vmem_shared>>
          tpu.enqueue_indirect_dma source(%dma_start3A_194 : memref<50048x16xf32, #tpu.memory_space<vmem_shared>>) target(%dma_start3A_188 : memref<128x16xf32, #tpu.memory_space<vmem>>) offsets(%dma_start3A_191 : memref<128xi32, #tpu.memory_space<vmem>>) semaphore(%arg18 : memref<!tpu.dma_semaphore, #tpu.memory_space<semaphore_mem>>)
        } else {
        }
        %mul3A_115 = arith.constant 4 : i32
        %mul3A_116 = arith.muli %scan3A_96, %mul3A_115 : i32
        %add3A_117 = arith.constant 1 : i32
        %add3A_118 = arith.addi %mul3A_116, %add3A_117 : i32
        %dma_wait3A_119 = arith.constant 1 : i32
        %dma_wait3A_120 = arith.constant 0 : i32
        %dma_wait3A_121 = arith.constant 0 : i32
        %dma_wait3A_122 = tpu.memref_slice %arg11[%dma_wait3A_119, %dma_wait3A_120, %dma_wait3A_121] : memref<4x128x16xf32, #tpu.memory_space<vmem>> -> memref<1x128x16xf32, #tpu.memory_space<vmem>>
        %dma_wait3A_123 = tpu.memref_squeeze %dma_wait3A_122 : memref<1x128x16xf32, #tpu.memory_space<vmem>> -> memref<128x16xf32, #tpu.memory_space<vmem>>
        %dma_wait3A_124 = arith.constant 0 : i32
        %dma_wait3A_125 = tpu.memref_slice %arg9[%add3A_118, %dma_wait3A_124] : memref<16x128xi32, #tpu.memory_space<vmem>> -> memref<1x128xi32, #tpu.memory_space<vmem>>
        %dma_wait3A_126 = tpu.memref_squeeze %dma_wait3A_125 : memref<1x128xi32, #tpu.memory_space<vmem>> -> memref<128xi32, #tpu.memory_space<vmem>>
        %dma_wait3A_127 = arith.constant 0 : i32
        %dma_wait3A_128 = arith.constant 0 : i32
        %dma_wait3A_129 = tpu.memref_slice %arg17[%dma_wait3A_127, %dma_wait3A_128] : memref<50048x16xf32, #tpu.memory_space<vmem_shared>> -> memref<50048x16xf32, #tpu.memory_space<vmem_shared>>
        tpu.wait_indirect_dma semaphore(%arg19 : memref<!tpu.dma_semaphore, #tpu.memory_space<semaphore_mem>>) src(%dma_wait3A_129 : memref<50048x16xf32, #tpu.memory_space<vmem_shared>>) dst(%dma_wait3A_123 : memref<128x16xf32, #tpu.memory_space<vmem>>)
        %run_scoped3A_130 = arith.constant 1 : i32
        "tpu.region"() ({
          %run_scoped3A_184 = tpu.sem_alloc : memref<!tpu.dma_semaphore, #tpu.memory_space<semaphore_mem>>
          %dma_start3A_185 = arith.constant 0 : i32
          %dma_start3A_186 = arith.constant 0 : i32
          %dma_start3A_187 = tpu.memref_slice %arg11[%run_scoped3A_130, %dma_start3A_185, %dma_start3A_186] : memref<4x128x16xf32, #tpu.memory_space<vmem>> -> memref<1x128x16xf32, #tpu.memory_space<vmem>>
          %dma_start3A_188 = tpu.memref_squeeze %dma_start3A_187 : memref<1x128x16xf32, #tpu.memory_space<vmem>> -> memref<128x16xf32, #tpu.memory_space<vmem>>
          %dma_start3A_189 = arith.constant 0 : i32
          %dma_start3A_190 = tpu.memref_slice %arg10[%add3A_118, %dma_start3A_189] : memref<16x128xi32, #tpu.memory_space<vmem>> -> memref<1x128xi32, #tpu.memory_space<vmem>>
          %dma_start3A_191 = tpu.memref_squeeze %dma_start3A_190 : memref<1x128xi32, #tpu.memory_space<vmem>> -> memref<128xi32, #tpu.memory_space<vmem>>
          %dma_start3A_192 = arith.constant 0 : i32
          %dma_start3A_193 = arith.constant 0 : i32
          %dma_start3A_194 = tpu.memref_slice %arg16[%dma_start3A_192, %dma_start3A_193] : memref<50048x16xf32, #tpu.memory_space<vmem_shared>> -> memref<50048x16xf32, #tpu.memory_space<vmem_shared>>
          tpu.enqueue_indirect_dma source(%dma_start3A_188 : memref<128x16xf32, #tpu.memory_space<vmem>>) target(%dma_start3A_194 : memref<50048x16xf32, #tpu.memory_space<vmem_shared>>) offsets(%dma_start3A_191 : memref<128xi32, #tpu.memory_space<vmem>>) semaphore(%run_scoped3A_184 : memref<!tpu.dma_semaphore, #tpu.memory_space<semaphore_mem>>) {add = true}
          %dma_wait3A_195 = arith.constant 0 : i32
          %dma_wait3A_196 = arith.constant 0 : i32
          %dma_wait3A_197 = tpu.memref_slice %arg11[%run_scoped3A_130, %dma_wait3A_195, %dma_wait3A_196] : memref<4x128x16xf32, #tpu.memory_space<vmem>> -> memref<1x128x16xf32, #tpu.memory_space<vmem>>
          %dma_wait3A_198 = tpu.memref_squeeze %dma_wait3A_197 : memref<1x128x16xf32, #tpu.memory_space<vmem>> -> memref<128x16xf32, #tpu.memory_space<vmem>>
          %dma_wait3A_199 = arith.constant 0 : i32
          %dma_wait3A_200 = tpu.memref_slice %arg10[%add3A_118, %dma_wait3A_199] : memref<16x128xi32, #tpu.memory_space<vmem>> -> memref<1x128xi32, #tpu.memory_space<vmem>>
          %dma_wait3A_201 = tpu.memref_squeeze %dma_wait3A_200 : memref<1x128xi32, #tpu.memory_space<vmem>> -> memref<128xi32, #tpu.memory_space<vmem>>
          %dma_wait3A_202 = arith.constant 0 : i32
          %dma_wait3A_203 = arith.constant 0 : i32
          %dma_wait3A_204 = tpu.memref_slice %arg16[%dma_wait3A_202, %dma_wait3A_203] : memref<50048x16xf32, #tpu.memory_space<vmem_shared>> -> memref<50048x16xf32, #tpu.memory_space<vmem_shared>>
          tpu.wait_indirect_dma semaphore(%run_scoped3A_184 : memref<!tpu.dma_semaphore, #tpu.memory_space<semaphore_mem>>) src(%dma_wait3A_198 : memref<128x16xf32, #tpu.memory_space<vmem>>) dst(%dma_wait3A_204 : memref<50048x16xf32, #tpu.memory_space<vmem_shared>>)
          tpu.yield
        }) : () -> ()
        %add3A_131 = arith.constant 4 : i32
        %add3A_132 = arith.addi %add3A_118, %add3A_131 : i32
        %lt3A_133 = arith.constant 16 : i32
        %lt3A_134 = arith.cmpi slt, %add3A_132, %lt3A_133 : i32
        %convert_element_type3A_135 = arith.extui %lt3A_134 : i1 to i32
        %cond3A_136 = arith.constant 0 : i32
        %cond3A_137 = arith.cmpi ne, %convert_element_type3A_135, %cond3A_136 : i32
        scf.if %cond3A_137 {
          %dma_start3A_184 = arith.constant 1 : i32
          %dma_start3A_185 = arith.constant 0 : i32
          %dma_start3A_186 = arith.constant 0 : i32
          %dma_start3A_187 = tpu.memref_slice %arg11[%dma_start3A_184, %dma_start3A_185, %dma_start3A_186] : memref<4x128x16xf32, #tpu.memory_space<vmem>> -> memref<1x128x16xf32, #tpu.memory_space<vmem>>
          %dma_start3A_188 = tpu.memref_squeeze %dma_start3A_187 : memref<1x128x16xf32, #tpu.memory_space<vmem>> -> memref<128x16xf32, #tpu.memory_space<vmem>>
          %dma_start3A_189 = arith.constant 0 : i32
          %dma_start3A_190 = tpu.memref_slice %arg9[%add3A_132, %dma_start3A_189] : memref<16x128xi32, #tpu.memory_space<vmem>> -> memref<1x128xi32, #tpu.memory_space<vmem>>
          %dma_start3A_191 = tpu.memref_squeeze %dma_start3A_190 : memref<1x128xi32, #tpu.memory_space<vmem>> -> memref<128xi32, #tpu.memory_space<vmem>>
          %dma_start3A_192 = arith.constant 0 : i32
          %dma_start3A_193 = arith.constant 0 : i32
          %dma_start3A_194 = tpu.memref_slice %arg17[%dma_start3A_192, %dma_start3A_193] : memref<50048x16xf32, #tpu.memory_space<vmem_shared>> -> memref<50048x16xf32, #tpu.memory_space<vmem_shared>>
          tpu.enqueue_indirect_dma source(%dma_start3A_194 : memref<50048x16xf32, #tpu.memory_space<vmem_shared>>) target(%dma_start3A_188 : memref<128x16xf32, #tpu.memory_space<vmem>>) offsets(%dma_start3A_191 : memref<128xi32, #tpu.memory_space<vmem>>) semaphore(%arg19 : memref<!tpu.dma_semaphore, #tpu.memory_space<semaphore_mem>>)
        } else {
        }
        %mul3A_138 = arith.constant 4 : i32
        %mul3A_139 = arith.muli %scan3A_96, %mul3A_138 : i32
        %add3A_140 = arith.constant 2 : i32
        %add3A_141 = arith.addi %mul3A_139, %add3A_140 : i32
        %dma_wait3A_142 = arith.constant 2 : i32
        %dma_wait3A_143 = arith.constant 0 : i32
        %dma_wait3A_144 = arith.constant 0 : i32
        %dma_wait3A_145 = tpu.memref_slice %arg11[%dma_wait3A_142, %dma_wait3A_143, %dma_wait3A_144] : memref<4x128x16xf32, #tpu.memory_space<vmem>> -> memref<1x128x16xf32, #tpu.memory_space<vmem>>
        %dma_wait3A_146 = tpu.memref_squeeze %dma_wait3A_145 : memref<1x128x16xf32, #tpu.memory_space<vmem>> -> memref<128x16xf32, #tpu.memory_space<vmem>>
        %dma_wait3A_147 = arith.constant 0 : i32
        %dma_wait3A_148 = tpu.memref_slice %arg9[%add3A_141, %dma_wait3A_147] : memref<16x128xi32, #tpu.memory_space<vmem>> -> memref<1x128xi32, #tpu.memory_space<vmem>>
        %dma_wait3A_149 = tpu.memref_squeeze %dma_wait3A_148 : memref<1x128xi32, #tpu.memory_space<vmem>> -> memref<128xi32, #tpu.memory_space<vmem>>
        %dma_wait3A_150 = arith.constant 0 : i32
        %dma_wait3A_151 = arith.constant 0 : i32
        %dma_wait3A_152 = tpu.memref_slice %arg17[%dma_wait3A_150, %dma_wait3A_151] : memref<50048x16xf32, #tpu.memory_space<vmem_shared>> -> memref<50048x16xf32, #tpu.memory_space<vmem_shared>>
        tpu.wait_indirect_dma semaphore(%arg20 : memref<!tpu.dma_semaphore, #tpu.memory_space<semaphore_mem>>) src(%dma_wait3A_152 : memref<50048x16xf32, #tpu.memory_space<vmem_shared>>) dst(%dma_wait3A_146 : memref<128x16xf32, #tpu.memory_space<vmem>>)
        %run_scoped3A_153 = arith.constant 2 : i32
        "tpu.region"() ({
          %run_scoped3A_184 = tpu.sem_alloc : memref<!tpu.dma_semaphore, #tpu.memory_space<semaphore_mem>>
          %dma_start3A_185 = arith.constant 0 : i32
          %dma_start3A_186 = arith.constant 0 : i32
          %dma_start3A_187 = tpu.memref_slice %arg11[%run_scoped3A_153, %dma_start3A_185, %dma_start3A_186] : memref<4x128x16xf32, #tpu.memory_space<vmem>> -> memref<1x128x16xf32, #tpu.memory_space<vmem>>
          %dma_start3A_188 = tpu.memref_squeeze %dma_start3A_187 : memref<1x128x16xf32, #tpu.memory_space<vmem>> -> memref<128x16xf32, #tpu.memory_space<vmem>>
          %dma_start3A_189 = arith.constant 0 : i32
          %dma_start3A_190 = tpu.memref_slice %arg10[%add3A_141, %dma_start3A_189] : memref<16x128xi32, #tpu.memory_space<vmem>> -> memref<1x128xi32, #tpu.memory_space<vmem>>
          %dma_start3A_191 = tpu.memref_squeeze %dma_start3A_190 : memref<1x128xi32, #tpu.memory_space<vmem>> -> memref<128xi32, #tpu.memory_space<vmem>>
          %dma_start3A_192 = arith.constant 0 : i32
          %dma_start3A_193 = arith.constant 0 : i32
          %dma_start3A_194 = tpu.memref_slice %arg16[%dma_start3A_192, %dma_start3A_193] : memref<50048x16xf32, #tpu.memory_space<vmem_shared>> -> memref<50048x16xf32, #tpu.memory_space<vmem_shared>>
          tpu.enqueue_indirect_dma source(%dma_start3A_188 : memref<128x16xf32, #tpu.memory_space<vmem>>) target(%dma_start3A_194 : memref<50048x16xf32, #tpu.memory_space<vmem_shared>>) offsets(%dma_start3A_191 : memref<128xi32, #tpu.memory_space<vmem>>) semaphore(%run_scoped3A_184 : memref<!tpu.dma_semaphore, #tpu.memory_space<semaphore_mem>>) {add = true}
          %dma_wait3A_195 = arith.constant 0 : i32
          %dma_wait3A_196 = arith.constant 0 : i32
          %dma_wait3A_197 = tpu.memref_slice %arg11[%run_scoped3A_153, %dma_wait3A_195, %dma_wait3A_196] : memref<4x128x16xf32, #tpu.memory_space<vmem>> -> memref<1x128x16xf32, #tpu.memory_space<vmem>>
          %dma_wait3A_198 = tpu.memref_squeeze %dma_wait3A_197 : memref<1x128x16xf32, #tpu.memory_space<vmem>> -> memref<128x16xf32, #tpu.memory_space<vmem>>
          %dma_wait3A_199 = arith.constant 0 : i32
          %dma_wait3A_200 = tpu.memref_slice %arg10[%add3A_141, %dma_wait3A_199] : memref<16x128xi32, #tpu.memory_space<vmem>> -> memref<1x128xi32, #tpu.memory_space<vmem>>
          %dma_wait3A_201 = tpu.memref_squeeze %dma_wait3A_200 : memref<1x128xi32, #tpu.memory_space<vmem>> -> memref<128xi32, #tpu.memory_space<vmem>>
          %dma_wait3A_202 = arith.constant 0 : i32
          %dma_wait3A_203 = arith.constant 0 : i32
          %dma_wait3A_204 = tpu.memref_slice %arg16[%dma_wait3A_202, %dma_wait3A_203] : memref<50048x16xf32, #tpu.memory_space<vmem_shared>> -> memref<50048x16xf32, #tpu.memory_space<vmem_shared>>
          tpu.wait_indirect_dma semaphore(%run_scoped3A_184 : memref<!tpu.dma_semaphore, #tpu.memory_space<semaphore_mem>>) src(%dma_wait3A_198 : memref<128x16xf32, #tpu.memory_space<vmem>>) dst(%dma_wait3A_204 : memref<50048x16xf32, #tpu.memory_space<vmem_shared>>)
          tpu.yield
        }) : () -> ()
        %add3A_154 = arith.constant 4 : i32
        %add3A_155 = arith.addi %add3A_141, %add3A_154 : i32
        %lt3A_156 = arith.constant 16 : i32
        %lt3A_157 = arith.cmpi slt, %add3A_155, %lt3A_156 : i32
        %convert_element_type3A_158 = arith.extui %lt3A_157 : i1 to i32
        %cond3A_159 = arith.constant 0 : i32
        %cond3A_160 = arith.cmpi ne, %convert_element_type3A_158, %cond3A_159 : i32
        scf.if %cond3A_160 {
          %dma_start3A_184 = arith.constant 2 : i32
          %dma_start3A_185 = arith.constant 0 : i32
          %dma_start3A_186 = arith.constant 0 : i32
          %dma_start3A_187 = tpu.memref_slice %arg11[%dma_start3A_184, %dma_start3A_185, %dma_start3A_186] : memref<4x128x16xf32, #tpu.memory_space<vmem>> -> memref<1x128x16xf32, #tpu.memory_space<vmem>>
          %dma_start3A_188 = tpu.memref_squeeze %dma_start3A_187 : memref<1x128x16xf32, #tpu.memory_space<vmem>> -> memref<128x16xf32, #tpu.memory_space<vmem>>
          %dma_start3A_189 = arith.constant 0 : i32
          %dma_start3A_190 = tpu.memref_slice %arg9[%add3A_155, %dma_start3A_189] : memref<16x128xi32, #tpu.memory_space<vmem>> -> memref<1x128xi32, #tpu.memory_space<vmem>>
          %dma_start3A_191 = tpu.memref_squeeze %dma_start3A_190 : memref<1x128xi32, #tpu.memory_space<vmem>> -> memref<128xi32, #tpu.memory_space<vmem>>
          %dma_start3A_192 = arith.constant 0 : i32
          %dma_start3A_193 = arith.constant 0 : i32
          %dma_start3A_194 = tpu.memref_slice %arg17[%dma_start3A_192, %dma_start3A_193] : memref<50048x16xf32, #tpu.memory_space<vmem_shared>> -> memref<50048x16xf32, #tpu.memory_space<vmem_shared>>
          tpu.enqueue_indirect_dma source(%dma_start3A_194 : memref<50048x16xf32, #tpu.memory_space<vmem_shared>>) target(%dma_start3A_188 : memref<128x16xf32, #tpu.memory_space<vmem>>) offsets(%dma_start3A_191 : memref<128xi32, #tpu.memory_space<vmem>>) semaphore(%arg20 : memref<!tpu.dma_semaphore, #tpu.memory_space<semaphore_mem>>)
        } else {
        }
        %mul3A_161 = arith.constant 4 : i32
        %mul3A_162 = arith.muli %scan3A_96, %mul3A_161 : i32
        %add3A_163 = arith.constant 3 : i32
        %add3A_164 = arith.addi %mul3A_162, %add3A_163 : i32
        %dma_wait3A_165 = arith.constant 3 : i32
        %dma_wait3A_166 = arith.constant 0 : i32
        %dma_wait3A_167 = arith.constant 0 : i32
        %dma_wait3A_168 = tpu.memref_slice %arg11[%dma_wait3A_165, %dma_wait3A_166, %dma_wait3A_167] : memref<4x128x16xf32, #tpu.memory_space<vmem>> -> memref<1x128x16xf32, #tpu.memory_space<vmem>>
        %dma_wait3A_169 = tpu.memref_squeeze %dma_wait3A_168 : memref<1x128x16xf32, #tpu.memory_space<vmem>> -> memref<128x16xf32, #tpu.memory_space<vmem>>
        %dma_wait3A_170 = arith.constant 0 : i32
        %dma_wait3A_171 = tpu.memref_slice %arg9[%add3A_164, %dma_wait3A_170] : memref<16x128xi32, #tpu.memory_space<vmem>> -> memref<1x128xi32, #tpu.memory_space<vmem>>
        %dma_wait3A_172 = tpu.memref_squeeze %dma_wait3A_171 : memref<1x128xi32, #tpu.memory_space<vmem>> -> memref<128xi32, #tpu.memory_space<vmem>>
        %dma_wait3A_173 = arith.constant 0 : i32
        %dma_wait3A_174 = arith.constant 0 : i32
        %dma_wait3A_175 = tpu.memref_slice %arg17[%dma_wait3A_173, %dma_wait3A_174] : memref<50048x16xf32, #tpu.memory_space<vmem_shared>> -> memref<50048x16xf32, #tpu.memory_space<vmem_shared>>
        tpu.wait_indirect_dma semaphore(%arg21 : memref<!tpu.dma_semaphore, #tpu.memory_space<semaphore_mem>>) src(%dma_wait3A_175 : memref<50048x16xf32, #tpu.memory_space<vmem_shared>>) dst(%dma_wait3A_169 : memref<128x16xf32, #tpu.memory_space<vmem>>)
        %run_scoped3A_176 = arith.constant 3 : i32
        "tpu.region"() ({
          %run_scoped3A_184 = tpu.sem_alloc : memref<!tpu.dma_semaphore, #tpu.memory_space<semaphore_mem>>
          %dma_start3A_185 = arith.constant 0 : i32
          %dma_start3A_186 = arith.constant 0 : i32
          %dma_start3A_187 = tpu.memref_slice %arg11[%run_scoped3A_176, %dma_start3A_185, %dma_start3A_186] : memref<4x128x16xf32, #tpu.memory_space<vmem>> -> memref<1x128x16xf32, #tpu.memory_space<vmem>>
          %dma_start3A_188 = tpu.memref_squeeze %dma_start3A_187 : memref<1x128x16xf32, #tpu.memory_space<vmem>> -> memref<128x16xf32, #tpu.memory_space<vmem>>
          %dma_start3A_189 = arith.constant 0 : i32
          %dma_start3A_190 = tpu.memref_slice %arg10[%add3A_164, %dma_start3A_189] : memref<16x128xi32, #tpu.memory_space<vmem>> -> memref<1x128xi32, #tpu.memory_space<vmem>>
          %dma_start3A_191 = tpu.memref_squeeze %dma_start3A_190 : memref<1x128xi32, #tpu.memory_space<vmem>> -> memref<128xi32, #tpu.memory_space<vmem>>
          %dma_start3A_192 = arith.constant 0 : i32
          %dma_start3A_193 = arith.constant 0 : i32
          %dma_start3A_194 = tpu.memref_slice %arg16[%dma_start3A_192, %dma_start3A_193] : memref<50048x16xf32, #tpu.memory_space<vmem_shared>> -> memref<50048x16xf32, #tpu.memory_space<vmem_shared>>
          tpu.enqueue_indirect_dma source(%dma_start3A_188 : memref<128x16xf32, #tpu.memory_space<vmem>>) target(%dma_start3A_194 : memref<50048x16xf32, #tpu.memory_space<vmem_shared>>) offsets(%dma_start3A_191 : memref<128xi32, #tpu.memory_space<vmem>>) semaphore(%run_scoped3A_184 : memref<!tpu.dma_semaphore, #tpu.memory_space<semaphore_mem>>) {add = true}
          %dma_wait3A_195 = arith.constant 0 : i32
          %dma_wait3A_196 = arith.constant 0 : i32
          %dma_wait3A_197 = tpu.memref_slice %arg11[%run_scoped3A_176, %dma_wait3A_195, %dma_wait3A_196] : memref<4x128x16xf32, #tpu.memory_space<vmem>> -> memref<1x128x16xf32, #tpu.memory_space<vmem>>
          %dma_wait3A_198 = tpu.memref_squeeze %dma_wait3A_197 : memref<1x128x16xf32, #tpu.memory_space<vmem>> -> memref<128x16xf32, #tpu.memory_space<vmem>>
          %dma_wait3A_199 = arith.constant 0 : i32
          %dma_wait3A_200 = tpu.memref_slice %arg10[%add3A_164, %dma_wait3A_199] : memref<16x128xi32, #tpu.memory_space<vmem>> -> memref<1x128xi32, #tpu.memory_space<vmem>>
          %dma_wait3A_201 = tpu.memref_squeeze %dma_wait3A_200 : memref<1x128xi32, #tpu.memory_space<vmem>> -> memref<128xi32, #tpu.memory_space<vmem>>
          %dma_wait3A_202 = arith.constant 0 : i32
          %dma_wait3A_203 = arith.constant 0 : i32
          %dma_wait3A_204 = tpu.memref_slice %arg16[%dma_wait3A_202, %dma_wait3A_203] : memref<50048x16xf32, #tpu.memory_space<vmem_shared>> -> memref<50048x16xf32, #tpu.memory_space<vmem_shared>>
          tpu.wait_indirect_dma semaphore(%run_scoped3A_184 : memref<!tpu.dma_semaphore, #tpu.memory_space<semaphore_mem>>) src(%dma_wait3A_198 : memref<128x16xf32, #tpu.memory_space<vmem>>) dst(%dma_wait3A_204 : memref<50048x16xf32, #tpu.memory_space<vmem_shared>>)
          tpu.yield
        }) : () -> ()
        %add3A_177 = arith.constant 4 : i32
        %add3A_178 = arith.addi %add3A_164, %add3A_177 : i32
        %lt3A_179 = arith.constant 16 : i32
        %lt3A_180 = arith.cmpi slt, %add3A_178, %lt3A_179 : i32
        %convert_element_type3A_181 = arith.extui %lt3A_180 : i1 to i32
        %cond3A_182 = arith.constant 0 : i32
        %cond3A_183 = arith.cmpi ne, %convert_element_type3A_181, %cond3A_182 : i32
        scf.if %cond3A_183 {
          %dma_start3A_184 = arith.constant 3 : i32
          %dma_start3A_185 = arith.constant 0 : i32
          %dma_start3A_186 = arith.constant 0 : i32
          %dma_start3A_187 = tpu.memref_slice %arg11[%dma_start3A_184, %dma_start3A_185, %dma_start3A_186] : memref<4x128x16xf32, #tpu.memory_space<vmem>> -> memref<1x128x16xf32, #tpu.memory_space<vmem>>
          %dma_start3A_188 = tpu.memref_squeeze %dma_start3A_187 : memref<1x128x16xf32, #tpu.memory_space<vmem>> -> memref<128x16xf32, #tpu.memory_space<vmem>>
          %dma_start3A_189 = arith.constant 0 : i32
          %dma_start3A_190 = tpu.memref_slice %arg9[%add3A_178, %dma_start3A_189] : memref<16x128xi32, #tpu.memory_space<vmem>> -> memref<1x128xi32, #tpu.memory_space<vmem>>
          %dma_start3A_191 = tpu.memref_squeeze %dma_start3A_190 : memref<1x128xi32, #tpu.memory_space<vmem>> -> memref<128xi32, #tpu.memory_space<vmem>>
          %dma_start3A_192 = arith.constant 0 : i32
          %dma_start3A_193 = arith.constant 0 : i32
          %dma_start3A_194 = tpu.memref_slice %arg17[%dma_start3A_192, %dma_start3A_193] : memref<50048x16xf32, #tpu.memory_space<vmem_shared>> -> memref<50048x16xf32, #tpu.memory_space<vmem_shared>>
          tpu.enqueue_indirect_dma source(%dma_start3A_194 : memref<50048x16xf32, #tpu.memory_space<vmem_shared>>) target(%dma_start3A_188 : memref<128x16xf32, #tpu.memory_space<vmem>>) offsets(%dma_start3A_191 : memref<128xi32, #tpu.memory_space<vmem>>) semaphore(%arg21 : memref<!tpu.dma_semaphore, #tpu.memory_space<semaphore_mem>>)
        } else {
        }
      }
      %scan3A_95 = arith.constant 4 : i32
    }
    %scan3A_23 = arith.constant 25 : i32
    %barrier3A_24 = arith.constant 0 : index
    tpu.barrier barrier_id(%barrier3A_24)
    %add3A = arith.constant 32 : i32
    %add3A_25 = arith.addi %add3A, %mul3A_4 : i32
    %scan3A_26 = arith.constant 0 : i32
    %scan3A_27 = arith.constant 0 : i32
    %scan3A_28 = arith.constant 17 : i32
    %scan3A_29 = arith.addi %scan3A_27, %scan3A_28 : i32
    %scan3A_30 = arith.constant 1 : i32
    scf.for %scan3A_40 = %scan3A_27 to %scan3A_29 step %scan3A_30  : i32 {
      %mul3A_41 = arith.constant 184 : i32
      %mul3A_42 = arith.muli %scan3A_40, %mul3A_41 : i32
      %add3A_43 = arith.addi %mul3A_0, %mul3A_42 : i32
      "tpu.region"() ({
        %run_scoped3A = tpu.sem_alloc : memref<!tpu.dma_semaphore, #tpu.memory_space<semaphore_mem>>
        %dma_start3A = arith.constant 0 : i32
        %dma_start3A_49 = tpu.memref_slice %arg16[%add3A_43, %dma_start3A] : memref<50048x16xf32, #tpu.memory_space<vmem_shared>> -> memref<184x16xf32, #tpu.memory_space<vmem_shared>>
        %dma_start3A_50 = arith.constant 0 : i32
        %dma_start3A_51 = tpu.memref_slice %arg16[%add3A_43, %dma_start3A_50] : memref<50048x16xf32, #tpu.memory_space<vmem_shared>> -> memref<184x16xf32, #tpu.memory_space<vmem_shared>>
        tpu.enqueue_dma source(%dma_start3A_51 : memref<184x16xf32, #tpu.memory_space<vmem_shared>>) target(%arg12 : memref<184x16xf32, #tpu.memory_space<vmem>>) target_semaphore(%run_scoped3A : memref<!tpu.dma_semaphore, #tpu.memory_space<semaphore_mem>>)
        %dma_wait3A = arith.constant 0 : i32
        %dma_wait3A_52 = tpu.memref_slice %arg16[%add3A_43, %dma_wait3A] : memref<50048x16xf32, #tpu.memory_space<vmem_shared>> -> memref<184x16xf32, #tpu.memory_space<vmem_shared>>
        %dma_wait3A_53 = arith.constant 0 : i32
        %dma_wait3A_54 = tpu.memref_slice %arg16[%add3A_43, %dma_wait3A_53] : memref<50048x16xf32, #tpu.memory_space<vmem_shared>> -> memref<184x16xf32, #tpu.memory_space<vmem_shared>>
        tpu.wait_dma2 semaphore(%run_scoped3A : memref<!tpu.dma_semaphore, #tpu.memory_space<semaphore_mem>>) src(%dma_wait3A_54 : memref<184x16xf32, #tpu.memory_space<vmem_shared>>) dst(%arg12 : memref<184x16xf32, #tpu.memory_space<vmem>>)
        tpu.yield
      }) : () -> ()
      "tpu.region"() ({
        %run_scoped3A = tpu.sem_alloc : memref<!tpu.dma_semaphore, #tpu.memory_space<semaphore_mem>>
        %dma_start3A = tpu.memref_slice %arg5[%add3A_43, %add3A_25] : memref<50000x64xf32, #tpu.memory_space<hbm>> -> memref<184x16xf32, #tpu.memory_space<hbm>>
        %dma_start3A_49 = tpu.memref_slice %arg5[%add3A_43, %add3A_25] : memref<50000x64xf32, #tpu.memory_space<hbm>> -> memref<184x16xf32, #tpu.memory_space<hbm>>
        tpu.enqueue_dma source(%dma_start3A_49 : memref<184x16xf32, #tpu.memory_space<hbm>>) target(%arg13 : memref<184x16xf32, #tpu.memory_space<vmem>>) target_semaphore(%run_scoped3A : memref<!tpu.dma_semaphore, #tpu.memory_space<semaphore_mem>>)
        %dma_wait3A = tpu.memref_slice %arg5[%add3A_43, %add3A_25] : memref<50000x64xf32, #tpu.memory_space<hbm>> -> memref<184x16xf32, #tpu.memory_space<hbm>>
        %dma_wait3A_50 = tpu.memref_slice %arg5[%add3A_43, %add3A_25] : memref<50000x64xf32, #tpu.memory_space<hbm>> -> memref<184x16xf32, #tpu.memory_space<hbm>>
        tpu.wait_dma2 semaphore(%run_scoped3A : memref<!tpu.dma_semaphore, #tpu.memory_space<semaphore_mem>>) src(%dma_wait3A_50 : memref<184x16xf32, #tpu.memory_space<hbm>>) dst(%arg13 : memref<184x16xf32, #tpu.memory_space<vmem>>)
        tpu.yield
      }) : () -> ()
      "tpu.region"() ({
        %run_scoped3A = tpu.sem_alloc : memref<!tpu.dma_semaphore, #tpu.memory_space<semaphore_mem>>
        %dma_start3A = tpu.memref_slice %arg6[%add3A_43] : memref<50000xf32, #tpu.memory_space<hbm>> -> memref<184xf32, #tpu.memory_space<hbm>>
        %dma_start3A_49 = tpu.memref_slice %arg6[%add3A_43] : memref<50000xf32, #tpu.memory_space<hbm>> -> memref<184xf32, #tpu.memory_space<hbm>>
        tpu.enqueue_dma source(%dma_start3A_49 : memref<184xf32, #tpu.memory_space<hbm>>) target(%arg15 : memref<184xf32, #tpu.memory_space<vmem>>) target_semaphore(%run_scoped3A : memref<!tpu.dma_semaphore, #tpu.memory_space<semaphore_mem>>)
        %dma_wait3A = tpu.memref_slice %arg6[%add3A_43] : memref<50000xf32, #tpu.memory_space<hbm>> -> memref<184xf32, #tpu.memory_space<hbm>>
        %dma_wait3A_50 = tpu.memref_slice %arg6[%add3A_43] : memref<50000xf32, #tpu.memory_space<hbm>> -> memref<184xf32, #tpu.memory_space<hbm>>
        tpu.wait_dma2 semaphore(%run_scoped3A : memref<!tpu.dma_semaphore, #tpu.memory_space<semaphore_mem>>) src(%dma_wait3A_50 : memref<184xf32, #tpu.memory_space<hbm>>) dst(%arg15 : memref<184xf32, #tpu.memory_space<vmem>>)
        tpu.yield
      }) : () -> ()
      %scan3A_44 = arith.constant 0 : i32
      %scan3A_45 = arith.constant 184 : i32
      %scan3A_46 = arith.addi %scan3A_44, %scan3A_45 : i32
      %scan3A_47 = arith.constant 1 : i32
      scf.for %scan3A_49 = %scan3A_44 to %scan3A_46 step %scan3A_47  : i32 {
        %broadcast_in_dim3A = vector.broadcast %scan3A_49 : i32 to vector<16xi32>
        %gather3A = tpu.vector_load_idx %arg15[%broadcast_in_dim3A] : memref<184xf32, #tpu.memory_space<vmem>>[vector<16xi32>], vector<16xf32>,
        %get3A = arith.index_cast %scan3A_49 : i32 to index
        %get3A_50 = arith.constant 0 : index
        %get3A_51 = tpu.vector_load %arg12[%get3A, %get3A_50] {strides = array<i32>} : memref<184x16xf32, #tpu.memory_space<vmem>>, vector<16xf32>,
        %mul3A_52 = arith.mulf %gather3A, %get3A_51 : vector<16xf32>
        %get3A_53 = arith.index_cast %scan3A_49 : i32 to index
        %get3A_54 = arith.constant 0 : index
        %get3A_55 = tpu.vector_load %arg13[%get3A_53, %get3A_54] {strides = array<i32>} : memref<184x16xf32, #tpu.memory_space<vmem>>, vector<16xf32>,
        %add3A_56 = arith.addf %mul3A_52, %get3A_55 : vector<16xf32>
        %swap3A = arith.index_cast %scan3A_49 : i32 to index
        %swap3A_57 = arith.constant 0 : index
        %swap3A_58 = tpu.vector_load %arg14[%swap3A, %swap3A_57] {strides = array<i32>} : memref<184x16xf32, #tpu.memory_space<vmem>>, vector<16xf32>,
        tpu.vector_store %arg14[%swap3A, %swap3A_57], %add3A_56 {strides = array<i32>} : memref<184x16xf32, #tpu.memory_space<vmem>>, vector<16xf32>,
      }
      %scan3A_48 = arith.constant 184 : i32
      "tpu.region"() ({
        %run_scoped3A = tpu.sem_alloc : memref<!tpu.dma_semaphore, #tpu.memory_space<semaphore_mem>>
        %dma_start3A = arith.constant 0 : i32
        %dma_start3A_49 = tpu.memref_slice %arg17[%add3A_43, %dma_start3A] : memref<50048x16xf32, #tpu.memory_space<vmem_shared>> -> memref<184x16xf32, #tpu.memory_space<vmem_shared>>
        %dma_start3A_50 = arith.constant 0 : i32
        %dma_start3A_51 = tpu.memref_slice %arg17[%add3A_43, %dma_start3A_50] : memref<50048x16xf32, #tpu.memory_space<vmem_shared>> -> memref<184x16xf32, #tpu.memory_space<vmem_shared>>
        tpu.enqueue_dma source(%arg14 : memref<184x16xf32, #tpu.memory_space<vmem>>) target(%dma_start3A_51 : memref<184x16xf32, #tpu.memory_space<vmem_shared>>) target_semaphore(%run_scoped3A : memref<!tpu.dma_semaphore, #tpu.memory_space<semaphore_mem>>)
        %dma_wait3A = arith.constant 0 : i32
        %dma_wait3A_52 = tpu.memref_slice %arg17[%add3A_43, %dma_wait3A] : memref<50048x16xf32, #tpu.memory_space<vmem_shared>> -> memref<184x16xf32, #tpu.memory_space<vmem_shared>>
        %dma_wait3A_53 = arith.constant 0 : i32
        %dma_wait3A_54 = tpu.memref_slice %arg17[%add3A_43, %dma_wait3A_53] : memref<50048x16xf32, #tpu.memory_space<vmem_shared>> -> memref<184x16xf32, #tpu.memory_space<vmem_shared>>
        tpu.wait_dma2 semaphore(%run_scoped3A : memref<!tpu.dma_semaphore, #tpu.memory_space<semaphore_mem>>) src(%arg14 : memref<184x16xf32, #tpu.memory_space<vmem>>) dst(%dma_wait3A_54 : memref<184x16xf32, #tpu.memory_space<vmem_shared>>)
        tpu.yield
      }) : () -> ()
    }
    %scan3A_31 = arith.constant 17 : i32
    "tpu.region"() ({
      %run_scoped3A = tpu.sem_alloc : memref<!tpu.dma_semaphore, #tpu.memory_space<semaphore_mem>>
      %dma_start3A = arith.constant 0 : i32
      %dma_start3A_40 = tpu.memref_slice %arg16[%mul3A_0, %dma_start3A] : memref<50048x16xf32, #tpu.memory_space<vmem_shared>> -> memref<3128x16xf32, #tpu.memory_space<vmem_shared>>
      tpu.enqueue_dma source(%arg7 : memref<3128x16xf32, #tpu.memory_space<hbm>>) target(%dma_start3A_40 : memref<3128x16xf32, #tpu.memory_space<vmem_shared>>) target_semaphore(%run_scoped3A : memref<!tpu.dma_semaphore, #tpu.memory_space<semaphore_mem>>)
      %dma_wait3A = arith.constant 0 : i32
      %dma_wait3A_41 = tpu.memref_slice %arg16[%mul3A_0, %dma_wait3A] : memref<50048x16xf32, #tpu.memory_space<vmem_shared>> -> memref<3128x16xf32, #tpu.memory_space<vmem_shared>>
      tpu.wait_dma2 semaphore(%run_scoped3A : memref<!tpu.dma_semaphore, #tpu.memory_space<semaphore_mem>>) src(%arg7 : memref<3128x16xf32, #tpu.memory_space<hbm>>) dst(%dma_wait3A_41 : memref<3128x16xf32, #tpu.memory_space<vmem_shared>>)
      tpu.yield
    }) : () -> ()
    %barrier3A_32 = arith.constant 0 : index
    tpu.barrier barrier_id(%barrier3A_32)
    %scan3A_33 = arith.constant 0 : i32
    %scan3A_34 = arith.constant 0 : i32
    %scan3A_35 = arith.constant 25 : i32
    %scan3A_36 = arith.addi %scan3A_34, %scan3A_35 : i32
    %scan3A_37 = arith.constant 1 : i32
    scf.for %scan3A_40 = %scan3A_34 to %scan3A_36 step %scan3A_37  : i32 {
      %mul3A_41 = arith.constant 16 : i32
      %mul3A_42 = arith.muli %scan3A_40, %mul3A_41 : i32
      %add3A_43 = arith.addi %mul3A_2, %mul3A_42 : i32
      "tpu.region"() ({
        %run_scoped3A = tpu.sem_alloc : memref<!tpu.dma_semaphore, #tpu.memory_space<semaphore_mem>>
        %dma_start3A_96 = arith.constant 0 : i32
        %dma_start3A_97 = tpu.memref_slice %arg3[%add3A_43, %dma_start3A_96] : memref<6400x128xi32, #tpu.memory_space<hbm>> -> memref<16x128xi32, #tpu.memory_space<hbm>>
        %dma_start3A_98 = arith.constant 0 : i32
        %dma_start3A_99 = tpu.memref_slice %arg3[%add3A_43, %dma_start3A_98] : memref<6400x128xi32, #tpu.memory_space<hbm>> -> memref<16x128xi32, #tpu.memory_space<hbm>>
        tpu.enqueue_dma source(%dma_start3A_99 : memref<16x128xi32, #tpu.memory_space<hbm>>) target(%arg9 : memref<16x128xi32, #tpu.memory_space<vmem>>) target_semaphore(%run_scoped3A : memref<!tpu.dma_semaphore, #tpu.memory_space<semaphore_mem>>)
        %dma_wait3A = arith.constant 0 : i32
        %dma_wait3A_100 = tpu.memref_slice %arg3[%add3A_43, %dma_wait3A] : memref<6400x128xi32, #tpu.memory_space<hbm>> -> memref<16x128xi32, #tpu.memory_space<hbm>>
        %dma_wait3A_101 = arith.constant 0 : i32
        %dma_wait3A_102 = tpu.memref_slice %arg3[%add3A_43, %dma_wait3A_101] : memref<6400x128xi32, #tpu.memory_space<hbm>> -> memref<16x128xi32, #tpu.memory_space<hbm>>
        tpu.wait_dma2 semaphore(%run_scoped3A : memref<!tpu.dma_semaphore, #tpu.memory_space<semaphore_mem>>) src(%dma_wait3A_102 : memref<16x128xi32, #tpu.memory_space<hbm>>) dst(%arg9 : memref<16x128xi32, #tpu.memory_space<vmem>>)
        tpu.yield
      }) : () -> ()
      "tpu.region"() ({
        %run_scoped3A = tpu.sem_alloc : memref<!tpu.dma_semaphore, #tpu.memory_space<semaphore_mem>>
        %dma_start3A_96 = arith.constant 0 : i32
        %dma_start3A_97 = tpu.memref_slice %arg4[%add3A_43, %dma_start3A_96] : memref<6400x128xi32, #tpu.memory_space<hbm>> -> memref<16x128xi32, #tpu.memory_space<hbm>>
        %dma_start3A_98 = arith.constant 0 : i32
        %dma_start3A_99 = tpu.memref_slice %arg4[%add3A_43, %dma_start3A_98] : memref<6400x128xi32, #tpu.memory_space<hbm>> -> memref<16x128xi32, #tpu.memory_space<hbm>>
        tpu.enqueue_dma source(%dma_start3A_99 : memref<16x128xi32, #tpu.memory_space<hbm>>) target(%arg10 : memref<16x128xi32, #tpu.memory_space<vmem>>) target_semaphore(%run_scoped3A : memref<!tpu.dma_semaphore, #tpu.memory_space<semaphore_mem>>)
        %dma_wait3A = arith.constant 0 : i32
        %dma_wait3A_100 = tpu.memref_slice %arg4[%add3A_43, %dma_wait3A] : memref<6400x128xi32, #tpu.memory_space<hbm>> -> memref<16x128xi32, #tpu.memory_space<hbm>>
        %dma_wait3A_101 = arith.constant 0 : i32
        %dma_wait3A_102 = tpu.memref_slice %arg4[%add3A_43, %dma_wait3A_101] : memref<6400x128xi32, #tpu.memory_space<hbm>> -> memref<16x128xi32, #tpu.memory_space<hbm>>
        tpu.wait_dma2 semaphore(%run_scoped3A : memref<!tpu.dma_semaphore, #tpu.memory_space<semaphore_mem>>) src(%dma_wait3A_102 : memref<16x128xi32, #tpu.memory_space<hbm>>) dst(%arg10 : memref<16x128xi32, #tpu.memory_space<vmem>>)
        tpu.yield
      }) : () -> ()
      %dma_start3A = arith.constant 0 : i32
      %dma_start3A_44 = arith.constant 0 : i32
      %dma_start3A_45 = arith.constant 0 : i32
      %dma_start3A_46 = arith.constant 0 : i32
      %dma_start3A_47 = tpu.memref_slice %arg11[%dma_start3A_44, %dma_start3A_45, %dma_start3A_46] : memref<4x128x16xf32, #tpu.memory_space<vmem>> -> memref<1x128x16xf32, #tpu.memory_space<vmem>>
      %dma_start3A_48 = tpu.memref_squeeze %dma_start3A_47 : memref<1x128x16xf32, #tpu.memory_space<vmem>> -> memref<128x16xf32, #tpu.memory_space<vmem>>
      %dma_start3A_49 = arith.constant 0 : i32
      %dma_start3A_50 = tpu.memref_slice %arg9[%dma_start3A, %dma_start3A_49] : memref<16x128xi32, #tpu.memory_space<vmem>> -> memref<1x128xi32, #tpu.memory_space<vmem>>
      %dma_start3A_51 = tpu.memref_squeeze %dma_start3A_50 : memref<1x128xi32, #tpu.memory_space<vmem>> -> memref<128xi32, #tpu.memory_space<vmem>>
      %dma_start3A_52 = arith.constant 0 : i32
      %dma_start3A_53 = arith.constant 0 : i32
      %dma_start3A_54 = tpu.memref_slice %arg17[%dma_start3A_52, %dma_start3A_53] : memref<50048x16xf32, #tpu.memory_space<vmem_shared>> -> memref<50048x16xf32, #tpu.memory_space<vmem_shared>>
      tpu.enqueue_indirect_dma source(%dma_start3A_54 : memref<50048x16xf32, #tpu.memory_space<vmem_shared>>) target(%dma_start3A_48 : memref<128x16xf32, #tpu.memory_space<vmem>>) offsets(%dma_start3A_51 : memref<128xi32, #tpu.memory_space<vmem>>) semaphore(%arg18 : memref<!tpu.dma_semaphore, #tpu.memory_space<semaphore_mem>>)
      %dma_start3A_55 = arith.constant 1 : i32
      %dma_start3A_56 = arith.constant 1 : i32
      %dma_start3A_57 = arith.constant 0 : i32
      %dma_start3A_58 = arith.constant 0 : i32
      %dma_start3A_59 = tpu.memref_slice %arg11[%dma_start3A_56, %dma_start3A_57, %dma_start3A_58] : memref<4x128x16xf32, #tpu.memory_space<vmem>> -> memref<1x128x16xf32, #tpu.memory_space<vmem>>
      %dma_start3A_60 = tpu.memref_squeeze %dma_start3A_59 : memref<1x128x16xf32, #tpu.memory_space<vmem>> -> memref<128x16xf32, #tpu.memory_space<vmem>>
      %dma_start3A_61 = arith.constant 0 : i32
      %dma_start3A_62 = tpu.memref_slice %arg9[%dma_start3A_55, %dma_start3A_61] : memref<16x128xi32, #tpu.memory_space<vmem>> -> memref<1x128xi32, #tpu.memory_space<vmem>>
      %dma_start3A_63 = tpu.memref_squeeze %dma_start3A_62 : memref<1x128xi32, #tpu.memory_space<vmem>> -> memref<128xi32, #tpu.memory_space<vmem>>
      %dma_start3A_64 = arith.constant 0 : i32
      %dma_start3A_65 = arith.constant 0 : i32
      %dma_start3A_66 = tpu.memref_slice %arg17[%dma_start3A_64, %dma_start3A_65] : memref<50048x16xf32, #tpu.memory_space<vmem_shared>> -> memref<50048x16xf32, #tpu.memory_space<vmem_shared>>
      tpu.enqueue_indirect_dma source(%dma_start3A_66 : memref<50048x16xf32, #tpu.memory_space<vmem_shared>>) target(%dma_start3A_60 : memref<128x16xf32, #tpu.memory_space<vmem>>) offsets(%dma_start3A_63 : memref<128xi32, #tpu.memory_space<vmem>>) semaphore(%arg19 : memref<!tpu.dma_semaphore, #tpu.memory_space<semaphore_mem>>)
      %dma_start3A_67 = arith.constant 2 : i32
      %dma_start3A_68 = arith.constant 2 : i32
      %dma_start3A_69 = arith.constant 0 : i32
      %dma_start3A_70 = arith.constant 0 : i32
      %dma_start3A_71 = tpu.memref_slice %arg11[%dma_start3A_68, %dma_start3A_69, %dma_start3A_70] : memref<4x128x16xf32, #tpu.memory_space<vmem>> -> memref<1x128x16xf32, #tpu.memory_space<vmem>>
      %dma_start3A_72 = tpu.memref_squeeze %dma_start3A_71 : memref<1x128x16xf32, #tpu.memory_space<vmem>> -> memref<128x16xf32, #tpu.memory_space<vmem>>
      %dma_start3A_73 = arith.constant 0 : i32
      %dma_start3A_74 = tpu.memref_slice %arg9[%dma_start3A_67, %dma_start3A_73] : memref<16x128xi32, #tpu.memory_space<vmem>> -> memref<1x128xi32, #tpu.memory_space<vmem>>
      %dma_start3A_75 = tpu.memref_squeeze %dma_start3A_74 : memref<1x128xi32, #tpu.memory_space<vmem>> -> memref<128xi32, #tpu.memory_space<vmem>>
      %dma_start3A_76 = arith.constant 0 : i32
      %dma_start3A_77 = arith.constant 0 : i32
      %dma_start3A_78 = tpu.memref_slice %arg17[%dma_start3A_76, %dma_start3A_77] : memref<50048x16xf32, #tpu.memory_space<vmem_shared>> -> memref<50048x16xf32, #tpu.memory_space<vmem_shared>>
      tpu.enqueue_indirect_dma source(%dma_start3A_78 : memref<50048x16xf32, #tpu.memory_space<vmem_shared>>) target(%dma_start3A_72 : memref<128x16xf32, #tpu.memory_space<vmem>>) offsets(%dma_start3A_75 : memref<128xi32, #tpu.memory_space<vmem>>) semaphore(%arg20 : memref<!tpu.dma_semaphore, #tpu.memory_space<semaphore_mem>>)
      %dma_start3A_79 = arith.constant 3 : i32
      %dma_start3A_80 = arith.constant 3 : i32
      %dma_start3A_81 = arith.constant 0 : i32
      %dma_start3A_82 = arith.constant 0 : i32
      %dma_start3A_83 = tpu.memref_slice %arg11[%dma_start3A_80, %dma_start3A_81, %dma_start3A_82] : memref<4x128x16xf32, #tpu.memory_space<vmem>> -> memref<1x128x16xf32, #tpu.memory_space<vmem>>
      %dma_start3A_84 = tpu.memref_squeeze %dma_start3A_83 : memref<1x128x16xf32, #tpu.memory_space<vmem>> -> memref<128x16xf32, #tpu.memory_space<vmem>>
      %dma_start3A_85 = arith.constant 0 : i32
      %dma_start3A_86 = tpu.memref_slice %arg9[%dma_start3A_79, %dma_start3A_85] : memref<16x128xi32, #tpu.memory_space<vmem>> -> memref<1x128xi32, #tpu.memory_space<vmem>>
      %dma_start3A_87 = tpu.memref_squeeze %dma_start3A_86 : memref<1x128xi32, #tpu.memory_space<vmem>> -> memref<128xi32, #tpu.memory_space<vmem>>
      %dma_start3A_88 = arith.constant 0 : i32
      %dma_start3A_89 = arith.constant 0 : i32
      %dma_start3A_90 = tpu.memref_slice %arg17[%dma_start3A_88, %dma_start3A_89] : memref<50048x16xf32, #tpu.memory_space<vmem_shared>> -> memref<50048x16xf32, #tpu.memory_space<vmem_shared>>
      tpu.enqueue_indirect_dma source(%dma_start3A_90 : memref<50048x16xf32, #tpu.memory_space<vmem_shared>>) target(%dma_start3A_84 : memref<128x16xf32, #tpu.memory_space<vmem>>) offsets(%dma_start3A_87 : memref<128xi32, #tpu.memory_space<vmem>>) semaphore(%arg21 : memref<!tpu.dma_semaphore, #tpu.memory_space<semaphore_mem>>)
      %scan3A_91 = arith.constant 0 : i32
      %scan3A_92 = arith.constant 4 : i32
      %scan3A_93 = arith.addi %scan3A_91, %scan3A_92 : i32
      %scan3A_94 = arith.constant 1 : i32
      scf.for %scan3A_96 = %scan3A_91 to %scan3A_93 step %scan3A_94  : i32 {
        %mul3A_97 = arith.constant 4 : i32
        %mul3A_98 = arith.muli %scan3A_96, %mul3A_97 : i32
        %add3A_99 = arith.constant 0 : i32
        %add3A_100 = arith.addi %mul3A_98, %add3A_99 : i32
        %dma_wait3A = arith.constant 0 : i32
        %dma_wait3A_101 = arith.constant 0 : i32
        %dma_wait3A_102 = arith.constant 0 : i32
        %dma_wait3A_103 = tpu.memref_slice %arg11[%dma_wait3A, %dma_wait3A_101, %dma_wait3A_102] : memref<4x128x16xf32, #tpu.memory_space<vmem>> -> memref<1x128x16xf32, #tpu.memory_space<vmem>>
        %dma_wait3A_104 = tpu.memref_squeeze %dma_wait3A_103 : memref<1x128x16xf32, #tpu.memory_space<vmem>> -> memref<128x16xf32, #tpu.memory_space<vmem>>
        %dma_wait3A_105 = arith.constant 0 : i32
        %dma_wait3A_106 = tpu.memref_slice %arg9[%add3A_100, %dma_wait3A_105] : memref<16x128xi32, #tpu.memory_space<vmem>> -> memref<1x128xi32, #tpu.memory_space<vmem>>
        %dma_wait3A_107 = tpu.memref_squeeze %dma_wait3A_106 : memref<1x128xi32, #tpu.memory_space<vmem>> -> memref<128xi32, #tpu.memory_space<vmem>>
        %dma_wait3A_108 = arith.constant 0 : i32
        %dma_wait3A_109 = arith.constant 0 : i32
        %dma_wait3A_110 = tpu.memref_slice %arg17[%dma_wait3A_108, %dma_wait3A_109] : memref<50048x16xf32, #tpu.memory_space<vmem_shared>> -> memref<50048x16xf32, #tpu.memory_space<vmem_shared>>
        tpu.wait_indirect_dma semaphore(%arg18 : memref<!tpu.dma_semaphore, #tpu.memory_space<semaphore_mem>>) src(%dma_wait3A_110 : memref<50048x16xf32, #tpu.memory_space<vmem_shared>>) dst(%dma_wait3A_104 : memref<128x16xf32, #tpu.memory_space<vmem>>)
        %run_scoped3A = arith.constant 0 : i32
        "tpu.region"() ({
          %run_scoped3A_184 = tpu.sem_alloc : memref<!tpu.dma_semaphore, #tpu.memory_space<semaphore_mem>>
          %dma_start3A_185 = arith.constant 0 : i32
          %dma_start3A_186 = arith.constant 0 : i32
          %dma_start3A_187 = tpu.memref_slice %arg11[%run_scoped3A, %dma_start3A_185, %dma_start3A_186] : memref<4x128x16xf32, #tpu.memory_space<vmem>> -> memref<1x128x16xf32, #tpu.memory_space<vmem>>
          %dma_start3A_188 = tpu.memref_squeeze %dma_start3A_187 : memref<1x128x16xf32, #tpu.memory_space<vmem>> -> memref<128x16xf32, #tpu.memory_space<vmem>>
          %dma_start3A_189 = arith.constant 0 : i32
          %dma_start3A_190 = tpu.memref_slice %arg10[%add3A_100, %dma_start3A_189] : memref<16x128xi32, #tpu.memory_space<vmem>> -> memref<1x128xi32, #tpu.memory_space<vmem>>
          %dma_start3A_191 = tpu.memref_squeeze %dma_start3A_190 : memref<1x128xi32, #tpu.memory_space<vmem>> -> memref<128xi32, #tpu.memory_space<vmem>>
          %dma_start3A_192 = arith.constant 0 : i32
          %dma_start3A_193 = arith.constant 0 : i32
          %dma_start3A_194 = tpu.memref_slice %arg16[%dma_start3A_192, %dma_start3A_193] : memref<50048x16xf32, #tpu.memory_space<vmem_shared>> -> memref<50048x16xf32, #tpu.memory_space<vmem_shared>>
          tpu.enqueue_indirect_dma source(%dma_start3A_188 : memref<128x16xf32, #tpu.memory_space<vmem>>) target(%dma_start3A_194 : memref<50048x16xf32, #tpu.memory_space<vmem_shared>>) offsets(%dma_start3A_191 : memref<128xi32, #tpu.memory_space<vmem>>) semaphore(%run_scoped3A_184 : memref<!tpu.dma_semaphore, #tpu.memory_space<semaphore_mem>>) {add = true}
          %dma_wait3A_195 = arith.constant 0 : i32
          %dma_wait3A_196 = arith.constant 0 : i32
          %dma_wait3A_197 = tpu.memref_slice %arg11[%run_scoped3A, %dma_wait3A_195, %dma_wait3A_196] : memref<4x128x16xf32, #tpu.memory_space<vmem>> -> memref<1x128x16xf32, #tpu.memory_space<vmem>>
          %dma_wait3A_198 = tpu.memref_squeeze %dma_wait3A_197 : memref<1x128x16xf32, #tpu.memory_space<vmem>> -> memref<128x16xf32, #tpu.memory_space<vmem>>
          %dma_wait3A_199 = arith.constant 0 : i32
          %dma_wait3A_200 = tpu.memref_slice %arg10[%add3A_100, %dma_wait3A_199] : memref<16x128xi32, #tpu.memory_space<vmem>> -> memref<1x128xi32, #tpu.memory_space<vmem>>
          %dma_wait3A_201 = tpu.memref_squeeze %dma_wait3A_200 : memref<1x128xi32, #tpu.memory_space<vmem>> -> memref<128xi32, #tpu.memory_space<vmem>>
          %dma_wait3A_202 = arith.constant 0 : i32
          %dma_wait3A_203 = arith.constant 0 : i32
          %dma_wait3A_204 = tpu.memref_slice %arg16[%dma_wait3A_202, %dma_wait3A_203] : memref<50048x16xf32, #tpu.memory_space<vmem_shared>> -> memref<50048x16xf32, #tpu.memory_space<vmem_shared>>
          tpu.wait_indirect_dma semaphore(%run_scoped3A_184 : memref<!tpu.dma_semaphore, #tpu.memory_space<semaphore_mem>>) src(%dma_wait3A_198 : memref<128x16xf32, #tpu.memory_space<vmem>>) dst(%dma_wait3A_204 : memref<50048x16xf32, #tpu.memory_space<vmem_shared>>)
          tpu.yield
        }) : () -> ()
        %add3A_111 = arith.constant 4 : i32
        %add3A_112 = arith.addi %add3A_100, %add3A_111 : i32
        %lt3A = arith.constant 16 : i32
        %lt3A_113 = arith.cmpi slt, %add3A_112, %lt3A : i32
        %convert_element_type3A = arith.extui %lt3A_113 : i1 to i32
        %cond3A = arith.constant 0 : i32
        %cond3A_114 = arith.cmpi ne, %convert_element_type3A, %cond3A : i32
        scf.if %cond3A_114 {
          %dma_start3A_184 = arith.constant 0 : i32
          %dma_start3A_185 = arith.constant 0 : i32
          %dma_start3A_186 = arith.constant 0 : i32
          %dma_start3A_187 = tpu.memref_slice %arg11[%dma_start3A_184, %dma_start3A_185, %dma_start3A_186] : memref<4x128x16xf32, #tpu.memory_space<vmem>> -> memref<1x128x16xf32, #tpu.memory_space<vmem>>
          %dma_start3A_188 = tpu.memref_squeeze %dma_start3A_187 : memref<1x128x16xf32, #tpu.memory_space<vmem>> -> memref<128x16xf32, #tpu.memory_space<vmem>>
          %dma_start3A_189 = arith.constant 0 : i32
          %dma_start3A_190 = tpu.memref_slice %arg9[%add3A_112, %dma_start3A_189] : memref<16x128xi32, #tpu.memory_space<vmem>> -> memref<1x128xi32, #tpu.memory_space<vmem>>
          %dma_start3A_191 = tpu.memref_squeeze %dma_start3A_190 : memref<1x128xi32, #tpu.memory_space<vmem>> -> memref<128xi32, #tpu.memory_space<vmem>>
          %dma_start3A_192 = arith.constant 0 : i32
          %dma_start3A_193 = arith.constant 0 : i32
          %dma_start3A_194 = tpu.memref_slice %arg17[%dma_start3A_192, %dma_start3A_193] : memref<50048x16xf32, #tpu.memory_space<vmem_shared>> -> memref<50048x16xf32, #tpu.memory_space<vmem_shared>>
          tpu.enqueue_indirect_dma source(%dma_start3A_194 : memref<50048x16xf32, #tpu.memory_space<vmem_shared>>) target(%dma_start3A_188 : memref<128x16xf32, #tpu.memory_space<vmem>>) offsets(%dma_start3A_191 : memref<128xi32, #tpu.memory_space<vmem>>) semaphore(%arg18 : memref<!tpu.dma_semaphore, #tpu.memory_space<semaphore_mem>>)
        } else {
        }
        %mul3A_115 = arith.constant 4 : i32
        %mul3A_116 = arith.muli %scan3A_96, %mul3A_115 : i32
        %add3A_117 = arith.constant 1 : i32
        %add3A_118 = arith.addi %mul3A_116, %add3A_117 : i32
        %dma_wait3A_119 = arith.constant 1 : i32
        %dma_wait3A_120 = arith.constant 0 : i32
        %dma_wait3A_121 = arith.constant 0 : i32
        %dma_wait3A_122 = tpu.memref_slice %arg11[%dma_wait3A_119, %dma_wait3A_120, %dma_wait3A_121] : memref<4x128x16xf32, #tpu.memory_space<vmem>> -> memref<1x128x16xf32, #tpu.memory_space<vmem>>
        %dma_wait3A_123 = tpu.memref_squeeze %dma_wait3A_122 : memref<1x128x16xf32, #tpu.memory_space<vmem>> -> memref<128x16xf32, #tpu.memory_space<vmem>>
        %dma_wait3A_124 = arith.constant 0 : i32
        %dma_wait3A_125 = tpu.memref_slice %arg9[%add3A_118, %dma_wait3A_124] : memref<16x128xi32, #tpu.memory_space<vmem>> -> memref<1x128xi32, #tpu.memory_space<vmem>>
        %dma_wait3A_126 = tpu.memref_squeeze %dma_wait3A_125 : memref<1x128xi32, #tpu.memory_space<vmem>> -> memref<128xi32, #tpu.memory_space<vmem>>
        %dma_wait3A_127 = arith.constant 0 : i32
        %dma_wait3A_128 = arith.constant 0 : i32
        %dma_wait3A_129 = tpu.memref_slice %arg17[%dma_wait3A_127, %dma_wait3A_128] : memref<50048x16xf32, #tpu.memory_space<vmem_shared>> -> memref<50048x16xf32, #tpu.memory_space<vmem_shared>>
        tpu.wait_indirect_dma semaphore(%arg19 : memref<!tpu.dma_semaphore, #tpu.memory_space<semaphore_mem>>) src(%dma_wait3A_129 : memref<50048x16xf32, #tpu.memory_space<vmem_shared>>) dst(%dma_wait3A_123 : memref<128x16xf32, #tpu.memory_space<vmem>>)
        %run_scoped3A_130 = arith.constant 1 : i32
        "tpu.region"() ({
          %run_scoped3A_184 = tpu.sem_alloc : memref<!tpu.dma_semaphore, #tpu.memory_space<semaphore_mem>>
          %dma_start3A_185 = arith.constant 0 : i32
          %dma_start3A_186 = arith.constant 0 : i32
          %dma_start3A_187 = tpu.memref_slice %arg11[%run_scoped3A_130, %dma_start3A_185, %dma_start3A_186] : memref<4x128x16xf32, #tpu.memory_space<vmem>> -> memref<1x128x16xf32, #tpu.memory_space<vmem>>
          %dma_start3A_188 = tpu.memref_squeeze %dma_start3A_187 : memref<1x128x16xf32, #tpu.memory_space<vmem>> -> memref<128x16xf32, #tpu.memory_space<vmem>>
          %dma_start3A_189 = arith.constant 0 : i32
          %dma_start3A_190 = tpu.memref_slice %arg10[%add3A_118, %dma_start3A_189] : memref<16x128xi32, #tpu.memory_space<vmem>> -> memref<1x128xi32, #tpu.memory_space<vmem>>
          %dma_start3A_191 = tpu.memref_squeeze %dma_start3A_190 : memref<1x128xi32, #tpu.memory_space<vmem>> -> memref<128xi32, #tpu.memory_space<vmem>>
          %dma_start3A_192 = arith.constant 0 : i32
          %dma_start3A_193 = arith.constant 0 : i32
          %dma_start3A_194 = tpu.memref_slice %arg16[%dma_start3A_192, %dma_start3A_193] : memref<50048x16xf32, #tpu.memory_space<vmem_shared>> -> memref<50048x16xf32, #tpu.memory_space<vmem_shared>>
          tpu.enqueue_indirect_dma source(%dma_start3A_188 : memref<128x16xf32, #tpu.memory_space<vmem>>) target(%dma_start3A_194 : memref<50048x16xf32, #tpu.memory_space<vmem_shared>>) offsets(%dma_start3A_191 : memref<128xi32, #tpu.memory_space<vmem>>) semaphore(%run_scoped3A_184 : memref<!tpu.dma_semaphore, #tpu.memory_space<semaphore_mem>>) {add = true}
          %dma_wait3A_195 = arith.constant 0 : i32
          %dma_wait3A_196 = arith.constant 0 : i32
          %dma_wait3A_197 = tpu.memref_slice %arg11[%run_scoped3A_130, %dma_wait3A_195, %dma_wait3A_196] : memref<4x128x16xf32, #tpu.memory_space<vmem>> -> memref<1x128x16xf32, #tpu.memory_space<vmem>>
          %dma_wait3A_198 = tpu.memref_squeeze %dma_wait3A_197 : memref<1x128x16xf32, #tpu.memory_space<vmem>> -> memref<128x16xf32, #tpu.memory_space<vmem>>
          %dma_wait3A_199 = arith.constant 0 : i32
          %dma_wait3A_200 = tpu.memref_slice %arg10[%add3A_118, %dma_wait3A_199] : memref<16x128xi32, #tpu.memory_space<vmem>> -> memref<1x128xi32, #tpu.memory_space<vmem>>
          %dma_wait3A_201 = tpu.memref_squeeze %dma_wait3A_200 : memref<1x128xi32, #tpu.memory_space<vmem>> -> memref<128xi32, #tpu.memory_space<vmem>>
          %dma_wait3A_202 = arith.constant 0 : i32
          %dma_wait3A_203 = arith.constant 0 : i32
          %dma_wait3A_204 = tpu.memref_slice %arg16[%dma_wait3A_202, %dma_wait3A_203] : memref<50048x16xf32, #tpu.memory_space<vmem_shared>> -> memref<50048x16xf32, #tpu.memory_space<vmem_shared>>
          tpu.wait_indirect_dma semaphore(%run_scoped3A_184 : memref<!tpu.dma_semaphore, #tpu.memory_space<semaphore_mem>>) src(%dma_wait3A_198 : memref<128x16xf32, #tpu.memory_space<vmem>>) dst(%dma_wait3A_204 : memref<50048x16xf32, #tpu.memory_space<vmem_shared>>)
          tpu.yield
        }) : () -> ()
        %add3A_131 = arith.constant 4 : i32
        %add3A_132 = arith.addi %add3A_118, %add3A_131 : i32
        %lt3A_133 = arith.constant 16 : i32
        %lt3A_134 = arith.cmpi slt, %add3A_132, %lt3A_133 : i32
        %convert_element_type3A_135 = arith.extui %lt3A_134 : i1 to i32
        %cond3A_136 = arith.constant 0 : i32
        %cond3A_137 = arith.cmpi ne, %convert_element_type3A_135, %cond3A_136 : i32
        scf.if %cond3A_137 {
          %dma_start3A_184 = arith.constant 1 : i32
          %dma_start3A_185 = arith.constant 0 : i32
          %dma_start3A_186 = arith.constant 0 : i32
          %dma_start3A_187 = tpu.memref_slice %arg11[%dma_start3A_184, %dma_start3A_185, %dma_start3A_186] : memref<4x128x16xf32, #tpu.memory_space<vmem>> -> memref<1x128x16xf32, #tpu.memory_space<vmem>>
          %dma_start3A_188 = tpu.memref_squeeze %dma_start3A_187 : memref<1x128x16xf32, #tpu.memory_space<vmem>> -> memref<128x16xf32, #tpu.memory_space<vmem>>
          %dma_start3A_189 = arith.constant 0 : i32
          %dma_start3A_190 = tpu.memref_slice %arg9[%add3A_132, %dma_start3A_189] : memref<16x128xi32, #tpu.memory_space<vmem>> -> memref<1x128xi32, #tpu.memory_space<vmem>>
          %dma_start3A_191 = tpu.memref_squeeze %dma_start3A_190 : memref<1x128xi32, #tpu.memory_space<vmem>> -> memref<128xi32, #tpu.memory_space<vmem>>
          %dma_start3A_192 = arith.constant 0 : i32
          %dma_start3A_193 = arith.constant 0 : i32
          %dma_start3A_194 = tpu.memref_slice %arg17[%dma_start3A_192, %dma_start3A_193] : memref<50048x16xf32, #tpu.memory_space<vmem_shared>> -> memref<50048x16xf32, #tpu.memory_space<vmem_shared>>
          tpu.enqueue_indirect_dma source(%dma_start3A_194 : memref<50048x16xf32, #tpu.memory_space<vmem_shared>>) target(%dma_start3A_188 : memref<128x16xf32, #tpu.memory_space<vmem>>) offsets(%dma_start3A_191 : memref<128xi32, #tpu.memory_space<vmem>>) semaphore(%arg19 : memref<!tpu.dma_semaphore, #tpu.memory_space<semaphore_mem>>)
        } else {
        }
        %mul3A_138 = arith.constant 4 : i32
        %mul3A_139 = arith.muli %scan3A_96, %mul3A_138 : i32
        %add3A_140 = arith.constant 2 : i32
        %add3A_141 = arith.addi %mul3A_139, %add3A_140 : i32
        %dma_wait3A_142 = arith.constant 2 : i32
        %dma_wait3A_143 = arith.constant 0 : i32
        %dma_wait3A_144 = arith.constant 0 : i32
        %dma_wait3A_145 = tpu.memref_slice %arg11[%dma_wait3A_142, %dma_wait3A_143, %dma_wait3A_144] : memref<4x128x16xf32, #tpu.memory_space<vmem>> -> memref<1x128x16xf32, #tpu.memory_space<vmem>>
        %dma_wait3A_146 = tpu.memref_squeeze %dma_wait3A_145 : memref<1x128x16xf32, #tpu.memory_space<vmem>> -> memref<128x16xf32, #tpu.memory_space<vmem>>
        %dma_wait3A_147 = arith.constant 0 : i32
        %dma_wait3A_148 = tpu.memref_slice %arg9[%add3A_141, %dma_wait3A_147] : memref<16x128xi32, #tpu.memory_space<vmem>> -> memref<1x128xi32, #tpu.memory_space<vmem>>
        %dma_wait3A_149 = tpu.memref_squeeze %dma_wait3A_148 : memref<1x128xi32, #tpu.memory_space<vmem>> -> memref<128xi32, #tpu.memory_space<vmem>>
        %dma_wait3A_150 = arith.constant 0 : i32
        %dma_wait3A_151 = arith.constant 0 : i32
        %dma_wait3A_152 = tpu.memref_slice %arg17[%dma_wait3A_150, %dma_wait3A_151] : memref<50048x16xf32, #tpu.memory_space<vmem_shared>> -> memref<50048x16xf32, #tpu.memory_space<vmem_shared>>
        tpu.wait_indirect_dma semaphore(%arg20 : memref<!tpu.dma_semaphore, #tpu.memory_space<semaphore_mem>>) src(%dma_wait3A_152 : memref<50048x16xf32, #tpu.memory_space<vmem_shared>>) dst(%dma_wait3A_146 : memref<128x16xf32, #tpu.memory_space<vmem>>)
        %run_scoped3A_153 = arith.constant 2 : i32
        "tpu.region"() ({
          %run_scoped3A_184 = tpu.sem_alloc : memref<!tpu.dma_semaphore, #tpu.memory_space<semaphore_mem>>
          %dma_start3A_185 = arith.constant 0 : i32
          %dma_start3A_186 = arith.constant 0 : i32
          %dma_start3A_187 = tpu.memref_slice %arg11[%run_scoped3A_153, %dma_start3A_185, %dma_start3A_186] : memref<4x128x16xf32, #tpu.memory_space<vmem>> -> memref<1x128x16xf32, #tpu.memory_space<vmem>>
          %dma_start3A_188 = tpu.memref_squeeze %dma_start3A_187 : memref<1x128x16xf32, #tpu.memory_space<vmem>> -> memref<128x16xf32, #tpu.memory_space<vmem>>
          %dma_start3A_189 = arith.constant 0 : i32
          %dma_start3A_190 = tpu.memref_slice %arg10[%add3A_141, %dma_start3A_189] : memref<16x128xi32, #tpu.memory_space<vmem>> -> memref<1x128xi32, #tpu.memory_space<vmem>>
          %dma_start3A_191 = tpu.memref_squeeze %dma_start3A_190 : memref<1x128xi32, #tpu.memory_space<vmem>> -> memref<128xi32, #tpu.memory_space<vmem>>
          %dma_start3A_192 = arith.constant 0 : i32
          %dma_start3A_193 = arith.constant 0 : i32
          %dma_start3A_194 = tpu.memref_slice %arg16[%dma_start3A_192, %dma_start3A_193] : memref<50048x16xf32, #tpu.memory_space<vmem_shared>> -> memref<50048x16xf32, #tpu.memory_space<vmem_shared>>
          tpu.enqueue_indirect_dma source(%dma_start3A_188 : memref<128x16xf32, #tpu.memory_space<vmem>>) target(%dma_start3A_194 : memref<50048x16xf32, #tpu.memory_space<vmem_shared>>) offsets(%dma_start3A_191 : memref<128xi32, #tpu.memory_space<vmem>>) semaphore(%run_scoped3A_184 : memref<!tpu.dma_semaphore, #tpu.memory_space<semaphore_mem>>) {add = true}
          %dma_wait3A_195 = arith.constant 0 : i32
          %dma_wait3A_196 = arith.constant 0 : i32
          %dma_wait3A_197 = tpu.memref_slice %arg11[%run_scoped3A_153, %dma_wait3A_195, %dma_wait3A_196] : memref<4x128x16xf32, #tpu.memory_space<vmem>> -> memref<1x128x16xf32, #tpu.memory_space<vmem>>
          %dma_wait3A_198 = tpu.memref_squeeze %dma_wait3A_197 : memref<1x128x16xf32, #tpu.memory_space<vmem>> -> memref<128x16xf32, #tpu.memory_space<vmem>>
          %dma_wait3A_199 = arith.constant 0 : i32
          %dma_wait3A_200 = tpu.memref_slice %arg10[%add3A_141, %dma_wait3A_199] : memref<16x128xi32, #tpu.memory_space<vmem>> -> memref<1x128xi32, #tpu.memory_space<vmem>>
          %dma_wait3A_201 = tpu.memref_squeeze %dma_wait3A_200 : memref<1x128xi32, #tpu.memory_space<vmem>> -> memref<128xi32, #tpu.memory_space<vmem>>
          %dma_wait3A_202 = arith.constant 0 : i32
          %dma_wait3A_203 = arith.constant 0 : i32
          %dma_wait3A_204 = tpu.memref_slice %arg16[%dma_wait3A_202, %dma_wait3A_203] : memref<50048x16xf32, #tpu.memory_space<vmem_shared>> -> memref<50048x16xf32, #tpu.memory_space<vmem_shared>>
          tpu.wait_indirect_dma semaphore(%run_scoped3A_184 : memref<!tpu.dma_semaphore, #tpu.memory_space<semaphore_mem>>) src(%dma_wait3A_198 : memref<128x16xf32, #tpu.memory_space<vmem>>) dst(%dma_wait3A_204 : memref<50048x16xf32, #tpu.memory_space<vmem_shared>>)
          tpu.yield
        }) : () -> ()
        %add3A_154 = arith.constant 4 : i32
        %add3A_155 = arith.addi %add3A_141, %add3A_154 : i32
        %lt3A_156 = arith.constant 16 : i32
        %lt3A_157 = arith.cmpi slt, %add3A_155, %lt3A_156 : i32
        %convert_element_type3A_158 = arith.extui %lt3A_157 : i1 to i32
        %cond3A_159 = arith.constant 0 : i32
        %cond3A_160 = arith.cmpi ne, %convert_element_type3A_158, %cond3A_159 : i32
        scf.if %cond3A_160 {
          %dma_start3A_184 = arith.constant 2 : i32
          %dma_start3A_185 = arith.constant 0 : i32
          %dma_start3A_186 = arith.constant 0 : i32
          %dma_start3A_187 = tpu.memref_slice %arg11[%dma_start3A_184, %dma_start3A_185, %dma_start3A_186] : memref<4x128x16xf32, #tpu.memory_space<vmem>> -> memref<1x128x16xf32, #tpu.memory_space<vmem>>
          %dma_start3A_188 = tpu.memref_squeeze %dma_start3A_187 : memref<1x128x16xf32, #tpu.memory_space<vmem>> -> memref<128x16xf32, #tpu.memory_space<vmem>>
          %dma_start3A_189 = arith.constant 0 : i32
          %dma_start3A_190 = tpu.memref_slice %arg9[%add3A_155, %dma_start3A_189] : memref<16x128xi32, #tpu.memory_space<vmem>> -> memref<1x128xi32, #tpu.memory_space<vmem>>
          %dma_start3A_191 = tpu.memref_squeeze %dma_start3A_190 : memref<1x128xi32, #tpu.memory_space<vmem>> -> memref<128xi32, #tpu.memory_space<vmem>>
          %dma_start3A_192 = arith.constant 0 : i32
          %dma_start3A_193 = arith.constant 0 : i32
          %dma_start3A_194 = tpu.memref_slice %arg17[%dma_start3A_192, %dma_start3A_193] : memref<50048x16xf32, #tpu.memory_space<vmem_shared>> -> memref<50048x16xf32, #tpu.memory_space<vmem_shared>>
          tpu.enqueue_indirect_dma source(%dma_start3A_194 : memref<50048x16xf32, #tpu.memory_space<vmem_shared>>) target(%dma_start3A_188 : memref<128x16xf32, #tpu.memory_space<vmem>>) offsets(%dma_start3A_191 : memref<128xi32, #tpu.memory_space<vmem>>) semaphore(%arg20 : memref<!tpu.dma_semaphore, #tpu.memory_space<semaphore_mem>>)
        } else {
        }
        %mul3A_161 = arith.constant 4 : i32
        %mul3A_162 = arith.muli %scan3A_96, %mul3A_161 : i32
        %add3A_163 = arith.constant 3 : i32
        %add3A_164 = arith.addi %mul3A_162, %add3A_163 : i32
        %dma_wait3A_165 = arith.constant 3 : i32
        %dma_wait3A_166 = arith.constant 0 : i32
        %dma_wait3A_167 = arith.constant 0 : i32
        %dma_wait3A_168 = tpu.memref_slice %arg11[%dma_wait3A_165, %dma_wait3A_166, %dma_wait3A_167] : memref<4x128x16xf32, #tpu.memory_space<vmem>> -> memref<1x128x16xf32, #tpu.memory_space<vmem>>
        %dma_wait3A_169 = tpu.memref_squeeze %dma_wait3A_168 : memref<1x128x16xf32, #tpu.memory_space<vmem>> -> memref<128x16xf32, #tpu.memory_space<vmem>>
        %dma_wait3A_170 = arith.constant 0 : i32
        %dma_wait3A_171 = tpu.memref_slice %arg9[%add3A_164, %dma_wait3A_170] : memref<16x128xi32, #tpu.memory_space<vmem>> -> memref<1x128xi32, #tpu.memory_space<vmem>>
        %dma_wait3A_172 = tpu.memref_squeeze %dma_wait3A_171 : memref<1x128xi32, #tpu.memory_space<vmem>> -> memref<128xi32, #tpu.memory_space<vmem>>
        %dma_wait3A_173 = arith.constant 0 : i32
        %dma_wait3A_174 = arith.constant 0 : i32
        %dma_wait3A_175 = tpu.memref_slice %arg17[%dma_wait3A_173, %dma_wait3A_174] : memref<50048x16xf32, #tpu.memory_space<vmem_shared>> -> memref<50048x16xf32, #tpu.memory_space<vmem_shared>>
        tpu.wait_indirect_dma semaphore(%arg21 : memref<!tpu.dma_semaphore, #tpu.memory_space<semaphore_mem>>) src(%dma_wait3A_175 : memref<50048x16xf32, #tpu.memory_space<vmem_shared>>) dst(%dma_wait3A_169 : memref<128x16xf32, #tpu.memory_space<vmem>>)
        %run_scoped3A_176 = arith.constant 3 : i32
        "tpu.region"() ({
          %run_scoped3A_184 = tpu.sem_alloc : memref<!tpu.dma_semaphore, #tpu.memory_space<semaphore_mem>>
          %dma_start3A_185 = arith.constant 0 : i32
          %dma_start3A_186 = arith.constant 0 : i32
          %dma_start3A_187 = tpu.memref_slice %arg11[%run_scoped3A_176, %dma_start3A_185, %dma_start3A_186] : memref<4x128x16xf32, #tpu.memory_space<vmem>> -> memref<1x128x16xf32, #tpu.memory_space<vmem>>
          %dma_start3A_188 = tpu.memref_squeeze %dma_start3A_187 : memref<1x128x16xf32, #tpu.memory_space<vmem>> -> memref<128x16xf32, #tpu.memory_space<vmem>>
          %dma_start3A_189 = arith.constant 0 : i32
          %dma_start3A_190 = tpu.memref_slice %arg10[%add3A_164, %dma_start3A_189] : memref<16x128xi32, #tpu.memory_space<vmem>> -> memref<1x128xi32, #tpu.memory_space<vmem>>
          %dma_start3A_191 = tpu.memref_squeeze %dma_start3A_190 : memref<1x128xi32, #tpu.memory_space<vmem>> -> memref<128xi32, #tpu.memory_space<vmem>>
          %dma_start3A_192 = arith.constant 0 : i32
          %dma_start3A_193 = arith.constant 0 : i32
          %dma_start3A_194 = tpu.memref_slice %arg16[%dma_start3A_192, %dma_start3A_193] : memref<50048x16xf32, #tpu.memory_space<vmem_shared>> -> memref<50048x16xf32, #tpu.memory_space<vmem_shared>>
          tpu.enqueue_indirect_dma source(%dma_start3A_188 : memref<128x16xf32, #tpu.memory_space<vmem>>) target(%dma_start3A_194 : memref<50048x16xf32, #tpu.memory_space<vmem_shared>>) offsets(%dma_start3A_191 : memref<128xi32, #tpu.memory_space<vmem>>) semaphore(%run_scoped3A_184 : memref<!tpu.dma_semaphore, #tpu.memory_space<semaphore_mem>>) {add = true}
          %dma_wait3A_195 = arith.constant 0 : i32
          %dma_wait3A_196 = arith.constant 0 : i32
          %dma_wait3A_197 = tpu.memref_slice %arg11[%run_scoped3A_176, %dma_wait3A_195, %dma_wait3A_196] : memref<4x128x16xf32, #tpu.memory_space<vmem>> -> memref<1x128x16xf32, #tpu.memory_space<vmem>>
          %dma_wait3A_198 = tpu.memref_squeeze %dma_wait3A_197 : memref<1x128x16xf32, #tpu.memory_space<vmem>> -> memref<128x16xf32, #tpu.memory_space<vmem>>
          %dma_wait3A_199 = arith.constant 0 : i32
          %dma_wait3A_200 = tpu.memref_slice %arg10[%add3A_164, %dma_wait3A_199] : memref<16x128xi32, #tpu.memory_space<vmem>> -> memref<1x128xi32, #tpu.memory_space<vmem>>
          %dma_wait3A_201 = tpu.memref_squeeze %dma_wait3A_200 : memref<1x128xi32, #tpu.memory_space<vmem>> -> memref<128xi32, #tpu.memory_space<vmem>>
          %dma_wait3A_202 = arith.constant 0 : i32
          %dma_wait3A_203 = arith.constant 0 : i32
          %dma_wait3A_204 = tpu.memref_slice %arg16[%dma_wait3A_202, %dma_wait3A_203] : memref<50048x16xf32, #tpu.memory_space<vmem_shared>> -> memref<50048x16xf32, #tpu.memory_space<vmem_shared>>
          tpu.wait_indirect_dma semaphore(%run_scoped3A_184 : memref<!tpu.dma_semaphore, #tpu.memory_space<semaphore_mem>>) src(%dma_wait3A_198 : memref<128x16xf32, #tpu.memory_space<vmem>>) dst(%dma_wait3A_204 : memref<50048x16xf32, #tpu.memory_space<vmem_shared>>)
          tpu.yield
        }) : () -> ()
        %add3A_177 = arith.constant 4 : i32
        %add3A_178 = arith.addi %add3A_164, %add3A_177 : i32
        %lt3A_179 = arith.constant 16 : i32
        %lt3A_180 = arith.cmpi slt, %add3A_178, %lt3A_179 : i32
        %convert_element_type3A_181 = arith.extui %lt3A_180 : i1 to i32
        %cond3A_182 = arith.constant 0 : i32
        %cond3A_183 = arith.cmpi ne, %convert_element_type3A_181, %cond3A_182 : i32
        scf.if %cond3A_183 {
          %dma_start3A_184 = arith.constant 3 : i32
          %dma_start3A_185 = arith.constant 0 : i32
          %dma_start3A_186 = arith.constant 0 : i32
          %dma_start3A_187 = tpu.memref_slice %arg11[%dma_start3A_184, %dma_start3A_185, %dma_start3A_186] : memref<4x128x16xf32, #tpu.memory_space<vmem>> -> memref<1x128x16xf32, #tpu.memory_space<vmem>>
          %dma_start3A_188 = tpu.memref_squeeze %dma_start3A_187 : memref<1x128x16xf32, #tpu.memory_space<vmem>> -> memref<128x16xf32, #tpu.memory_space<vmem>>
          %dma_start3A_189 = arith.constant 0 : i32
          %dma_start3A_190 = tpu.memref_slice %arg9[%add3A_178, %dma_start3A_189] : memref<16x128xi32, #tpu.memory_space<vmem>> -> memref<1x128xi32, #tpu.memory_space<vmem>>
          %dma_start3A_191 = tpu.memref_squeeze %dma_start3A_190 : memref<1x128xi32, #tpu.memory_space<vmem>> -> memref<128xi32, #tpu.memory_space<vmem>>
          %dma_start3A_192 = arith.constant 0 : i32
          %dma_start3A_193 = arith.constant 0 : i32
          %dma_start3A_194 = tpu.memref_slice %arg17[%dma_start3A_192, %dma_start3A_193] : memref<50048x16xf32, #tpu.memory_space<vmem_shared>> -> memref<50048x16xf32, #tpu.memory_space<vmem_shared>>
          tpu.enqueue_indirect_dma source(%dma_start3A_194 : memref<50048x16xf32, #tpu.memory_space<vmem_shared>>) target(%dma_start3A_188 : memref<128x16xf32, #tpu.memory_space<vmem>>) offsets(%dma_start3A_191 : memref<128xi32, #tpu.memory_space<vmem>>) semaphore(%arg21 : memref<!tpu.dma_semaphore, #tpu.memory_space<semaphore_mem>>)
        } else {
        }
      }
      %scan3A_95 = arith.constant 4 : i32
    }
    %scan3A_38 = arith.constant 25 : i32
    %barrier3A_39 = arith.constant 0 : index
    tpu.barrier barrier_id(%barrier3A_39)
    "tpu.region"() ({
      %run_scoped3A = tpu.sem_alloc : memref<!tpu.dma_semaphore, #tpu.memory_space<semaphore_mem>>
      %dma_start3A = tpu.memref_slice %arg8[%mul3A_0, %mul3A_4] : memref<50048x32xf32, #tpu.memory_space<hbm>> -> memref<3128x16xf32, #tpu.memory_space<hbm>>
      %dma_start3A_40 = arith.constant 0 : i32
      %dma_start3A_41 = tpu.memref_slice %arg16[%mul3A_0, %dma_start3A_40] : memref<50048x16xf32, #tpu.memory_space<vmem_shared>> -> memref<3128x16xf32, #tpu.memory_space<vmem_shared>>
      tpu.enqueue_dma source(%dma_start3A_41 : memref<3128x16xf32, #tpu.memory_space<vmem_shared>>) target(%dma_start3A : memref<3128x16xf32, #tpu.memory_space<hbm>>) target_semaphore(%run_scoped3A : memref<!tpu.dma_semaphore, #tpu.memory_space<semaphore_mem>>)
      %dma_wait3A = tpu.memref_slice %arg8[%mul3A_0, %mul3A_4] : memref<50048x32xf32, #tpu.memory_space<hbm>> -> memref<3128x16xf32, #tpu.memory_space<hbm>>
      %dma_wait3A_42 = arith.constant 0 : i32
      %dma_wait3A_43 = tpu.memref_slice %arg16[%mul3A_0, %dma_wait3A_42] : memref<50048x16xf32, #tpu.memory_space<vmem_shared>> -> memref<3128x16xf32, #tpu.memory_space<vmem_shared>>
      tpu.wait_dma2 semaphore(%run_scoped3A : memref<!tpu.dma_semaphore, #tpu.memory_space<semaphore_mem>>) src(%dma_wait3A_43 : memref<3128x16xf32, #tpu.memory_space<vmem_shared>>) dst(%dma_wait3A : memref<3128x16xf32, #tpu.memory_space<hbm>>)
      tpu.yield
    }) : () -> ()
    return
  }
}

module attributes {stable_mosaic.version = 14 : i64} {
  func.func @_pb_kernel(%arg0: i32, %arg1: memref<2000x73xf32, #tpu.memory_space<vmem>>, %arg2: memref<73x128xf32, #tpu.memory_space<vmem>>, %arg3: memref<1x32xf32, #tpu.memory_space<vmem>>, %arg4: memref<2x2000x8xf32, #tpu.memory_space<vmem>>, %arg5: memref<2000x32xf32, #tpu.memory_space<vmem>>, %arg6: memref<2000x64xf32, #tpu.memory_space<vmem>>, %arg7: memref<2x2000x16xf32, #tpu.memory_space<vmem>>, %arg8: memref<2000x1xf32, #tpu.memory_space<vmem>>, %arg9: memref<2000x1xf32, #tpu.memory_space<vmem>>) attributes {dimension_semantics = [#tpu.dimension_semantics<arbitrary>], iteration_bounds = array<i64: 25>, scalar_prefetch = 0 : i64, scratch_operands = 0 : i64, tpu.core_type = #tpu.core_type<tc>, window_params = [{transform_indices = @transform_0, window_bounds = array<i64: 2000, 73>}, {pipeline_mode = #tpu.pipeline_mode<synchronous>, transform_indices = @transform_1, window_bounds = array<i64: 73, 128>}, {pipeline_mode = #tpu.pipeline_mode<synchronous>, transform_indices = @transform_2, window_bounds = array<i64: 1, 32>}, {transform_indices = @transform_3, window_bounds = array<i64: 2, 2000, 8>}, {transform_indices = @transform_4, window_bounds = array<i64: 2000, 32>}, {transform_indices = @transform_5, window_bounds = array<i64: 2000, 64>}, {transform_indices = @transform_6, window_bounds = array<i64: 2, 2000, 16>}, {transform_indices = @transform_7, window_bounds = array<i64: 2000, 1>}, {transform_indices = @transform_8, window_bounds = array<i64: 2000, 1>}]} {
    %get3A = arith.constant 0 : index
    %get3A_0 = arith.constant 0 : index
    %get3A_1 = vector.load %arg1[%get3A, %get3A_0] : memref<2000x73xf32, #tpu.memory_space<vmem>>, vector<2000x73xf32>
    %get3A_2 = arith.constant 0 : index
    %get3A_3 = arith.constant 0 : index
    %get3A_4 = vector.load %arg2[%get3A_2, %get3A_3] : memref<73x128xf32, #tpu.memory_space<vmem>>, vector<73x128xf32>
    %dot_general3A = arith.constant dense<0.000000e+00> : vector<2000x128xf32>
    %dot_general3A_5 = tpu.matmul %get3A_1, %get3A_4, %dot_general3A {dimension_numbers = #tpu.dot_dimension_numbers<[1], [0], [0], [1], [0, 0, 1, 1], [], []>, transpose_lhs_hint = false} : vector<2000x73xf32>, vector<73x128xf32>, vector<2000x128xf32> -> vector<2000x128xf32>
    %get3A_6 = arith.constant 0 : index
    %get3A_7 = arith.constant 0 : index
    %get3A_8 = arith.constant 0 : index
    %get3A_9 = vector.load %arg4[%get3A_6, %get3A_7, %get3A_8] : memref<2x2000x8xf32, #tpu.memory_space<vmem>>, vector<1x2000x1xf32>
    %get3A_10 = vector.shape_cast %get3A_9 : vector<1x2000x1xf32> to vector<2000x1xf32>
    %get3A_11 = arith.constant 1 : index
    %get3A_12 = arith.constant 0 : index
    %get3A_13 = arith.constant 0 : index
    %get3A_14 = vector.load %arg4[%get3A_11, %get3A_12, %get3A_13] : memref<2x2000x8xf32, #tpu.memory_space<vmem>>, vector<1x2000x1xf32>
    %get3A_15 = vector.shape_cast %get3A_14 : vector<1x2000x1xf32> to vector<2000x1xf32>
    %add3A = arith.addf %get3A_10, %get3A_15 : vector<2000x1xf32>
    %gt3A = arith.constant 0.000000e+00 : f32
    %gt3A_16 = vector.broadcast %gt3A : f32 to vector<2000x1xf32>
    %gt3A_17 = arith.cmpf ogt, %add3A, %gt3A_16 : vector<2000x1xf32>
    %max3A = arith.constant 1.000000e+00 : f32
    %max3A_18 = vector.broadcast %max3A : f32 to vector<2000x1xf32>
    %max3A_19 = arith.maximumf %add3A, %max3A_18 : vector<2000x1xf32>
    %rsqrt3A = math.rsqrt %max3A_19 : vector<2000x1xf32>
    %jit3A = arith.constant 0.000000e+00 : f32
    %broadcast_in_dim3A = vector.broadcast %jit3A : f32 to vector<2000x1xf32>
    %select_n3A = arith.select %gt3A_17, %rsqrt3A, %broadcast_in_dim3A : vector<2000x1xi1>, vector<2000x1xf32>
    %slice3A = vector.extract_strided_slice %dot_general3A_5 {offsets = [0, 0], sizes = [2000, 32], strides = [1, 1]} : vector<2000x128xf32> to vector<2000x32xf32>
    %get3A_20 = arith.constant 0 : index
    %get3A_21 = arith.constant 0 : index
    %get3A_22 = vector.load %arg3[%get3A_20, %get3A_21] : memref<1x32xf32, #tpu.memory_space<vmem>>, vector<1x32xf32>
    %add3A_23 = vector.broadcast %get3A_22 : vector<1x32xf32> to vector<2000x32xf32>
    %add3A_24 = arith.addf %slice3A, %add3A_23 : vector<2000x32xf32>
    %swap3A = arith.constant 0 : index
    %swap3A_25 = arith.constant 0 : index
    %swap3A_26 = vector.load %arg5[%swap3A, %swap3A_25] : memref<2000x32xf32, #tpu.memory_space<vmem>>, vector<2000x32xf32>
    tpu.vector_store %arg5[%swap3A, %swap3A_25], %add3A_24 {strides = array<i32>} : memref<2000x32xf32, #tpu.memory_space<vmem>>, vector<2000x32xf32>,
    %slice3A_27 = vector.extract_strided_slice %dot_general3A_5 {offsets = [0, 64], sizes = [2000, 32], strides = [1, 1]} : vector<2000x128xf32> to vector<2000x32xf32>
    %mul3A = vector.broadcast %select_n3A : vector<2000x1xf32> to vector<2000x32xf32>
    %mul3A_28 = arith.mulf %mul3A, %slice3A_27 : vector<2000x32xf32>
    %swap3A_29 = arith.constant 0 : index
    %swap3A_30 = arith.constant 0 : index
    %swap3A_31 = vector.load %arg6[%swap3A_29, %swap3A_30] : memref<2000x64xf32, #tpu.memory_space<vmem>>, vector<2000x32xf32>
    tpu.vector_store %arg6[%swap3A_29, %swap3A_30], %mul3A_28 {strides = array<i32>} : memref<2000x64xf32, #tpu.memory_space<vmem>>, vector<2000x32xf32>,
    %slice3A_32 = vector.extract_strided_slice %dot_general3A_5 {offsets = [0, 32], sizes = [2000, 32], strides = [1, 1]} : vector<2000x128xf32> to vector<2000x32xf32>
    %mul3A_33 = vector.broadcast %select_n3A : vector<2000x1xf32> to vector<2000x32xf32>
    %mul3A_34 = arith.mulf %mul3A_33, %slice3A_32 : vector<2000x32xf32>
    %swap3A_35 = arith.constant 0 : index
    %swap3A_36 = arith.constant 32 : index
    %swap3A_37 = vector.load %arg6[%swap3A_35, %swap3A_36] : memref<2000x64xf32, #tpu.memory_space<vmem>>, vector<2000x32xf32>
    tpu.vector_store %arg6[%swap3A_35, %swap3A_36], %mul3A_34 {strides = array<i32>} : memref<2000x64xf32, #tpu.memory_space<vmem>>, vector<2000x32xf32>,
    %slice3A_38 = vector.extract_strided_slice %dot_general3A_5 {offsets = [0, 96], sizes = [2000, 32], strides = [1, 1]} : vector<2000x128xf32> to vector<2000x32xf32>
    %mul3A_39 = vector.broadcast %select_n3A : vector<2000x1xf32> to vector<2000x32xf32>
    %mul3A_40 = arith.mulf %mul3A_39, %slice3A_38 : vector<2000x32xf32>
    %slice3A_41 = vector.extract_strided_slice %mul3A_40 {offsets = [0, 0], sizes = [2000, 16], strides = [1, 1]} : vector<2000x32xf32> to vector<2000x16xf32>
    %swap3A_42 = arith.constant 0 : index
    %swap3A_43 = arith.constant 0 : index
    %swap3A_44 = arith.constant 0 : index
    %swap3A_45 = vector.load %arg7[%swap3A_42, %swap3A_43, %swap3A_44] : memref<2x2000x16xf32, #tpu.memory_space<vmem>>, vector<1x2000x16xf32>
    %swap3A_46 = vector.shape_cast %swap3A_45 : vector<1x2000x16xf32> to vector<2000x16xf32>
    %swap3A_47 = vector.shape_cast %slice3A_41 : vector<2000x16xf32> to vector<1x2000x16xf32>
    tpu.vector_store %arg7[%swap3A_42, %swap3A_43, %swap3A_44], %swap3A_47 {strides = array<i32>} : memref<2x2000x16xf32, #tpu.memory_space<vmem>>, vector<1x2000x16xf32>,
    %slice3A_48 = vector.extract_strided_slice %mul3A_40 {offsets = [0, 16], sizes = [2000, 16], strides = [1, 1]} : vector<2000x32xf32> to vector<2000x16xf32>
    %swap3A_49 = arith.constant 1 : index
    %swap3A_50 = arith.constant 0 : index
    %swap3A_51 = arith.constant 0 : index
    %swap3A_52 = vector.load %arg7[%swap3A_49, %swap3A_50, %swap3A_51] : memref<2x2000x16xf32, #tpu.memory_space<vmem>>, vector<1x2000x16xf32>
    %swap3A_53 = vector.shape_cast %swap3A_52 : vector<1x2000x16xf32> to vector<2000x16xf32>
    %swap3A_54 = vector.shape_cast %slice3A_48 : vector<2000x16xf32> to vector<1x2000x16xf32>
    tpu.vector_store %arg7[%swap3A_49, %swap3A_50, %swap3A_51], %swap3A_54 {strides = array<i32>} : memref<2x2000x16xf32, #tpu.memory_space<vmem>>, vector<1x2000x16xf32>,
    %swap3A_55 = arith.constant 0 : index
    %swap3A_56 = arith.constant 0 : index
    %swap3A_57 = vector.load %arg8[%swap3A_55, %swap3A_56] : memref<2000x1xf32, #tpu.memory_space<vmem>>, vector<2000x1xf32>
    tpu.vector_store %arg8[%swap3A_55, %swap3A_56], %select_n3A {strides = array<i32>} : memref<2000x1xf32, #tpu.memory_space<vmem>>, vector<2000x1xf32>,
    %mul3A_58 = arith.mulf %select_n3A, %select_n3A : vector<2000x1xf32>
    %swap3A_59 = arith.constant 0 : index
    %swap3A_60 = arith.constant 0 : index
    %swap3A_61 = vector.load %arg9[%swap3A_59, %swap3A_60] : memref<2000x1xf32, #tpu.memory_space<vmem>>, vector<2000x1xf32>
    tpu.vector_store %arg9[%swap3A_59, %swap3A_60], %mul3A_58 {strides = array<i32>} : memref<2000x1xf32, #tpu.memory_space<vmem>>, vector<2000x1xf32>,
    return
  }
  func.func @transform_0(%arg0: i32) -> (i32, i32) {
    %c0_i32 = arith.constant 0 : i32
    %c0_i32_0 = arith.constant 0 : i32
    return %arg0, %c0_i32 : i32, i32
  }
  func.func @transform_1(%arg0: i32) -> (i32, i32) {
    %c0_i32 = arith.constant 0 : i32
    %c0_i32_0 = arith.constant 0 : i32
    %c0_i32_1 = arith.constant 0 : i32
    return %c0_i32, %c0_i32_0 : i32, i32
  }
  func.func @transform_2(%arg0: i32) -> (i32, i32) {
    %c0_i32 = arith.constant 0 : i32
    %c0_i32_0 = arith.constant 0 : i32
    %c0_i32_1 = arith.constant 0 : i32
    return %c0_i32, %c0_i32_0 : i32, i32
  }
  func.func @transform_3(%arg0: i32) -> (i32, i32, i32) {
    %c0_i32 = arith.constant 0 : i32
    %c0_i32_0 = arith.constant 0 : i32
    %c0_i32_1 = arith.constant 0 : i32
    return %c0_i32, %arg0, %c0_i32_0 : i32, i32, i32
  }
  func.func @transform_4(%arg0: i32) -> (i32, i32) {
    %c0_i32 = arith.constant 0 : i32
    %c0_i32_0 = arith.constant 0 : i32
    return %arg0, %c0_i32 : i32, i32
  }
  func.func @transform_5(%arg0: i32) -> (i32, i32) {
    %c0_i32 = arith.constant 0 : i32
    %c0_i32_0 = arith.constant 0 : i32
    return %arg0, %c0_i32 : i32, i32
  }
  func.func @transform_6(%arg0: i32) -> (i32, i32, i32) {
    %c0_i32 = arith.constant 0 : i32
    %c0_i32_0 = arith.constant 0 : i32
    %c0_i32_1 = arith.constant 0 : i32
    return %c0_i32, %arg0, %c0_i32_0 : i32, i32, i32
  }
  func.func @transform_7(%arg0: i32) -> (i32, i32) {
    %c0_i32 = arith.constant 0 : i32
    %c0_i32_0 = arith.constant 0 : i32
    return %arg0, %c0_i32 : i32, i32
  }
  func.func @transform_8(%arg0: i32) -> (i32, i32) {
    %c0_i32 = arith.constant 0 : i32
    %c0_i32_0 = arith.constant 0 : i32
    return %arg0, %c0_i32 : i32, i32
  }
}

module attributes {stable_mosaic.version = 14 : i64} {
  func.func @_comb3_kernel(%arg0: i32, %arg1: memref<2000x32xf32, #tpu.memory_space<vmem>>, %arg2: memref<2000x1xf32, #tpu.memory_space<vmem>>, %arg3: memref<2000x32xf32, #tpu.memory_space<vmem>>, %arg4: memref<2000x32xf32, #tpu.memory_space<vmem>>, %arg5: memref<1x32xf32, #tpu.memory_space<vmem>>, %arg6: memref<1x32xf32, #tpu.memory_space<vmem>>) attributes {dimension_semantics = [#tpu.dimension_semantics<arbitrary>], iteration_bounds = array<i64: 25>, scalar_prefetch = 0 : i64, scratch_operands = 0 : i64, tpu.core_type = #tpu.core_type<tc>, window_params = [{transform_indices = @transform_0, window_bounds = array<i64: 2000, 32>}, {transform_indices = @transform_1, window_bounds = array<i64: 2000, 1>}, {transform_indices = @transform_2, window_bounds = array<i64: 2000, 32>}, {transform_indices = @transform_3, window_bounds = array<i64: 2000, 32>}, {pipeline_mode = #tpu.pipeline_mode<synchronous>, transform_indices = @transform_4, window_bounds = array<i64: 1, 32>}, {pipeline_mode = #tpu.pipeline_mode<synchronous>, transform_indices = @transform_5, window_bounds = array<i64: 1, 32>}]} {
    %get3A = arith.constant 0 : index
    %get3A_0 = arith.constant 0 : index
    %get3A_1 = vector.load %arg2[%get3A, %get3A_0] : memref<2000x1xf32, #tpu.memory_space<vmem>>, vector<2000x1xf32>
    %get3A_2 = arith.constant 0 : index
    %get3A_3 = arith.constant 0 : index
    %get3A_4 = vector.load %arg1[%get3A_2, %get3A_3] : memref<2000x32xf32, #tpu.memory_space<vmem>>, vector<2000x32xf32>
    %mul3A = vector.broadcast %get3A_1 : vector<2000x1xf32> to vector<2000x32xf32>
    %mul3A_5 = arith.mulf %mul3A, %get3A_4 : vector<2000x32xf32>
    %get3A_6 = arith.constant 0 : index
    %get3A_7 = arith.constant 0 : index
    %get3A_8 = vector.load %arg3[%get3A_6, %get3A_7] : memref<2000x32xf32, #tpu.memory_space<vmem>>, vector<2000x32xf32>
    %add3A = arith.addf %mul3A_5, %get3A_8 : vector<2000x32xf32>
    %swap3A = arith.constant 0 : index
    %swap3A_9 = arith.constant 0 : index
    %swap3A_10 = vector.load %arg4[%swap3A, %swap3A_9] : memref<2000x32xf32, #tpu.memory_space<vmem>>, vector<2000x32xf32>
    tpu.vector_store %arg4[%swap3A, %swap3A_9], %add3A {strides = array<i32>} : memref<2000x32xf32, #tpu.memory_space<vmem>>, vector<2000x32xf32>,
    %reduce_sum3A = arith.constant dense<0.000000e+00> : vector<32xf32>
    %reduce_sum3A_11 = vector.multi_reduction <add>, %add3A, %reduce_sum3A [0] : vector<2000x32xf32> to vector<32xf32>
    %broadcast_in_dim3A = vector.shape_cast %reduce_sum3A_11 : vector<32xf32> to vector<1x32xf32>
    %mul3A_12 = arith.mulf %add3A, %add3A : vector<2000x32xf32>
    %reduce_sum3A_13 = arith.constant dense<0.000000e+00> : vector<32xf32>
    %reduce_sum3A_14 = vector.multi_reduction <add>, %mul3A_12, %reduce_sum3A_13 [0] : vector<2000x32xf32> to vector<32xf32>
    %broadcast_in_dim3A_15 = vector.shape_cast %reduce_sum3A_14 : vector<32xf32> to vector<1x32xf32>
    %eq3A = arith.constant 0 : i32
    %eq3A_16 = arith.cmpi eq, %arg0, %eq3A : i32
    %convert_element_type3A = arith.extui %eq3A_16 : i1 to i32
    %cond3A = arith.constant 0 : i32
    %cond3A_17 = arith.cmpi ne, %convert_element_type3A, %cond3A : i32
    scf.if %cond3A_17 {
      %swap3A_22 = arith.constant 0 : index
      %swap3A_23 = arith.constant 0 : index
      %swap3A_24 = vector.load %arg5[%swap3A_22, %swap3A_23] : memref<1x32xf32, #tpu.memory_space<vmem>>, vector<1x32xf32>
      tpu.vector_store %arg5[%swap3A_22, %swap3A_23], %broadcast_in_dim3A {strides = array<i32>} : memref<1x32xf32, #tpu.memory_space<vmem>>, vector<1x32xf32>,
      %swap3A_25 = arith.constant 0 : index
      %swap3A_26 = arith.constant 0 : index
      %swap3A_27 = vector.load %arg6[%swap3A_25, %swap3A_26] : memref<1x32xf32, #tpu.memory_space<vmem>>, vector<1x32xf32>
      tpu.vector_store %arg6[%swap3A_25, %swap3A_26], %broadcast_in_dim3A_15 {strides = array<i32>} : memref<1x32xf32, #tpu.memory_space<vmem>>, vector<1x32xf32>,
    } else {
    }
    %gt3A = arith.constant 0 : i32
    %gt3A_18 = arith.cmpi sgt, %arg0, %gt3A : i32
    %convert_element_type3A_19 = arith.extui %gt3A_18 : i1 to i32
    %cond3A_20 = arith.constant 0 : i32
    %cond3A_21 = arith.cmpi ne, %convert_element_type3A_19, %cond3A_20 : i32
    scf.if %cond3A_21 {
      %get3A_22 = arith.constant 0 : index
      %get3A_23 = arith.constant 0 : index
      %get3A_24 = vector.load %arg5[%get3A_22, %get3A_23] : memref<1x32xf32, #tpu.memory_space<vmem>>, vector<1x32xf32>
      %add3A_25 = arith.addf %get3A_24, %broadcast_in_dim3A : vector<1x32xf32>
      %swap3A_26 = arith.constant 0 : index
      %swap3A_27 = arith.constant 0 : index
      %swap3A_28 = vector.load %arg5[%swap3A_26, %swap3A_27] : memref<1x32xf32, #tpu.memory_space<vmem>>, vector<1x32xf32>
      tpu.vector_store %arg5[%swap3A_26, %swap3A_27], %add3A_25 {strides = array<i32>} : memref<1x32xf32, #tpu.memory_space<vmem>>, vector<1x32xf32>,
      %get3A_29 = arith.constant 0 : index
      %get3A_30 = arith.constant 0 : index
      %get3A_31 = vector.load %arg6[%get3A_29, %get3A_30] : memref<1x32xf32, #tpu.memory_space<vmem>>, vector<1x32xf32>
      %add3A_32 = arith.addf %get3A_31, %broadcast_in_dim3A_15 : vector<1x32xf32>
      %swap3A_33 = arith.constant 0 : index
      %swap3A_34 = arith.constant 0 : index
      %swap3A_35 = vector.load %arg6[%swap3A_33, %swap3A_34] : memref<1x32xf32, #tpu.memory_space<vmem>>, vector<1x32xf32>
      tpu.vector_store %arg6[%swap3A_33, %swap3A_34], %add3A_32 {strides = array<i32>} : memref<1x32xf32, #tpu.memory_space<vmem>>, vector<1x32xf32>,
    } else {
    }
    return
  }
  func.func @transform_0(%arg0: i32) -> (i32, i32) {
    %c0_i32 = arith.constant 0 : i32
    %c0_i32_0 = arith.constant 0 : i32
    return %arg0, %c0_i32 : i32, i32
  }
  func.func @transform_1(%arg0: i32) -> (i32, i32) {
    %c0_i32 = arith.constant 0 : i32
    %c0_i32_0 = arith.constant 0 : i32
    return %arg0, %c0_i32 : i32, i32
  }
  func.func @transform_2(%arg0: i32) -> (i32, i32) {
    %c0_i32 = arith.constant 0 : i32
    %c0_i32_0 = arith.constant 0 : i32
    return %arg0, %c0_i32 : i32, i32
  }
  func.func @transform_3(%arg0: i32) -> (i32, i32) {
    %c0_i32 = arith.constant 0 : i32
    %c0_i32_0 = arith.constant 0 : i32
    return %arg0, %c0_i32 : i32, i32
  }
  func.func @transform_4(%arg0: i32) -> (i32, i32) {
    %c0_i32 = arith.constant 0 : i32
    %c0_i32_0 = arith.constant 0 : i32
    %c0_i32_1 = arith.constant 0 : i32
    return %c0_i32, %c0_i32_0 : i32, i32
  }
  func.func @transform_5(%arg0: i32) -> (i32, i32) {
    %c0_i32 = arith.constant 0 : i32
    %c0_i32_0 = arith.constant 0 : i32
    %c0_i32_1 = arith.constant 0 : i32
    return %c0_i32, %c0_i32_0 : i32, i32
  }
}

module attributes {stable_mosaic.version = 14 : i64} {
  func.func @_layer_kernel(%arg0: i32, %arg1: memref<2000x32xf32, #tpu.memory_space<vmem>>, %arg2: memref<1x32xf32, #tpu.memory_space<vmem>>, %arg3: memref<1x32xf32, #tpu.memory_space<vmem>>, %arg4: memref<32x16xf32, #tpu.memory_space<vmem>>, %arg5: memref<1x16xf32, #tpu.memory_space<vmem>>, %arg6: memref<1x32xf32, #tpu.memory_space<vmem>>, %arg7: memref<1x32xf32, #tpu.memory_space<vmem>>, %arg8: memref<2000x16xf32, #tpu.memory_space<vmem>>, %arg9: memref<1x16xf32, #tpu.memory_space<vmem>>, %arg10: memref<1x16xf32, #tpu.memory_space<vmem>>) attributes {dimension_semantics = [#tpu.dimension_semantics<arbitrary>], iteration_bounds = array<i64: 25>, scalar_prefetch = 0 : i64, scratch_operands = 0 : i64, tpu.core_type = #tpu.core_type<tc>, window_params = [{transform_indices = @transform_0, window_bounds = array<i64: 2000, 32>}, {pipeline_mode = #tpu.pipeline_mode<synchronous>, transform_indices = @transform_1, window_bounds = array<i64: 1, 32>}, {pipeline_mode = #tpu.pipeline_mode<synchronous>, transform_indices = @transform_2, window_bounds = array<i64: 1, 32>}, {pipeline_mode = #tpu.pipeline_mode<synchronous>, transform_indices = @transform_3, window_bounds = array<i64: 32, 16>}, {pipeline_mode = #tpu.pipeline_mode<synchronous>, transform_indices = @transform_4, window_bounds = array<i64: 1, 16>}, {pipeline_mode = #tpu.pipeline_mode<synchronous>, transform_indices = @transform_5, window_bounds = array<i64: 1, 32>}, {pipeline_mode = #tpu.pipeline_mode<synchronous>, transform_indices = @transform_6, window_bounds = array<i64: 1, 32>}, {transform_indices = @transform_7, window_bounds = array<i64: 2000, 16>}, {pipeline_mode = #tpu.pipeline_mode<synchronous>, transform_indices = @transform_8, window_bounds = array<i64: 1, 16>}, {pipeline_mode = #tpu.pipeline_mode<synchronous>, transform_indices = @transform_9, window_bounds = array<i64: 1, 16>}]} {
    %get3A = arith.constant 0 : index
    %get3A_0 = arith.constant 0 : index
    %get3A_1 = vector.load %arg1[%get3A, %get3A_0] : memref<2000x32xf32, #tpu.memory_space<vmem>>, vector<2000x32xf32>
    %get3A_2 = arith.constant 0 : index
    %get3A_3 = arith.constant 0 : index
    %get3A_4 = vector.load %arg2[%get3A_2, %get3A_3] : memref<1x32xf32, #tpu.memory_space<vmem>>, vector<1x32xf32>
    %get3A_5 = arith.constant 0 : index
    %get3A_6 = arith.constant 0 : index
    %get3A_7 = vector.load %arg3[%get3A_5, %get3A_6] : memref<1x32xf32, #tpu.memory_space<vmem>>, vector<1x32xf32>
    %get3A_8 = arith.constant 0 : index
    %get3A_9 = arith.constant 0 : index
    %get3A_10 = vector.load %arg6[%get3A_8, %get3A_9] : memref<1x32xf32, #tpu.memory_space<vmem>>, vector<1x32xf32>
    %get3A_11 = arith.constant 0 : index
    %get3A_12 = arith.constant 0 : index
    %get3A_13 = vector.load %arg7[%get3A_11, %get3A_12] : memref<1x32xf32, #tpu.memory_space<vmem>>, vector<1x32xf32>
    %mul3A = arith.constant 2.000000e-05 : f32
    %mul3A_14 = vector.broadcast %mul3A : f32 to vector<1x32xf32>
    %mul3A_15 = arith.mulf %get3A_4, %mul3A_14 : vector<1x32xf32>
    %mul3A_16 = arith.constant 2.000000e-05 : f32
    %mul3A_17 = vector.broadcast %mul3A_16 : f32 to vector<1x32xf32>
    %mul3A_18 = arith.mulf %get3A_7, %mul3A_17 : vector<1x32xf32>
    %mul3A_19 = arith.mulf %mul3A_15, %mul3A_15 : vector<1x32xf32>
    %sub3A = arith.subf %mul3A_18, %mul3A_19 : vector<1x32xf32>
    %sub3A_20 = vector.broadcast %mul3A_15 : vector<1x32xf32> to vector<2000x32xf32>
    %sub3A_21 = arith.subf %get3A_1, %sub3A_20 : vector<2000x32xf32>
    %add3A = arith.constant 9.99999974E-6 : f32
    %add3A_22 = vector.broadcast %add3A : f32 to vector<1x32xf32>
    %add3A_23 = arith.addf %sub3A, %add3A_22 : vector<1x32xf32>
    %rsqrt3A = math.rsqrt %add3A_23 : vector<1x32xf32>
    %mul3A_24 = vector.broadcast %rsqrt3A : vector<1x32xf32> to vector<2000x32xf32>
    %mul3A_25 = arith.mulf %sub3A_21, %mul3A_24 : vector<2000x32xf32>
    %mul3A_26 = vector.broadcast %get3A_10 : vector<1x32xf32> to vector<2000x32xf32>
    %mul3A_27 = arith.mulf %mul3A_25, %mul3A_26 : vector<2000x32xf32>
    %add3A_28 = vector.broadcast %get3A_13 : vector<1x32xf32> to vector<2000x32xf32>
    %add3A_29 = arith.addf %mul3A_27, %add3A_28 : vector<2000x32xf32>
    %ge3A = arith.constant 0.000000e+00 : f32
    %ge3A_30 = vector.broadcast %ge3A : f32 to vector<2000x32xf32>
    %ge3A_31 = arith.cmpf oge, %add3A_29, %ge3A_30 : vector<2000x32xf32>
    %mul3A_32 = arith.constant 1.000000e-01 : f32
    %mul3A_33 = vector.broadcast %mul3A_32 : f32 to vector<2000x32xf32>
    %mul3A_34 = arith.mulf %mul3A_33, %add3A_29 : vector<2000x32xf32>
    %select_n3A = arith.select %ge3A_31, %add3A_29, %mul3A_34 : vector<2000x32xi1>, vector<2000x32xf32>
    %get3A_35 = arith.constant 0 : index
    %get3A_36 = arith.constant 0 : index
    %get3A_37 = vector.load %arg4[%get3A_35, %get3A_36] : memref<32x16xf32, #tpu.memory_space<vmem>>, vector<32x16xf32>
    %dot_general3A = arith.constant dense<0.000000e+00> : vector<2000x16xf32>
    %dot_general3A_38 = tpu.matmul %select_n3A, %get3A_37, %dot_general3A {dimension_numbers = #tpu.dot_dimension_numbers<[1], [0], [0], [1], [0, 0, 1, 1], [], []>, transpose_lhs_hint = false} : vector<2000x32xf32>, vector<32x16xf32>, vector<2000x16xf32> -> vector<2000x16xf32>
    %get3A_39 = arith.constant 0 : index
    %get3A_40 = arith.constant 0 : index
    %get3A_41 = vector.load %arg5[%get3A_39, %get3A_40] : memref<1x16xf32, #tpu.memory_space<vmem>>, vector<1x16xf32>
    %add3A_42 = vector.broadcast %get3A_41 : vector<1x16xf32> to vector<2000x16xf32>
    %add3A_43 = arith.addf %dot_general3A_38, %add3A_42 : vector<2000x16xf32>
    %swap3A = arith.constant 0 : index
    %swap3A_44 = arith.constant 0 : index
    %swap3A_45 = vector.load %arg8[%swap3A, %swap3A_44] : memref<2000x16xf32, #tpu.memory_space<vmem>>, vector<2000x16xf32>
    tpu.vector_store %arg8[%swap3A, %swap3A_44], %add3A_43 {strides = array<i32>} : memref<2000x16xf32, #tpu.memory_space<vmem>>, vector<2000x16xf32>,
    %reduce_sum3A = arith.constant dense<0.000000e+00> : vector<16xf32>
    %reduce_sum3A_46 = vector.multi_reduction <add>, %add3A_43, %reduce_sum3A [0] : vector<2000x16xf32> to vector<16xf32>
    %broadcast_in_dim3A = vector.shape_cast %reduce_sum3A_46 : vector<16xf32> to vector<1x16xf32>
    %mul3A_47 = arith.mulf %add3A_43, %add3A_43 : vector<2000x16xf32>
    %reduce_sum3A_48 = arith.constant dense<0.000000e+00> : vector<16xf32>
    %reduce_sum3A_49 = vector.multi_reduction <add>, %mul3A_47, %reduce_sum3A_48 [0] : vector<2000x16xf32> to vector<16xf32>
    %broadcast_in_dim3A_50 = vector.shape_cast %reduce_sum3A_49 : vector<16xf32> to vector<1x16xf32>
    %eq3A = arith.constant 0 : i32
    %eq3A_51 = arith.cmpi eq, %arg0, %eq3A : i32
    %convert_element_type3A = arith.extui %eq3A_51 : i1 to i32
    %cond3A = arith.constant 0 : i32
    %cond3A_52 = arith.cmpi ne, %convert_element_type3A, %cond3A : i32
    scf.if %cond3A_52 {
      %swap3A_57 = arith.constant 0 : index
      %swap3A_58 = arith.constant 0 : index
      %swap3A_59 = vector.load %arg9[%swap3A_57, %swap3A_58] : memref<1x16xf32, #tpu.memory_space<vmem>>, vector<1x16xf32>
      tpu.vector_store %arg9[%swap3A_57, %swap3A_58], %broadcast_in_dim3A {strides = array<i32>} : memref<1x16xf32, #tpu.memory_space<vmem>>, vector<1x16xf32>,
      %swap3A_60 = arith.constant 0 : index
      %swap3A_61 = arith.constant 0 : index
      %swap3A_62 = vector.load %arg10[%swap3A_60, %swap3A_61] : memref<1x16xf32, #tpu.memory_space<vmem>>, vector<1x16xf32>
      tpu.vector_store %arg10[%swap3A_60, %swap3A_61], %broadcast_in_dim3A_50 {strides = array<i32>} : memref<1x16xf32, #tpu.memory_space<vmem>>, vector<1x16xf32>,
    } else {
    }
    %gt3A = arith.constant 0 : i32
    %gt3A_53 = arith.cmpi sgt, %arg0, %gt3A : i32
    %convert_element_type3A_54 = arith.extui %gt3A_53 : i1 to i32
    %cond3A_55 = arith.constant 0 : i32
    %cond3A_56 = arith.cmpi ne, %convert_element_type3A_54, %cond3A_55 : i32
    scf.if %cond3A_56 {
      %get3A_57 = arith.constant 0 : index
      %get3A_58 = arith.constant 0 : index
      %get3A_59 = vector.load %arg9[%get3A_57, %get3A_58] : memref<1x16xf32, #tpu.memory_space<vmem>>, vector<1x16xf32>
      %add3A_60 = arith.addf %get3A_59, %broadcast_in_dim3A : vector<1x16xf32>
      %swap3A_61 = arith.constant 0 : index
      %swap3A_62 = arith.constant 0 : index
      %swap3A_63 = vector.load %arg9[%swap3A_61, %swap3A_62] : memref<1x16xf32, #tpu.memory_space<vmem>>, vector<1x16xf32>
      tpu.vector_store %arg9[%swap3A_61, %swap3A_62], %add3A_60 {strides = array<i32>} : memref<1x16xf32, #tpu.memory_space<vmem>>, vector<1x16xf32>,
      %get3A_64 = arith.constant 0 : index
      %get3A_65 = arith.constant 0 : index
      %get3A_66 = vector.load %arg10[%get3A_64, %get3A_65] : memref<1x16xf32, #tpu.memory_space<vmem>>, vector<1x16xf32>
      %add3A_67 = arith.addf %get3A_66, %broadcast_in_dim3A_50 : vector<1x16xf32>
      %swap3A_68 = arith.constant 0 : index
      %swap3A_69 = arith.constant 0 : index
      %swap3A_70 = vector.load %arg10[%swap3A_68, %swap3A_69] : memref<1x16xf32, #tpu.memory_space<vmem>>, vector<1x16xf32>
      tpu.vector_store %arg10[%swap3A_68, %swap3A_69], %add3A_67 {strides = array<i32>} : memref<1x16xf32, #tpu.memory_space<vmem>>, vector<1x16xf32>,
    } else {
    }
    return
  }
  func.func @transform_0(%arg0: i32) -> (i32, i32) {
    %c0_i32 = arith.constant 0 : i32
    %c0_i32_0 = arith.constant 0 : i32
    return %arg0, %c0_i32 : i32, i32
  }
  func.func @transform_1(%arg0: i32) -> (i32, i32) {
    %c0_i32 = arith.constant 0 : i32
    %c0_i32_0 = arith.constant 0 : i32
    %c0_i32_1 = arith.constant 0 : i32
    return %c0_i32, %c0_i32_0 : i32, i32
  }
  func.func @transform_2(%arg0: i32) -> (i32, i32) {
    %c0_i32 = arith.constant 0 : i32
    %c0_i32_0 = arith.constant 0 : i32
    %c0_i32_1 = arith.constant 0 : i32
    return %c0_i32, %c0_i32_0 : i32, i32
  }
  func.func @transform_3(%arg0: i32) -> (i32, i32) {
    %c0_i32 = arith.constant 0 : i32
    %c0_i32_0 = arith.constant 0 : i32
    %c0_i32_1 = arith.constant 0 : i32
    return %c0_i32, %c0_i32_0 : i32, i32
  }
  func.func @transform_4(%arg0: i32) -> (i32, i32) {
    %c0_i32 = arith.constant 0 : i32
    %c0_i32_0 = arith.constant 0 : i32
    %c0_i32_1 = arith.constant 0 : i32
    return %c0_i32, %c0_i32_0 : i32, i32
  }
  func.func @transform_5(%arg0: i32) -> (i32, i32) {
    %c0_i32 = arith.constant 0 : i32
    %c0_i32_0 = arith.constant 0 : i32
    %c0_i32_1 = arith.constant 0 : i32
    return %c0_i32, %c0_i32_0 : i32, i32
  }
  func.func @transform_6(%arg0: i32) -> (i32, i32) {
    %c0_i32 = arith.constant 0 : i32
    %c0_i32_0 = arith.constant 0 : i32
    %c0_i32_1 = arith.constant 0 : i32
    return %c0_i32, %c0_i32_0 : i32, i32
  }
  func.func @transform_7(%arg0: i32) -> (i32, i32) {
    %c0_i32 = arith.constant 0 : i32
    %c0_i32_0 = arith.constant 0 : i32
    return %arg0, %c0_i32 : i32, i32
  }
  func.func @transform_8(%arg0: i32) -> (i32, i32) {
    %c0_i32 = arith.constant 0 : i32
    %c0_i32_0 = arith.constant 0 : i32
    %c0_i32_1 = arith.constant 0 : i32
    return %c0_i32, %c0_i32_0 : i32, i32
  }
  func.func @transform_9(%arg0: i32) -> (i32, i32) {
    %c0_i32 = arith.constant 0 : i32
    %c0_i32_0 = arith.constant 0 : i32
    %c0_i32_1 = arith.constant 0 : i32
    return %c0_i32, %c0_i32_0 : i32, i32
  }
}

module attributes {stable_mosaic.version = 14 : i64} {
  func.func @_layer_kernel(%arg0: i32, %arg1: memref<2000x16xf32, #tpu.memory_space<vmem>>, %arg2: memref<1x16xf32, #tpu.memory_space<vmem>>, %arg3: memref<1x16xf32, #tpu.memory_space<vmem>>, %arg4: memref<16x8xf32, #tpu.memory_space<vmem>>, %arg5: memref<1x8xf32, #tpu.memory_space<vmem>>, %arg6: memref<1x16xf32, #tpu.memory_space<vmem>>, %arg7: memref<1x16xf32, #tpu.memory_space<vmem>>, %arg8: memref<2000x8xf32, #tpu.memory_space<vmem>>, %arg9: memref<1x8xf32, #tpu.memory_space<vmem>>, %arg10: memref<1x8xf32, #tpu.memory_space<vmem>>) attributes {dimension_semantics = [#tpu.dimension_semantics<arbitrary>], iteration_bounds = array<i64: 25>, scalar_prefetch = 0 : i64, scratch_operands = 0 : i64, tpu.core_type = #tpu.core_type<tc>, window_params = [{transform_indices = @transform_0, window_bounds = array<i64: 2000, 16>}, {pipeline_mode = #tpu.pipeline_mode<synchronous>, transform_indices = @transform_1, window_bounds = array<i64: 1, 16>}, {pipeline_mode = #tpu.pipeline_mode<synchronous>, transform_indices = @transform_2, window_bounds = array<i64: 1, 16>}, {pipeline_mode = #tpu.pipeline_mode<synchronous>, transform_indices = @transform_3, window_bounds = array<i64: 16, 8>}, {pipeline_mode = #tpu.pipeline_mode<synchronous>, transform_indices = @transform_4, window_bounds = array<i64: 1, 8>}, {pipeline_mode = #tpu.pipeline_mode<synchronous>, transform_indices = @transform_5, window_bounds = array<i64: 1, 16>}, {pipeline_mode = #tpu.pipeline_mode<synchronous>, transform_indices = @transform_6, window_bounds = array<i64: 1, 16>}, {transform_indices = @transform_7, window_bounds = array<i64: 2000, 8>}, {pipeline_mode = #tpu.pipeline_mode<synchronous>, transform_indices = @transform_8, window_bounds = array<i64: 1, 8>}, {pipeline_mode = #tpu.pipeline_mode<synchronous>, transform_indices = @transform_9, window_bounds = array<i64: 1, 8>}]} {
    %get3A = arith.constant 0 : index
    %get3A_0 = arith.constant 0 : index
    %get3A_1 = vector.load %arg1[%get3A, %get3A_0] : memref<2000x16xf32, #tpu.memory_space<vmem>>, vector<2000x16xf32>
    %get3A_2 = arith.constant 0 : index
    %get3A_3 = arith.constant 0 : index
    %get3A_4 = vector.load %arg2[%get3A_2, %get3A_3] : memref<1x16xf32, #tpu.memory_space<vmem>>, vector<1x16xf32>
    %get3A_5 = arith.constant 0 : index
    %get3A_6 = arith.constant 0 : index
    %get3A_7 = vector.load %arg3[%get3A_5, %get3A_6] : memref<1x16xf32, #tpu.memory_space<vmem>>, vector<1x16xf32>
    %get3A_8 = arith.constant 0 : index
    %get3A_9 = arith.constant 0 : index
    %get3A_10 = vector.load %arg6[%get3A_8, %get3A_9] : memref<1x16xf32, #tpu.memory_space<vmem>>, vector<1x16xf32>
    %get3A_11 = arith.constant 0 : index
    %get3A_12 = arith.constant 0 : index
    %get3A_13 = vector.load %arg7[%get3A_11, %get3A_12] : memref<1x16xf32, #tpu.memory_space<vmem>>, vector<1x16xf32>
    %mul3A = arith.constant 2.000000e-05 : f32
    %mul3A_14 = vector.broadcast %mul3A : f32 to vector<1x16xf32>
    %mul3A_15 = arith.mulf %get3A_4, %mul3A_14 : vector<1x16xf32>
    %mul3A_16 = arith.constant 2.000000e-05 : f32
    %mul3A_17 = vector.broadcast %mul3A_16 : f32 to vector<1x16xf32>
    %mul3A_18 = arith.mulf %get3A_7, %mul3A_17 : vector<1x16xf32>
    %mul3A_19 = arith.mulf %mul3A_15, %mul3A_15 : vector<1x16xf32>
    %sub3A = arith.subf %mul3A_18, %mul3A_19 : vector<1x16xf32>
    %sub3A_20 = vector.broadcast %mul3A_15 : vector<1x16xf32> to vector<2000x16xf32>
    %sub3A_21 = arith.subf %get3A_1, %sub3A_20 : vector<2000x16xf32>
    %add3A = arith.constant 9.99999974E-6 : f32
    %add3A_22 = vector.broadcast %add3A : f32 to vector<1x16xf32>
    %add3A_23 = arith.addf %sub3A, %add3A_22 : vector<1x16xf32>
    %rsqrt3A = math.rsqrt %add3A_23 : vector<1x16xf32>
    %mul3A_24 = vector.broadcast %rsqrt3A : vector<1x16xf32> to vector<2000x16xf32>
    %mul3A_25 = arith.mulf %sub3A_21, %mul3A_24 : vector<2000x16xf32>
    %mul3A_26 = vector.broadcast %get3A_10 : vector<1x16xf32> to vector<2000x16xf32>
    %mul3A_27 = arith.mulf %mul3A_25, %mul3A_26 : vector<2000x16xf32>
    %add3A_28 = vector.broadcast %get3A_13 : vector<1x16xf32> to vector<2000x16xf32>
    %add3A_29 = arith.addf %mul3A_27, %add3A_28 : vector<2000x16xf32>
    %ge3A = arith.constant 0.000000e+00 : f32
    %ge3A_30 = vector.broadcast %ge3A : f32 to vector<2000x16xf32>
    %ge3A_31 = arith.cmpf oge, %add3A_29, %ge3A_30 : vector<2000x16xf32>
    %mul3A_32 = arith.constant 1.000000e-01 : f32
    %mul3A_33 = vector.broadcast %mul3A_32 : f32 to vector<2000x16xf32>
    %mul3A_34 = arith.mulf %mul3A_33, %add3A_29 : vector<2000x16xf32>
    %select_n3A = arith.select %ge3A_31, %add3A_29, %mul3A_34 : vector<2000x16xi1>, vector<2000x16xf32>
    %get3A_35 = arith.constant 0 : index
    %get3A_36 = arith.constant 0 : index
    %get3A_37 = vector.load %arg4[%get3A_35, %get3A_36] : memref<16x8xf32, #tpu.memory_space<vmem>>, vector<16x8xf32>
    %dot_general3A = arith.constant dense<0.000000e+00> : vector<2000x8xf32>
    %dot_general3A_38 = tpu.matmul %select_n3A, %get3A_37, %dot_general3A {dimension_numbers = #tpu.dot_dimension_numbers<[1], [0], [0], [1], [0, 0, 1, 1], [], []>, transpose_lhs_hint = false} : vector<2000x16xf32>, vector<16x8xf32>, vector<2000x8xf32> -> vector<2000x8xf32>
    %get3A_39 = arith.constant 0 : index
    %get3A_40 = arith.constant 0 : index
    %get3A_41 = vector.load %arg5[%get3A_39, %get3A_40] : memref<1x8xf32, #tpu.memory_space<vmem>>, vector<1x8xf32>
    %add3A_42 = vector.broadcast %get3A_41 : vector<1x8xf32> to vector<2000x8xf32>
    %add3A_43 = arith.addf %dot_general3A_38, %add3A_42 : vector<2000x8xf32>
    %swap3A = arith.constant 0 : index
    %swap3A_44 = arith.constant 0 : index
    %swap3A_45 = vector.load %arg8[%swap3A, %swap3A_44] : memref<2000x8xf32, #tpu.memory_space<vmem>>, vector<2000x8xf32>
    tpu.vector_store %arg8[%swap3A, %swap3A_44], %add3A_43 {strides = array<i32>} : memref<2000x8xf32, #tpu.memory_space<vmem>>, vector<2000x8xf32>,
    %reduce_sum3A = arith.constant dense<0.000000e+00> : vector<8xf32>
    %reduce_sum3A_46 = vector.multi_reduction <add>, %add3A_43, %reduce_sum3A [0] : vector<2000x8xf32> to vector<8xf32>
    %broadcast_in_dim3A = vector.shape_cast %reduce_sum3A_46 : vector<8xf32> to vector<1x8xf32>
    %mul3A_47 = arith.mulf %add3A_43, %add3A_43 : vector<2000x8xf32>
    %reduce_sum3A_48 = arith.constant dense<0.000000e+00> : vector<8xf32>
    %reduce_sum3A_49 = vector.multi_reduction <add>, %mul3A_47, %reduce_sum3A_48 [0] : vector<2000x8xf32> to vector<8xf32>
    %broadcast_in_dim3A_50 = vector.shape_cast %reduce_sum3A_49 : vector<8xf32> to vector<1x8xf32>
    %eq3A = arith.constant 0 : i32
    %eq3A_51 = arith.cmpi eq, %arg0, %eq3A : i32
    %convert_element_type3A = arith.extui %eq3A_51 : i1 to i32
    %cond3A = arith.constant 0 : i32
    %cond3A_52 = arith.cmpi ne, %convert_element_type3A, %cond3A : i32
    scf.if %cond3A_52 {
      %swap3A_57 = arith.constant 0 : index
      %swap3A_58 = arith.constant 0 : index
      %swap3A_59 = vector.load %arg9[%swap3A_57, %swap3A_58] : memref<1x8xf32, #tpu.memory_space<vmem>>, vector<1x8xf32>
      tpu.vector_store %arg9[%swap3A_57, %swap3A_58], %broadcast_in_dim3A {strides = array<i32>} : memref<1x8xf32, #tpu.memory_space<vmem>>, vector<1x8xf32>,
      %swap3A_60 = arith.constant 0 : index
      %swap3A_61 = arith.constant 0 : index
      %swap3A_62 = vector.load %arg10[%swap3A_60, %swap3A_61] : memref<1x8xf32, #tpu.memory_space<vmem>>, vector<1x8xf32>
      tpu.vector_store %arg10[%swap3A_60, %swap3A_61], %broadcast_in_dim3A_50 {strides = array<i32>} : memref<1x8xf32, #tpu.memory_space<vmem>>, vector<1x8xf32>,
    } else {
    }
    %gt3A = arith.constant 0 : i32
    %gt3A_53 = arith.cmpi sgt, %arg0, %gt3A : i32
    %convert_element_type3A_54 = arith.extui %gt3A_53 : i1 to i32
    %cond3A_55 = arith.constant 0 : i32
    %cond3A_56 = arith.cmpi ne, %convert_element_type3A_54, %cond3A_55 : i32
    scf.if %cond3A_56 {
      %get3A_57 = arith.constant 0 : index
      %get3A_58 = arith.constant 0 : index
      %get3A_59 = vector.load %arg9[%get3A_57, %get3A_58] : memref<1x8xf32, #tpu.memory_space<vmem>>, vector<1x8xf32>
      %add3A_60 = arith.addf %get3A_59, %broadcast_in_dim3A : vector<1x8xf32>
      %swap3A_61 = arith.constant 0 : index
      %swap3A_62 = arith.constant 0 : index
      %swap3A_63 = vector.load %arg9[%swap3A_61, %swap3A_62] : memref<1x8xf32, #tpu.memory_space<vmem>>, vector<1x8xf32>
      tpu.vector_store %arg9[%swap3A_61, %swap3A_62], %add3A_60 {strides = array<i32>} : memref<1x8xf32, #tpu.memory_space<vmem>>, vector<1x8xf32>,
      %get3A_64 = arith.constant 0 : index
      %get3A_65 = arith.constant 0 : index
      %get3A_66 = vector.load %arg10[%get3A_64, %get3A_65] : memref<1x8xf32, #tpu.memory_space<vmem>>, vector<1x8xf32>
      %add3A_67 = arith.addf %get3A_66, %broadcast_in_dim3A_50 : vector<1x8xf32>
      %swap3A_68 = arith.constant 0 : index
      %swap3A_69 = arith.constant 0 : index
      %swap3A_70 = vector.load %arg10[%swap3A_68, %swap3A_69] : memref<1x8xf32, #tpu.memory_space<vmem>>, vector<1x8xf32>
      tpu.vector_store %arg10[%swap3A_68, %swap3A_69], %add3A_67 {strides = array<i32>} : memref<1x8xf32, #tpu.memory_space<vmem>>, vector<1x8xf32>,
    } else {
    }
    return
  }
  func.func @transform_0(%arg0: i32) -> (i32, i32) {
    %c0_i32 = arith.constant 0 : i32
    %c0_i32_0 = arith.constant 0 : i32
    return %arg0, %c0_i32 : i32, i32
  }
  func.func @transform_1(%arg0: i32) -> (i32, i32) {
    %c0_i32 = arith.constant 0 : i32
    %c0_i32_0 = arith.constant 0 : i32
    %c0_i32_1 = arith.constant 0 : i32
    return %c0_i32, %c0_i32_0 : i32, i32
  }
  func.func @transform_2(%arg0: i32) -> (i32, i32) {
    %c0_i32 = arith.constant 0 : i32
    %c0_i32_0 = arith.constant 0 : i32
    %c0_i32_1 = arith.constant 0 : i32
    return %c0_i32, %c0_i32_0 : i32, i32
  }
  func.func @transform_3(%arg0: i32) -> (i32, i32) {
    %c0_i32 = arith.constant 0 : i32
    %c0_i32_0 = arith.constant 0 : i32
    %c0_i32_1 = arith.constant 0 : i32
    return %c0_i32, %c0_i32_0 : i32, i32
  }
  func.func @transform_4(%arg0: i32) -> (i32, i32) {
    %c0_i32 = arith.constant 0 : i32
    %c0_i32_0 = arith.constant 0 : i32
    %c0_i32_1 = arith.constant 0 : i32
    return %c0_i32, %c0_i32_0 : i32, i32
  }
  func.func @transform_5(%arg0: i32) -> (i32, i32) {
    %c0_i32 = arith.constant 0 : i32
    %c0_i32_0 = arith.constant 0 : i32
    %c0_i32_1 = arith.constant 0 : i32
    return %c0_i32, %c0_i32_0 : i32, i32
  }
  func.func @transform_6(%arg0: i32) -> (i32, i32) {
    %c0_i32 = arith.constant 0 : i32
    %c0_i32_0 = arith.constant 0 : i32
    %c0_i32_1 = arith.constant 0 : i32
    return %c0_i32, %c0_i32_0 : i32, i32
  }
  func.func @transform_7(%arg0: i32) -> (i32, i32) {
    %c0_i32 = arith.constant 0 : i32
    %c0_i32_0 = arith.constant 0 : i32
    return %arg0, %c0_i32 : i32, i32
  }
  func.func @transform_8(%arg0: i32) -> (i32, i32) {
    %c0_i32 = arith.constant 0 : i32
    %c0_i32_0 = arith.constant 0 : i32
    %c0_i32_1 = arith.constant 0 : i32
    return %c0_i32, %c0_i32_0 : i32, i32
  }
  func.func @transform_9(%arg0: i32) -> (i32, i32) {
    %c0_i32 = arith.constant 0 : i32
    %c0_i32_0 = arith.constant 0 : i32
    %c0_i32_1 = arith.constant 0 : i32
    return %c0_i32, %c0_i32_0 : i32, i32
  }
}

module attributes {stable_mosaic.version = 14 : i64} {
  func.func @_layer_kernel(%arg0: i32, %arg1: memref<2000x8xf32, #tpu.memory_space<vmem>>, %arg2: memref<1x8xf32, #tpu.memory_space<vmem>>, %arg3: memref<1x8xf32, #tpu.memory_space<vmem>>, %arg4: memref<8x4xf32, #tpu.memory_space<vmem>>, %arg5: memref<1x4xf32, #tpu.memory_space<vmem>>, %arg6: memref<1x8xf32, #tpu.memory_space<vmem>>, %arg7: memref<1x8xf32, #tpu.memory_space<vmem>>, %arg8: memref<2000x4xf32, #tpu.memory_space<vmem>>, %arg9: memref<1x4xf32, #tpu.memory_space<vmem>>, %arg10: memref<1x4xf32, #tpu.memory_space<vmem>>) attributes {dimension_semantics = [#tpu.dimension_semantics<arbitrary>], iteration_bounds = array<i64: 25>, scalar_prefetch = 0 : i64, scratch_operands = 0 : i64, tpu.core_type = #tpu.core_type<tc>, window_params = [{transform_indices = @transform_0, window_bounds = array<i64: 2000, 8>}, {pipeline_mode = #tpu.pipeline_mode<synchronous>, transform_indices = @transform_1, window_bounds = array<i64: 1, 8>}, {pipeline_mode = #tpu.pipeline_mode<synchronous>, transform_indices = @transform_2, window_bounds = array<i64: 1, 8>}, {pipeline_mode = #tpu.pipeline_mode<synchronous>, transform_indices = @transform_3, window_bounds = array<i64: 8, 4>}, {pipeline_mode = #tpu.pipeline_mode<synchronous>, transform_indices = @transform_4, window_bounds = array<i64: 1, 4>}, {pipeline_mode = #tpu.pipeline_mode<synchronous>, transform_indices = @transform_5, window_bounds = array<i64: 1, 8>}, {pipeline_mode = #tpu.pipeline_mode<synchronous>, transform_indices = @transform_6, window_bounds = array<i64: 1, 8>}, {transform_indices = @transform_7, window_bounds = array<i64: 2000, 4>}, {pipeline_mode = #tpu.pipeline_mode<synchronous>, transform_indices = @transform_8, window_bounds = array<i64: 1, 4>}, {pipeline_mode = #tpu.pipeline_mode<synchronous>, transform_indices = @transform_9, window_bounds = array<i64: 1, 4>}]} {
    %get3A = arith.constant 0 : index
    %get3A_0 = arith.constant 0 : index
    %get3A_1 = vector.load %arg1[%get3A, %get3A_0] : memref<2000x8xf32, #tpu.memory_space<vmem>>, vector<2000x8xf32>
    %get3A_2 = arith.constant 0 : index
    %get3A_3 = arith.constant 0 : index
    %get3A_4 = vector.load %arg2[%get3A_2, %get3A_3] : memref<1x8xf32, #tpu.memory_space<vmem>>, vector<1x8xf32>
    %get3A_5 = arith.constant 0 : index
    %get3A_6 = arith.constant 0 : index
    %get3A_7 = vector.load %arg3[%get3A_5, %get3A_6] : memref<1x8xf32, #tpu.memory_space<vmem>>, vector<1x8xf32>
    %get3A_8 = arith.constant 0 : index
    %get3A_9 = arith.constant 0 : index
    %get3A_10 = vector.load %arg6[%get3A_8, %get3A_9] : memref<1x8xf32, #tpu.memory_space<vmem>>, vector<1x8xf32>
    %get3A_11 = arith.constant 0 : index
    %get3A_12 = arith.constant 0 : index
    %get3A_13 = vector.load %arg7[%get3A_11, %get3A_12] : memref<1x8xf32, #tpu.memory_space<vmem>>, vector<1x8xf32>
    %mul3A = arith.constant 2.000000e-05 : f32
    %mul3A_14 = vector.broadcast %mul3A : f32 to vector<1x8xf32>
    %mul3A_15 = arith.mulf %get3A_4, %mul3A_14 : vector<1x8xf32>
    %mul3A_16 = arith.constant 2.000000e-05 : f32
    %mul3A_17 = vector.broadcast %mul3A_16 : f32 to vector<1x8xf32>
    %mul3A_18 = arith.mulf %get3A_7, %mul3A_17 : vector<1x8xf32>
    %mul3A_19 = arith.mulf %mul3A_15, %mul3A_15 : vector<1x8xf32>
    %sub3A = arith.subf %mul3A_18, %mul3A_19 : vector<1x8xf32>
    %sub3A_20 = vector.broadcast %mul3A_15 : vector<1x8xf32> to vector<2000x8xf32>
    %sub3A_21 = arith.subf %get3A_1, %sub3A_20 : vector<2000x8xf32>
    %add3A = arith.constant 9.99999974E-6 : f32
    %add3A_22 = vector.broadcast %add3A : f32 to vector<1x8xf32>
    %add3A_23 = arith.addf %sub3A, %add3A_22 : vector<1x8xf32>
    %rsqrt3A = math.rsqrt %add3A_23 : vector<1x8xf32>
    %mul3A_24 = vector.broadcast %rsqrt3A : vector<1x8xf32> to vector<2000x8xf32>
    %mul3A_25 = arith.mulf %sub3A_21, %mul3A_24 : vector<2000x8xf32>
    %mul3A_26 = vector.broadcast %get3A_10 : vector<1x8xf32> to vector<2000x8xf32>
    %mul3A_27 = arith.mulf %mul3A_25, %mul3A_26 : vector<2000x8xf32>
    %add3A_28 = vector.broadcast %get3A_13 : vector<1x8xf32> to vector<2000x8xf32>
    %add3A_29 = arith.addf %mul3A_27, %add3A_28 : vector<2000x8xf32>
    %ge3A = arith.constant 0.000000e+00 : f32
    %ge3A_30 = vector.broadcast %ge3A : f32 to vector<2000x8xf32>
    %ge3A_31 = arith.cmpf oge, %add3A_29, %ge3A_30 : vector<2000x8xf32>
    %mul3A_32 = arith.constant 1.000000e-01 : f32
    %mul3A_33 = vector.broadcast %mul3A_32 : f32 to vector<2000x8xf32>
    %mul3A_34 = arith.mulf %mul3A_33, %add3A_29 : vector<2000x8xf32>
    %select_n3A = arith.select %ge3A_31, %add3A_29, %mul3A_34 : vector<2000x8xi1>, vector<2000x8xf32>
    %get3A_35 = arith.constant 0 : index
    %get3A_36 = arith.constant 0 : index
    %get3A_37 = vector.load %arg4[%get3A_35, %get3A_36] : memref<8x4xf32, #tpu.memory_space<vmem>>, vector<8x4xf32>
    %dot_general3A = arith.constant dense<0.000000e+00> : vector<2000x4xf32>
    %dot_general3A_38 = tpu.matmul %select_n3A, %get3A_37, %dot_general3A {dimension_numbers = #tpu.dot_dimension_numbers<[1], [0], [0], [1], [0, 0, 1, 1], [], []>, transpose_lhs_hint = false} : vector<2000x8xf32>, vector<8x4xf32>, vector<2000x4xf32> -> vector<2000x4xf32>
    %get3A_39 = arith.constant 0 : index
    %get3A_40 = arith.constant 0 : index
    %get3A_41 = vector.load %arg5[%get3A_39, %get3A_40] : memref<1x4xf32, #tpu.memory_space<vmem>>, vector<1x4xf32>
    %add3A_42 = vector.broadcast %get3A_41 : vector<1x4xf32> to vector<2000x4xf32>
    %add3A_43 = arith.addf %dot_general3A_38, %add3A_42 : vector<2000x4xf32>
    %swap3A = arith.constant 0 : index
    %swap3A_44 = arith.constant 0 : index
    %swap3A_45 = vector.load %arg8[%swap3A, %swap3A_44] : memref<2000x4xf32, #tpu.memory_space<vmem>>, vector<2000x4xf32>
    tpu.vector_store %arg8[%swap3A, %swap3A_44], %add3A_43 {strides = array<i32>} : memref<2000x4xf32, #tpu.memory_space<vmem>>, vector<2000x4xf32>,
    %reduce_sum3A = arith.constant dense<0.000000e+00> : vector<4xf32>
    %reduce_sum3A_46 = vector.multi_reduction <add>, %add3A_43, %reduce_sum3A [0] : vector<2000x4xf32> to vector<4xf32>
    %broadcast_in_dim3A = vector.shape_cast %reduce_sum3A_46 : vector<4xf32> to vector<1x4xf32>
    %mul3A_47 = arith.mulf %add3A_43, %add3A_43 : vector<2000x4xf32>
    %reduce_sum3A_48 = arith.constant dense<0.000000e+00> : vector<4xf32>
    %reduce_sum3A_49 = vector.multi_reduction <add>, %mul3A_47, %reduce_sum3A_48 [0] : vector<2000x4xf32> to vector<4xf32>
    %broadcast_in_dim3A_50 = vector.shape_cast %reduce_sum3A_49 : vector<4xf32> to vector<1x4xf32>
    %eq3A = arith.constant 0 : i32
    %eq3A_51 = arith.cmpi eq, %arg0, %eq3A : i32
    %convert_element_type3A = arith.extui %eq3A_51 : i1 to i32
    %cond3A = arith.constant 0 : i32
    %cond3A_52 = arith.cmpi ne, %convert_element_type3A, %cond3A : i32
    scf.if %cond3A_52 {
      %swap3A_57 = arith.constant 0 : index
      %swap3A_58 = arith.constant 0 : index
      %swap3A_59 = vector.load %arg9[%swap3A_57, %swap3A_58] : memref<1x4xf32, #tpu.memory_space<vmem>>, vector<1x4xf32>
      tpu.vector_store %arg9[%swap3A_57, %swap3A_58], %broadcast_in_dim3A {strides = array<i32>} : memref<1x4xf32, #tpu.memory_space<vmem>>, vector<1x4xf32>,
      %swap3A_60 = arith.constant 0 : index
      %swap3A_61 = arith.constant 0 : index
      %swap3A_62 = vector.load %arg10[%swap3A_60, %swap3A_61] : memref<1x4xf32, #tpu.memory_space<vmem>>, vector<1x4xf32>
      tpu.vector_store %arg10[%swap3A_60, %swap3A_61], %broadcast_in_dim3A_50 {strides = array<i32>} : memref<1x4xf32, #tpu.memory_space<vmem>>, vector<1x4xf32>,
    } else {
    }
    %gt3A = arith.constant 0 : i32
    %gt3A_53 = arith.cmpi sgt, %arg0, %gt3A : i32
    %convert_element_type3A_54 = arith.extui %gt3A_53 : i1 to i32
    %cond3A_55 = arith.constant 0 : i32
    %cond3A_56 = arith.cmpi ne, %convert_element_type3A_54, %cond3A_55 : i32
    scf.if %cond3A_56 {
      %get3A_57 = arith.constant 0 : index
      %get3A_58 = arith.constant 0 : index
      %get3A_59 = vector.load %arg9[%get3A_57, %get3A_58] : memref<1x4xf32, #tpu.memory_space<vmem>>, vector<1x4xf32>
      %add3A_60 = arith.addf %get3A_59, %broadcast_in_dim3A : vector<1x4xf32>
      %swap3A_61 = arith.constant 0 : index
      %swap3A_62 = arith.constant 0 : index
      %swap3A_63 = vector.load %arg9[%swap3A_61, %swap3A_62] : memref<1x4xf32, #tpu.memory_space<vmem>>, vector<1x4xf32>
      tpu.vector_store %arg9[%swap3A_61, %swap3A_62], %add3A_60 {strides = array<i32>} : memref<1x4xf32, #tpu.memory_space<vmem>>, vector<1x4xf32>,
      %get3A_64 = arith.constant 0 : index
      %get3A_65 = arith.constant 0 : index
      %get3A_66 = vector.load %arg10[%get3A_64, %get3A_65] : memref<1x4xf32, #tpu.memory_space<vmem>>, vector<1x4xf32>
      %add3A_67 = arith.addf %get3A_66, %broadcast_in_dim3A_50 : vector<1x4xf32>
      %swap3A_68 = arith.constant 0 : index
      %swap3A_69 = arith.constant 0 : index
      %swap3A_70 = vector.load %arg10[%swap3A_68, %swap3A_69] : memref<1x4xf32, #tpu.memory_space<vmem>>, vector<1x4xf32>
      tpu.vector_store %arg10[%swap3A_68, %swap3A_69], %add3A_67 {strides = array<i32>} : memref<1x4xf32, #tpu.memory_space<vmem>>, vector<1x4xf32>,
    } else {
    }
    return
  }
  func.func @transform_0(%arg0: i32) -> (i32, i32) {
    %c0_i32 = arith.constant 0 : i32
    %c0_i32_0 = arith.constant 0 : i32
    return %arg0, %c0_i32 : i32, i32
  }
  func.func @transform_1(%arg0: i32) -> (i32, i32) {
    %c0_i32 = arith.constant 0 : i32
    %c0_i32_0 = arith.constant 0 : i32
    %c0_i32_1 = arith.constant 0 : i32
    return %c0_i32, %c0_i32_0 : i32, i32
  }
  func.func @transform_2(%arg0: i32) -> (i32, i32) {
    %c0_i32 = arith.constant 0 : i32
    %c0_i32_0 = arith.constant 0 : i32
    %c0_i32_1 = arith.constant 0 : i32
    return %c0_i32, %c0_i32_0 : i32, i32
  }
  func.func @transform_3(%arg0: i32) -> (i32, i32) {
    %c0_i32 = arith.constant 0 : i32
    %c0_i32_0 = arith.constant 0 : i32
    %c0_i32_1 = arith.constant 0 : i32
    return %c0_i32, %c0_i32_0 : i32, i32
  }
  func.func @transform_4(%arg0: i32) -> (i32, i32) {
    %c0_i32 = arith.constant 0 : i32
    %c0_i32_0 = arith.constant 0 : i32
    %c0_i32_1 = arith.constant 0 : i32
    return %c0_i32, %c0_i32_0 : i32, i32
  }
  func.func @transform_5(%arg0: i32) -> (i32, i32) {
    %c0_i32 = arith.constant 0 : i32
    %c0_i32_0 = arith.constant 0 : i32
    %c0_i32_1 = arith.constant 0 : i32
    return %c0_i32, %c0_i32_0 : i32, i32
  }
  func.func @transform_6(%arg0: i32) -> (i32, i32) {
    %c0_i32 = arith.constant 0 : i32
    %c0_i32_0 = arith.constant 0 : i32
    %c0_i32_1 = arith.constant 0 : i32
    return %c0_i32, %c0_i32_0 : i32, i32
  }
  func.func @transform_7(%arg0: i32) -> (i32, i32) {
    %c0_i32 = arith.constant 0 : i32
    %c0_i32_0 = arith.constant 0 : i32
    return %arg0, %c0_i32 : i32, i32
  }
  func.func @transform_8(%arg0: i32) -> (i32, i32) {
    %c0_i32 = arith.constant 0 : i32
    %c0_i32_0 = arith.constant 0 : i32
    %c0_i32_1 = arith.constant 0 : i32
    return %c0_i32, %c0_i32_0 : i32, i32
  }
  func.func @transform_9(%arg0: i32) -> (i32, i32) {
    %c0_i32 = arith.constant 0 : i32
    %c0_i32_0 = arith.constant 0 : i32
    %c0_i32_1 = arith.constant 0 : i32
    return %c0_i32, %c0_i32_0 : i32, i32
  }
}

module attributes {stable_mosaic.version = 14 : i64} {
  func.func @_layer_kernel(%arg0: i32, %arg1: memref<2000x4xf32, #tpu.memory_space<vmem>>, %arg2: memref<1x4xf32, #tpu.memory_space<vmem>>, %arg3: memref<1x4xf32, #tpu.memory_space<vmem>>, %arg4: memref<4x2xf32, #tpu.memory_space<vmem>>, %arg5: memref<1x2xf32, #tpu.memory_space<vmem>>, %arg6: memref<1x4xf32, #tpu.memory_space<vmem>>, %arg7: memref<1x4xf32, #tpu.memory_space<vmem>>, %arg8: memref<2000x2xf32, #tpu.memory_space<vmem>>, %arg9: memref<1x2xf32, #tpu.memory_space<vmem>>, %arg10: memref<1x2xf32, #tpu.memory_space<vmem>>) attributes {dimension_semantics = [#tpu.dimension_semantics<arbitrary>], iteration_bounds = array<i64: 25>, scalar_prefetch = 0 : i64, scratch_operands = 0 : i64, tpu.core_type = #tpu.core_type<tc>, window_params = [{transform_indices = @transform_0, window_bounds = array<i64: 2000, 4>}, {pipeline_mode = #tpu.pipeline_mode<synchronous>, transform_indices = @transform_1, window_bounds = array<i64: 1, 4>}, {pipeline_mode = #tpu.pipeline_mode<synchronous>, transform_indices = @transform_2, window_bounds = array<i64: 1, 4>}, {pipeline_mode = #tpu.pipeline_mode<synchronous>, transform_indices = @transform_3, window_bounds = array<i64: 4, 2>}, {pipeline_mode = #tpu.pipeline_mode<synchronous>, transform_indices = @transform_4, window_bounds = array<i64: 1, 2>}, {pipeline_mode = #tpu.pipeline_mode<synchronous>, transform_indices = @transform_5, window_bounds = array<i64: 1, 4>}, {pipeline_mode = #tpu.pipeline_mode<synchronous>, transform_indices = @transform_6, window_bounds = array<i64: 1, 4>}, {transform_indices = @transform_7, window_bounds = array<i64: 2000, 2>}, {pipeline_mode = #tpu.pipeline_mode<synchronous>, transform_indices = @transform_8, window_bounds = array<i64: 1, 2>}, {pipeline_mode = #tpu.pipeline_mode<synchronous>, transform_indices = @transform_9, window_bounds = array<i64: 1, 2>}]} {
    %get3A = arith.constant 0 : index
    %get3A_0 = arith.constant 0 : index
    %get3A_1 = vector.load %arg1[%get3A, %get3A_0] : memref<2000x4xf32, #tpu.memory_space<vmem>>, vector<2000x4xf32>
    %get3A_2 = arith.constant 0 : index
    %get3A_3 = arith.constant 0 : index
    %get3A_4 = vector.load %arg2[%get3A_2, %get3A_3] : memref<1x4xf32, #tpu.memory_space<vmem>>, vector<1x4xf32>
    %get3A_5 = arith.constant 0 : index
    %get3A_6 = arith.constant 0 : index
    %get3A_7 = vector.load %arg3[%get3A_5, %get3A_6] : memref<1x4xf32, #tpu.memory_space<vmem>>, vector<1x4xf32>
    %get3A_8 = arith.constant 0 : index
    %get3A_9 = arith.constant 0 : index
    %get3A_10 = vector.load %arg6[%get3A_8, %get3A_9] : memref<1x4xf32, #tpu.memory_space<vmem>>, vector<1x4xf32>
    %get3A_11 = arith.constant 0 : index
    %get3A_12 = arith.constant 0 : index
    %get3A_13 = vector.load %arg7[%get3A_11, %get3A_12] : memref<1x4xf32, #tpu.memory_space<vmem>>, vector<1x4xf32>
    %mul3A = arith.constant 2.000000e-05 : f32
    %mul3A_14 = vector.broadcast %mul3A : f32 to vector<1x4xf32>
    %mul3A_15 = arith.mulf %get3A_4, %mul3A_14 : vector<1x4xf32>
    %mul3A_16 = arith.constant 2.000000e-05 : f32
    %mul3A_17 = vector.broadcast %mul3A_16 : f32 to vector<1x4xf32>
    %mul3A_18 = arith.mulf %get3A_7, %mul3A_17 : vector<1x4xf32>
    %mul3A_19 = arith.mulf %mul3A_15, %mul3A_15 : vector<1x4xf32>
    %sub3A = arith.subf %mul3A_18, %mul3A_19 : vector<1x4xf32>
    %sub3A_20 = vector.broadcast %mul3A_15 : vector<1x4xf32> to vector<2000x4xf32>
    %sub3A_21 = arith.subf %get3A_1, %sub3A_20 : vector<2000x4xf32>
    %add3A = arith.constant 9.99999974E-6 : f32
    %add3A_22 = vector.broadcast %add3A : f32 to vector<1x4xf32>
    %add3A_23 = arith.addf %sub3A, %add3A_22 : vector<1x4xf32>
    %rsqrt3A = math.rsqrt %add3A_23 : vector<1x4xf32>
    %mul3A_24 = vector.broadcast %rsqrt3A : vector<1x4xf32> to vector<2000x4xf32>
    %mul3A_25 = arith.mulf %sub3A_21, %mul3A_24 : vector<2000x4xf32>
    %mul3A_26 = vector.broadcast %get3A_10 : vector<1x4xf32> to vector<2000x4xf32>
    %mul3A_27 = arith.mulf %mul3A_25, %mul3A_26 : vector<2000x4xf32>
    %add3A_28 = vector.broadcast %get3A_13 : vector<1x4xf32> to vector<2000x4xf32>
    %add3A_29 = arith.addf %mul3A_27, %add3A_28 : vector<2000x4xf32>
    %ge3A = arith.constant 0.000000e+00 : f32
    %ge3A_30 = vector.broadcast %ge3A : f32 to vector<2000x4xf32>
    %ge3A_31 = arith.cmpf oge, %add3A_29, %ge3A_30 : vector<2000x4xf32>
    %mul3A_32 = arith.constant 1.000000e-01 : f32
    %mul3A_33 = vector.broadcast %mul3A_32 : f32 to vector<2000x4xf32>
    %mul3A_34 = arith.mulf %mul3A_33, %add3A_29 : vector<2000x4xf32>
    %select_n3A = arith.select %ge3A_31, %add3A_29, %mul3A_34 : vector<2000x4xi1>, vector<2000x4xf32>
    %get3A_35 = arith.constant 0 : index
    %get3A_36 = arith.constant 0 : index
    %get3A_37 = vector.load %arg4[%get3A_35, %get3A_36] : memref<4x2xf32, #tpu.memory_space<vmem>>, vector<4x2xf32>
    %dot_general3A = arith.constant dense<0.000000e+00> : vector<2000x2xf32>
    %dot_general3A_38 = tpu.matmul %select_n3A, %get3A_37, %dot_general3A {dimension_numbers = #tpu.dot_dimension_numbers<[1], [0], [0], [1], [0, 0, 1, 1], [], []>, transpose_lhs_hint = false} : vector<2000x4xf32>, vector<4x2xf32>, vector<2000x2xf32> -> vector<2000x2xf32>
    %get3A_39 = arith.constant 0 : index
    %get3A_40 = arith.constant 0 : index
    %get3A_41 = vector.load %arg5[%get3A_39, %get3A_40] : memref<1x2xf32, #tpu.memory_space<vmem>>, vector<1x2xf32>
    %add3A_42 = vector.broadcast %get3A_41 : vector<1x2xf32> to vector<2000x2xf32>
    %add3A_43 = arith.addf %dot_general3A_38, %add3A_42 : vector<2000x2xf32>
    %swap3A = arith.constant 0 : index
    %swap3A_44 = arith.constant 0 : index
    %swap3A_45 = vector.load %arg8[%swap3A, %swap3A_44] : memref<2000x2xf32, #tpu.memory_space<vmem>>, vector<2000x2xf32>
    tpu.vector_store %arg8[%swap3A, %swap3A_44], %add3A_43 {strides = array<i32>} : memref<2000x2xf32, #tpu.memory_space<vmem>>, vector<2000x2xf32>,
    %reduce_sum3A = arith.constant dense<0.000000e+00> : vector<2xf32>
    %reduce_sum3A_46 = vector.multi_reduction <add>, %add3A_43, %reduce_sum3A [0] : vector<2000x2xf32> to vector<2xf32>
    %broadcast_in_dim3A = vector.shape_cast %reduce_sum3A_46 : vector<2xf32> to vector<1x2xf32>
    %mul3A_47 = arith.mulf %add3A_43, %add3A_43 : vector<2000x2xf32>
    %reduce_sum3A_48 = arith.constant dense<0.000000e+00> : vector<2xf32>
    %reduce_sum3A_49 = vector.multi_reduction <add>, %mul3A_47, %reduce_sum3A_48 [0] : vector<2000x2xf32> to vector<2xf32>
    %broadcast_in_dim3A_50 = vector.shape_cast %reduce_sum3A_49 : vector<2xf32> to vector<1x2xf32>
    %eq3A = arith.constant 0 : i32
    %eq3A_51 = arith.cmpi eq, %arg0, %eq3A : i32
    %convert_element_type3A = arith.extui %eq3A_51 : i1 to i32
    %cond3A = arith.constant 0 : i32
    %cond3A_52 = arith.cmpi ne, %convert_element_type3A, %cond3A : i32
    scf.if %cond3A_52 {
      %swap3A_57 = arith.constant 0 : index
      %swap3A_58 = arith.constant 0 : index
      %swap3A_59 = vector.load %arg9[%swap3A_57, %swap3A_58] : memref<1x2xf32, #tpu.memory_space<vmem>>, vector<1x2xf32>
      tpu.vector_store %arg9[%swap3A_57, %swap3A_58], %broadcast_in_dim3A {strides = array<i32>} : memref<1x2xf32, #tpu.memory_space<vmem>>, vector<1x2xf32>,
      %swap3A_60 = arith.constant 0 : index
      %swap3A_61 = arith.constant 0 : index
      %swap3A_62 = vector.load %arg10[%swap3A_60, %swap3A_61] : memref<1x2xf32, #tpu.memory_space<vmem>>, vector<1x2xf32>
      tpu.vector_store %arg10[%swap3A_60, %swap3A_61], %broadcast_in_dim3A_50 {strides = array<i32>} : memref<1x2xf32, #tpu.memory_space<vmem>>, vector<1x2xf32>,
    } else {
    }
    %gt3A = arith.constant 0 : i32
    %gt3A_53 = arith.cmpi sgt, %arg0, %gt3A : i32
    %convert_element_type3A_54 = arith.extui %gt3A_53 : i1 to i32
    %cond3A_55 = arith.constant 0 : i32
    %cond3A_56 = arith.cmpi ne, %convert_element_type3A_54, %cond3A_55 : i32
    scf.if %cond3A_56 {
      %get3A_57 = arith.constant 0 : index
      %get3A_58 = arith.constant 0 : index
      %get3A_59 = vector.load %arg9[%get3A_57, %get3A_58] : memref<1x2xf32, #tpu.memory_space<vmem>>, vector<1x2xf32>
      %add3A_60 = arith.addf %get3A_59, %broadcast_in_dim3A : vector<1x2xf32>
      %swap3A_61 = arith.constant 0 : index
      %swap3A_62 = arith.constant 0 : index
      %swap3A_63 = vector.load %arg9[%swap3A_61, %swap3A_62] : memref<1x2xf32, #tpu.memory_space<vmem>>, vector<1x2xf32>
      tpu.vector_store %arg9[%swap3A_61, %swap3A_62], %add3A_60 {strides = array<i32>} : memref<1x2xf32, #tpu.memory_space<vmem>>, vector<1x2xf32>,
      %get3A_64 = arith.constant 0 : index
      %get3A_65 = arith.constant 0 : index
      %get3A_66 = vector.load %arg10[%get3A_64, %get3A_65] : memref<1x2xf32, #tpu.memory_space<vmem>>, vector<1x2xf32>
      %add3A_67 = arith.addf %get3A_66, %broadcast_in_dim3A_50 : vector<1x2xf32>
      %swap3A_68 = arith.constant 0 : index
      %swap3A_69 = arith.constant 0 : index
      %swap3A_70 = vector.load %arg10[%swap3A_68, %swap3A_69] : memref<1x2xf32, #tpu.memory_space<vmem>>, vector<1x2xf32>
      tpu.vector_store %arg10[%swap3A_68, %swap3A_69], %add3A_67 {strides = array<i32>} : memref<1x2xf32, #tpu.memory_space<vmem>>, vector<1x2xf32>,
    } else {
    }
    return
  }
  func.func @transform_0(%arg0: i32) -> (i32, i32) {
    %c0_i32 = arith.constant 0 : i32
    %c0_i32_0 = arith.constant 0 : i32
    return %arg0, %c0_i32 : i32, i32
  }
  func.func @transform_1(%arg0: i32) -> (i32, i32) {
    %c0_i32 = arith.constant 0 : i32
    %c0_i32_0 = arith.constant 0 : i32
    %c0_i32_1 = arith.constant 0 : i32
    return %c0_i32, %c0_i32_0 : i32, i32
  }
  func.func @transform_2(%arg0: i32) -> (i32, i32) {
    %c0_i32 = arith.constant 0 : i32
    %c0_i32_0 = arith.constant 0 : i32
    %c0_i32_1 = arith.constant 0 : i32
    return %c0_i32, %c0_i32_0 : i32, i32
  }
  func.func @transform_3(%arg0: i32) -> (i32, i32) {
    %c0_i32 = arith.constant 0 : i32
    %c0_i32_0 = arith.constant 0 : i32
    %c0_i32_1 = arith.constant 0 : i32
    return %c0_i32, %c0_i32_0 : i32, i32
  }
  func.func @transform_4(%arg0: i32) -> (i32, i32) {
    %c0_i32 = arith.constant 0 : i32
    %c0_i32_0 = arith.constant 0 : i32
    %c0_i32_1 = arith.constant 0 : i32
    return %c0_i32, %c0_i32_0 : i32, i32
  }
  func.func @transform_5(%arg0: i32) -> (i32, i32) {
    %c0_i32 = arith.constant 0 : i32
    %c0_i32_0 = arith.constant 0 : i32
    %c0_i32_1 = arith.constant 0 : i32
    return %c0_i32, %c0_i32_0 : i32, i32
  }
  func.func @transform_6(%arg0: i32) -> (i32, i32) {
    %c0_i32 = arith.constant 0 : i32
    %c0_i32_0 = arith.constant 0 : i32
    %c0_i32_1 = arith.constant 0 : i32
    return %c0_i32, %c0_i32_0 : i32, i32
  }
  func.func @transform_7(%arg0: i32) -> (i32, i32) {
    %c0_i32 = arith.constant 0 : i32
    %c0_i32_0 = arith.constant 0 : i32
    return %arg0, %c0_i32 : i32, i32
  }
  func.func @transform_8(%arg0: i32) -> (i32, i32) {
    %c0_i32 = arith.constant 0 : i32
    %c0_i32_0 = arith.constant 0 : i32
    %c0_i32_1 = arith.constant 0 : i32
    return %c0_i32, %c0_i32_0 : i32, i32
  }
  func.func @transform_9(%arg0: i32) -> (i32, i32) {
    %c0_i32 = arith.constant 0 : i32
    %c0_i32_0 = arith.constant 0 : i32
    %c0_i32_1 = arith.constant 0 : i32
    return %c0_i32, %c0_i32_0 : i32, i32
  }
}

module attributes {stable_mosaic.version = 14 : i64} {
  func.func @_fin_kernel(%arg0: i32, %arg1: memref<2000x2xf32, #tpu.memory_space<vmem>>, %arg2: memref<1x2xf32, #tpu.memory_space<vmem>>, %arg3: memref<1x2xf32, #tpu.memory_space<vmem>>, %arg4: memref<1x2xf32, #tpu.memory_space<vmem>>, %arg5: memref<1x2xf32, #tpu.memory_space<vmem>>, %arg6: memref<2000x2xf32, #tpu.memory_space<vmem>>) attributes {dimension_semantics = [#tpu.dimension_semantics<arbitrary>], iteration_bounds = array<i64: 25>, scalar_prefetch = 0 : i64, scratch_operands = 0 : i64, tpu.core_type = #tpu.core_type<tc>, window_params = [{transform_indices = @transform_0, window_bounds = array<i64: 2000, 2>}, {pipeline_mode = #tpu.pipeline_mode<synchronous>, transform_indices = @transform_1, window_bounds = array<i64: 1, 2>}, {pipeline_mode = #tpu.pipeline_mode<synchronous>, transform_indices = @transform_2, window_bounds = array<i64: 1, 2>}, {pipeline_mode = #tpu.pipeline_mode<synchronous>, transform_indices = @transform_3, window_bounds = array<i64: 1, 2>}, {pipeline_mode = #tpu.pipeline_mode<synchronous>, transform_indices = @transform_4, window_bounds = array<i64: 1, 2>}, {transform_indices = @transform_5, window_bounds = array<i64: 2000, 2>}]} {
    %get3A = arith.constant 0 : index
    %get3A_0 = arith.constant 0 : index
    %get3A_1 = vector.load %arg1[%get3A, %get3A_0] : memref<2000x2xf32, #tpu.memory_space<vmem>>, vector<2000x2xf32>
    %get3A_2 = arith.constant 0 : index
    %get3A_3 = arith.constant 0 : index
    %get3A_4 = vector.load %arg2[%get3A_2, %get3A_3] : memref<1x2xf32, #tpu.memory_space<vmem>>, vector<1x2xf32>
    %get3A_5 = arith.constant 0 : index
    %get3A_6 = arith.constant 0 : index
    %get3A_7 = vector.load %arg3[%get3A_5, %get3A_6] : memref<1x2xf32, #tpu.memory_space<vmem>>, vector<1x2xf32>
    %get3A_8 = arith.constant 0 : index
    %get3A_9 = arith.constant 0 : index
    %get3A_10 = vector.load %arg4[%get3A_8, %get3A_9] : memref<1x2xf32, #tpu.memory_space<vmem>>, vector<1x2xf32>
    %get3A_11 = arith.constant 0 : index
    %get3A_12 = arith.constant 0 : index
    %get3A_13 = vector.load %arg5[%get3A_11, %get3A_12] : memref<1x2xf32, #tpu.memory_space<vmem>>, vector<1x2xf32>
    %mul3A = arith.constant 2.000000e-05 : f32
    %mul3A_14 = vector.broadcast %mul3A : f32 to vector<1x2xf32>
    %mul3A_15 = arith.mulf %get3A_4, %mul3A_14 : vector<1x2xf32>
    %mul3A_16 = arith.constant 2.000000e-05 : f32
    %mul3A_17 = vector.broadcast %mul3A_16 : f32 to vector<1x2xf32>
    %mul3A_18 = arith.mulf %get3A_7, %mul3A_17 : vector<1x2xf32>
    %mul3A_19 = arith.mulf %mul3A_15, %mul3A_15 : vector<1x2xf32>
    %sub3A = arith.subf %mul3A_18, %mul3A_19 : vector<1x2xf32>
    %sub3A_20 = vector.broadcast %mul3A_15 : vector<1x2xf32> to vector<2000x2xf32>
    %sub3A_21 = arith.subf %get3A_1, %sub3A_20 : vector<2000x2xf32>
    %add3A = arith.constant 9.99999974E-6 : f32
    %add3A_22 = vector.broadcast %add3A : f32 to vector<1x2xf32>
    %add3A_23 = arith.addf %sub3A, %add3A_22 : vector<1x2xf32>
    %rsqrt3A = math.rsqrt %add3A_23 : vector<1x2xf32>
    %mul3A_24 = vector.broadcast %rsqrt3A : vector<1x2xf32> to vector<2000x2xf32>
    %mul3A_25 = arith.mulf %sub3A_21, %mul3A_24 : vector<2000x2xf32>
    %mul3A_26 = vector.broadcast %get3A_10 : vector<1x2xf32> to vector<2000x2xf32>
    %mul3A_27 = arith.mulf %mul3A_25, %mul3A_26 : vector<2000x2xf32>
    %add3A_28 = vector.broadcast %get3A_13 : vector<1x2xf32> to vector<2000x2xf32>
    %add3A_29 = arith.addf %mul3A_27, %add3A_28 : vector<2000x2xf32>
    %ge3A = arith.constant 0.000000e+00 : f32
    %ge3A_30 = vector.broadcast %ge3A : f32 to vector<2000x2xf32>
    %ge3A_31 = arith.cmpf oge, %add3A_29, %ge3A_30 : vector<2000x2xf32>
    %mul3A_32 = arith.constant 1.000000e-01 : f32
    %mul3A_33 = vector.broadcast %mul3A_32 : f32 to vector<2000x2xf32>
    %mul3A_34 = arith.mulf %mul3A_33, %add3A_29 : vector<2000x2xf32>
    %select_n3A = arith.select %ge3A_31, %add3A_29, %mul3A_34 : vector<2000x2xi1>, vector<2000x2xf32>
    %reduce_max3A = arith.constant dense<0xFF800000> : vector<2000xf32>
    %reduce_max3A_35 = vector.multi_reduction <maximumf>, %select_n3A, %reduce_max3A [1] : vector<2000x2xf32> to vector<2000xf32>
    %broadcast_in_dim3A = vector.shape_cast %reduce_max3A_35 : vector<2000xf32> to vector<2000x1xf32>
    %sub3A_36 = vector.broadcast %broadcast_in_dim3A : vector<2000x1xf32> to vector<2000x2xf32>
    %sub3A_37 = arith.subf %select_n3A, %sub3A_36 : vector<2000x2xf32>
    %exp3A = math.exp %sub3A_37 : vector<2000x2xf32>
    %reduce_sum3A = arith.constant dense<0.000000e+00> : vector<2000xf32>
    %reduce_sum3A_38 = vector.multi_reduction <add>, %exp3A, %reduce_sum3A [1] : vector<2000x2xf32> to vector<2000xf32>
    %broadcast_in_dim3A_39 = vector.shape_cast %reduce_sum3A_38 : vector<2000xf32> to vector<2000x1xf32>
    %div3A = vector.broadcast %broadcast_in_dim3A_39 : vector<2000x1xf32> to vector<2000x2xf32>
    %div3A_40 = arith.divf %exp3A, %div3A : vector<2000x2xf32>
    %swap3A = arith.constant 0 : index
    %swap3A_41 = arith.constant 0 : index
    %swap3A_42 = vector.load %arg6[%swap3A, %swap3A_41] : memref<2000x2xf32, #tpu.memory_space<vmem>>, vector<2000x2xf32>
    tpu.vector_store %arg6[%swap3A, %swap3A_41], %div3A_40 {strides = array<i32>} : memref<2000x2xf32, #tpu.memory_space<vmem>>, vector<2000x2xf32>,
    return
  }
  func.func @transform_0(%arg0: i32) -> (i32, i32) {
    %c0_i32 = arith.constant 0 : i32
    %c0_i32_0 = arith.constant 0 : i32
    return %arg0, %c0_i32 : i32, i32
  }
  func.func @transform_1(%arg0: i32) -> (i32, i32) {
    %c0_i32 = arith.constant 0 : i32
    %c0_i32_0 = arith.constant 0 : i32
    %c0_i32_1 = arith.constant 0 : i32
    return %c0_i32, %c0_i32_0 : i32, i32
  }
  func.func @transform_2(%arg0: i32) -> (i32, i32) {
    %c0_i32 = arith.constant 0 : i32
    %c0_i32_0 = arith.constant 0 : i32
    %c0_i32_1 = arith.constant 0 : i32
    return %c0_i32, %c0_i32_0 : i32, i32
  }
  func.func @transform_3(%arg0: i32) -> (i32, i32) {
    %c0_i32 = arith.constant 0 : i32
    %c0_i32_0 = arith.constant 0 : i32
    %c0_i32_1 = arith.constant 0 : i32
    return %c0_i32, %c0_i32_0 : i32, i32
  }
  func.func @transform_4(%arg0: i32) -> (i32, i32) {
    %c0_i32 = arith.constant 0 : i32
    %c0_i32_0 = arith.constant 0 : i32
    %c0_i32_1 = arith.constant 0 : i32
    return %c0_i32, %c0_i32_0 : i32, i32
  }
  func.func @transform_5(%arg0: i32) -> (i32, i32) {
    %c0_i32 = arith.constant 0 : i32
    %c0_i32_0 = arith.constant 0 : i32
    return %arg0, %c0_i32 : i32, i32
  }
}

</mosaic_0001>

<sc_bundles>
// kernel: kernel.11.cloned.1.call-start
scs
__scs_entry_jumppad:
0x0: {  	(pc) =	sbr.rel $0x88, $3  }
0x1: {  	(tag) =	ssettag $0x0;
	lr =	simm.s32 $0x1  }
0x2: {  	[smem:$0x3F8B] =	sst lr;
	_ =	strace $0xD0000000  }
0x3: {  	_ = 	snop  }
0x4: {  	_ = 	snop  }
0x5: {  	_ = 	snop  }
0x6: {  	_ = 	snop  }
0x7: {  	_ = 	snop  }
__scs_overlays_trampoline_lowered:
0x8: {  	[smem:$0x3F9A] =	sst s0  }
0x9: {  	[smem:$0x3F9B] =	sst s1  }
0xa: {  	[smem:$0x3F9C] =	sst s2  }
0xb: {  	[smem:$0x3F9D] =	sst s3  }
0xc: {  	[smem:$0x3F9E] =	sst s4  }
0xd: {  	[smem:$0x3F9F] =	sst s5  }
0xe: {  	[smem:$0x3FA0] =	sst s6  }
0xf: {  	[smem:$0x3FA1] =	sst s7  }
0x10: {  	[smem:$0x3FA2] =	sst s8  }
0x11: {  	[smem:$0x3FA3] =	sst s9;
	s0 =	simm.s32 @!p0 $0x0  }
0x12: {  	s1 =	sld [smem:$0x3F89];
	s0 =	simm.s32 @p0 $0x1  }
0x13: {  	[smem:$0x3FA4] =	sst s0;
	s0 =	simm.s32 @!p1 $0x0  }
0x14: {  	s2 =	sld [smem:$0x3F88];
	s0 =	simm.s32 @p1 $0x1  }
0x15: {  	[smem:$0x3FA5] =	sst s0;
	s0 =	simm.s32 @!p2 $0x0  }
0x16: {  	s3 =	sld [smem:$0x3FDB];
	s0 =	simm.s32 @p2 $0x1  }
0x17: {  	s4 =	simm.s32 $0x1BF5;
	[smem:$0x3FA7] =	sst s0  }
0x18: {  	s0 =	sld [smem:$0x3F8A];
	_ =	swait.ge [sflag:s4], $0x0  }
0x19: {  	s7 =	sld [smem:$0x3F8B]  }
0x1a: {  	s8 =	sadd.s32 $0xFFFFE003, lr  }
0x1b: {  	s9 =	sadd.s32 $0xFFFFFEF7, lr;
	s5 =	simm.s32 $0xFFFFFFFF;
	p2 =	slt.u32 s8, $0xFFFFF086  }
0x1c: {  	p1 =	slt.u32 s9, $0xF7A;
	s5 =	simm.s32 @!p2 $0x0  }
0x1d: {  	s5 =	simm.s32 @p1 $0x1;
	p0 =	seq.s32 s7, s2  }
0x1e: {  	s7 =	smul.u32 @!p0 $0xF7A, s2;
	p2 =	seq.s32 @!p0 s5, $0x0  }
0x1f: {  	s9 =	smul.u32 $0xF7A, s1;
	s8 =	simm.s32 @!p0 $0x1BF5;
	p2 =	por !p2, p0  }
0x20: {  	[sflag:s8] =	ssyncset.s32 @!p0 $0xFFFFF086;
	s6 =	sadd.s32 @!p0 s3, s7;
	s7 =	simm.s32 @!p0 $0x108  }
0x21: {  	s3 =	sadd.s32 s3, s9;
	s6 =	sadd.s32 @!p0 $0x88, s6;
	s7 =	simm.s32 @p2 $0x1082  }
0x22: {  	[simem:s7], [sflag:s8] =	dma.local @!p0 [hbm:s6], $0xF7A  }
0x23: {  	s9 =	sor.u32 $0xD0000000, s2;
	s6 =	simm.s32 $0x108;
	_ =	swait.ge @!p0 [sflag:s8], $0x0  }
0x24: {  	s3 =	sadd.s32 $0x88, s3;
	s6 =	simm.s32 @!p1 $0x1082;
	[sflag:s4] =	ssyncset.s32 $0xFFFFF086  }
0x25: {  	[simem:s6], [sflag:s4] =	dma.local [hbm:s3], $0xF7A  }
0x26: {  	[smem:$0x3F8B] =	sst s1;
	(tag) =	ssettag s2;
	_ =	strace s9  }
0x27: {  	s1 =	sld [smem:$0x3F9B]  }
0x28: {  	s2 =	sld [smem:$0x3F9C]  }
0x29: {  	s4 =	sld [smem:$0x3F9E]  }
0x2a: {  	p0 =	seq.s32 s5, $0x0;
	s5 =	sld [smem:$0x3F9F]  }
0x2b: {  	s6 =	sld [smem:$0x3FA0]  }
0x2c: {  	s7 =	sld [smem:$0x3FA1]  }
0x2d: {  	s3 =	simm.s32 $0x108;
	s8 =	sld [smem:$0x3FA2]  }
0x2e: {  	s3 =	simm.s32 @!p0 $0x1082;
	s9 =	sld [smem:$0x3FA3]  }
0x2f: {  	lr =	sadd.s32 s0, s3;
	s0 =	sld [smem:$0x3F9A]  }
0x30: {  	s3 =	sld [smem:$0x3F9D]  }
0x31: {  	[smem:$0x3FA6] =	sst s10  }
0x32: {  	s10 =	sld [smem:$0x3FA4];
	_ =	sdelay $0x3  }
0x33: {  	p0 =	seq.s32 s10, $0x1;
	s10 =	sld [smem:$0x3FA6];
	_ =	sdelay $0x3  }
0x34: {  	[smem:$0x3FA6] =	sst s10  }
0x35: {  	s10 =	sld [smem:$0x3FA5];
	_ =	sdelay $0x3  }
0x36: {  	p1 =	seq.s32 s10, $0x1;
	s10 =	sld [smem:$0x3FA6];
	_ =	sdelay $0x3  }
0x37: {  	[smem:$0x3FA6] =	sst s10  }
0x38: {  	s10 =	sld [smem:$0x3FA7]  }
0x39: {  	_ = 	snop;
	(pc) =	sbr.ind lr, $3  }
0x3a: {  	_ = 	snop  }
0x3b: {  	_ = 	snop  }
0x3c: {  	p2 =	seq.s32 s10, $0x1;
	s10 =	sld [smem:$0x3FA6]  }
0x3d: {  	_ =	shalt  }
0x3e: {  	_ =	shalt  }
0x3f: {  	_ =	shalt  }
0x40: {  	_ =	shalt  }
0x41: {  	_ =	shalt  }
0x42: {  	_ =	shalt  }
0x43: {  	_ =	shalt  }
0x44: {  	_ =	shalt  }
0x45: {  	_ =	shalt  }
0x46: {  	_ =	shalt  }
0x47: {  	_ =	shalt  }
0x48: {  	_ =	shalt  }
0x49: {  	_ =	shalt  }
0x4a: {  	_ =	shalt  }
0x4b: {  	_ =	shalt  }
0x4c: {  	_ =	shalt  }
0x4d: {  	_ =	shalt  }
0x4e: {  	_ =	shalt  }
0x4f: {  	_ =	shalt  }
0x50: {  	_ =	shalt  }
0x51: {  	_ =	shalt  }
0x52: {  	_ =	shalt  }
0x53: {  	_ =	shalt  }
0x54: {  	_ =	shalt  }
0x55: {  	_ =	shalt  }
0x56: {  	_ =	shalt  }
0x57: {  	_ =	shalt  }
0x58: {  	_ =	shalt  }
0x59: {  	_ =	shalt  }
0x5a: {  	_ =	shalt  }
0x5b: {  	_ =	shalt  }
0x5c: {  	_ =	shalt  }
0x5d: {  	_ =	shalt  }
0x5e: {  	_ =	shalt  }
0x5f: {  	_ =	shalt  }
0x60: {  	_ =	shalt  }
0x61: {  	_ =	shalt  }
0x62: {  	_ =	shalt  }
0x63: {  	_ =	shalt  }
0x64: {  	_ =	shalt  }
0x65: {  	_ =	shalt  }
0x66: {  	_ =	shalt  }
0x67: {  	_ =	shalt  }
0x68: {  	_ =	shalt  }
0x69: {  	_ =	shalt  }
0x6a: {  	_ =	shalt  }
0x6b: {  	_ =	shalt  }
0x6c: {  	_ =	shalt  }
0x6d: {  	_ =	shalt  }
0x6e: {  	_ =	shalt  }
0x6f: {  	_ =	shalt  }
0x70: {  	_ =	shalt  }
0x71: {  	_ =	shalt  }
0x72: {  	_ =	shalt  }
0x73: {  	_ =	shalt  }
0x74: {  	_ =	shalt  }
0x75: {  	_ =	shalt  }
0x76: {  	_ =	shalt  }
0x77: {  	_ =	shalt  }
0x78: {  	_ =	shalt  }
0x79: {  	_ =	shalt  }
0x7a: {  	_ =	shalt  }
0x7b: {  	_ =	shalt  }
0x7c: {  	_ =	shalt  }
0x7d: {  	_ =	shalt  }
0x7e: {  	_ =	shalt  }
0x7f: {  	_ =	shalt  }
0x80: {  	_ =	shalt  }
0x81: {  	_ =	shalt  }
0x82: {  	_ =	shalt  }
0x83: {  	_ =	shalt  }
0x84: {  	_ =	shalt  }
0x85: {  	_ =	shalt  }
0x86: {  	_ =	shalt  }
0x87: {  	_ =	shalt  }
.Lfunc_end0:
.L_simem_size_0:
called_computation_lowered:
.L_overlay_start_0:
0x88: {  	s2 =	sld [smem:$0x3FD9]  }
0x89: {  	s3 =	sld [smem:$0x3FFE];
	_ =	sdelay $0x1  }
0x8a: {  	s1 =	srdreg.scid  }
0x8b: {  	s0 =	sand.u32 $0x1, s1  }
0x8c: {  	s17 =	sshll.u32 s0, $0xA;
	s2 =	sadd.s32 s3, s2  }
0x8d: {  	s2 =	sadd.s32 s2, s17  }
0x8e: {  	[smem:$0x3FB2] =	sst s2  }
0x8f: {  	_ = 	snop  }
0x90: {  	s2 =	sld [smem:$0x3FD0];
	(tm) =	ssettm $0x1  }
0x91: {  	s18 =	sld [smem:$0x3FFB];
	_ =	sdelay $0x3  }
0x92: {  	_ =	strace s18  }
0x93: {  	s3 =	sld [smem:$0x3FFC];
	_ =	sdelay $0x3  }
0x94: {  	_ =	strace s3  }
0x95: {  	s3 =	sld [smem:$0x3FFD];
	_ =	sdelay $0x3  }
0x96: {  	_ =	strace s3  }
0x97: {  	_ =	strace $0x8FFFFFFF  }
0x98: {  	s19 =	sld [smem:$0x3FDB];
	_ =	sdelay $0x1  }
0x99: {  	s4 =	simm.s32 $_scs_section_size  }
0x9a: {  	s5 =	simm.s32 $_size__tile_overlayer_lowered;
	s6 =	simm.s32 $_tile_overlayer_lowered  }
0x9b: {  	s22 =	simm.s32 $0x1BFF;
	s21 =	sshll.u32 s6, $0x1;
	s3 =	sadd.s32 s4, s19  }
0x9c: {  	s7 =	simm.s32 $0x0;
	s20 =	sshll.u32 s5, $0x1;
	s5 =	sadd.s32 s21, s3  }
0x9d: {  	[timem:s7], [sflag:s22] =	dma.local [hbm:s5], s20  }
0x9e: {  	_ =	swait.ge [sflag:s22], s20  }
0x9f: {  	s4 =	ssub.s32 $0x0, s20;
	[sflag:s22] =	ssyncset.done $0x0  }
0xa0: {  	[sflag:s22] =	ssyncadd.s32 s4;
	_ =	sdelay $0x1  }
0xa1: {  	s23 =	simm.s32 $0x1B8B  }
0xa2: {  	_ =	swait.ge [sflag:s23], $0x1  }
0xa3: {  	[sflag:s23] =	ssyncset.done $0x0  }
0xa4: {  	s25 =	simm.s32 $0x1B8E;
	s24 =	sld [smem:$0x3FFE];
	[sflag:s23] =	ssyncadd.s32 $0xFFFFFFFF  }
0xa5: {  	s26 =	simm.s32 $execute0_lowered;
	[smem:$0x3FD2] =	sst s25  }
0xa6: {  	s5 =	sshll.u32 s26, $0x1;
	_ =	strace $0x80000046;
	[dreg:$0x1] =	wrdreg $0xFFFFFFFF  }
0xa7: {  	s28 =	simm.s32 $_size_execute0_lowered;
	s3 =	sadd.s32 s3, s5;
	[dreg:$0x0] =	wrdreg $0x0  }
0xa8: {  	s5 =	sshll.u32 s28, $0x1;
	[dreg:$0x2] =	wrdreg s3  }
0xa9: {  	[dreg:$0x3] =	wrdreg s5  }
0xaa: {  	[dreg:$0x4] =	wrdreg $0xC0  }
0xab: {  	_ =	task [dreg:s7], $0x5FFFF  }
0xac: {  	[dreg:$0x1] =	wrdreg $0xFFFFFFFF  }
0xad: {  	[dreg:$0x0] =	wrdreg $0x60  }
0xae: {  	[dreg:$0x2] =	wrdreg s24  }
0xaf: {  	[dreg:$0x3] =	wrdreg s2  }
0xb0: {  	[dreg:$0x4] =	wrdreg $0x18000  }
0xb1: {  	[dreg:$0x5] =	wrdreg $0x9  }
0xb2: {  	_ =	task.clear_ibuf [dreg:s7], $0x6FFFF;
	_ =	strace $0x90000046  }
0xb3: {  	s29 =	simm.s32 $0x9;
	_ =	strace $0x80000048  }
0xb4: {  	_ =	swait.ge [sflag:s29], $0x1  }
0xb5: {  	[sflag:s29] =	ssyncadd.s32 $0xFFFFFFFF  }
0xb6: {  	_ =	strace $0x90000048  }
0xb7: {  	_ =	sfence  }
0xb8: {  	s30 =	sld [smem:$0x0];
	_ =	sdelay $0x2  }
0xb9: {  	s31 =	sshll.u32 s1, $0xD;
	s1 =	sshrl.u32 s1, $0x2  }
0xba: {  	s3 =	sand.u32 $0x4000, s31;
	s1 =	sadd.s32 s1, s30  }
0xbb: {  	s0 =	sor.u32 s3, s0;
	s1 =	sshll.u32 s1, $0x11  }
0xbc: {  	s0 =	sor.u32 s1, s0  }
0xbd: {  	s0 =	sadd.s32 $0x8F2B, s0  }
0xbe: {  	[sflag:s0] =	ssyncadd.remote.s32 $0x1  }
0xbf: {  	_ =	sfence.sel $0xFFFF  }
0xc0: {  	[dreg:$0x0] =	wrdreg $0xFFFFFFFF;
	(pc) =	sbr.abs _section_cstart, $3  }
0xc1: {  	[dreg:$0x1] =	wrdreg $0xFFFFFFFF  }
0xc2: {  	_ =	task.clear_ibuf [dreg:s7], $0x2FFFF;
	_ =	strace $0x9FFFFFFF  }
0xc3: {  	(tm) =	ssettm $0x7FFFFFFF  }
tec
execute0_lowered:
.L_overlay_start_1:
0x0: {  	(tag) =	ssettag $0x1  }
0x1: {  	s7 =	rddreg [dreg:$0x0]  }
0x2: {  	s1 =	srdreg.scid;
	s2 =	rddreg [dreg:$0x1]  }
0x3: {  	s0 =	stileid.u32;
	s3 =	rddreg [dreg:$0x2]  }
0x4: {  	s4 =	simm.s32 $0x0;
	s15 =	simm.s32 $0x1;
	s16 =	simm.s32 $0x1400  }
0x5: {  	s17 =	simm.s32 $0x80;
	s18 =	simm.s32 $0x0;
	s6 =	sand.u32 $0x1, s1  }
0x6: {  	s30 =	sshll.u32 s0, $0x1;
	s8 =	smul.u32 $0x61C0, s0;
	[smem:$0x7FF] =	sst s4  }
0x7: {  	s10 =	sshll.u32 s0, $0x6;
	s1 =	sor.u32 s6, s30;
	s9 =	smul.u32 $0x61C00, s6  }
0x8: {  	s6 =	ssub.s32 $0x2, s6;
	s5 =	smul.u32 $0xC80, s1;
	s1 =	rddreg [dreg:$0x3]  }
0x9: {  	_ =	strace $0x80000047;
	s14 =	sadd.s32 s8, s3;
	s9 =	sadd.s32 s8, s9  }
0xa: {  	s31 =	sshrl.u32 s6, $0x1;
	s14 =	sshrl.u32 s14, $0x3;
	s9 =	sshrl.u32 s9, $0x3  }
0xb: {  	s13 =	sadd.s32 s5, s7;
	s5 =	sadd.s32 $0x1EA00, s7;
	s7 =	sadd.s32 s9, s7  }
0xc: {  	s9 =	ssub.s32 s6, s31;
	s6 =	sor.u32 $0x1C01, s10;
	s10 =	sadd.s32 $0x5C80, s13  }
0xd: {  	s11 =	sadd.s32 $0x5F00, s13;
	s12 =	sadd.s32 $0x6180, s13;
	s7 =	sadd.s32 $0x1EC00, s7  }
0xe: {  	s8 =	smax.u32 s9, $0x1;
	s9 =	sadd.s32 $0x5A00, s13;
	s13 =	sadd.s32 $0x6400, s13  }
.LBB2_1:
0xf: {  	[spmem:s14], [sflag:s6] =	dma.local [hbm:s2], $0xC38  }
0x10: {  	_ =	swait.ge [sflag:s15], $0xC38  }
0x11: {  	[sflag:s15] =	ssyncset.done $0x0  }
0x12: {  	[sflag:s15] =	ssyncadd.s32 $0xFFFFF3C8  }
0x13: {  	[tilespmem:s16], [sflag:$0x1] =	stream.linear.gather [hbm4b:s5+s4], $0x400, $0x38;
	[tilespmem:$0x79C0] =	vst v63  }
0x14: {  	_ =	swait.ge [sflag:s15], $0x400  }
0x15: {  	[sflag:s15] =	ssyncset.done $0x0  }
0x16: {  	[sflag:s15] =	ssyncadd.s32 $0xFFFFFC00  }
0x17: {  	[bflag:$0x0] =	sbarrier.arrive $0xFFFF  }
0x18: {  	[tilespmem:s4], [sflag:$0x1] =	stream.linear.gather [hbm4b:s9+s4], $0x1400, $0x38;
	[tilespmem:$0x79C0] =	vst v63  }
0x19: {  	_ =	swait.ge [sflag:s15], $0x1400  }
0x1a: {  	[sflag:s15] =	ssyncset.done $0x0  }
0x1b: {  	s19 =	simm.s32 $0x0;
	[sflag:s15] =	ssyncadd.s32 $0xFFFFEC00  }
0x1c: {  	[spmem:s3] =	stream.indirect.scatter.add.f32 [tilespmem:s16], [sflag:$0x1], $0x8, s19, s17, $0xb8;
	[tilespmem:$0x79C0] =	vst v63  }
0x1d: {  	_ =	swait.ge [sflag:s15], $0x400  }
0x1e: {  	s19 =	simm.s32 $0x200;
	[sflag:s15] =	ssyncset.done $0x0  }
.LBB2_2:
0x1f: {  	s20 =	sshra.s32 s19, $0x2;
	[sflag:s15] =	ssyncadd.s32 $0xFFFFFC00;
	p0 =	sne.s32 s19, $0x4E00  }
0x20: {  	[spmem:s3] =	stream.indirect.scatter.add.f32 [tilespmem:s16], [sflag:$0x1], $0x8, s20, s17, $0xb8;
	[tilespmem:$0x79C0] =	vst v63  }
.Ltmp0:
0x21: {  	_ = 	snop;
	(pc) =	sbr.rel @p0 .LBB2_2-.Ltmp0, $4  }
0x22: {  	_ = 	snop  }
0x23: {  	s19 =	sadd.s32 $0x200, s19  }
0x24: {  	_ =	swait.ge [sflag:s15], $0x400  }
0x25: {  	[sflag:s15] =	ssyncset.done $0x0  }
0x26: {  	[sflag:s15] =	ssyncadd.s32 $0xFFFFFC00;
	s19 =	simm.s32 $0x0  }
0x27: {  	[tilespmem:s19], [sflag:$0x1] =	stream.linear.gather [hbm4b:s10+s19], $0x1400, $0x38;
	[tilespmem:$0x79C0] =	vst v63  }
0x28: {  	_ =	swait.ge [sflag:s15], $0x1400  }
0x29: {  	[sflag:s15] =	ssyncset.done $0x0  }
0x2a: {  	s31 =	simm.s32 $0x0;
	[sflag:s15] =	ssyncadd.s32 $0xFFFFEC00  }
0x2b: {  	[spmem:s3] =	stream.indirect.scatter.add.f32 [tilespmem:s16], [sflag:$0x1], $0x8, s31, s17, $0xb8;
	[tilespmem:$0x79C0] =	vst v63  }
0x2c: {  	_ =	swait.ge [sflag:s15], $0x400  }
0x2d: {  	s19 =	simm.s32 $0x200;
	[sflag:s15] =	ssyncset.done $0x0  }
.LBB2_4:
0x2e: {  	s20 =	sshra.s32 s19, $0x2;
	[sflag:s15] =	ssyncadd.s32 $0xFFFFFC00;
	p0 =	sne.s32 s19, $0x4E00  }
0x2f: {  	[spmem:s3] =	stream.indirect.scatter.add.f32 [tilespmem:s16], [sflag:$0x1], $0x8, s20, s17, $0xb8;
	[tilespmem:$0x79C0] =	vst v63  }
.Ltmp1:
0x30: {  	_ = 	snop;
	(pc) =	sbr.rel @p0 .LBB2_4-.Ltmp1, $4  }
0x31: {  	_ = 	snop  }
0x32: {  	s19 =	sadd.s32 $0x200, s19  }
0x33: {  	_ =	swait.ge [sflag:s15], $0x400  }
0x34: {  	[sflag:s15] =	ssyncset.done $0x0  }
0x35: {  	[sflag:s15] =	ssyncadd.s32 $0xFFFFFC00;
	s19 =	simm.s32 $0x0  }
0x36: {  	[tilespmem:s19], [sflag:$0x1] =	stream.linear.gather [hbm4b:s11+s19], $0x1400, $0x38;
	[tilespmem:$0x79C0] =	vst v63  }
0x37: {  	_ =	swait.ge [sflag:s15], $0x1400  }
0x38: {  	[sflag:s15] =	ssyncset.done $0x0  }
0x39: {  	s31 =	simm.s32 $0x0;
	[sflag:s15] =	ssyncadd.s32 $0xFFFFEC00  }
0x3a: {  	[spmem:s3] =	stream.indirect.scatter.add.f32 [tilespmem:s16], [sflag:$0x1], $0x8, s31, s17, $0xb8;
	[tilespmem:$0x79C0] =	vst v63  }
0x3b: {  	_ =	swait.ge [sflag:s15], $0x400  }
0x3c: {  	s19 =	simm.s32 $0x200;
	[sflag:s15] =	ssyncset.done $0x0  }
.LBB2_6:
0x3d: {  	s20 =	sshra.s32 s19, $0x2;
	[sflag:s15] =	ssyncadd.s32 $0xFFFFFC00;
	p0 =	sne.s32 s19, $0x4E00  }
0x3e: {  	[spmem:s3] =	stream.indirect.scatter.add.f32 [tilespmem:s16], [sflag:$0x1], $0x8, s20, s17, $0xb8;
	[tilespmem:$0x79C0] =	vst v63  }
.Ltmp2:
0x3f: {  	_ = 	snop;
	(pc) =	sbr.rel @p0 .LBB2_6-.Ltmp2, $4  }
0x40: {  	_ = 	snop  }
0x41: {  	s19 =	sadd.s32 $0x200, s19  }
0x42: {  	_ =	swait.ge [sflag:s15], $0x400  }
0x43: {  	[sflag:s15] =	ssyncset.done $0x0  }
0x44: {  	[sflag:s15] =	ssyncadd.s32 $0xFFFFFC00;
	s19 =	simm.s32 $0x0  }
0x45: {  	[tilespmem:s19], [sflag:$0x1] =	stream.linear.gather [hbm4b:s12+s19], $0x1400, $0x38;
	[tilespmem:$0x79C0] =	vst v63  }
0x46: {  	_ =	swait.ge [sflag:s15], $0x1400  }
0x47: {  	[sflag:s15] =	ssyncset.done $0x0  }
0x48: {  	s31 =	simm.s32 $0x0;
	[sflag:s15] =	ssyncadd.s32 $0xFFFFEC00  }
0x49: {  	[spmem:s3] =	stream.indirect.scatter.add.f32 [tilespmem:s16], [sflag:$0x1], $0x8, s31, s17, $0xb8;
	[tilespmem:$0x79C0] =	vst v63  }
0x4a: {  	_ =	swait.ge [sflag:s15], $0x400  }
0x4b: {  	s19 =	simm.s32 $0x200;
	[sflag:s15] =	ssyncset.done $0x0  }
.LBB2_8:
0x4c: {  	s20 =	sshra.s32 s19, $0x2;
	[sflag:s15] =	ssyncadd.s32 $0xFFFFFC00;
	p0 =	sne.s32 s19, $0x4E00  }
0x4d: {  	[spmem:s3] =	stream.indirect.scatter.add.f32 [tilespmem:s16], [sflag:$0x1], $0x8, s20, s17, $0xb8;
	[tilespmem:$0x79C0] =	vst v63  }
.Ltmp3:
0x4e: {  	_ = 	snop;
	(pc) =	sbr.rel @p0 .LBB2_8-.Ltmp3, $4  }
0x4f: {  	_ = 	snop  }
0x50: {  	s19 =	sadd.s32 $0x200, s19  }
0x51: {  	_ =	swait.ge [sflag:s15], $0x400  }
0x52: {  	[sflag:s15] =	ssyncset.done $0x0  }
0x53: {  	[sflag:s15] =	ssyncadd.s32 $0xFFFFFC00;
	s19 =	simm.s32 $0x0  }
0x54: {  	[tilespmem:s19], [sflag:$0x1] =	stream.linear.gather [hbm4b:s13+s19], $0x1400, $0x38;
	[tilespmem:$0x79C0] =	vst v63  }
0x55: {  	_ =	swait.ge [sflag:s15], $0x1400  }
0x56: {  	[sflag:s15] =	ssyncset.done $0x0  }
0x57: {  	s31 =	simm.s32 $0x0;
	[sflag:s15] =	ssyncadd.s32 $0xFFFFEC00  }
0x58: {  	[spmem:s3] =	stream.indirect.scatter.add.f32 [tilespmem:s16], [sflag:$0x1], $0x8, s31, s17, $0xb8;
	[tilespmem:$0x79C0] =	vst v63  }
0x59: {  	_ =	swait.ge [sflag:s15], $0x400  }
0x5a: {  	s19 =	simm.s32 $0x200;
	[sflag:s15] =	ssyncset.done $0x0  }
.LBB2_10:
0x5b: {  	s20 =	sshra.s32 s19, $0x2;
	[sflag:s15] =	ssyncadd.s32 $0xFFFFFC00;
	p0 =	sne.s32 s19, $0x4E00  }
0x5c: {  	[spmem:s3] =	stream.indirect.scatter.add.f32 [tilespmem:s16], [sflag:$0x1], $0x8, s20, s17, $0xb8;
	[tilespmem:$0x79C0] =	vst v63  }
.Ltmp4:
0x5d: {  	_ = 	snop;
	(pc) =	sbr.rel @p0 .LBB2_10-.Ltmp4, $4  }
0x5e: {  	_ = 	snop  }
0x5f: {  	s19 =	sadd.s32 $0x200, s19  }
0x60: {  	_ =	swait.ge [sflag:s15], $0x400  }
0x61: {  	[sflag:s15] =	ssyncset.done $0x0  }
0x62: {  	s18 =	sadd.s32 $0x1, s18  }
0x63: {  	[sflag:s15] =	ssyncadd.s32 $0xFFFFFC00;
	p0 =	sne.s32 s18, s8  }
.Ltmp5:
0x64: {  	[bflag:$0x0] =	sbarrier.arrive $0xFFFF;
	(pc) =	sbr.rel @p0 .LBB2_1-.Ltmp5, $4  }
0x65: {  	[hbm:s7], [sflag:s6] =	dma.local [spmem:s14], $0xC38  }
0x66: {  	_ =	swait.ge [sflag:s15], $0xC38  }
0x67: {  	[sflag:s15] =	ssyncset.done $0x0  }
0x68: {  	[sflag:s15] =	ssyncadd.s32 $0xFFFFF3C8  }
0x69: {  	_ =	sfence.sel $0x180000  }
0x6a: {  	[bflag:$0x0] =	sbarrier.arrive $0xFFFF  }
0x6b: {  	p0 =	sne.s32 s0, $0x0;
	_ =	strace $0x90000047  }
0x6c: {  	s0 =	sadd.s32 @!p0 $0x100000, s1;
	[bflag:$0x2] =	sbarrier.arrive $0xFFFF  }
0x6d: {  	[sflag:s0] =	ssyncadd.tile.s32 @!p0 $0x1;
	_ =	shalt  }
.Lfunc_end2:
_tile_overlayer_lowered:
.L_overlay_start_2:
0x6e: {  	(tag) =	ssettag $0x2  }
0x6f: {  	s0 =	rddreg [dreg:$0x0];
	s2 =	stileid.u32  }
0x70: {  	s1 =	rddreg [dreg:$0x1];
	p0 =	sne.s32 s2, $0x0  }
0x71: {  	s3 =	rddreg [dreg:$0x2];
	[bflag:$0x3] =	sbarrier.arrive $0xFFFF;
	s2 =	simm.s32 @!p0 $0x1C01  }
0x72: {  	[timem:s3], [sflag:s2] =	dma.local @!p0 [hbm:s0], s1  }
0x73: {  	s0 =	simm.s32 @!p0 $0x1  }
0x74: {  	_ =	swait.ge @!p0 [sflag:s0], s1  }
0x75: {  	s1 =	ssub.s32 @!p0 $0x0, s1;
	[sflag:s0] =	ssyncset.done @!p0 $0x0  }
0x76: {  	[sflag:s0] =	ssyncadd.s32 @!p0 s1  }
0x77: {  	[bflag:$0x3] =	sbarrier.arrive $0xFFFF  }
0x78: {  	_ =	shalt  }

// kernel: kernel.14.cloned.1.call-start
scs
__scs_entry_jumppad:
0x0: {  	(pc) =	sbr.rel $0x88, $3  }
0x1: {  	(tag) =	ssettag $0x0;
	lr =	simm.s32 $0x1  }
0x2: {  	[smem:$0x3F8B] =	sst lr;
	_ =	strace $0xD0000000  }
0x3: {  	_ = 	snop  }
0x4: {  	_ = 	snop  }
0x5: {  	_ = 	snop  }
0x6: {  	_ = 	snop  }
0x7: {  	_ = 	snop  }
__scs_overlays_trampoline_lowered:
0x8: {  	[smem:$0x3F9A] =	sst s0  }
0x9: {  	[smem:$0x3F9B] =	sst s1  }
0xa: {  	[smem:$0x3F9C] =	sst s2  }
0xb: {  	[smem:$0x3F9D] =	sst s3  }
0xc: {  	[smem:$0x3F9E] =	sst s4  }
0xd: {  	[smem:$0x3F9F] =	sst s5  }
0xe: {  	[smem:$0x3FA0] =	sst s6  }
0xf: {  	[smem:$0x3FA1] =	sst s7  }
0x10: {  	[smem:$0x3FA2] =	sst s8  }
0x11: {  	[smem:$0x3FA3] =	sst s9;
	s0 =	simm.s32 @!p0 $0x0  }
0x12: {  	s1 =	sld [smem:$0x3F89];
	s0 =	simm.s32 @p0 $0x1  }
0x13: {  	[smem:$0x3FA4] =	sst s0;
	s0 =	simm.s32 @!p1 $0x0  }
0x14: {  	s2 =	sld [smem:$0x3F88];
	s0 =	simm.s32 @p1 $0x1  }
0x15: {  	[smem:$0x3FA5] =	sst s0;
	s0 =	simm.s32 @!p2 $0x0  }
0x16: {  	s3 =	sld [smem:$0x3FDB];
	s0 =	simm.s32 @p2 $0x1  }
0x17: {  	s4 =	simm.s32 $0x1BF5;
	[smem:$0x3FA7] =	sst s0  }
0x18: {  	s0 =	sld [smem:$0x3F8A];
	_ =	swait.ge [sflag:s4], $0x0  }
0x19: {  	s7 =	sld [smem:$0x3F8B]  }
0x1a: {  	s8 =	sadd.s32 $0xFFFFE003, lr  }
0x1b: {  	s9 =	sadd.s32 $0xFFFFFEF7, lr;
	s5 =	simm.s32 $0xFFFFFFFF;
	p2 =	slt.u32 s8, $0xFFFFF086  }
0x1c: {  	p1 =	slt.u32 s9, $0xF7A;
	s5 =	simm.s32 @!p2 $0x0  }
0x1d: {  	s5 =	simm.s32 @p1 $0x1;
	p0 =	seq.s32 s7, s2  }
0x1e: {  	s7 =	smul.u32 @!p0 $0xF7A, s2;
	p2 =	seq.s32 @!p0 s5, $0x0  }
0x1f: {  	s9 =	smul.u32 $0xF7A, s1;
	s8 =	simm.s32 @!p0 $0x1BF5;
	p2 =	por !p2, p0  }
0x20: {  	[sflag:s8] =	ssyncset.s32 @!p0 $0xFFFFF086;
	s6 =	sadd.s32 @!p0 s3, s7;
	s7 =	simm.s32 @!p0 $0x108  }
0x21: {  	s3 =	sadd.s32 s3, s9;
	s6 =	sadd.s32 @!p0 $0x88, s6;
	s7 =	simm.s32 @p2 $0x1082  }
0x22: {  	[simem:s7], [sflag:s8] =	dma.local @!p0 [hbm:s6], $0xF7A  }
0x23: {  	s9 =	sor.u32 $0xD0000000, s2;
	s6 =	simm.s32 $0x108;
	_ =	swait.ge @!p0 [sflag:s8], $0x0  }
0x24: {  	s3 =	sadd.s32 $0x88, s3;
	s6 =	simm.s32 @!p1 $0x1082;
	[sflag:s4] =	ssyncset.s32 $0xFFFFF086  }
0x25: {  	[simem:s6], [sflag:s4] =	dma.local [hbm:s3], $0xF7A  }
0x26: {  	[smem:$0x3F8B] =	sst s1;
	(tag) =	ssettag s2;
	_ =	strace s9  }
0x27: {  	s1 =	sld [smem:$0x3F9B]  }
0x28: {  	s2 =	sld [smem:$0x3F9C]  }
0x29: {  	s4 =	sld [smem:$0x3F9E]  }
0x2a: {  	p0 =	seq.s32 s5, $0x0;
	s5 =	sld [smem:$0x3F9F]  }
0x2b: {  	s6 =	sld [smem:$0x3FA0]  }
0x2c: {  	s7 =	sld [smem:$0x3FA1]  }
0x2d: {  	s3 =	simm.s32 $0x108;
	s8 =	sld [smem:$0x3FA2]  }
0x2e: {  	s3 =	simm.s32 @!p0 $0x1082;
	s9 =	sld [smem:$0x3FA3]  }
0x2f: {  	lr =	sadd.s32 s0, s3;
	s0 =	sld [smem:$0x3F9A]  }
0x30: {  	s3 =	sld [smem:$0x3F9D]  }
0x31: {  	[smem:$0x3FA6] =	sst s10  }
0x32: {  	s10 =	sld [smem:$0x3FA4];
	_ =	sdelay $0x3  }
0x33: {  	p0 =	seq.s32 s10, $0x1;
	s10 =	sld [smem:$0x3FA6];
	_ =	sdelay $0x3  }
0x34: {  	[smem:$0x3FA6] =	sst s10  }
0x35: {  	s10 =	sld [smem:$0x3FA5];
	_ =	sdelay $0x3  }
0x36: {  	p1 =	seq.s32 s10, $0x1;
	s10 =	sld [smem:$0x3FA6];
	_ =	sdelay $0x3  }
0x37: {  	[smem:$0x3FA6] =	sst s10  }
0x38: {  	s10 =	sld [smem:$0x3FA7]  }
0x39: {  	_ = 	snop;
	(pc) =	sbr.ind lr, $3  }
0x3a: {  	_ = 	snop  }
0x3b: {  	_ = 	snop  }
0x3c: {  	p2 =	seq.s32 s10, $0x1;
	s10 =	sld [smem:$0x3FA6]  }
0x3d: {  	_ =	shalt  }
0x3e: {  	_ =	shalt  }
0x3f: {  	_ =	shalt  }
0x40: {  	_ =	shalt  }
0x41: {  	_ =	shalt  }
0x42: {  	_ =	shalt  }
0x43: {  	_ =	shalt  }
0x44: {  	_ =	shalt  }
0x45: {  	_ =	shalt  }
0x46: {  	_ =	shalt  }
0x47: {  	_ =	shalt  }
0x48: {  	_ =	shalt  }
0x49: {  	_ =	shalt  }
0x4a: {  	_ =	shalt  }
0x4b: {  	_ =	shalt  }
0x4c: {  	_ =	shalt  }
0x4d: {  	_ =	shalt  }
0x4e: {  	_ =	shalt  }
0x4f: {  	_ =	shalt  }
0x50: {  	_ =	shalt  }
0x51: {  	_ =	shalt  }
0x52: {  	_ =	shalt  }
0x53: {  	_ =	shalt  }
0x54: {  	_ =	shalt  }
0x55: {  	_ =	shalt  }
0x56: {  	_ =	shalt  }
0x57: {  	_ =	shalt  }
0x58: {  	_ =	shalt  }
0x59: {  	_ =	shalt  }
0x5a: {  	_ =	shalt  }
0x5b: {  	_ =	shalt  }
0x5c: {  	_ =	shalt  }
0x5d: {  	_ =	shalt  }
0x5e: {  	_ =	shalt  }
0x5f: {  	_ =	shalt  }
0x60: {  	_ =	shalt  }
0x61: {  	_ =	shalt  }
0x62: {  	_ =	shalt  }
0x63: {  	_ =	shalt  }
0x64: {  	_ =	shalt  }
0x65: {  	_ =	shalt  }
0x66: {  	_ =	shalt  }
0x67: {  	_ =	shalt  }
0x68: {  	_ =	shalt  }
0x69: {  	_ =	shalt  }
0x6a: {  	_ =	shalt  }
0x6b: {  	_ =	shalt  }
0x6c: {  	_ =	shalt  }
0x6d: {  	_ =	shalt  }
0x6e: {  	_ =	shalt  }
0x6f: {  	_ =	shalt  }
0x70: {  	_ =	shalt  }
0x71: {  	_ =	shalt  }
0x72: {  	_ =	shalt  }
0x73: {  	_ =	shalt  }
0x74: {  	_ =	shalt  }
0x75: {  	_ =	shalt  }
0x76: {  	_ =	shalt  }
0x77: {  	_ =	shalt  }
0x78: {  	_ =	shalt  }
0x79: {  	_ =	shalt  }
0x7a: {  	_ =	shalt  }
0x7b: {  	_ =	shalt  }
0x7c: {  	_ =	shalt  }
0x7d: {  	_ =	shalt  }
0x7e: {  	_ =	shalt  }
0x7f: {  	_ =	shalt  }
0x80: {  	_ =	shalt  }
0x81: {  	_ =	shalt  }
0x82: {  	_ =	shalt  }
0x83: {  	_ =	shalt  }
0x84: {  	_ =	shalt  }
0x85: {  	_ =	shalt  }
0x86: {  	_ =	shalt  }
0x87: {  	_ =	shalt  }
.Lfunc_end0:
.L_simem_size_0:
called_computation.1_lowered:
.L_overlay_start_0:
0x88: {  	s2 =	sld [smem:$0x3FD9]  }
0x89: {  	s3 =	sld [smem:$0x3FFE];
	_ =	sdelay $0x1  }
0x8a: {  	s1 =	srdreg.scid  }
0x8b: {  	s0 =	sand.u32 $0x1, s1  }
0x8c: {  	s17 =	sshll.u32 s0, $0xA;
	s2 =	sadd.s32 s3, s2  }
0x8d: {  	s2 =	sadd.s32 s2, s17  }
0x8e: {  	[smem:$0x3FB2] =	sst s2  }
0x8f: {  	_ = 	snop  }
0x90: {  	s2 =	sld [smem:$0x3FD0];
	(tm) =	ssettm $0x1  }
0x91: {  	s18 =	sld [smem:$0x3FFB];
	_ =	sdelay $0x3  }
0x92: {  	_ =	strace s18  }
0x93: {  	s3 =	sld [smem:$0x3FFC];
	_ =	sdelay $0x3  }
0x94: {  	_ =	strace s3  }
0x95: {  	s3 =	sld [smem:$0x3FFD];
	_ =	sdelay $0x3  }
0x96: {  	_ =	strace s3  }
0x97: {  	_ =	strace $0x8FFFFFFF  }
0x98: {  	s19 =	sld [smem:$0x3FDB];
	_ =	sdelay $0x1  }
0x99: {  	s4 =	simm.s32 $_scs_section_size  }
0x9a: {  	s5 =	simm.s32 $_size__tile_overlayer_lowered;
	s6 =	simm.s32 $_tile_overlayer_lowered  }
0x9b: {  	s22 =	simm.s32 $0x1BFF;
	s21 =	sshll.u32 s6, $0x1;
	s3 =	sadd.s32 s4, s19  }
0x9c: {  	s7 =	simm.s32 $0x0;
	s20 =	sshll.u32 s5, $0x1;
	s5 =	sadd.s32 s21, s3  }
0x9d: {  	[timem:s7], [sflag:s22] =	dma.local [hbm:s5], s20  }
0x9e: {  	_ =	swait.ge [sflag:s22], s20  }
0x9f: {  	s4 =	ssub.s32 $0x0, s20;
	[sflag:s22] =	ssyncset.done $0x0  }
0xa0: {  	[sflag:s22] =	ssyncadd.s32 s4;
	_ =	sdelay $0x1  }
0xa1: {  	s23 =	simm.s32 $0x1B8B  }
0xa2: {  	_ =	swait.ge [sflag:s23], $0x1  }
0xa3: {  	[sflag:s23] =	ssyncset.done $0x0  }
0xa4: {  	s25 =	simm.s32 $0x1B8E;
	s24 =	sld [smem:$0x3FFE];
	[sflag:s23] =	ssyncadd.s32 $0xFFFFFFFF  }
0xa5: {  	s26 =	simm.s32 $execute0_lowered;
	[smem:$0x3FD2] =	sst s25  }
0xa6: {  	s5 =	sshll.u32 s26, $0x1;
	_ =	strace $0x80000049;
	[dreg:$0x1] =	wrdreg $0xFFFFFFFF  }
0xa7: {  	s28 =	simm.s32 $_size_execute0_lowered;
	s3 =	sadd.s32 s3, s5;
	[dreg:$0x0] =	wrdreg $0x0  }
0xa8: {  	s5 =	sshll.u32 s28, $0x1;
	[dreg:$0x2] =	wrdreg s3  }
0xa9: {  	[dreg:$0x3] =	wrdreg s5  }
0xaa: {  	[dreg:$0x4] =	wrdreg $0xC0  }
0xab: {  	_ =	task [dreg:s7], $0x5FFFF  }
0xac: {  	[dreg:$0x1] =	wrdreg $0xFFFFFFFF  }
0xad: {  	[dreg:$0x0] =	wrdreg $0x60  }
0xae: {  	[dreg:$0x2] =	wrdreg s24  }
0xaf: {  	[dreg:$0x3] =	wrdreg s2  }
0xb0: {  	[dreg:$0x4] =	wrdreg $0x53380  }
0xb1: {  	[dreg:$0x5] =	wrdreg $0x116B80  }
0xb2: {  	[dreg:$0x6] =	wrdreg $0x9  }
0xb3: {  	_ =	task.clear_ibuf [dreg:s7], $0x7FFFF;
	_ =	strace $0x90000049  }
0xb4: {  	s29 =	simm.s32 $0x9;
	_ =	strace $0x8000004B  }
0xb5: {  	_ =	swait.ge [sflag:s29], $0x1  }
0xb6: {  	[sflag:s29] =	ssyncadd.s32 $0xFFFFFFFF  }
0xb7: {  	_ =	strace $0x9000004B  }
0xb8: {  	_ =	sfence  }
0xb9: {  	s30 =	sld [smem:$0x0];
	_ =	sdelay $0x2  }
0xba: {  	s31 =	sshll.u32 s1, $0xD;
	s1 =	sshrl.u32 s1, $0x2  }
0xbb: {  	s3 =	sand.u32 $0x4000, s31;
	s1 =	sadd.s32 s1, s30  }
0xbc: {  	s0 =	sor.u32 s3, s0;
	s1 =	sshll.u32 s1, $0x11  }
0xbd: {  	s0 =	sor.u32 s1, s0  }
0xbe: {  	s0 =	sadd.s32 $0x8F2B, s0  }
0xbf: {  	[sflag:s0] =	ssyncadd.remote.s32 $0x1  }
0xc0: {  	_ =	sfence.sel $0xFFFF  }
0xc1: {  	[dreg:$0x0] =	wrdreg $0xFFFFFFFF;
	(pc) =	sbr.abs _section_cstart, $3  }
0xc2: {  	[dreg:$0x1] =	wrdreg $0xFFFFFFFF  }
0xc3: {  	_ =	task.clear_ibuf [dreg:s7], $0x2FFFF;
	_ =	strace $0x9FFFFFFF  }
0xc4: {  	(tm) =	ssettm $0x7FFFFFFF  }
0xc5: {  	_ =	shalt  }
tec
execute0_lowered:
.L_overlay_start_1:
0x0: {  	(tag) =	ssettag $0x1  }
0x1: {  	s0 =	rddreg [dreg:$0x0];
	s1 =	srdreg.scid  }
0x2: {  	s10 =	stileid.u32;
	s3 =	rddreg [dreg:$0x2]  }
0x3: {  	s4 =	rddreg [dreg:$0x3];
	s5 =	simm.s32 $0x0;
	s30 =	simm.s32 $0x100  }
0x4: {  	s28 =	simm.s32 $0x2800;
	s29 =	simm.s32 $0x1;
	s31 =	simm.s32 $0x2  }
0x5: {  	s14 =	simm.s32 $0x880;
	s17 =	simm.s32 $0x900;
	s2 =	smul.u32 $0xC380, s10  }
0x6: {  	s12 =	simm.s32 $0xA00;
	s1 =	sand.u32 $0x1, s1;
	s7 =	smul.u32 $0x1900, s10  }
0x7: {  	[smem:$0x7FF] =	sst s5;
	s8 =	smul.u32 $0x18700, s10;
	s9 =	sadd.s32 $0x1EA00, s0  }
0x8: {  	s18 =	sadd.s32 $0xB1400, s0;
	s20 =	sshll.u32 s10, $0x6;
	s21 =	smul.u32 $0xC38, s10  }
0x9: {  	s10 =	simm.s32 $0x300;
	s6 =	smul.u32 $0xC3800, s1;
	_ =	strace $0x8000004A  }
0xa: {  	s11 =	sshll.u32 s1, $0x4;
	[dreg:$0x6] =	wrdreg s9;
	s1 =	ssub.s32 $0x2, s1  }
0xb: {  	[dreg:$0x7] =	wrdreg s18;
	s26 =	sor.u32 $0x1C05, s20;
	s18 =	simm.s32 $0x5  }
0xc: {  	s20 =	simm.s32 $0x800;
	s9 =	simm.s32 $0x5280;
	s7 =	sadd.s32 s7, s0  }
0xd: {  	s8 =	sor.u32 s11, s8;
	s19 =	sshrl.u32 s1, $0x1;
	[dreg:$0x8] =	wrdreg s21  }
0xe: {  	s22 =	sadd.s32 s2, s3;
	[dreg:$0x5] =	wrdreg s11;
	s23 =	sor.u32 $0x20, s11  }
0xf: {  	s21 =	simm.s32 $0x80;
	s11 =	simm.s32 $0x3;
	[dreg:$0x9] =	wrdreg s26  }
0x10: {  	s6 =	sadd.s32 s2, s6;
	s8 =	sshrl.u32 s8, $0x3;
	s1 =	ssub.s32 s1, s19  }
0x11: {  	s2 =	sadd.s32 s2, s4;
	[dreg:$0xb] =	wrdreg s23;
	s15 =	sadd.s32 $0x5A00, s7  }
0x12: {  	s16 =	sadd.s32 $0xFAA00, s7;
	s13 =	sshrl.u32 s22, $0x3;
	s22 =	simm.s32 $0x1000  }
0x13: {  	s23 =	simm.s32 $0x1800;
	s19 =	simm.s32 $0x4;
	s7 =	simm.s32 $0x400  }
0x14: {  	s6 =	sshrl.u32 s6, $0x3;
	s24 =	smax.u32 s1, $0x1;
	s25 =	sshrl.u32 s2, $0x3  }
0x15: {  	s1 =	simm.s32 $0x980;
	s2 =	simm.s32 $0x0;
	[dreg:$0xe] =	wrdreg s13  }
0x16: {  	s6 =	sadd.s32 s6, s0;
	s0 =	sadd.s32 s8, s0;
	[dreg:$0xd] =	wrdreg s24  }
0x17: {  	[dreg:$0xf] =	wrdreg s25;
	s25 =	simm.s32 $0x2000;
	s6 =	sadd.s32 $0x80600, s6  }
0x18: {  	s24 =	simm.s32 $0x200;
	s0 =	sadd.s32 $0xB2E00, s0;
	[dreg:$0xa] =	wrdreg s6  }
0x19: {  	s8 =	simm.s32 $0x280;
	[dreg:$0xc] =	wrdreg s0;
	s6 =	simm.s32 $0x380  }
.LBB2_1:
0x1a: {  	[dreg:$0x10] =	wrdreg s2  }
0x1b: {  	s0 =	rddreg [dreg:$0x7]  }
0x1c: {  	[spmem:s13], [sflag:s26] =	dma.local [hbm:s0], $0x1870  }
0x1d: {  	_ =	swait.ge [sflag:s18], $0x1870  }
0x1e: {  	[sflag:s18] =	ssyncset.done $0x0;
	s0 =	rddreg [dreg:$0xa]  }
0x1f: {  	s2 =	rddreg [dreg:$0xf];
	[sflag:s18] =	ssyncadd.s32 $0xFFFFE790  }
0x20: {  	[spmem:s2], [sflag:s26] =	dma.local [hbm:s0], $0x1870  }
0x21: {  	_ =	swait.ge [sflag:s18], $0x1870  }
0x22: {  	[sflag:s18] =	ssyncset.done $0x0  }
0x23: {  	[sflag:s18] =	ssyncadd.s32 $0xFFFFE790  }
0x24: {  	s26 =	sadd.s32 $0x0, s16;
	[bflag:$0x0] =	sbarrier.arrive $0xFFFF  }
0x25: {  	[tilespmem:s5], [sflag:$0x5] =	stream.linear.gather [hbm4b:s26+s5], $0x800, $0x38;
	[tilespmem:$0x1DA38] =	vst v63  }
0x26: {  	_ =	swait.ge [sflag:s18], $0x800  }
0x27: {  	[sflag:s18] =	ssyncset.done $0x0  }
0x28: {  	s26 =	sadd.s32 $0x0, s15;
	[sflag:s18] =	ssyncadd.s32 $0xFFFFF800  }
0x29: {  	[tilespmem:s20], [sflag:$0x5] =	stream.linear.gather [hbm4b:s26+s5], $0x800, $0x38;
	[tilespmem:$0x1DA38] =	vst v63  }
0x2a: {  	_ =	swait.ge [sflag:s18], $0x800  }
0x2b: {  	[sflag:s18] =	ssyncset.done $0x0  }
0x2c: {  	[sflag:s18] =	ssyncadd.s32 $0xFFFFF800  }
0x2d: {  	[tilespmem:s22], [sflag:$0x1] =	stream.indirect.gather [spmem:s4], $0x10, s5, s21, $0xb8;
	[tilespmem:$0x1DA38] =	vst v63  }
0x2e: {  	_ = 	snop  }
0x2f: {  	[tilespmem:s23], [sflag:$0x2] =	stream.indirect.gather [spmem:s4], $0x10, s21, s21, $0xb8;
	[tilespmem:$0x1DA38] =	vst v63  }
0x30: {  	_ = 	snop  }
0x31: {  	[tilespmem:s25], [sflag:$0x3] =	stream.indirect.gather [spmem:s4], $0x10, s30, s21, $0xb8;
	[tilespmem:$0x1DA38] =	vst v63  }
0x32: {  	s2 =	simm.s32 $0x180  }
0x33: {  	[tilespmem:s28], [sflag:$0x4] =	stream.indirect.gather [spmem:s4], $0x10, s2, s21, $0xb8;
	[tilespmem:$0x1DA38] =	vst v63  }
0x34: {  	_ =	swait.ge [sflag:s29], $0x800  }
0x35: {  	[sflag:s29] =	ssyncset.done $0x0  }
0x36: {  	[sflag:s29] =	ssyncadd.s32 $0xFFFFF800  }
0x37: {  	[spmem:s3] =	stream.indirect.scatter.add.f32 [tilespmem:s22], [sflag:$0x5], $0x10, s20, s21, $0xb8;
	[tilespmem:$0x1DA38] =	vst v63  }
0x38: {  	_ =	swait.ge [sflag:s18], $0x800  }
0x39: {  	[sflag:s18] =	ssyncset.done $0x0  }
0x3a: {  	[sflag:s18] =	ssyncadd.s32 $0xFFFFF800  }
0x3b: {  	[tilespmem:s22], [sflag:$0x1] =	stream.indirect.gather [spmem:s4], $0x10, s24, s21, $0xb8;
	[tilespmem:$0x1DA38] =	vst v63  }
0x3c: {  	_ =	swait.ge [sflag:s31], $0x800  }
0x3d: {  	[sflag:s31] =	ssyncset.done $0x0  }
0x3e: {  	[sflag:s31] =	ssyncadd.s32 $0xFFFFF800  }
0x3f: {  	[spmem:s3] =	stream.indirect.scatter.add.f32 [tilespmem:s23], [sflag:$0x5], $0x10, s14, s21, $0xb8;
	[tilespmem:$0x1DA38] =	vst v63  }
0x40: {  	_ =	swait.ge [sflag:s18], $0x800  }
0x41: {  	[sflag:s18] =	ssyncset.done $0x0  }
0x42: {  	[sflag:s18] =	ssyncadd.s32 $0xFFFFF800  }
0x43: {  	[tilespmem:s23], [sflag:$0x2] =	stream.indirect.gather [spmem:s4], $0x10, s8, s21, $0xb8;
	[tilespmem:$0x1DA38] =	vst v63  }
0x44: {  	_ =	swait.ge [sflag:s11], $0x800  }
0x45: {  	[sflag:s11] =	ssyncset.done $0x0  }
0x46: {  	[sflag:s11] =	ssyncadd.s32 $0xFFFFF800  }
0x47: {  	[spmem:s3] =	stream.indirect.scatter.add.f32 [tilespmem:s25], [sflag:$0x5], $0x10, s17, s21, $0xb8;
	[tilespmem:$0x1DA38] =	vst v63  }
0x48: {  	_ =	swait.ge [sflag:s18], $0x800  }
0x49: {  	[sflag:s18] =	ssyncset.done $0x0  }
0x4a: {  	[sflag:s18] =	ssyncadd.s32 $0xFFFFF800  }
0x4b: {  	[tilespmem:s25], [sflag:$0x3] =	stream.indirect.gather [spmem:s4], $0x10, s10, s21, $0xb8;
	[tilespmem:$0x1DA38] =	vst v63  }
0x4c: {  	_ =	swait.ge [sflag:s19], $0x800  }
0x4d: {  	[sflag:s19] =	ssyncset.done $0x0  }
0x4e: {  	[sflag:s19] =	ssyncadd.s32 $0xFFFFF800  }
0x4f: {  	[spmem:s3] =	stream.indirect.scatter.add.f32 [tilespmem:s28], [sflag:$0x5], $0x10, s1, s21, $0xb8;
	[tilespmem:$0x1DA38] =	vst v63  }
0x50: {  	_ =	swait.ge [sflag:s18], $0x800  }
0x51: {  	[sflag:s18] =	ssyncset.done $0x0  }
0x52: {  	[sflag:s18] =	ssyncadd.s32 $0xFFFFF800  }
0x53: {  	[tilespmem:s28], [sflag:$0x4] =	stream.indirect.gather [spmem:s4], $0x10, s6, s21, $0xb8;
	[tilespmem:$0x1DA38] =	vst v63  }
0x54: {  	_ =	swait.ge [sflag:s29], $0x800  }
0x55: {  	[sflag:s29] =	ssyncset.done $0x0  }
0x56: {  	[sflag:s29] =	ssyncadd.s32 $0xFFFFF800  }
0x57: {  	[spmem:s3] =	stream.indirect.scatter.add.f32 [tilespmem:s22], [sflag:$0x5], $0x10, s12, s21, $0xb8;
	[tilespmem:$0x1DA38] =	vst v63  }
0x58: {  	_ =	swait.ge [sflag:s18], $0x800  }
0x59: {  	[sflag:s18] =	ssyncset.done $0x0  }
0x5a: {  	[sflag:s18] =	ssyncadd.s32 $0xFFFFF800  }
0x5b: {  	[tilespmem:s22], [sflag:$0x1] =	stream.indirect.gather [spmem:s4], $0x10, s7, s21, $0xb8;
	[tilespmem:$0x1DA38] =	vst v63  }
0x5c: {  	_ =	swait.ge [sflag:s31], $0x800  }
0x5d: {  	[sflag:s31] =	ssyncset.done $0x0  }
0x5e: {  	s12 =	simm.s32 $0xA80;
	[sflag:s31] =	ssyncadd.s32 $0xFFFFF800  }
0x5f: {  	[spmem:s3] =	stream.indirect.scatter.add.f32 [tilespmem:s23], [sflag:$0x5], $0x10, s12, s21, $0xb8;
	[tilespmem:$0x1DA38] =	vst v63  }
0x60: {  	_ =	swait.ge [sflag:s18], $0x800  }
0x61: {  	[sflag:s18] =	ssyncset.done $0x0  }
0x62: {  	s13 =	simm.s32 $0x480;
	[sflag:s18] =	ssyncadd.s32 $0xFFFFF800  }
0x63: {  	[tilespmem:s23], [sflag:$0x2] =	stream.indirect.gather [spmem:s4], $0x10, s13, s21, $0xb8;
	[tilespmem:$0x1DA38] =	vst v63  }
0x64: {  	_ =	swait.ge [sflag:s11], $0x800  }
0x65: {  	[sflag:s11] =	ssyncset.done $0x0  }
0x66: {  	s14 =	simm.s32 $0xB00;
	[sflag:s11] =	ssyncadd.s32 $0xFFFFF800  }
0x67: {  	[spmem:s3] =	stream.indirect.scatter.add.f32 [tilespmem:s25], [sflag:$0x5], $0x10, s14, s21, $0xb8;
	[tilespmem:$0x1DA38] =	vst v63  }
0x68: {  	_ =	swait.ge [sflag:s18], $0x800  }
0x69: {  	[sflag:s18] =	ssyncset.done $0x0  }
0x6a: {  	s17 =	simm.s32 $0x500;
	[sflag:s18] =	ssyncadd.s32 $0xFFFFF800  }
0x6b: {  	[tilespmem:s25], [sflag:$0x3] =	stream.indirect.gather [spmem:s4], $0x10, s17, s21, $0xb8;
	[tilespmem:$0x1DA38] =	vst v63  }
0x6c: {  	_ =	swait.ge [sflag:s19], $0x800  }
0x6d: {  	[sflag:s19] =	ssyncset.done $0x0  }
0x6e: {  	s24 =	simm.s32 $0xB80;
	[sflag:s19] =	ssyncadd.s32 $0xFFFFF800  }
0x6f: {  	[spmem:s3] =	stream.indirect.scatter.add.f32 [tilespmem:s28], [sflag:$0x5], $0x10, s24, s21, $0xb8;
	[tilespmem:$0x1DA38] =	vst v63  }
0x70: {  	_ =	swait.ge [sflag:s18], $0x800  }
0x71: {  	[sflag:s18] =	ssyncset.done $0x0  }
0x72: {  	s26 =	simm.s32 $0x580;
	[sflag:s18] =	ssyncadd.s32 $0xFFFFF800  }
0x73: {  	[tilespmem:s28], [sflag:$0x4] =	stream.indirect.gather [spmem:s4], $0x10, s26, s21, $0xb8;
	[tilespmem:$0x1DA38] =	vst v63  }
0x74: {  	_ =	swait.ge [sflag:s29], $0x800  }
0x75: {  	[sflag:s29] =	ssyncset.done $0x0  }
0x76: {  	s1 =	simm.s32 $0xC00;
	[sflag:s29] =	ssyncadd.s32 $0xFFFFF800  }
0x77: {  	[spmem:s3] =	stream.indirect.scatter.add.f32 [tilespmem:s22], [sflag:$0x5], $0x10, s1, s21, $0xb8;
	[tilespmem:$0x1DA38] =	vst v63  }
0x78: {  	_ =	swait.ge [sflag:s18], $0x800  }
0x79: {  	[sflag:s18] =	ssyncset.done $0x0  }
0x7a: {  	s2 =	simm.s32 $0x600;
	[sflag:s18] =	ssyncadd.s32 $0xFFFFF800  }
0x7b: {  	[tilespmem:s22], [sflag:$0x1] =	stream.indirect.gather [spmem:s4], $0x10, s2, s21, $0xb8;
	[tilespmem:$0x1DA38] =	vst v63  }
0x7c: {  	_ =	swait.ge [sflag:s31], $0x800  }
0x7d: {  	[sflag:s31] =	ssyncset.done $0x0  }
0x7e: {  	s6 =	simm.s32 $0xC80;
	[sflag:s31] =	ssyncadd.s32 $0xFFFFF800  }
0x7f: {  	[spmem:s3] =	stream.indirect.scatter.add.f32 [tilespmem:s23], [sflag:$0x5], $0x10, s6, s21, $0xb8;
	[tilespmem:$0x1DA38] =	vst v63  }
0x80: {  	_ =	swait.ge [sflag:s18], $0x800  }
0x81: {  	[sflag:s18] =	ssyncset.done $0x0  }
0x82: {  	s7 =	simm.s32 $0x680;
	[sflag:s18] =	ssyncadd.s32 $0xFFFFF800  }
0x83: {  	[tilespmem:s23], [sflag:$0x2] =	stream.indirect.gather [spmem:s4], $0x10, s7, s21, $0xb8;
	[tilespmem:$0x1DA38] =	vst v63  }
0x84: {  	_ =	swait.ge [sflag:s11], $0x800  }
0x85: {  	[sflag:s11] =	ssyncset.done $0x0  }
0x86: {  	s8 =	simm.s32 $0xD00;
	[sflag:s11] =	ssyncadd.s32 $0xFFFFF800  }
0x87: {  	[spmem:s3] =	stream.indirect.scatter.add.f32 [tilespmem:s25], [sflag:$0x5], $0x10, s8, s21, $0xb8;
	[tilespmem:$0x1DA38] =	vst v63  }
0x88: {  	_ =	swait.ge [sflag:s18], $0x800  }
0x89: {  	[sflag:s18] =	ssyncset.done $0x0  }
0x8a: {  	s10 =	simm.s32 $0x700;
	[sflag:s18] =	ssyncadd.s32 $0xFFFFF800  }
0x8b: {  	[tilespmem:s25], [sflag:$0x3] =	stream.indirect.gather [spmem:s4], $0x10, s10, s21, $0xb8;
	[tilespmem:$0x1DA38] =	vst v63  }
0x8c: {  	_ =	swait.ge [sflag:s19], $0x800  }
0x8d: {  	[sflag:s19] =	ssyncset.done $0x0  }
0x8e: {  	s12 =	simm.s32 $0xD80;
	[sflag:s19] =	ssyncadd.s32 $0xFFFFF800  }
0x8f: {  	[spmem:s3] =	stream.indirect.scatter.add.f32 [tilespmem:s28], [sflag:$0x5], $0x10, s12, s21, $0xb8;
	[tilespmem:$0x1DA38] =	vst v63  }
0x90: {  	_ =	swait.ge [sflag:s18], $0x800  }
0x91: {  	[sflag:s18] =	ssyncset.done $0x0  }
0x92: {  	s13 =	simm.s32 $0x780;
	[sflag:s18] =	ssyncadd.s32 $0xFFFFF800  }
0x93: {  	[tilespmem:s28], [sflag:$0x4] =	stream.indirect.gather [spmem:s4], $0x10, s13, s21, $0xb8;
	[tilespmem:$0x1DA38] =	vst v63  }
0x94: {  	_ =	swait.ge [sflag:s29], $0x800  }
0x95: {  	[sflag:s29] =	ssyncset.done $0x0  }
0x96: {  	s14 =	simm.s32 $0xE00;
	[sflag:s29] =	ssyncadd.s32 $0xFFFFF800  }
0x97: {  	[spmem:s3] =	stream.indirect.scatter.add.f32 [tilespmem:s22], [sflag:$0x5], $0x10, s14, s21, $0xb8;
	[tilespmem:$0x1DA38] =	vst v63  }
0x98: {  	_ =	swait.ge [sflag:s18], $0x800  }
0x99: {  	[sflag:s18] =	ssyncset.done $0x0  }
0x9a: {  	[sflag:s18] =	ssyncadd.s32 $0xFFFFF800  }
0x9b: {  	_ =	swait.ge [sflag:s31], $0x800  }
0x9c: {  	[sflag:s31] =	ssyncset.done $0x0  }
0x9d: {  	s17 =	simm.s32 $0xE80;
	[sflag:s31] =	ssyncadd.s32 $0xFFFFF800  }
0x9e: {  	[spmem:s3] =	stream.indirect.scatter.add.f32 [tilespmem:s23], [sflag:$0x5], $0x10, s17, s21, $0xb8;
	[tilespmem:$0x1DA38] =	vst v63  }
0x9f: {  	_ =	swait.ge [sflag:s18], $0x800  }
0xa0: {  	[sflag:s18] =	ssyncset.done $0x0  }
0xa1: {  	[sflag:s18] =	ssyncadd.s32 $0xFFFFF800  }
0xa2: {  	_ =	swait.ge [sflag:s11], $0x800  }
0xa3: {  	[sflag:s11] =	ssyncset.done $0x0  }
0xa4: {  	s24 =	simm.s32 $0xF00;
	[sflag:s11] =	ssyncadd.s32 $0xFFFFF800  }
0xa5: {  	[spmem:s3] =	stream.indirect.scatter.add.f32 [tilespmem:s25], [sflag:$0x5], $0x10, s24, s21, $0xb8;
	[tilespmem:$0x1DA38] =	vst v63  }
0xa6: {  	_ =	swait.ge [sflag:s18], $0x800  }
0xa7: {  	[sflag:s18] =	ssyncset.done $0x0  }
0xa8: {  	s0 =	simm.s32 $0x200;
	s30 =	simm.s32 $0x100;
	[sflag:s18] =	ssyncadd.s32 $0xFFFFF800  }
0xa9: {  	s26 =	simm.s32 $0xF80;
	s1 =	simm.s32 $0x980;
	_ =	swait.ge [sflag:s19], $0x800  }
0xaa: {  	s6 =	simm.s32 $0x380;
	s7 =	simm.s32 $0x400;
	[sflag:s19] =	ssyncset.done $0x0  }
0xab: {  	s8 =	simm.s32 $0x280;
	s10 =	simm.s32 $0x300;
	[sflag:s19] =	ssyncadd.s32 $0xFFFFF800  }
0xac: {  	[spmem:s3] =	stream.indirect.scatter.add.f32 [tilespmem:s28], [sflag:$0x5], $0x10, s26, s21, $0xb8;
	[tilespmem:$0x1DA38] =	vst v63  }
0xad: {  	s12 =	simm.s32 $0xA00;
	s14 =	simm.s32 $0x880;
	_ =	swait.ge [sflag:s18], $0x800  }
0xae: {  	s17 =	simm.s32 $0x900;
	s24 =	simm.s32 $0x100;
	[sflag:s18] =	ssyncset.done $0x0  }
.LBB2_2:
0xaf: {  	s2 =	sadd.s32 s24, s16  }
0xb0: {  	[sflag:s18] =	ssyncadd.s32 $0xFFFFF800;
	s13 =	smov.u32 s0;
	s26 =	sadd.s32 $0x100, s0  }
0xb1: {  	[tilespmem:s5], [sflag:$0x5] =	stream.linear.gather [hbm4b:s2+s5], $0x800, $0x38;
	[tilespmem:$0x1DA38] =	vst v63  }
0xb2: {  	s2 =	simm.s32 $0x180  }
0xb3: {  	p0 =	sne.s32 s0, $0x1800;
	_ =	swait.ge [sflag:s18], $0x800  }
0xb4: {  	s0 =	sadd.s32 s24, s15;
	[sflag:s18] =	ssyncset.done $0x0  }
0xb5: {  	s24 =	smov.u32 s13;
	s13 =	simm.s32 $0x200;
	[sflag:s18] =	ssyncadd.s32 $0xFFFFF800  }
0xb6: {  	[tilespmem:s20], [sflag:$0x5] =	stream.linear.gather [hbm4b:s0+s5], $0x800, $0x38;
	[tilespmem:$0x1DA38] =	vst v63  }
0xb7: {  	_ =	swait.ge [sflag:s18], $0x800  }
0xb8: {  	[sflag:s18] =	ssyncset.done $0x0  }
0xb9: {  	[sflag:s18] =	ssyncadd.s32 $0xFFFFF800  }
0xba: {  	[tilespmem:s22], [sflag:$0x1] =	stream.indirect.gather [spmem:s4], $0x10, s5, s21, $0xb8;
	[tilespmem:$0x1DA38] =	vst v63  }
0xbb: {  	_ = 	snop  }
0xbc: {  	[tilespmem:s23], [sflag:$0x2] =	stream.indirect.gather [spmem:s4], $0x10, s21, s21, $0xb8;
	[tilespmem:$0x1DA38] =	vst v63  }
0xbd: {  	_ = 	snop  }
0xbe: {  	[tilespmem:s25], [sflag:$0x3] =	stream.indirect.gather [spmem:s4], $0x10, s30, s21, $0xb8;
	[tilespmem:$0x1DA38] =	vst v63  }
0xbf: {  	_ = 	snop  }
0xc0: {  	[tilespmem:s28], [sflag:$0x4] =	stream.indirect.gather [spmem:s4], $0x10, s2, s21, $0xb8;
	[tilespmem:$0x1DA38] =	vst v63  }
0xc1: {  	_ =	swait.ge [sflag:s29], $0x800  }
0xc2: {  	[sflag:s29] =	ssyncset.done $0x0  }
0xc3: {  	[sflag:s29] =	ssyncadd.s32 $0xFFFFF800  }
0xc4: {  	[spmem:s3] =	stream.indirect.scatter.add.f32 [tilespmem:s22], [sflag:$0x5], $0x10, s20, s21, $0xb8;
	[tilespmem:$0x1DA38] =	vst v63  }
0xc5: {  	_ =	swait.ge [sflag:s18], $0x800  }
0xc6: {  	[sflag:s18] =	ssyncset.done $0x0  }
0xc7: {  	[sflag:s18] =	ssyncadd.s32 $0xFFFFF800  }
0xc8: {  	[tilespmem:s22], [sflag:$0x1] =	stream.indirect.gather [spmem:s4], $0x10, s13, s21, $0xb8;
	[tilespmem:$0x1DA38] =	vst v63  }
0xc9: {  	_ =	swait.ge [sflag:s31], $0x800  }
0xca: {  	[sflag:s31] =	ssyncset.done $0x0  }
0xcb: {  	[sflag:s31] =	ssyncadd.s32 $0xFFFFF800  }
0xcc: {  	[spmem:s3] =	stream.indirect.scatter.add.f32 [tilespmem:s23], [sflag:$0x5], $0x10, s14, s21, $0xb8;
	[tilespmem:$0x1DA38] =	vst v63  }
0xcd: {  	_ =	swait.ge [sflag:s18], $0x800  }
0xce: {  	[sflag:s18] =	ssyncset.done $0x0  }
0xcf: {  	[sflag:s18] =	ssyncadd.s32 $0xFFFFF800  }
0xd0: {  	[tilespmem:s23], [sflag:$0x2] =	stream.indirect.gather [spmem:s4], $0x10, s8, s21, $0xb8;
	[tilespmem:$0x1DA38] =	vst v63  }
0xd1: {  	_ =	swait.ge [sflag:s11], $0x800  }
0xd2: {  	[sflag:s11] =	ssyncset.done $0x0  }
0xd3: {  	[sflag:s11] =	ssyncadd.s32 $0xFFFFF800  }
0xd4: {  	[spmem:s3] =	stream.indirect.scatter.add.f32 [tilespmem:s25], [sflag:$0x5], $0x10, s17, s21, $0xb8;
	[tilespmem:$0x1DA38] =	vst v63  }
0xd5: {  	_ =	swait.ge [sflag:s18], $0x800  }
0xd6: {  	[sflag:s18] =	ssyncset.done $0x0  }
0xd7: {  	[sflag:s18] =	ssyncadd.s32 $0xFFFFF800  }
0xd8: {  	[tilespmem:s25], [sflag:$0x3] =	stream.indirect.gather [spmem:s4], $0x10, s10, s21, $0xb8;
	[tilespmem:$0x1DA38] =	vst v63  }
0xd9: {  	_ =	swait.ge [sflag:s19], $0x800  }
0xda: {  	[sflag:s19] =	ssyncset.done $0x0  }
0xdb: {  	[sflag:s19] =	ssyncadd.s32 $0xFFFFF800  }
0xdc: {  	[spmem:s3] =	stream.indirect.scatter.add.f32 [tilespmem:s28], [sflag:$0x5], $0x10, s1, s21, $0xb8;
	[tilespmem:$0x1DA38] =	vst v63  }
0xdd: {  	_ =	swait.ge [sflag:s18], $0x800  }
0xde: {  	[sflag:s18] =	ssyncset.done $0x0  }
0xdf: {  	[sflag:s18] =	ssyncadd.s32 $0xFFFFF800  }
0xe0: {  	[tilespmem:s28], [sflag:$0x4] =	stream.indirect.gather [spmem:s4], $0x10, s6, s21, $0xb8;
	[tilespmem:$0x1DA38] =	vst v63  }
0xe1: {  	_ =	swait.ge [sflag:s29], $0x800  }
0xe2: {  	[sflag:s29] =	ssyncset.done $0x0  }
0xe3: {  	[sflag:s29] =	ssyncadd.s32 $0xFFFFF800  }
0xe4: {  	[spmem:s3] =	stream.indirect.scatter.add.f32 [tilespmem:s22], [sflag:$0x5], $0x10, s12, s21, $0xb8;
	[tilespmem:$0x1DA38] =	vst v63  }
0xe5: {  	_ =	swait.ge [sflag:s18], $0x800  }
0xe6: {  	[sflag:s18] =	ssyncset.done $0x0  }
0xe7: {  	[sflag:s18] =	ssyncadd.s32 $0xFFFFF800  }
0xe8: {  	[tilespmem:s22], [sflag:$0x1] =	stream.indirect.gather [spmem:s4], $0x10, s7, s21, $0xb8;
	[tilespmem:$0x1DA38] =	vst v63  }
0xe9: {  	_ =	swait.ge [sflag:s31], $0x800  }
0xea: {  	[sflag:s31] =	ssyncset.done $0x0  }
0xeb: {  	s0 =	simm.s32 $0xA80;
	[sflag:s31] =	ssyncadd.s32 $0xFFFFF800  }
0xec: {  	[spmem:s3] =	stream.indirect.scatter.add.f32 [tilespmem:s23], [sflag:$0x5], $0x10, s0, s21, $0xb8;
	[tilespmem:$0x1DA38] =	vst v63  }
0xed: {  	_ =	swait.ge [sflag:s18], $0x800  }
0xee: {  	[sflag:s18] =	ssyncset.done $0x0  }
0xef: {  	s0 =	simm.s32 $0x480;
	[sflag:s18] =	ssyncadd.s32 $0xFFFFF800  }
0xf0: {  	[tilespmem:s23], [sflag:$0x2] =	stream.indirect.gather [spmem:s4], $0x10, s0, s21, $0xb8;
	[tilespmem:$0x1DA38] =	vst v63  }
0xf1: {  	_ =	swait.ge [sflag:s11], $0x800  }
0xf2: {  	[sflag:s11] =	ssyncset.done $0x0  }
0xf3: {  	s0 =	simm.s32 $0xB00;
	[sflag:s11] =	ssyncadd.s32 $0xFFFFF800  }
0xf4: {  	[spmem:s3] =	stream.indirect.scatter.add.f32 [tilespmem:s25], [sflag:$0x5], $0x10, s0, s21, $0xb8;
	[tilespmem:$0x1DA38] =	vst v63  }
0xf5: {  	_ =	swait.ge [sflag:s18], $0x800  }
0xf6: {  	[sflag:s18] =	ssyncset.done $0x0  }
0xf7: {  	s0 =	simm.s32 $0x500;
	[sflag:s18] =	ssyncadd.s32 $0xFFFFF800  }
0xf8: {  	[tilespmem:s25], [sflag:$0x3] =	stream.indirect.gather [spmem:s4], $0x10, s0, s21, $0xb8;
	[tilespmem:$0x1DA38] =	vst v63  }
0xf9: {  	_ =	swait.ge [sflag:s19], $0x800  }
0xfa: {  	[sflag:s19] =	ssyncset.done $0x0  }
0xfb: {  	s0 =	simm.s32 $0xB80;
	[sflag:s19] =	ssyncadd.s32 $0xFFFFF800  }
0xfc: {  	[spmem:s3] =	stream.indirect.scatter.add.f32 [tilespmem:s28], [sflag:$0x5], $0x10, s0, s21, $0xb8;
	[tilespmem:$0x1DA38] =	vst v63  }
0xfd: {  	_ =	swait.ge [sflag:s18], $0x800  }
0xfe: {  	[sflag:s18] =	ssyncset.done $0x0  }
0xff: {  	s0 =	simm.s32 $0x580;
	[sflag:s18] =	ssyncadd.s32 $0xFFFFF800  }
0x100: {  	[tilespmem:s28], [sflag:$0x4] =	stream.indirect.gather [spmem:s4], $0x10, s0, s21, $0xb8;
	[tilespmem:$0x1DA38] =	vst v63  }
0x101: {  	_ =	swait.ge [sflag:s29], $0x800  }
0x102: {  	[sflag:s29] =	ssyncset.done $0x0  }
0x103: {  	s0 =	simm.s32 $0xC00;
	[sflag:s29] =	ssyncadd.s32 $0xFFFFF800  }
0x104: {  	[spmem:s3] =	stream.indirect.scatter.add.f32 [tilespmem:s22], [sflag:$0x5], $0x10, s0, s21, $0xb8;
	[tilespmem:$0x1DA38] =	vst v63  }
0x105: {  	_ =	swait.ge [sflag:s18], $0x800  }
0x106: {  	[sflag:s18] =	ssyncset.done $0x0  }
0x107: {  	s0 =	simm.s32 $0x600;
	[sflag:s18] =	ssyncadd.s32 $0xFFFFF800  }
0x108: {  	[tilespmem:s22], [sflag:$0x1] =	stream.indirect.gather [spmem:s4], $0x10, s0, s21, $0xb8;
	[tilespmem:$0x1DA38] =	vst v63  }
0x109: {  	_ =	swait.ge [sflag:s31], $0x800  }
0x10a: {  	[sflag:s31] =	ssyncset.done $0x0  }
0x10b: {  	s0 =	simm.s32 $0xC80;
	[sflag:s31] =	ssyncadd.s32 $0xFFFFF800  }
0x10c: {  	[spmem:s3] =	stream.indirect.scatter.add.f32 [tilespmem:s23], [sflag:$0x5], $0x10, s0, s21, $0xb8;
	[tilespmem:$0x1DA38] =	vst v63  }
0x10d: {  	_ =	swait.ge [sflag:s18], $0x800  }
0x10e: {  	[sflag:s18] =	ssyncset.done $0x0  }
0x10f: {  	s0 =	simm.s32 $0x680;
	[sflag:s18] =	ssyncadd.s32 $0xFFFFF800  }
0x110: {  	[tilespmem:s23], [sflag:$0x2] =	stream.indirect.gather [spmem:s4], $0x10, s0, s21, $0xb8;
	[tilespmem:$0x1DA38] =	vst v63  }
0x111: {  	_ =	swait.ge [sflag:s11], $0x800  }
0x112: {  	[sflag:s11] =	ssyncset.done $0x0  }
0x113: {  	s0 =	simm.s32 $0xD00;
	[sflag:s11] =	ssyncadd.s32 $0xFFFFF800  }
0x114: {  	[spmem:s3] =	stream.indirect.scatter.add.f32 [tilespmem:s25], [sflag:$0x5], $0x10, s0, s21, $0xb8;
	[tilespmem:$0x1DA38] =	vst v63  }
0x115: {  	_ =	swait.ge [sflag:s18], $0x800  }
0x116: {  	[sflag:s18] =	ssyncset.done $0x0  }
0x117: {  	s0 =	simm.s32 $0x700;
	[sflag:s18] =	ssyncadd.s32 $0xFFFFF800  }
0x118: {  	[tilespmem:s25], [sflag:$0x3] =	stream.indirect.gather [spmem:s4], $0x10, s0, s21, $0xb8;
	[tilespmem:$0x1DA38] =	vst v63  }
0x119: {  	_ =	swait.ge [sflag:s19], $0x800  }
0x11a: {  	[sflag:s19] =	ssyncset.done $0x0  }
0x11b: {  	s0 =	simm.s32 $0xD80;
	[sflag:s19] =	ssyncadd.s32 $0xFFFFF800  }
0x11c: {  	[spmem:s3] =	stream.indirect.scatter.add.f32 [tilespmem:s28], [sflag:$0x5], $0x10, s0, s21, $0xb8;
	[tilespmem:$0x1DA38] =	vst v63  }
0x11d: {  	_ =	swait.ge [sflag:s18], $0x800  }
0x11e: {  	[sflag:s18] =	ssyncset.done $0x0  }
0x11f: {  	s0 =	simm.s32 $0x780;
	[sflag:s18] =	ssyncadd.s32 $0xFFFFF800  }
0x120: {  	[tilespmem:s28], [sflag:$0x4] =	stream.indirect.gather [spmem:s4], $0x10, s0, s21, $0xb8;
	[tilespmem:$0x1DA38] =	vst v63  }
0x121: {  	_ =	swait.ge [sflag:s29], $0x800  }
0x122: {  	[sflag:s29] =	ssyncset.done $0x0  }
0x123: {  	s0 =	simm.s32 $0xE00;
	[sflag:s29] =	ssyncadd.s32 $0xFFFFF800  }
0x124: {  	[spmem:s3] =	stream.indirect.scatter.add.f32 [tilespmem:s22], [sflag:$0x5], $0x10, s0, s21, $0xb8;
	[tilespmem:$0x1DA38] =	vst v63  }
0x125: {  	_ =	swait.ge [sflag:s18], $0x800  }
0x126: {  	[sflag:s18] =	ssyncset.done $0x0  }
0x127: {  	[sflag:s18] =	ssyncadd.s32 $0xFFFFF800  }
0x128: {  	_ =	swait.ge [sflag:s31], $0x800  }
0x129: {  	[sflag:s31] =	ssyncset.done $0x0  }
0x12a: {  	s0 =	simm.s32 $0xE80;
	[sflag:s31] =	ssyncadd.s32 $0xFFFFF800  }
0x12b: {  	[spmem:s3] =	stream.indirect.scatter.add.f32 [tilespmem:s23], [sflag:$0x5], $0x10, s0, s21, $0xb8;
	[tilespmem:$0x1DA38] =	vst v63  }
0x12c: {  	_ =	swait.ge [sflag:s18], $0x800  }
0x12d: {  	[sflag:s18] =	ssyncset.done $0x0  }
0x12e: {  	[sflag:s18] =	ssyncadd.s32 $0xFFFFF800  }
0x12f: {  	_ =	swait.ge [sflag:s11], $0x800  }
0x130: {  	[sflag:s11] =	ssyncset.done $0x0  }
0x131: {  	s0 =	simm.s32 $0xF00;
	[sflag:s11] =	ssyncadd.s32 $0xFFFFF800  }
0x132: {  	[spmem:s3] =	stream.indirect.scatter.add.f32 [tilespmem:s25], [sflag:$0x5], $0x10, s0, s21, $0xb8;
	[tilespmem:$0x1DA38] =	vst v63  }
0x133: {  	_ =	swait.ge [sflag:s18], $0x800  }
0x134: {  	[sflag:s18] =	ssyncset.done $0x0  }
0x135: {  	[sflag:s18] =	ssyncadd.s32 $0xFFFFF800  }
0x136: {  	_ =	swait.ge [sflag:s19], $0x800  }
.Ltmp0:
0x137: {  	[sflag:s19] =	ssyncset.done $0x0;
	(pc) =	sbr.rel @p0 .LBB2_2-.Ltmp0, $4  }
0x138: {  	s0 =	simm.s32 $0xF80;
	[sflag:s19] =	ssyncadd.s32 $0xFFFFF800  }
0x139: {  	[spmem:s3] =	stream.indirect.scatter.add.f32 [tilespmem:s28], [sflag:$0x5], $0x10, s0, s21, $0xb8;
	[tilespmem:$0x1DA38] =	vst v63  }
0x13a: {  	_ =	swait.ge [sflag:s18], $0x800  }
0x13b: {  	s0 =	smov.u32 s26;
	[sflag:s18] =	ssyncset.done $0x0  }
0x13c: {  	s0 =	sadd.s32 s24, s16;
	[sflag:s18] =	ssyncadd.s32 $0xFFFFF800  }
0x13d: {  	[tilespmem:s5], [sflag:$0x5] =	stream.linear.gather [hbm4b:s0+s5], $0x800, $0x38;
	[tilespmem:$0x1DA38] =	vst v63  }
0x13e: {  	_ =	swait.ge [sflag:s18], $0x800  }
0x13f: {  	[sflag:s18] =	ssyncset.done $0x0  }
0x140: {  	s26 =	sadd.s32 s24, s15;
	[sflag:s18] =	ssyncadd.s32 $0xFFFFF800  }
0x141: {  	[tilespmem:s20], [sflag:$0x5] =	stream.linear.gather [hbm4b:s26+s5], $0x800, $0x38;
	[tilespmem:$0x1DA38] =	vst v63  }
0x142: {  	_ =	swait.ge [sflag:s18], $0x800  }
0x143: {  	[sflag:s18] =	ssyncset.done $0x0  }
0x144: {  	[sflag:s18] =	ssyncadd.s32 $0xFFFFF800  }
0x145: {  	[tilespmem:s22], [sflag:$0x1] =	stream.indirect.gather [spmem:s4], $0x10, s5, s21, $0xb8;
	[tilespmem:$0x1DA38] =	vst v63  }
0x146: {  	_ = 	snop  }
0x147: {  	[tilespmem:s23], [sflag:$0x2] =	stream.indirect.gather [spmem:s4], $0x10, s21, s21, $0xb8;
	[tilespmem:$0x1DA38] =	vst v63  }
0x148: {  	_ = 	snop  }
0x149: {  	[tilespmem:s25], [sflag:$0x3] =	stream.indirect.gather [spmem:s4], $0x10, s30, s21, $0xb8;
	[tilespmem:$0x1DA38] =	vst v63  }
0x14a: {  	_ = 	snop  }
0x14b: {  	[tilespmem:s28], [sflag:$0x4] =	stream.indirect.gather [spmem:s4], $0x10, s2, s21, $0xb8;
	[tilespmem:$0x1DA38] =	vst v63  }
0x14c: {  	_ =	swait.ge [sflag:s29], $0x800  }
0x14d: {  	[sflag:s29] =	ssyncset.done $0x0  }
0x14e: {  	[sflag:s29] =	ssyncadd.s32 $0xFFFFF800  }
0x14f: {  	[spmem:s3] =	stream.indirect.scatter.add.f32 [tilespmem:s22], [sflag:$0x5], $0x10, s20, s21, $0xb8;
	[tilespmem:$0x1DA38] =	vst v63  }
0x150: {  	_ =	swait.ge [sflag:s18], $0x800  }
0x151: {  	[sflag:s18] =	ssyncset.done $0x0  }
0x152: {  	[sflag:s18] =	ssyncadd.s32 $0xFFFFF800  }
0x153: {  	[tilespmem:s22], [sflag:$0x1] =	stream.indirect.gather [spmem:s4], $0x10, s13, s21, $0xb8;
	[tilespmem:$0x1DA38] =	vst v63  }
0x154: {  	_ =	swait.ge [sflag:s31], $0x800  }
0x155: {  	[sflag:s31] =	ssyncset.done $0x0  }
0x156: {  	[sflag:s31] =	ssyncadd.s32 $0xFFFFF800  }
0x157: {  	[spmem:s3] =	stream.indirect.scatter.add.f32 [tilespmem:s23], [sflag:$0x5], $0x10, s14, s21, $0xb8;
	[tilespmem:$0x1DA38] =	vst v63  }
0x158: {  	_ =	swait.ge [sflag:s18], $0x800  }
0x159: {  	[sflag:s18] =	ssyncset.done $0x0  }
0x15a: {  	[sflag:s18] =	ssyncadd.s32 $0xFFFFF800  }
0x15b: {  	[tilespmem:s23], [sflag:$0x2] =	stream.indirect.gather [spmem:s4], $0x10, s8, s21, $0xb8;
	[tilespmem:$0x1DA38] =	vst v63  }
0x15c: {  	_ =	swait.ge [sflag:s11], $0x800  }
0x15d: {  	[sflag:s11] =	ssyncset.done $0x0  }
0x15e: {  	[sflag:s11] =	ssyncadd.s32 $0xFFFFF800  }
0x15f: {  	[spmem:s3] =	stream.indirect.scatter.add.f32 [tilespmem:s25], [sflag:$0x5], $0x10, s17, s21, $0xb8;
	[tilespmem:$0x1DA38] =	vst v63  }
0x160: {  	_ =	swait.ge [sflag:s18], $0x800  }
0x161: {  	[sflag:s18] =	ssyncset.done $0x0  }
0x162: {  	[sflag:s18] =	ssyncadd.s32 $0xFFFFF800  }
0x163: {  	[tilespmem:s25], [sflag:$0x3] =	stream.indirect.gather [spmem:s4], $0x10, s10, s21, $0xb8;
	[tilespmem:$0x1DA38] =	vst v63  }
0x164: {  	_ =	swait.ge [sflag:s19], $0x800  }
0x165: {  	[sflag:s19] =	ssyncset.done $0x0  }
0x166: {  	[sflag:s19] =	ssyncadd.s32 $0xFFFFF800  }
0x167: {  	[spmem:s3] =	stream.indirect.scatter.add.f32 [tilespmem:s28], [sflag:$0x5], $0x10, s1, s21, $0xb8;
	[tilespmem:$0x1DA38] =	vst v63  }
0x168: {  	_ =	swait.ge [sflag:s18], $0x800  }
0x169: {  	[sflag:s18] =	ssyncset.done $0x0  }
0x16a: {  	[sflag:s18] =	ssyncadd.s32 $0xFFFFF800  }
0x16b: {  	[tilespmem:s28], [sflag:$0x4] =	stream.indirect.gather [spmem:s4], $0x10, s6, s21, $0xb8;
	[tilespmem:$0x1DA38] =	vst v63  }
0x16c: {  	_ =	swait.ge [sflag:s29], $0x800  }
0x16d: {  	[sflag:s29] =	ssyncset.done $0x0  }
0x16e: {  	[sflag:s29] =	ssyncadd.s32 $0xFFFFF800  }
0x16f: {  	[spmem:s3] =	stream.indirect.scatter.add.f32 [tilespmem:s22], [sflag:$0x5], $0x10, s12, s21, $0xb8;
	[tilespmem:$0x1DA38] =	vst v63  }
0x170: {  	_ =	swait.ge [sflag:s18], $0x800  }
0x171: {  	[sflag:s18] =	ssyncset.done $0x0  }
0x172: {  	[sflag:s18] =	ssyncadd.s32 $0xFFFFF800  }
0x173: {  	[tilespmem:s22], [sflag:$0x1] =	stream.indirect.gather [spmem:s4], $0x10, s7, s21, $0xb8;
	[tilespmem:$0x1DA38] =	vst v63  }
0x174: {  	_ =	swait.ge [sflag:s31], $0x800  }
0x175: {  	[sflag:s31] =	ssyncset.done $0x0  }
0x176: {  	s14 =	simm.s32 $0xA80;
	[sflag:s31] =	ssyncadd.s32 $0xFFFFF800  }
0x177: {  	[spmem:s3] =	stream.indirect.scatter.add.f32 [tilespmem:s23], [sflag:$0x5], $0x10, s14, s21, $0xb8;
	[tilespmem:$0x1DA38] =	vst v63  }
0x178: {  	_ =	swait.ge [sflag:s18], $0x800  }
0x179: {  	[sflag:s18] =	ssyncset.done $0x0  }
0x17a: {  	s17 =	simm.s32 $0x480;
	[sflag:s18] =	ssyncadd.s32 $0xFFFFF800  }
0x17b: {  	[tilespmem:s23], [sflag:$0x2] =	stream.indirect.gather [spmem:s4], $0x10, s17, s21, $0xb8;
	[tilespmem:$0x1DA38] =	vst v63  }
0x17c: {  	_ =	swait.ge [sflag:s11], $0x800  }
0x17d: {  	[sflag:s11] =	ssyncset.done $0x0  }
0x17e: {  	s24 =	simm.s32 $0xB00;
	[sflag:s11] =	ssyncadd.s32 $0xFFFFF800  }
0x17f: {  	[spmem:s3] =	stream.indirect.scatter.add.f32 [tilespmem:s25], [sflag:$0x5], $0x10, s24, s21, $0xb8;
	[tilespmem:$0x1DA38] =	vst v63  }
0x180: {  	_ =	swait.ge [sflag:s18], $0x800  }
0x181: {  	[sflag:s18] =	ssyncset.done $0x0  }
0x182: {  	s26 =	simm.s32 $0x500;
	[sflag:s18] =	ssyncadd.s32 $0xFFFFF800  }
0x183: {  	[tilespmem:s25], [sflag:$0x3] =	stream.indirect.gather [spmem:s4], $0x10, s26, s21, $0xb8;
	[tilespmem:$0x1DA38] =	vst v63  }
0x184: {  	_ =	swait.ge [sflag:s19], $0x800  }
0x185: {  	[sflag:s19] =	ssyncset.done $0x0  }
0x186: {  	s30 =	simm.s32 $0xB80;
	[sflag:s19] =	ssyncadd.s32 $0xFFFFF800  }
0x187: {  	[spmem:s3] =	stream.indirect.scatter.add.f32 [tilespmem:s28], [sflag:$0x5], $0x10, s30, s21, $0xb8;
	[tilespmem:$0x1DA38] =	vst v63  }
0x188: {  	_ =	swait.ge [sflag:s18], $0x800  }
0x189: {  	[sflag:s18] =	ssyncset.done $0x0  }
0x18a: {  	s1 =	simm.s32 $0x580;
	[sflag:s18] =	ssyncadd.s32 $0xFFFFF800  }
0x18b: {  	[tilespmem:s28], [sflag:$0x4] =	stream.indirect.gather [spmem:s4], $0x10, s1, s21, $0xb8;
	[tilespmem:$0x1DA38] =	vst v63  }
0x18c: {  	_ =	swait.ge [sflag:s29], $0x800  }
0x18d: {  	[sflag:s29] =	ssyncset.done $0x0  }
0x18e: {  	s2 =	simm.s32 $0xC00;
	[sflag:s29] =	ssyncadd.s32 $0xFFFFF800  }
0x18f: {  	[spmem:s3] =	stream.indirect.scatter.add.f32 [tilespmem:s22], [sflag:$0x5], $0x10, s2, s21, $0xb8;
	[tilespmem:$0x1DA38] =	vst v63  }
0x190: {  	_ =	swait.ge [sflag:s18], $0x800  }
0x191: {  	[sflag:s18] =	ssyncset.done $0x0  }
0x192: {  	s6 =	simm.s32 $0x600;
	[sflag:s18] =	ssyncadd.s32 $0xFFFFF800  }
0x193: {  	[tilespmem:s22], [sflag:$0x1] =	stream.indirect.gather [spmem:s4], $0x10, s6, s21, $0xb8;
	[tilespmem:$0x1DA38] =	vst v63  }
0x194: {  	_ =	swait.ge [sflag:s31], $0x800  }
0x195: {  	[sflag:s31] =	ssyncset.done $0x0  }
0x196: {  	s7 =	simm.s32 $0xC80;
	[sflag:s31] =	ssyncadd.s32 $0xFFFFF800  }
0x197: {  	[spmem:s3] =	stream.indirect.scatter.add.f32 [tilespmem:s23], [sflag:$0x5], $0x10, s7, s21, $0xb8;
	[tilespmem:$0x1DA38] =	vst v63  }
0x198: {  	_ =	swait.ge [sflag:s18], $0x800  }
0x199: {  	[sflag:s18] =	ssyncset.done $0x0  }
0x19a: {  	s8 =	simm.s32 $0x680;
	[sflag:s18] =	ssyncadd.s32 $0xFFFFF800  }
0x19b: {  	[tilespmem:s23], [sflag:$0x2] =	stream.indirect.gather [spmem:s4], $0x10, s8, s21, $0xb8;
	[tilespmem:$0x1DA38] =	vst v63  }
0x19c: {  	_ =	swait.ge [sflag:s11], $0x800  }
0x19d: {  	[sflag:s11] =	ssyncset.done $0x0  }
0x19e: {  	s10 =	simm.s32 $0xD00;
	[sflag:s11] =	ssyncadd.s32 $0xFFFFF800  }
0x19f: {  	[spmem:s3] =	stream.indirect.scatter.add.f32 [tilespmem:s25], [sflag:$0x5], $0x10, s10, s21, $0xb8;
	[tilespmem:$0x1DA38] =	vst v63  }
0x1a0: {  	_ =	swait.ge [sflag:s18], $0x800  }
0x1a1: {  	[sflag:s18] =	ssyncset.done $0x0  }
0x1a2: {  	s12 =	simm.s32 $0x700;
	[sflag:s18] =	ssyncadd.s32 $0xFFFFF800  }
0x1a3: {  	[tilespmem:s25], [sflag:$0x3] =	stream.indirect.gather [spmem:s4], $0x10, s12, s21, $0xb8;
	[tilespmem:$0x1DA38] =	vst v63  }
0x1a4: {  	_ =	swait.ge [sflag:s19], $0x800  }
0x1a5: {  	[sflag:s19] =	ssyncset.done $0x0  }
0x1a6: {  	s13 =	simm.s32 $0xD80;
	[sflag:s19] =	ssyncadd.s32 $0xFFFFF800  }
0x1a7: {  	[spmem:s3] =	stream.indirect.scatter.add.f32 [tilespmem:s28], [sflag:$0x5], $0x10, s13, s21, $0xb8;
	[tilespmem:$0x1DA38] =	vst v63  }
0x1a8: {  	_ =	swait.ge [sflag:s18], $0x800  }
0x1a9: {  	[sflag:s18] =	ssyncset.done $0x0  }
0x1aa: {  	s14 =	simm.s32 $0x780;
	[sflag:s18] =	ssyncadd.s32 $0xFFFFF800  }
0x1ab: {  	[tilespmem:s28], [sflag:$0x4] =	stream.indirect.gather [spmem:s4], $0x10, s14, s21, $0xb8;
	[tilespmem:$0x1DA38] =	vst v63  }
0x1ac: {  	_ =	swait.ge [sflag:s29], $0x800  }
0x1ad: {  	[sflag:s29] =	ssyncset.done $0x0  }
0x1ae: {  	s17 =	simm.s32 $0xE00;
	[sflag:s29] =	ssyncadd.s32 $0xFFFFF800  }
0x1af: {  	[spmem:s3] =	stream.indirect.scatter.add.f32 [tilespmem:s22], [sflag:$0x5], $0x10, s17, s21, $0xb8;
	[tilespmem:$0x1DA38] =	vst v63  }
0x1b0: {  	_ =	swait.ge [sflag:s18], $0x800  }
0x1b1: {  	[sflag:s18] =	ssyncset.done $0x0  }
0x1b2: {  	[sflag:s18] =	ssyncadd.s32 $0xFFFFF800  }
0x1b3: {  	_ =	swait.ge [sflag:s31], $0x800  }
0x1b4: {  	[sflag:s31] =	ssyncset.done $0x0  }
0x1b5: {  	s24 =	simm.s32 $0xE80;
	[sflag:s31] =	ssyncadd.s32 $0xFFFFF800  }
0x1b6: {  	[spmem:s3] =	stream.indirect.scatter.add.f32 [tilespmem:s23], [sflag:$0x5], $0x10, s24, s21, $0xb8;
	[tilespmem:$0x1DA38] =	vst v63  }
0x1b7: {  	_ =	swait.ge [sflag:s18], $0x800  }
0x1b8: {  	[sflag:s18] =	ssyncset.done $0x0  }
0x1b9: {  	[sflag:s18] =	ssyncadd.s32 $0xFFFFF800  }
0x1ba: {  	_ =	swait.ge [sflag:s11], $0x800  }
0x1bb: {  	[sflag:s11] =	ssyncset.done $0x0  }
0x1bc: {  	s26 =	simm.s32 $0xF00;
	[sflag:s11] =	ssyncadd.s32 $0xFFFFF800  }
0x1bd: {  	[spmem:s3] =	stream.indirect.scatter.add.f32 [tilespmem:s25], [sflag:$0x5], $0x10, s26, s21, $0xb8;
	[tilespmem:$0x1DA38] =	vst v63  }
0x1be: {  	_ =	swait.ge [sflag:s18], $0x800  }
0x1bf: {  	[sflag:s18] =	ssyncset.done $0x0  }
0x1c0: {  	[sflag:s18] =	ssyncadd.s32 $0xFFFFF800  }
0x1c1: {  	_ =	swait.ge [sflag:s19], $0x800  }
0x1c2: {  	[sflag:s19] =	ssyncset.done $0x0  }
0x1c3: {  	s30 =	simm.s32 $0xF80;
	[sflag:s19] =	ssyncadd.s32 $0xFFFFF800  }
0x1c4: {  	[spmem:s3] =	stream.indirect.scatter.add.f32 [tilespmem:s28], [sflag:$0x5], $0x10, s30, s21, $0xb8;
	[tilespmem:$0x1DA38] =	vst v63  }
0x1c5: {  	_ =	swait.ge [sflag:s18], $0x800  }
0x1c6: {  	s1 =	simm.s32 $0x10;
	[sflag:s18] =	ssyncset.done $0x0  }
0x1c7: {  	s6 =	simm.s32 $0x40;
	s7 =	simm.s32 $0x4700;
	[sflag:s18] =	ssyncadd.s32 $0xFFFFF800  }
0x1c8: {  	s8 =	simm.s32 $0x0;
	s26 =	simm.s32 $0x0;
	[bflag:$0x0] =	sbarrier.arrive $0xFFFF  }
.LBB2_4:
0x1c9: {  	s0 =	smul.u32 $0xB8, s26  }
0x1ca: {  	s2 =	rddreg [dreg:$0x8]  }
0x1cb: {  	s0 =	sadd.s32 s2, s0  }
0x1cc: {  	s24 =	sshll.u32 s0, $0x4  }
0x1cd: {  	s13 =	simm.s32 $0x3000;
	s17 =	sadd.s32 s24, s3  }
0x1ce: {  	[tilespmem:s13], [sflag:$0x5] =	stream.linear.gather [spmem:s17], $0xB80, $0x38;
	[tilespmem:$0x1DA38] =	vst v63  }
0x1cf: {  	_ =	swait.ge [sflag:s18], $0xB80  }
0x1d0: {  	s10 =	sshll.u32 s0, $0x6;
	s30 =	rddreg [dreg:$0x5]  }
0x1d1: {  	s2 =	sor.u32 s30, s10  }
0x1d2: {  	[sflag:s18] =	ssyncset.done $0x0;
	s30 =	rddreg [dreg:$0x6];
	s2 =	sshrl.u32 s2, $0x3  }
0x1d3: {  	[sflag:s18] =	ssyncadd.s32 $0xFFFFF480;
	s2 =	sadd.s32 s30, s2;
	s30 =	simm.s32 $0x3B80  }
0x1d4: {  	[tilespmem:s30], [sflag:$0x5] =	stream.strided.gather [hbm4b:s2+s1], $0xB80, s6, s1, $0x38;
	[tilespmem:$0x1DA38] =	vst v63  }
0x1d5: {  	_ =	swait.ge [sflag:s18], $0xB80  }
0x1d6: {  	[sflag:s18] =	ssyncset.done $0x0  }
0x1d7: {  	[sflag:s18] =	ssyncadd.s32 $0xFFFFF480  }
0x1d8: {  	s0 =	sshrl.u32 s0, $0x3;
	s12 =	rddreg [dreg:$0x1]  }
0x1d9: {  	v0 =	vmov s8;
	s0 =	sadd.s32 s12, s0  }
0x1da: {  	[tilespmem:s9], [sflag:$0x5] =	stream.linear.gather [hbm4b:s0+s8], $0xB8, $0x38;
	[tilespmem:$0x1DA38] =	vst v63  }
0x1db: {  	_ =	swait.ge [sflag:s18], $0xB8  }
0x1dc: {  	[sflag:s18] =	ssyncset.done $0x0  }
0x1dd: {  	[sflag:s18] =	ssyncadd.s32 $0xFFFFFF48  }
0x1de: {  	v0 =	vld.idx.msk [tilespmem:v0+s9+$0x0], $0xffff  }
0x1df: {  	v1 =	vld [tilespmem:s13+$0x0];
	_ =	sdelay $0x1  }
0x1e0: {  	v2 =	vld [tilespmem:s30+$0x0];
	_ =	sdelay $0x1  }
0x1e1: {  	s14 =	simm.s32 $0x1  }
0x1e2: {  	v3 =	vmov s14;
	v0 =	vmul.f32 v1, v0;
	_ =	sdelay $0x1  }
0x1e3: {  	v0 =	vadd.f32 v2, v0  }
0x1e4: {  	s30 =	simm.s32 $0x4700  }
0x1e5: {  	[tilespmem:s30+$0x0] =	vst v0  }
0x1e6: {  	s2 =	simm.s32 $0x3010;
	v2 =	vld.idx.msk [tilespmem:v3+s9+$0x0], $0xffff  }
0x1e7: {  	v3 =	vld [tilespmem:s2+$0x0]  }
0x1e8: {  	s0 =	simm.s32 $0x3B90  }
0x1e9: {  	v1 =	vld [tilespmem:s0+$0x0];
	_ =	sdelay $0x1  }
0x1ea: {  	s17 =	simm.s32 $0x2  }
0x1eb: {  	s13 =	simm.s32 $0x3;
	v0 =	vmov s17;
	v2 =	vmul.f32 v3, v2  }
.LBB2_5:
0x1ec: {  	p0 =	sne.s32 s13, $0xB7  }
0x1ed: {  	v1 =	vadd.f32 v1, v2  }
0x1ee: {  	s30 =	sadd.s32 $0x10, s30  }
0x1ef: {  	[tilespmem:s30+$0x0] =	vst v1  }
0x1f0: {  	s2 =	sadd.s32 $0x10, s2;
	v2 =	vld.idx.msk [tilespmem:v0+s9+$0x0], $0xffff  }
0x1f1: {  	v3 =	vld [tilespmem:s2+$0x0]  }
.Ltmp1:
0x1f2: {  	s0 =	sadd.s32 $0x10, s0;
	(pc) =	sbr.rel @p0 .LBB2_5-.Ltmp1, $2  }
0x1f3: {  	v1 =	vld [tilespmem:s0+$0x0];
	_ =	sdelay $0x2  }
0x1f4: {  	v0 =	vmov s13;
	s13 =	sadd.s32 $0x1, s13;
	v2 =	vmul.f32 v3, v2  }
0x1f5: {  	_ = 	snop  }
0x1f6: {  	v1 =	vadd.f32 v1, v2  }
0x1f7: {  	s13 =	sadd.s32 $0x10, s30  }
0x1f8: {  	[tilespmem:s13+$0x0] =	vst v1  }
0x1f9: {  	s2 =	sadd.s32 $0x10, s2;
	v0 =	vld.idx.msk [tilespmem:v0+s9+$0x0], $0xffff  }
0x1fa: {  	v1 =	vld [tilespmem:s2+$0x0]  }
0x1fb: {  	s0 =	sadd.s32 $0x10, s0  }
0x1fc: {  	v63 =	vld [tilespmem:s0+$0x0];
	_ =	sdelay $0x2  }
0x1fd: {  	v0 =	vmul.f32 v1, v0;
	_ =	sdelay $0x1  }
0x1fe: {  	s26 =	sadd.s32 $0x1, s26;
	v0 =	vadd.f32 v63, v0  }
0x1ff: {  	s17 =	sadd.s32 $0x10, s13;
	p0 =	sne.s32 s26, $0x11  }
.Ltmp2:
0x200: {  	s30 =	sadd.s32 s24, s4;
	[tilespmem:s17+$0x0] =	vst v0;
	(pc) =	sbr.rel @p0 .LBB2_4-.Ltmp2, $4  }
0x201: {  	[spmem:s30] =	stream.linear.scatter [tilespmem:s7], [sflag:$0x5], $0xB80, $0x38;
	[tilespmem:$0x1DA38] =	vst v63  }
0x202: {  	_ =	swait.ge [sflag:s18], $0xB80  }
0x203: {  	[sflag:s18] =	ssyncset.done $0x0  }
0x204: {  	[sflag:s18] =	ssyncadd.s32 $0xFFFFF480  }
0x205: {  	s0 =	rddreg [dreg:$0x7]  }
0x206: {  	s2 =	rddreg [dreg:$0x9]  }
0x207: {  	s13 =	rddreg [dreg:$0xe]  }
0x208: {  	[spmem:s13], [sflag:s2] =	dma.local [hbm:s0], $0x1870  }
0x209: {  	_ =	swait.ge [sflag:s18], $0x1870  }
0x20a: {  	[sflag:s18] =	ssyncset.done $0x0  }
0x20b: {  	[sflag:s18] =	ssyncadd.s32 $0xFFFFE790  }
0x20c: {  	s12 =	sadd.s32 $0x0, s16;
	[bflag:$0x0] =	sbarrier.arrive $0xFFFF  }
0x20d: {  	[tilespmem:s5], [sflag:$0x5] =	stream.linear.gather [hbm4b:s12+s5], $0x800, $0x38;
	[tilespmem:$0x1DA38] =	vst v63  }
0x20e: {  	_ =	swait.ge [sflag:s18], $0x800  }
0x20f: {  	[sflag:s18] =	ssyncset.done $0x0  }
0x210: {  	s13 =	sadd.s32 $0x0, s15;
	[sflag:s18] =	ssyncadd.s32 $0xFFFFF800  }
0x211: {  	[tilespmem:s20], [sflag:$0x5] =	stream.linear.gather [hbm4b:s13+s5], $0x800, $0x38;
	[tilespmem:$0x1DA38] =	vst v63  }
0x212: {  	_ =	swait.ge [sflag:s18], $0x800  }
0x213: {  	[sflag:s18] =	ssyncset.done $0x0  }
0x214: {  	[sflag:s18] =	ssyncadd.s32 $0xFFFFF800  }
0x215: {  	[tilespmem:s22], [sflag:$0x1] =	stream.indirect.gather [spmem:s4], $0x10, s5, s21, $0xb8;
	[tilespmem:$0x1DA38] =	vst v63  }
0x216: {  	_ = 	snop  }
0x217: {  	[tilespmem:s23], [sflag:$0x2] =	stream.indirect.gather [spmem:s4], $0x10, s21, s21, $0xb8;
	[tilespmem:$0x1DA38] =	vst v63  }
0x218: {  	s30 =	simm.s32 $0x100  }
0x219: {  	[tilespmem:s25], [sflag:$0x3] =	stream.indirect.gather [spmem:s4], $0x10, s30, s21, $0xb8;
	[tilespmem:$0x1DA38] =	vst v63  }
0x21a: {  	s14 =	simm.s32 $0x180  }
0x21b: {  	[tilespmem:s28], [sflag:$0x4] =	stream.indirect.gather [spmem:s4], $0x10, s14, s21, $0xb8;
	[tilespmem:$0x1DA38] =	vst v63  }
0x21c: {  	_ =	swait.ge [sflag:s29], $0x800  }
0x21d: {  	[sflag:s29] =	ssyncset.done $0x0  }
0x21e: {  	[sflag:s29] =	ssyncadd.s32 $0xFFFFF800  }
0x21f: {  	[spmem:s3] =	stream.indirect.scatter.add.f32 [tilespmem:s22], [sflag:$0x5], $0x10, s20, s21, $0xb8;
	[tilespmem:$0x1DA38] =	vst v63  }
0x220: {  	_ =	swait.ge [sflag:s18], $0x800  }
0x221: {  	[sflag:s18] =	ssyncset.done $0x0  }
0x222: {  	s17 =	simm.s32 $0x200;
	[sflag:s18] =	ssyncadd.s32 $0xFFFFF800  }
0x223: {  	[tilespmem:s22], [sflag:$0x1] =	stream.indirect.gather [spmem:s4], $0x10, s17, s21, $0xb8;
	[tilespmem:$0x1DA38] =	vst v63  }
0x224: {  	_ =	swait.ge [sflag:s31], $0x800  }
0x225: {  	[sflag:s31] =	ssyncset.done $0x0  }
0x226: {  	s14 =	simm.s32 $0x880;
	[sflag:s31] =	ssyncadd.s32 $0xFFFFF800  }
0x227: {  	[spmem:s3] =	stream.indirect.scatter.add.f32 [tilespmem:s23], [sflag:$0x5], $0x10, s14, s21, $0xb8;
	[tilespmem:$0x1DA38] =	vst v63  }
0x228: {  	_ =	swait.ge [sflag:s18], $0x800  }
0x229: {  	[sflag:s18] =	ssyncset.done $0x0  }
0x22a: {  	s8 =	simm.s32 $0x280;
	[sflag:s18] =	ssyncadd.s32 $0xFFFFF800  }
0x22b: {  	[tilespmem:s23], [sflag:$0x2] =	stream.indirect.gather [spmem:s4], $0x10, s8, s21, $0xb8;
	[tilespmem:$0x1DA38] =	vst v63  }
0x22c: {  	_ =	swait.ge [sflag:s11], $0x800  }
0x22d: {  	[sflag:s11] =	ssyncset.done $0x0  }
0x22e: {  	s17 =	simm.s32 $0x900;
	[sflag:s11] =	ssyncadd.s32 $0xFFFFF800  }
0x22f: {  	[spmem:s3] =	stream.indirect.scatter.add.f32 [tilespmem:s25], [sflag:$0x5], $0x10, s17, s21, $0xb8;
	[tilespmem:$0x1DA38] =	vst v63  }
0x230: {  	_ =	swait.ge [sflag:s18], $0x800  }
0x231: {  	[sflag:s18] =	ssyncset.done $0x0  }
0x232: {  	s10 =	simm.s32 $0x300;
	[sflag:s18] =	ssyncadd.s32 $0xFFFFF800  }
0x233: {  	[tilespmem:s25], [sflag:$0x3] =	stream.indirect.gather [spmem:s4], $0x10, s10, s21, $0xb8;
	[tilespmem:$0x1DA38] =	vst v63  }
0x234: {  	_ =	swait.ge [sflag:s19], $0x800  }
0x235: {  	[sflag:s19] =	ssyncset.done $0x0  }
0x236: {  	s1 =	simm.s32 $0x980;
	[sflag:s19] =	ssyncadd.s32 $0xFFFFF800  }
0x237: {  	[spmem:s3] =	stream.indirect.scatter.add.f32 [tilespmem:s28], [sflag:$0x5], $0x10, s1, s21, $0xb8;
	[tilespmem:$0x1DA38] =	vst v63  }
0x238: {  	_ =	swait.ge [sflag:s18], $0x800  }
0x239: {  	[sflag:s18] =	ssyncset.done $0x0  }
0x23a: {  	s6 =	simm.s32 $0x380;
	[sflag:s18] =	ssyncadd.s32 $0xFFFFF800  }
0x23b: {  	[tilespmem:s28], [sflag:$0x4] =	stream.indirect.gather [spmem:s4], $0x10, s6, s21, $0xb8;
	[tilespmem:$0x1DA38] =	vst v63  }
0x23c: {  	_ =	swait.ge [sflag:s29], $0x800  }
0x23d: {  	[sflag:s29] =	ssyncset.done $0x0  }
0x23e: {  	s12 =	simm.s32 $0xA00;
	[sflag:s29] =	ssyncadd.s32 $0xFFFFF800  }
0x23f: {  	[spmem:s3] =	stream.indirect.scatter.add.f32 [tilespmem:s22], [sflag:$0x5], $0x10, s12, s21, $0xb8;
	[tilespmem:$0x1DA38] =	vst v63  }
0x240: {  	_ =	swait.ge [sflag:s18], $0x800  }
0x241: {  	[sflag:s18] =	ssyncset.done $0x0  }
0x242: {  	s7 =	simm.s32 $0x400;
	[sflag:s18] =	ssyncadd.s32 $0xFFFFF800  }
0x243: {  	[tilespmem:s22], [sflag:$0x1] =	stream.indirect.gather [spmem:s4], $0x10, s7, s21, $0xb8;
	[tilespmem:$0x1DA38] =	vst v63  }
0x244: {  	_ =	swait.ge [sflag:s31], $0x800  }
0x245: {  	[sflag:s31] =	ssyncset.done $0x0  }
0x246: {  	s24 =	simm.s32 $0xA80;
	[sflag:s31] =	ssyncadd.s32 $0xFFFFF800  }
0x247: {  	[spmem:s3] =	stream.indirect.scatter.add.f32 [tilespmem:s23], [sflag:$0x5], $0x10, s24, s21, $0xb8;
	[tilespmem:$0x1DA38] =	vst v63  }
0x248: {  	_ =	swait.ge [sflag:s18], $0x800  }
0x249: {  	[sflag:s18] =	ssyncset.done $0x0  }
0x24a: {  	s26 =	simm.s32 $0x480;
	[sflag:s18] =	ssyncadd.s32 $0xFFFFF800  }
0x24b: {  	[tilespmem:s23], [sflag:$0x2] =	stream.indirect.gather [spmem:s4], $0x10, s26, s21, $0xb8;
	[tilespmem:$0x1DA38] =	vst v63  }
0x24c: {  	_ =	swait.ge [sflag:s11], $0x800  }
0x24d: {  	[sflag:s11] =	ssyncset.done $0x0  }
0x24e: {  	s2 =	simm.s32 $0xB00;
	[sflag:s11] =	ssyncadd.s32 $0xFFFFF800  }
0x24f: {  	[spmem:s3] =	stream.indirect.scatter.add.f32 [tilespmem:s25], [sflag:$0x5], $0x10, s2, s21, $0xb8;
	[tilespmem:$0x1DA38] =	vst v63  }
0x250: {  	_ =	swait.ge [sflag:s18], $0x800  }
0x251: {  	[sflag:s18] =	ssyncset.done $0x0  }
0x252: {  	s13 =	simm.s32 $0x500;
	[sflag:s18] =	ssyncadd.s32 $0xFFFFF800  }
0x253: {  	[tilespmem:s25], [sflag:$0x3] =	stream.indirect.gather [spmem:s4], $0x10, s13, s21, $0xb8;
	[tilespmem:$0x1DA38] =	vst v63  }
0x254: {  	_ =	swait.ge [sflag:s19], $0x800  }
0x255: {  	[sflag:s19] =	ssyncset.done $0x0  }
0x256: {  	s24 =	simm.s32 $0xB80;
	[sflag:s19] =	ssyncadd.s32 $0xFFFFF800  }
0x257: {  	[spmem:s3] =	stream.indirect.scatter.add.f32 [tilespmem:s28], [sflag:$0x5], $0x10, s24, s21, $0xb8;
	[tilespmem:$0x1DA38] =	vst v63  }
0x258: {  	_ =	swait.ge [sflag:s18], $0x800  }
0x259: {  	[sflag:s18] =	ssyncset.done $0x0  }
0x25a: {  	s26 =	simm.s32 $0x580;
	[sflag:s18] =	ssyncadd.s32 $0xFFFFF800  }
0x25b: {  	[tilespmem:s28], [sflag:$0x4] =	stream.indirect.gather [spmem:s4], $0x10, s26, s21, $0xb8;
	[tilespmem:$0x1DA38] =	vst v63  }
0x25c: {  	_ =	swait.ge [sflag:s29], $0x800  }
0x25d: {  	[sflag:s29] =	ssyncset.done $0x0  }
0x25e: {  	s2 =	simm.s32 $0xC00;
	[sflag:s29] =	ssyncadd.s32 $0xFFFFF800  }
0x25f: {  	[spmem:s3] =	stream.indirect.scatter.add.f32 [tilespmem:s22], [sflag:$0x5], $0x10, s2, s21, $0xb8;
	[tilespmem:$0x1DA38] =	vst v63  }
0x260: {  	_ =	swait.ge [sflag:s18], $0x800  }
0x261: {  	[sflag:s18] =	ssyncset.done $0x0  }
0x262: {  	s13 =	simm.s32 $0x600;
	[sflag:s18] =	ssyncadd.s32 $0xFFFFF800  }
0x263: {  	[tilespmem:s22], [sflag:$0x1] =	stream.indirect.gather [spmem:s4], $0x10, s13, s21, $0xb8;
	[tilespmem:$0x1DA38] =	vst v63  }
0x264: {  	_ =	swait.ge [sflag:s31], $0x800  }
0x265: {  	[sflag:s31] =	ssyncset.done $0x0  }
0x266: {  	s24 =	simm.s32 $0xC80;
	[sflag:s31] =	ssyncadd.s32 $0xFFFFF800  }
0x267: {  	[spmem:s3] =	stream.indirect.scatter.add.f32 [tilespmem:s23], [sflag:$0x5], $0x10, s24, s21, $0xb8;
	[tilespmem:$0x1DA38] =	vst v63  }
0x268: {  	_ =	swait.ge [sflag:s18], $0x800  }
0x269: {  	[sflag:s18] =	ssyncset.done $0x0  }
0x26a: {  	s26 =	simm.s32 $0x680;
	[sflag:s18] =	ssyncadd.s32 $0xFFFFF800  }
0x26b: {  	[tilespmem:s23], [sflag:$0x2] =	stream.indirect.gather [spmem:s4], $0x10, s26, s21, $0xb8;
	[tilespmem:$0x1DA38] =	vst v63  }
0x26c: {  	_ =	swait.ge [sflag:s11], $0x800  }
0x26d: {  	[sflag:s11] =	ssyncset.done $0x0  }
0x26e: {  	s2 =	simm.s32 $0xD00;
	[sflag:s11] =	ssyncadd.s32 $0xFFFFF800  }
0x26f: {  	[spmem:s3] =	stream.indirect.scatter.add.f32 [tilespmem:s25], [sflag:$0x5], $0x10, s2, s21, $0xb8;
	[tilespmem:$0x1DA38] =	vst v63  }
0x270: {  	_ =	swait.ge [sflag:s18], $0x800  }
0x271: {  	[sflag:s18] =	ssyncset.done $0x0  }
0x272: {  	s13 =	simm.s32 $0x700;
	[sflag:s18] =	ssyncadd.s32 $0xFFFFF800  }
0x273: {  	[tilespmem:s25], [sflag:$0x3] =	stream.indirect.gather [spmem:s4], $0x10, s13, s21, $0xb8;
	[tilespmem:$0x1DA38] =	vst v63  }
0x274: {  	_ =	swait.ge [sflag:s19], $0x800  }
0x275: {  	[sflag:s19] =	ssyncset.done $0x0  }
0x276: {  	s24 =	simm.s32 $0xD80;
	[sflag:s19] =	ssyncadd.s32 $0xFFFFF800  }
0x277: {  	[spmem:s3] =	stream.indirect.scatter.add.f32 [tilespmem:s28], [sflag:$0x5], $0x10, s24, s21, $0xb8;
	[tilespmem:$0x1DA38] =	vst v63  }
0x278: {  	_ =	swait.ge [sflag:s18], $0x800  }
0x279: {  	[sflag:s18] =	ssyncset.done $0x0  }
0x27a: {  	s26 =	simm.s32 $0x780;
	[sflag:s18] =	ssyncadd.s32 $0xFFFFF800  }
0x27b: {  	[tilespmem:s28], [sflag:$0x4] =	stream.indirect.gather [spmem:s4], $0x10, s26, s21, $0xb8;
	[tilespmem:$0x1DA38] =	vst v63  }
0x27c: {  	_ =	swait.ge [sflag:s29], $0x800  }
0x27d: {  	[sflag:s29] =	ssyncset.done $0x0  }
0x27e: {  	s2 =	simm.s32 $0xE00;
	[sflag:s29] =	ssyncadd.s32 $0xFFFFF800  }
0x27f: {  	[spmem:s3] =	stream.indirect.scatter.add.f32 [tilespmem:s22], [sflag:$0x5], $0x10, s2, s21, $0xb8;
	[tilespmem:$0x1DA38] =	vst v63  }
0x280: {  	_ =	swait.ge [sflag:s18], $0x800  }
0x281: {  	[sflag:s18] =	ssyncset.done $0x0  }
0x282: {  	[sflag:s18] =	ssyncadd.s32 $0xFFFFF800  }
0x283: {  	_ =	swait.ge [sflag:s31], $0x800  }
0x284: {  	[sflag:s31] =	ssyncset.done $0x0  }
0x285: {  	s13 =	simm.s32 $0xE80;
	[sflag:s31] =	ssyncadd.s32 $0xFFFFF800  }
0x286: {  	[spmem:s3] =	stream.indirect.scatter.add.f32 [tilespmem:s23], [sflag:$0x5], $0x10, s13, s21, $0xb8;
	[tilespmem:$0x1DA38] =	vst v63  }
0x287: {  	_ =	swait.ge [sflag:s18], $0x800  }
0x288: {  	[sflag:s18] =	ssyncset.done $0x0  }
0x289: {  	[sflag:s18] =	ssyncadd.s32 $0xFFFFF800  }
0x28a: {  	_ =	swait.ge [sflag:s11], $0x800  }
0x28b: {  	[sflag:s11] =	ssyncset.done $0x0  }
0x28c: {  	s24 =	simm.s32 $0xF00;
	[sflag:s11] =	ssyncadd.s32 $0xFFFFF800  }
0x28d: {  	[spmem:s3] =	stream.indirect.scatter.add.f32 [tilespmem:s25], [sflag:$0x5], $0x10, s24, s21, $0xb8;
	[tilespmem:$0x1DA38] =	vst v63  }
0x28e: {  	_ =	swait.ge [sflag:s18], $0x800  }
0x28f: {  	[sflag:s18] =	ssyncset.done $0x0  }
0x290: {  	[sflag:s18] =	ssyncadd.s32 $0xFFFFF800  }
0x291: {  	_ =	swait.ge [sflag:s19], $0x800  }
0x292: {  	[sflag:s19] =	ssyncset.done $0x0  }
0x293: {  	s26 =	simm.s32 $0xF80;
	[sflag:s19] =	ssyncadd.s32 $0xFFFFF800  }
0x294: {  	[spmem:s3] =	stream.indirect.scatter.add.f32 [tilespmem:s28], [sflag:$0x5], $0x10, s26, s21, $0xb8;
	[tilespmem:$0x1DA38] =	vst v63  }
0x295: {  	_ =	swait.ge [sflag:s18], $0x800  }
0x296: {  	s0 =	simm.s32 $0x200;
	s24 =	simm.s32 $0x100;
	[sflag:s18] =	ssyncset.done $0x0  }
.LBB2_8:
0x297: {  	s2 =	sadd.s32 s24, s16  }
0x298: {  	[sflag:s18] =	ssyncadd.s32 $0xFFFFF800;
	s13 =	smov.u32 s0;
	s26 =	sadd.s32 $0x100, s0  }
0x299: {  	[tilespmem:s5], [sflag:$0x5] =	stream.linear.gather [hbm4b:s2+s5], $0x800, $0x38;
	[tilespmem:$0x1DA38] =	vst v63  }
0x29a: {  	s2 =	simm.s32 $0x180  }
0x29b: {  	p0 =	sne.s32 s0, $0x1800;
	_ =	swait.ge [sflag:s18], $0x800  }
0x29c: {  	s0 =	sadd.s32 s24, s15;
	[sflag:s18] =	ssyncset.done $0x0  }
0x29d: {  	s24 =	smov.u32 s13;
	s13 =	simm.s32 $0x200;
	[sflag:s18] =	ssyncadd.s32 $0xFFFFF800  }
0x29e: {  	[tilespmem:s20], [sflag:$0x5] =	stream.linear.gather [hbm4b:s0+s5], $0x800, $0x38;
	[tilespmem:$0x1DA38] =	vst v63  }
0x29f: {  	_ =	swait.ge [sflag:s18], $0x800  }
0x2a0: {  	[sflag:s18] =	ssyncset.done $0x0  }
0x2a1: {  	[sflag:s18] =	ssyncadd.s32 $0xFFFFF800  }
0x2a2: {  	[tilespmem:s22], [sflag:$0x1] =	stream.indirect.gather [spmem:s4], $0x10, s5, s21, $0xb8;
	[tilespmem:$0x1DA38] =	vst v63  }
0x2a3: {  	_ = 	snop  }
0x2a4: {  	[tilespmem:s23], [sflag:$0x2] =	stream.indirect.gather [spmem:s4], $0x10, s21, s21, $0xb8;
	[tilespmem:$0x1DA38] =	vst v63  }
0x2a5: {  	_ = 	snop  }
0x2a6: {  	[tilespmem:s25], [sflag:$0x3] =	stream.indirect.gather [spmem:s4], $0x10, s30, s21, $0xb8;
	[tilespmem:$0x1DA38] =	vst v63  }
0x2a7: {  	_ = 	snop  }
0x2a8: {  	[tilespmem:s28], [sflag:$0x4] =	stream.indirect.gather [spmem:s4], $0x10, s2, s21, $0xb8;
	[tilespmem:$0x1DA38] =	vst v63  }
0x2a9: {  	_ =	swait.ge [sflag:s29], $0x800  }
0x2aa: {  	[sflag:s29] =	ssyncset.done $0x0  }
0x2ab: {  	[sflag:s29] =	ssyncadd.s32 $0xFFFFF800  }
0x2ac: {  	[spmem:s3] =	stream.indirect.scatter.add.f32 [tilespmem:s22], [sflag:$0x5], $0x10, s20, s21, $0xb8;
	[tilespmem:$0x1DA38] =	vst v63  }
0x2ad: {  	_ =	swait.ge [sflag:s18], $0x800  }
0x2ae: {  	[sflag:s18] =	ssyncset.done $0x0  }
0x2af: {  	[sflag:s18] =	ssyncadd.s32 $0xFFFFF800  }
0x2b0: {  	[tilespmem:s22], [sflag:$0x1] =	stream.indirect.gather [spmem:s4], $0x10, s13, s21, $0xb8;
	[tilespmem:$0x1DA38] =	vst v63  }
0x2b1: {  	_ =	swait.ge [sflag:s31], $0x800  }
0x2b2: {  	[sflag:s31] =	ssyncset.done $0x0  }
0x2b3: {  	[sflag:s31] =	ssyncadd.s32 $0xFFFFF800  }
0x2b4: {  	[spmem:s3] =	stream.indirect.scatter.add.f32 [tilespmem:s23], [sflag:$0x5], $0x10, s14, s21, $0xb8;
	[tilespmem:$0x1DA38] =	vst v63  }
0x2b5: {  	_ =	swait.ge [sflag:s18], $0x800  }
0x2b6: {  	[sflag:s18] =	ssyncset.done $0x0  }
0x2b7: {  	[sflag:s18] =	ssyncadd.s32 $0xFFFFF800  }
0x2b8: {  	[tilespmem:s23], [sflag:$0x2] =	stream.indirect.gather [spmem:s4], $0x10, s8, s21, $0xb8;
	[tilespmem:$0x1DA38] =	vst v63  }
0x2b9: {  	_ =	swait.ge [sflag:s11], $0x800  }
0x2ba: {  	[sflag:s11] =	ssyncset.done $0x0  }
0x2bb: {  	[sflag:s11] =	ssyncadd.s32 $0xFFFFF800  }
0x2bc: {  	[spmem:s3] =	stream.indirect.scatter.add.f32 [tilespmem:s25], [sflag:$0x5], $0x10, s17, s21, $0xb8;
	[tilespmem:$0x1DA38] =	vst v63  }
0x2bd: {  	_ =	swait.ge [sflag:s18], $0x800  }
0x2be: {  	[sflag:s18] =	ssyncset.done $0x0  }
0x2bf: {  	[sflag:s18] =	ssyncadd.s32 $0xFFFFF800  }
0x2c0: {  	[tilespmem:s25], [sflag:$0x3] =	stream.indirect.gather [spmem:s4], $0x10, s10, s21, $0xb8;
	[tilespmem:$0x1DA38] =	vst v63  }
0x2c1: {  	_ =	swait.ge [sflag:s19], $0x800  }
0x2c2: {  	[sflag:s19] =	ssyncset.done $0x0  }
0x2c3: {  	[sflag:s19] =	ssyncadd.s32 $0xFFFFF800  }
0x2c4: {  	[spmem:s3] =	stream.indirect.scatter.add.f32 [tilespmem:s28], [sflag:$0x5], $0x10, s1, s21, $0xb8;
	[tilespmem:$0x1DA38] =	vst v63  }
0x2c5: {  	_ =	swait.ge [sflag:s18], $0x800  }
0x2c6: {  	[sflag:s18] =	ssyncset.done $0x0  }
0x2c7: {  	[sflag:s18] =	ssyncadd.s32 $0xFFFFF800  }
0x2c8: {  	[tilespmem:s28], [sflag:$0x4] =	stream.indirect.gather [spmem:s4], $0x10, s6, s21, $0xb8;
	[tilespmem:$0x1DA38] =	vst v63  }
0x2c9: {  	_ =	swait.ge [sflag:s29], $0x800  }
0x2ca: {  	[sflag:s29] =	ssyncset.done $0x0  }
0x2cb: {  	[sflag:s29] =	ssyncadd.s32 $0xFFFFF800  }
0x2cc: {  	[spmem:s3] =	stream.indirect.scatter.add.f32 [tilespmem:s22], [sflag:$0x5], $0x10, s12, s21, $0xb8;
	[tilespmem:$0x1DA38] =	vst v63  }
0x2cd: {  	_ =	swait.ge [sflag:s18], $0x800  }
0x2ce: {  	[sflag:s18] =	ssyncset.done $0x0  }
0x2cf: {  	[sflag:s18] =	ssyncadd.s32 $0xFFFFF800  }
0x2d0: {  	[tilespmem:s22], [sflag:$0x1] =	stream.indirect.gather [spmem:s4], $0x10, s7, s21, $0xb8;
	[tilespmem:$0x1DA38] =	vst v63  }
0x2d1: {  	_ =	swait.ge [sflag:s31], $0x800  }
0x2d2: {  	[sflag:s31] =	ssyncset.done $0x0  }
0x2d3: {  	s0 =	simm.s32 $0xA80;
	[sflag:s31] =	ssyncadd.s32 $0xFFFFF800  }
0x2d4: {  	[spmem:s3] =	stream.indirect.scatter.add.f32 [tilespmem:s23], [sflag:$0x5], $0x10, s0, s21, $0xb8;
	[tilespmem:$0x1DA38] =	vst v63  }
0x2d5: {  	_ =	swait.ge [sflag:s18], $0x800  }
0x2d6: {  	[sflag:s18] =	ssyncset.done $0x0  }
0x2d7: {  	s0 =	simm.s32 $0x480;
	[sflag:s18] =	ssyncadd.s32 $0xFFFFF800  }
0x2d8: {  	[tilespmem:s23], [sflag:$0x2] =	stream.indirect.gather [spmem:s4], $0x10, s0, s21, $0xb8;
	[tilespmem:$0x1DA38] =	vst v63  }
0x2d9: {  	_ =	swait.ge [sflag:s11], $0x800  }
0x2da: {  	[sflag:s11] =	ssyncset.done $0x0  }
0x2db: {  	s0 =	simm.s32 $0xB00;
	[sflag:s11] =	ssyncadd.s32 $0xFFFFF800  }
0x2dc: {  	[spmem:s3] =	stream.indirect.scatter.add.f32 [tilespmem:s25], [sflag:$0x5], $0x10, s0, s21, $0xb8;
	[tilespmem:$0x1DA38] =	vst v63  }
0x2dd: {  	_ =	swait.ge [sflag:s18], $0x800  }
0x2de: {  	[sflag:s18] =	ssyncset.done $0x0  }
0x2df: {  	s0 =	simm.s32 $0x500;
	[sflag:s18] =	ssyncadd.s32 $0xFFFFF800  }
0x2e0: {  	[tilespmem:s25], [sflag:$0x3] =	stream.indirect.gather [spmem:s4], $0x10, s0, s21, $0xb8;
	[tilespmem:$0x1DA38] =	vst v63  }
0x2e1: {  	_ =	swait.ge [sflag:s19], $0x800  }
0x2e2: {  	[sflag:s19] =	ssyncset.done $0x0  }
0x2e3: {  	s0 =	simm.s32 $0xB80;
	[sflag:s19] =	ssyncadd.s32 $0xFFFFF800  }
0x2e4: {  	[spmem:s3] =	stream.indirect.scatter.add.f32 [tilespmem:s28], [sflag:$0x5], $0x10, s0, s21, $0xb8;
	[tilespmem:$0x1DA38] =	vst v63  }
0x2e5: {  	_ =	swait.ge [sflag:s18], $0x800  }
0x2e6: {  	[sflag:s18] =	ssyncset.done $0x0  }
0x2e7: {  	s0 =	simm.s32 $0x580;
	[sflag:s18] =	ssyncadd.s32 $0xFFFFF800  }
0x2e8: {  	[tilespmem:s28], [sflag:$0x4] =	stream.indirect.gather [spmem:s4], $0x10, s0, s21, $0xb8;
	[tilespmem:$0x1DA38] =	vst v63  }
0x2e9: {  	_ =	swait.ge [sflag:s29], $0x800  }
0x2ea: {  	[sflag:s29] =	ssyncset.done $0x0  }
0x2eb: {  	s0 =	simm.s32 $0xC00;
	[sflag:s29] =	ssyncadd.s32 $0xFFFFF800  }
0x2ec: {  	[spmem:s3] =	stream.indirect.scatter.add.f32 [tilespmem:s22], [sflag:$0x5], $0x10, s0, s21, $0xb8;
	[tilespmem:$0x1DA38] =	vst v63  }
0x2ed: {  	_ =	swait.ge [sflag:s18], $0x800  }
0x2ee: {  	[sflag:s18] =	ssyncset.done $0x0  }
0x2ef: {  	s0 =	simm.s32 $0x600;
	[sflag:s18] =	ssyncadd.s32 $0xFFFFF800  }
0x2f0: {  	[tilespmem:s22], [sflag:$0x1] =	stream.indirect.gather [spmem:s4], $0x10, s0, s21, $0xb8;
	[tilespmem:$0x1DA38] =	vst v63  }
0x2f1: {  	_ =	swait.ge [sflag:s31], $0x800  }
0x2f2: {  	[sflag:s31] =	ssyncset.done $0x0  }
0x2f3: {  	s0 =	simm.s32 $0xC80;
	[sflag:s31] =	ssyncadd.s32 $0xFFFFF800  }
0x2f4: {  	[spmem:s3] =	stream.indirect.scatter.add.f32 [tilespmem:s23], [sflag:$0x5], $0x10, s0, s21, $0xb8;
	[tilespmem:$0x1DA38] =	vst v63  }
0x2f5: {  	_ =	swait.ge [sflag:s18], $0x800  }
0x2f6: {  	[sflag:s18] =	ssyncset.done $0x0  }
0x2f7: {  	s0 =	simm.s32 $0x680;
	[sflag:s18] =	ssyncadd.s32 $0xFFFFF800  }
0x2f8: {  	[tilespmem:s23], [sflag:$0x2] =	stream.indirect.gather [spmem:s4], $0x10, s0, s21, $0xb8;
	[tilespmem:$0x1DA38] =	vst v63  }
0x2f9: {  	_ =	swait.ge [sflag:s11], $0x800  }
0x2fa: {  	[sflag:s11] =	ssyncset.done $0x0  }
0x2fb: {  	s0 =	simm.s32 $0xD00;
	[sflag:s11] =	ssyncadd.s32 $0xFFFFF800  }
0x2fc: {  	[spmem:s3] =	stream.indirect.scatter.add.f32 [tilespmem:s25], [sflag:$0x5], $0x10, s0, s21, $0xb8;
	[tilespmem:$0x1DA38] =	vst v63  }
0x2fd: {  	_ =	swait.ge [sflag:s18], $0x800  }
0x2fe: {  	[sflag:s18] =	ssyncset.done $0x0  }
0x2ff: {  	s0 =	simm.s32 $0x700;
	[sflag:s18] =	ssyncadd.s32 $0xFFFFF800  }
0x300: {  	[tilespmem:s25], [sflag:$0x3] =	stream.indirect.gather [spmem:s4], $0x10, s0, s21, $0xb8;
	[tilespmem:$0x1DA38] =	vst v63  }
0x301: {  	_ =	swait.ge [sflag:s19], $0x800  }
0x302: {  	[sflag:s19] =	ssyncset.done $0x0  }
0x303: {  	s0 =	simm.s32 $0xD80;
	[sflag:s19] =	ssyncadd.s32 $0xFFFFF800  }
0x304: {  	[spmem:s3] =	stream.indirect.scatter.add.f32 [tilespmem:s28], [sflag:$0x5], $0x10, s0, s21, $0xb8;
	[tilespmem:$0x1DA38] =	vst v63  }
0x305: {  	_ =	swait.ge [sflag:s18], $0x800  }
0x306: {  	[sflag:s18] =	ssyncset.done $0x0  }
0x307: {  	s0 =	simm.s32 $0x780;
	[sflag:s18] =	ssyncadd.s32 $0xFFFFF800  }
0x308: {  	[tilespmem:s28], [sflag:$0x4] =	stream.indirect.gather [spmem:s4], $0x10, s0, s21, $0xb8;
	[tilespmem:$0x1DA38] =	vst v63  }
0x309: {  	_ =	swait.ge [sflag:s29], $0x800  }
0x30a: {  	[sflag:s29] =	ssyncset.done $0x0  }
0x30b: {  	s0 =	simm.s32 $0xE00;
	[sflag:s29] =	ssyncadd.s32 $0xFFFFF800  }
0x30c: {  	[spmem:s3] =	stream.indirect.scatter.add.f32 [tilespmem:s22], [sflag:$0x5], $0x10, s0, s21, $0xb8;
	[tilespmem:$0x1DA38] =	vst v63  }
0x30d: {  	_ =	swait.ge [sflag:s18], $0x800  }
0x30e: {  	[sflag:s18] =	ssyncset.done $0x0  }
0x30f: {  	[sflag:s18] =	ssyncadd.s32 $0xFFFFF800  }
0x310: {  	_ =	swait.ge [sflag:s31], $0x800  }
0x311: {  	[sflag:s31] =	ssyncset.done $0x0  }
0x312: {  	s0 =	simm.s32 $0xE80;
	[sflag:s31] =	ssyncadd.s32 $0xFFFFF800  }
0x313: {  	[spmem:s3] =	stream.indirect.scatter.add.f32 [tilespmem:s23], [sflag:$0x5], $0x10, s0, s21, $0xb8;
	[tilespmem:$0x1DA38] =	vst v63  }
0x314: {  	_ =	swait.ge [sflag:s18], $0x800  }
0x315: {  	[sflag:s18] =	ssyncset.done $0x0  }
0x316: {  	[sflag:s18] =	ssyncadd.s32 $0xFFFFF800  }
0x317: {  	_ =	swait.ge [sflag:s11], $0x800  }
0x318: {  	[sflag:s11] =	ssyncset.done $0x0  }
0x319: {  	s0 =	simm.s32 $0xF00;
	[sflag:s11] =	ssyncadd.s32 $0xFFFFF800  }
0x31a: {  	[spmem:s3] =	stream.indirect.scatter.add.f32 [tilespmem:s25], [sflag:$0x5], $0x10, s0, s21, $0xb8;
	[tilespmem:$0x1DA38] =	vst v63  }
0x31b: {  	_ =	swait.ge [sflag:s18], $0x800  }
0x31c: {  	[sflag:s18] =	ssyncset.done $0x0  }
0x31d: {  	[sflag:s18] =	ssyncadd.s32 $0xFFFFF800  }
0x31e: {  	_ =	swait.ge [sflag:s19], $0x800  }
.Ltmp3:
0x31f: {  	[sflag:s19] =	ssyncset.done $0x0;
	(pc) =	sbr.rel @p0 .LBB2_8-.Ltmp3, $4  }
0x320: {  	s0 =	simm.s32 $0xF80;
	[sflag:s19] =	ssyncadd.s32 $0xFFFFF800  }
0x321: {  	[spmem:s3] =	stream.indirect.scatter.add.f32 [tilespmem:s28], [sflag:$0x5], $0x10, s0, s21, $0xb8;
	[tilespmem:$0x1DA38] =	vst v63  }
0x322: {  	_ =	swait.ge [sflag:s18], $0x800  }
0x323: {  	s0 =	smov.u32 s26;
	[sflag:s18] =	ssyncset.done $0x0  }
0x324: {  	s0 =	sadd.s32 s24, s16;
	[sflag:s18] =	ssyncadd.s32 $0xFFFFF800  }
0x325: {  	[tilespmem:s5], [sflag:$0x5] =	stream.linear.gather [hbm4b:s0+s5], $0x800, $0x38;
	[tilespmem:$0x1DA38] =	vst v63  }
0x326: {  	_ =	swait.ge [sflag:s18], $0x800  }
0x327: {  	[sflag:s18] =	ssyncset.done $0x0  }
0x328: {  	s26 =	sadd.s32 s24, s15;
	[sflag:s18] =	ssyncadd.s32 $0xFFFFF800  }
0x329: {  	[tilespmem:s20], [sflag:$0x5] =	stream.linear.gather [hbm4b:s26+s5], $0x800, $0x38;
	[tilespmem:$0x1DA38] =	vst v63  }
0x32a: {  	_ =	swait.ge [sflag:s18], $0x800  }
0x32b: {  	[sflag:s18] =	ssyncset.done $0x0  }
0x32c: {  	[sflag:s18] =	ssyncadd.s32 $0xFFFFF800  }
0x32d: {  	[tilespmem:s22], [sflag:$0x1] =	stream.indirect.gather [spmem:s4], $0x10, s5, s21, $0xb8;
	[tilespmem:$0x1DA38] =	vst v63  }
0x32e: {  	_ = 	snop  }
0x32f: {  	[tilespmem:s23], [sflag:$0x2] =	stream.indirect.gather [spmem:s4], $0x10, s21, s21, $0xb8;
	[tilespmem:$0x1DA38] =	vst v63  }
0x330: {  	_ = 	snop  }
0x331: {  	[tilespmem:s25], [sflag:$0x3] =	stream.indirect.gather [spmem:s4], $0x10, s30, s21, $0xb8;
	[tilespmem:$0x1DA38] =	vst v63  }
0x332: {  	_ = 	snop  }
0x333: {  	[tilespmem:s28], [sflag:$0x4] =	stream.indirect.gather [spmem:s4], $0x10, s2, s21, $0xb8;
	[tilespmem:$0x1DA38] =	vst v63  }
0x334: {  	_ =	swait.ge [sflag:s29], $0x800  }
0x335: {  	[sflag:s29] =	ssyncset.done $0x0  }
0x336: {  	[sflag:s29] =	ssyncadd.s32 $0xFFFFF800  }
0x337: {  	[spmem:s3] =	stream.indirect.scatter.add.f32 [tilespmem:s22], [sflag:$0x5], $0x10, s20, s21, $0xb8;
	[tilespmem:$0x1DA38] =	vst v63  }
0x338: {  	_ =	swait.ge [sflag:s18], $0x800  }
0x339: {  	[sflag:s18] =	ssyncset.done $0x0  }
0x33a: {  	[sflag:s18] =	ssyncadd.s32 $0xFFFFF800  }
0x33b: {  	[tilespmem:s22], [sflag:$0x1] =	stream.indirect.gather [spmem:s4], $0x10, s13, s21, $0xb8;
	[tilespmem:$0x1DA38] =	vst v63  }
0x33c: {  	_ =	swait.ge [sflag:s31], $0x800  }
0x33d: {  	[sflag:s31] =	ssyncset.done $0x0  }
0x33e: {  	[sflag:s31] =	ssyncadd.s32 $0xFFFFF800  }
0x33f: {  	[spmem:s3] =	stream.indirect.scatter.add.f32 [tilespmem:s23], [sflag:$0x5], $0x10, s14, s21, $0xb8;
	[tilespmem:$0x1DA38] =	vst v63  }
0x340: {  	_ =	swait.ge [sflag:s18], $0x800  }
0x341: {  	[sflag:s18] =	ssyncset.done $0x0  }
0x342: {  	[sflag:s18] =	ssyncadd.s32 $0xFFFFF800  }
0x343: {  	[tilespmem:s23], [sflag:$0x2] =	stream.indirect.gather [spmem:s4], $0x10, s8, s21, $0xb8;
	[tilespmem:$0x1DA38] =	vst v63  }
0x344: {  	_ =	swait.ge [sflag:s11], $0x800  }
0x345: {  	[sflag:s11] =	ssyncset.done $0x0  }
0x346: {  	[sflag:s11] =	ssyncadd.s32 $0xFFFFF800  }
0x347: {  	[spmem:s3] =	stream.indirect.scatter.add.f32 [tilespmem:s25], [sflag:$0x5], $0x10, s17, s21, $0xb8;
	[tilespmem:$0x1DA38] =	vst v63  }
0x348: {  	_ =	swait.ge [sflag:s18], $0x800  }
0x349: {  	[sflag:s18] =	ssyncset.done $0x0  }
0x34a: {  	[sflag:s18] =	ssyncadd.s32 $0xFFFFF800  }
0x34b: {  	[tilespmem:s25], [sflag:$0x3] =	stream.indirect.gather [spmem:s4], $0x10, s10, s21, $0xb8;
	[tilespmem:$0x1DA38] =	vst v63  }
0x34c: {  	_ =	swait.ge [sflag:s19], $0x800  }
0x34d: {  	[sflag:s19] =	ssyncset.done $0x0  }
0x34e: {  	[sflag:s19] =	ssyncadd.s32 $0xFFFFF800  }
0x34f: {  	[spmem:s3] =	stream.indirect.scatter.add.f32 [tilespmem:s28], [sflag:$0x5], $0x10, s1, s21, $0xb8;
	[tilespmem:$0x1DA38] =	vst v63  }
0x350: {  	_ =	swait.ge [sflag:s18], $0x800  }
0x351: {  	[sflag:s18] =	ssyncset.done $0x0  }
0x352: {  	[sflag:s18] =	ssyncadd.s32 $0xFFFFF800  }
0x353: {  	[tilespmem:s28], [sflag:$0x4] =	stream.indirect.gather [spmem:s4], $0x10, s6, s21, $0xb8;
	[tilespmem:$0x1DA38] =	vst v63  }
0x354: {  	_ =	swait.ge [sflag:s29], $0x800  }
0x355: {  	[sflag:s29] =	ssyncset.done $0x0  }
0x356: {  	[sflag:s29] =	ssyncadd.s32 $0xFFFFF800  }
0x357: {  	[spmem:s3] =	stream.indirect.scatter.add.f32 [tilespmem:s22], [sflag:$0x5], $0x10, s12, s21, $0xb8;
	[tilespmem:$0x1DA38] =	vst v63  }
0x358: {  	_ =	swait.ge [sflag:s18], $0x800  }
0x359: {  	[sflag:s18] =	ssyncset.done $0x0  }
0x35a: {  	[sflag:s18] =	ssyncadd.s32 $0xFFFFF800  }
0x35b: {  	[tilespmem:s22], [sflag:$0x1] =	stream.indirect.gather [spmem:s4], $0x10, s7, s21, $0xb8;
	[tilespmem:$0x1DA38] =	vst v63  }
0x35c: {  	_ =	swait.ge [sflag:s31], $0x800  }
0x35d: {  	[sflag:s31] =	ssyncset.done $0x0  }
0x35e: {  	s14 =	simm.s32 $0xA80;
	[sflag:s31] =	ssyncadd.s32 $0xFFFFF800  }
0x35f: {  	[spmem:s3] =	stream.indirect.scatter.add.f32 [tilespmem:s23], [sflag:$0x5], $0x10, s14, s21, $0xb8;
	[tilespmem:$0x1DA38] =	vst v63  }
0x360: {  	_ =	swait.ge [sflag:s18], $0x800  }
0x361: {  	[sflag:s18] =	ssyncset.done $0x0  }
0x362: {  	s17 =	simm.s32 $0x480;
	[sflag:s18] =	ssyncadd.s32 $0xFFFFF800  }
0x363: {  	[tilespmem:s23], [sflag:$0x2] =	stream.indirect.gather [spmem:s4], $0x10, s17, s21, $0xb8;
	[tilespmem:$0x1DA38] =	vst v63  }
0x364: {  	_ =	swait.ge [sflag:s11], $0x800  }
0x365: {  	[sflag:s11] =	ssyncset.done $0x0  }
0x366: {  	s24 =	simm.s32 $0xB00;
	[sflag:s11] =	ssyncadd.s32 $0xFFFFF800  }
0x367: {  	[spmem:s3] =	stream.indirect.scatter.add.f32 [tilespmem:s25], [sflag:$0x5], $0x10, s24, s21, $0xb8;
	[tilespmem:$0x1DA38] =	vst v63  }
0x368: {  	_ =	swait.ge [sflag:s18], $0x800  }
0x369: {  	[sflag:s18] =	ssyncset.done $0x0  }
0x36a: {  	s26 =	simm.s32 $0x500;
	[sflag:s18] =	ssyncadd.s32 $0xFFFFF800  }
0x36b: {  	[tilespmem:s25], [sflag:$0x3] =	stream.indirect.gather [spmem:s4], $0x10, s26, s21, $0xb8;
	[tilespmem:$0x1DA38] =	vst v63  }
0x36c: {  	_ =	swait.ge [sflag:s19], $0x800  }
0x36d: {  	[sflag:s19] =	ssyncset.done $0x0  }
0x36e: {  	s30 =	simm.s32 $0xB80;
	[sflag:s19] =	ssyncadd.s32 $0xFFFFF800  }
0x36f: {  	[spmem:s3] =	stream.indirect.scatter.add.f32 [tilespmem:s28], [sflag:$0x5], $0x10, s30, s21, $0xb8;
	[tilespmem:$0x1DA38] =	vst v63  }
0x370: {  	_ =	swait.ge [sflag:s18], $0x800  }
0x371: {  	[sflag:s18] =	ssyncset.done $0x0  }
0x372: {  	s1 =	simm.s32 $0x580;
	[sflag:s18] =	ssyncadd.s32 $0xFFFFF800  }
0x373: {  	[tilespmem:s28], [sflag:$0x4] =	stream.indirect.gather [spmem:s4], $0x10, s1, s21, $0xb8;
	[tilespmem:$0x1DA38] =	vst v63  }
0x374: {  	_ =	swait.ge [sflag:s29], $0x800  }
0x375: {  	[sflag:s29] =	ssyncset.done $0x0  }
0x376: {  	s2 =	simm.s32 $0xC00;
	[sflag:s29] =	ssyncadd.s32 $0xFFFFF800  }
0x377: {  	[spmem:s3] =	stream.indirect.scatter.add.f32 [tilespmem:s22], [sflag:$0x5], $0x10, s2, s21, $0xb8;
	[tilespmem:$0x1DA38] =	vst v63  }
0x378: {  	_ =	swait.ge [sflag:s18], $0x800  }
0x379: {  	[sflag:s18] =	ssyncset.done $0x0  }
0x37a: {  	s6 =	simm.s32 $0x600;
	[sflag:s18] =	ssyncadd.s32 $0xFFFFF800  }
0x37b: {  	[tilespmem:s22], [sflag:$0x1] =	stream.indirect.gather [spmem:s4], $0x10, s6, s21, $0xb8;
	[tilespmem:$0x1DA38] =	vst v63  }
0x37c: {  	_ =	swait.ge [sflag:s31], $0x800  }
0x37d: {  	[sflag:s31] =	ssyncset.done $0x0  }
0x37e: {  	s7 =	simm.s32 $0xC80;
	[sflag:s31] =	ssyncadd.s32 $0xFFFFF800  }
0x37f: {  	[spmem:s3] =	stream.indirect.scatter.add.f32 [tilespmem:s23], [sflag:$0x5], $0x10, s7, s21, $0xb8;
	[tilespmem:$0x1DA38] =	vst v63  }
0x380: {  	_ =	swait.ge [sflag:s18], $0x800  }
0x381: {  	[sflag:s18] =	ssyncset.done $0x0  }
0x382: {  	s8 =	simm.s32 $0x680;
	[sflag:s18] =	ssyncadd.s32 $0xFFFFF800  }
0x383: {  	[tilespmem:s23], [sflag:$0x2] =	stream.indirect.gather [spmem:s4], $0x10, s8, s21, $0xb8;
	[tilespmem:$0x1DA38] =	vst v63  }
0x384: {  	_ =	swait.ge [sflag:s11], $0x800  }
0x385: {  	[sflag:s11] =	ssyncset.done $0x0  }
0x386: {  	s10 =	simm.s32 $0xD00;
	[sflag:s11] =	ssyncadd.s32 $0xFFFFF800  }
0x387: {  	[spmem:s3] =	stream.indirect.scatter.add.f32 [tilespmem:s25], [sflag:$0x5], $0x10, s10, s21, $0xb8;
	[tilespmem:$0x1DA38] =	vst v63  }
0x388: {  	_ =	swait.ge [sflag:s18], $0x800  }
0x389: {  	[sflag:s18] =	ssyncset.done $0x0  }
0x38a: {  	s12 =	simm.s32 $0x700;
	[sflag:s18] =	ssyncadd.s32 $0xFFFFF800  }
0x38b: {  	[tilespmem:s25], [sflag:$0x3] =	stream.indirect.gather [spmem:s4], $0x10, s12, s21, $0xb8;
	[tilespmem:$0x1DA38] =	vst v63  }
0x38c: {  	_ =	swait.ge [sflag:s19], $0x800  }
0x38d: {  	[sflag:s19] =	ssyncset.done $0x0  }
0x38e: {  	s13 =	simm.s32 $0xD80;
	[sflag:s19] =	ssyncadd.s32 $0xFFFFF800  }
0x38f: {  	[spmem:s3] =	stream.indirect.scatter.add.f32 [tilespmem:s28], [sflag:$0x5], $0x10, s13, s21, $0xb8;
	[tilespmem:$0x1DA38] =	vst v63  }
0x390: {  	_ =	swait.ge [sflag:s18], $0x800  }
0x391: {  	[sflag:s18] =	ssyncset.done $0x0  }
0x392: {  	s14 =	simm.s32 $0x780;
	[sflag:s18] =	ssyncadd.s32 $0xFFFFF800  }
0x393: {  	[tilespmem:s28], [sflag:$0x4] =	stream.indirect.gather [spmem:s4], $0x10, s14, s21, $0xb8;
	[tilespmem:$0x1DA38] =	vst v63  }
0x394: {  	_ =	swait.ge [sflag:s29], $0x800  }
0x395: {  	[sflag:s29] =	ssyncset.done $0x0  }
0x396: {  	s17 =	simm.s32 $0xE00;
	[sflag:s29] =	ssyncadd.s32 $0xFFFFF800  }
0x397: {  	[spmem:s3] =	stream.indirect.scatter.add.f32 [tilespmem:s22], [sflag:$0x5], $0x10, s17, s21, $0xb8;
	[tilespmem:$0x1DA38] =	vst v63  }
0x398: {  	_ =	swait.ge [sflag:s18], $0x800  }
0x399: {  	[sflag:s18] =	ssyncset.done $0x0  }
0x39a: {  	[sflag:s18] =	ssyncadd.s32 $0xFFFFF800  }
0x39b: {  	_ =	swait.ge [sflag:s31], $0x800  }
0x39c: {  	[sflag:s31] =	ssyncset.done $0x0  }
0x39d: {  	s24 =	simm.s32 $0xE80;
	[sflag:s31] =	ssyncadd.s32 $0xFFFFF800  }
0x39e: {  	[spmem:s3] =	stream.indirect.scatter.add.f32 [tilespmem:s23], [sflag:$0x5], $0x10, s24, s21, $0xb8;
	[tilespmem:$0x1DA38] =	vst v63  }
0x39f: {  	_ =	swait.ge [sflag:s18], $0x800  }
0x3a0: {  	[sflag:s18] =	ssyncset.done $0x0  }
0x3a1: {  	[sflag:s18] =	ssyncadd.s32 $0xFFFFF800  }
0x3a2: {  	_ =	swait.ge [sflag:s11], $0x800  }
0x3a3: {  	[sflag:s11] =	ssyncset.done $0x0  }
0x3a4: {  	s26 =	simm.s32 $0xF00;
	[sflag:s11] =	ssyncadd.s32 $0xFFFFF800  }
0x3a5: {  	[spmem:s3] =	stream.indirect.scatter.add.f32 [tilespmem:s25], [sflag:$0x5], $0x10, s26, s21, $0xb8;
	[tilespmem:$0x1DA38] =	vst v63  }
0x3a6: {  	_ =	swait.ge [sflag:s18], $0x800  }
0x3a7: {  	[sflag:s18] =	ssyncset.done $0x0  }
0x3a8: {  	[sflag:s18] =	ssyncadd.s32 $0xFFFFF800  }
0x3a9: {  	_ =	swait.ge [sflag:s19], $0x800  }
0x3aa: {  	[sflag:s19] =	ssyncset.done $0x0  }
0x3ab: {  	s30 =	simm.s32 $0xF80;
	[sflag:s19] =	ssyncadd.s32 $0xFFFFF800  }
0x3ac: {  	[spmem:s3] =	stream.indirect.scatter.add.f32 [tilespmem:s28], [sflag:$0x5], $0x10, s30, s21, $0xb8;
	[tilespmem:$0x1DA38] =	vst v63  }
0x3ad: {  	_ =	swait.ge [sflag:s18], $0x800  }
0x3ae: {  	s1 =	simm.s32 $0x10;
	[sflag:s18] =	ssyncset.done $0x0  }
0x3af: {  	s6 =	simm.s32 $0x40;
	s7 =	simm.s32 $0x4700;
	[sflag:s18] =	ssyncadd.s32 $0xFFFFF800  }
0x3b0: {  	s8 =	simm.s32 $0x0;
	s26 =	simm.s32 $0x0;
	[bflag:$0x0] =	sbarrier.arrive $0xFFFF  }
.LBB2_10:
0x3b1: {  	s0 =	smul.u32 $0xB8, s26  }
0x3b2: {  	s2 =	rddreg [dreg:$0x8]  }
0x3b3: {  	s0 =	sadd.s32 s2, s0  }
0x3b4: {  	s24 =	sshll.u32 s0, $0x4  }
0x3b5: {  	s13 =	simm.s32 $0x3000;
	s17 =	sadd.s32 s24, s3  }
0x3b6: {  	[tilespmem:s13], [sflag:$0x5] =	stream.linear.gather [spmem:s17], $0xB80, $0x38;
	[tilespmem:$0x1DA38] =	vst v63  }
0x3b7: {  	_ =	swait.ge [sflag:s18], $0xB80  }
0x3b8: {  	s10 =	sshll.u32 s0, $0x6;
	s30 =	rddreg [dreg:$0xb]  }
0x3b9: {  	s2 =	sor.u32 s30, s10  }
0x3ba: {  	[sflag:s18] =	ssyncset.done $0x0;
	s30 =	rddreg [dreg:$0x6];
	s2 =	sshrl.u32 s2, $0x3  }
0x3bb: {  	[sflag:s18] =	ssyncadd.s32 $0xFFFFF480;
	s2 =	sadd.s32 s30, s2;
	s30 =	simm.s32 $0x3B80  }
0x3bc: {  	[tilespmem:s30], [sflag:$0x5] =	stream.strided.gather [hbm4b:s2+s1], $0xB80, s6, s1, $0x38;
	[tilespmem:$0x1DA38] =	vst v63  }
0x3bd: {  	_ =	swait.ge [sflag:s18], $0xB80  }
0x3be: {  	[sflag:s18] =	ssyncset.done $0x0  }
0x3bf: {  	[sflag:s18] =	ssyncadd.s32 $0xFFFFF480  }
0x3c0: {  	s0 =	sshrl.u32 s0, $0x3;
	s12 =	rddreg [dreg:$0x1]  }
0x3c1: {  	v0 =	vmov s8;
	s0 =	sadd.s32 s12, s0  }
0x3c2: {  	[tilespmem:s9], [sflag:$0x5] =	stream.linear.gather [hbm4b:s0+s8], $0xB8, $0x38;
	[tilespmem:$0x1DA38] =	vst v63  }
0x3c3: {  	_ =	swait.ge [sflag:s18], $0xB8  }
0x3c4: {  	[sflag:s18] =	ssyncset.done $0x0  }
0x3c5: {  	[sflag:s18] =	ssyncadd.s32 $0xFFFFFF48  }
0x3c6: {  	v0 =	vld.idx.msk [tilespmem:v0+s9+$0x0], $0xffff  }
0x3c7: {  	v1 =	vld [tilespmem:s13+$0x0];
	_ =	sdelay $0x1  }
0x3c8: {  	v2 =	vld [tilespmem:s30+$0x0];
	_ =	sdelay $0x1  }
0x3c9: {  	s14 =	simm.s32 $0x1  }
0x3ca: {  	v3 =	vmov s14;
	v0 =	vmul.f32 v1, v0;
	_ =	sdelay $0x1  }
0x3cb: {  	v0 =	vadd.f32 v2, v0  }
0x3cc: {  	s2 =	simm.s32 $0x4700  }
0x3cd: {  	[tilespmem:s2+$0x0] =	vst v0  }
0x3ce: {  	s30 =	simm.s32 $0x3010;
	v2 =	vld.idx.msk [tilespmem:v3+s9+$0x0], $0xffff  }
0x3cf: {  	v3 =	vld [tilespmem:s30+$0x0]  }
0x3d0: {  	s0 =	simm.s32 $0x3B90  }
0x3d1: {  	v1 =	vld [tilespmem:s0+$0x0];
	_ =	sdelay $0x1  }
0x3d2: {  	s17 =	simm.s32 $0x2  }
0x3d3: {  	s13 =	simm.s32 $0x3;
	v0 =	vmov s17;
	v2 =	vmul.f32 v3, v2  }
.LBB2_11:
0x3d4: {  	p0 =	sne.s32 s13, $0xB7  }
0x3d5: {  	v1 =	vadd.f32 v1, v2  }
0x3d6: {  	s2 =	sadd.s32 $0x10, s2  }
0x3d7: {  	[tilespmem:s2+$0x0] =	vst v1  }
0x3d8: {  	s30 =	sadd.s32 $0x10, s30;
	v2 =	vld.idx.msk [tilespmem:v0+s9+$0x0], $0xffff  }
0x3d9: {  	v3 =	vld [tilespmem:s30+$0x0]  }
.Ltmp4:
0x3da: {  	s0 =	sadd.s32 $0x10, s0;
	(pc) =	sbr.rel @p0 .LBB2_11-.Ltmp4, $2  }
0x3db: {  	v1 =	vld [tilespmem:s0+$0x0];
	_ =	sdelay $0x2  }
0x3dc: {  	v0 =	vmov s13;
	s13 =	sadd.s32 $0x1, s13;
	v2 =	vmul.f32 v3, v2  }
0x3dd: {  	_ = 	snop  }
0x3de: {  	v1 =	vadd.f32 v1, v2  }
0x3df: {  	s2 =	sadd.s32 $0x10, s2  }
0x3e0: {  	[tilespmem:s2+$0x0] =	vst v1  }
0x3e1: {  	s13 =	sadd.s32 $0x10, s30;
	v0 =	vld.idx.msk [tilespmem:v0+s9+$0x0], $0xffff  }
0x3e2: {  	v1 =	vld [tilespmem:s13+$0x0]  }
0x3e3: {  	s0 =	sadd.s32 $0x10, s0  }
0x3e4: {  	v63 =	vld [tilespmem:s0+$0x0];
	_ =	sdelay $0x2  }
0x3e5: {  	v0 =	vmul.f32 v1, v0;
	_ =	sdelay $0x1  }
0x3e6: {  	s26 =	sadd.s32 $0x1, s26;
	v0 =	vadd.f32 v63, v0  }
0x3e7: {  	s17 =	sadd.s32 $0x10, s2;
	p0 =	sne.s32 s26, $0x11  }
.Ltmp5:
0x3e8: {  	s30 =	sadd.s32 s24, s4;
	[tilespmem:s17+$0x0] =	vst v0;
	(pc) =	sbr.rel @p0 .LBB2_10-.Ltmp5, $4  }
0x3e9: {  	[spmem:s30] =	stream.linear.scatter [tilespmem:s7], [sflag:$0x5], $0xB80, $0x38;
	[tilespmem:$0x1DA38] =	vst v63  }
0x3ea: {  	_ =	swait.ge [sflag:s18], $0xB80  }
0x3eb: {  	[sflag:s18] =	ssyncset.done $0x0  }
0x3ec: {  	[sflag:s18] =	ssyncadd.s32 $0xFFFFF480  }
0x3ed: {  	s0 =	rddreg [dreg:$0x7]  }
0x3ee: {  	s1 =	rddreg [dreg:$0x9]  }
0x3ef: {  	s2 =	rddreg [dreg:$0xe]  }
0x3f0: {  	[spmem:s2], [sflag:s1] =	dma.local [hbm:s0], $0x1870  }
0x3f1: {  	_ =	swait.ge [sflag:s18], $0x1870  }
0x3f2: {  	[sflag:s18] =	ssyncset.done $0x0  }
0x3f3: {  	[sflag:s18] =	ssyncadd.s32 $0xFFFFE790  }
0x3f4: {  	s12 =	sadd.s32 $0x0, s16;
	[bflag:$0x0] =	sbarrier.arrive $0xFFFF  }
0x3f5: {  	[tilespmem:s5], [sflag:$0x5] =	stream.linear.gather [hbm4b:s12+s5], $0x800, $0x38;
	[tilespmem:$0x1DA38] =	vst v63  }
0x3f6: {  	_ =	swait.ge [sflag:s18], $0x800  }
0x3f7: {  	[sflag:s18] =	ssyncset.done $0x0  }
0x3f8: {  	s13 =	sadd.s32 $0x0, s15;
	[sflag:s18] =	ssyncadd.s32 $0xFFFFF800  }
0x3f9: {  	[tilespmem:s20], [sflag:$0x5] =	stream.linear.gather [hbm4b:s13+s5], $0x800, $0x38;
	[tilespmem:$0x1DA38] =	vst v63  }
0x3fa: {  	_ =	swait.ge [sflag:s18], $0x800  }
0x3fb: {  	[sflag:s18] =	ssyncset.done $0x0  }
0x3fc: {  	[sflag:s18] =	ssyncadd.s32 $0xFFFFF800  }
0x3fd: {  	[tilespmem:s22], [sflag:$0x1] =	stream.indirect.gather [spmem:s4], $0x10, s5, s21, $0xb8;
	[tilespmem:$0x1DA38] =	vst v63  }
0x3fe: {  	_ = 	snop  }
0x3ff: {  	[tilespmem:s23], [sflag:$0x2] =	stream.indirect.gather [spmem:s4], $0x10, s21, s21, $0xb8;
	[tilespmem:$0x1DA38] =	vst v63  }
0x400: {  	s30 =	simm.s32 $0x100  }
0x401: {  	[tilespmem:s25], [sflag:$0x3] =	stream.indirect.gather [spmem:s4], $0x10, s30, s21, $0xb8;
	[tilespmem:$0x1DA38] =	vst v63  }
0x402: {  	s14 =	simm.s32 $0x180  }
0x403: {  	[tilespmem:s28], [sflag:$0x4] =	stream.indirect.gather [spmem:s4], $0x10, s14, s21, $0xb8;
	[tilespmem:$0x1DA38] =	vst v63  }
0x404: {  	_ =	swait.ge [sflag:s29], $0x800  }
0x405: {  	[sflag:s29] =	ssyncset.done $0x0  }
0x406: {  	[sflag:s29] =	ssyncadd.s32 $0xFFFFF800  }
0x407: {  	[spmem:s3] =	stream.indirect.scatter.add.f32 [tilespmem:s22], [sflag:$0x5], $0x10, s20, s21, $0xb8;
	[tilespmem:$0x1DA38] =	vst v63  }
0x408: {  	_ =	swait.ge [sflag:s18], $0x800  }
0x409: {  	[sflag:s18] =	ssyncset.done $0x0  }
0x40a: {  	s17 =	simm.s32 $0x200;
	[sflag:s18] =	ssyncadd.s32 $0xFFFFF800  }
0x40b: {  	[tilespmem:s22], [sflag:$0x1] =	stream.indirect.gather [spmem:s4], $0x10, s17, s21, $0xb8;
	[tilespmem:$0x1DA38] =	vst v63  }
0x40c: {  	_ =	swait.ge [sflag:s31], $0x800  }
0x40d: {  	[sflag:s31] =	ssyncset.done $0x0  }
0x40e: {  	s14 =	simm.s32 $0x880;
	[sflag:s31] =	ssyncadd.s32 $0xFFFFF800  }
0x40f: {  	[spmem:s3] =	stream.indirect.scatter.add.f32 [tilespmem:s23], [sflag:$0x5], $0x10, s14, s21, $0xb8;
	[tilespmem:$0x1DA38] =	vst v63  }
0x410: {  	_ =	swait.ge [sflag:s18], $0x800  }
0x411: {  	[sflag:s18] =	ssyncset.done $0x0  }
0x412: {  	s8 =	simm.s32 $0x280;
	[sflag:s18] =	ssyncadd.s32 $0xFFFFF800  }
0x413: {  	[tilespmem:s23], [sflag:$0x2] =	stream.indirect.gather [spmem:s4], $0x10, s8, s21, $0xb8;
	[tilespmem:$0x1DA38] =	vst v63  }
0x414: {  	_ =	swait.ge [sflag:s11], $0x800  }
0x415: {  	[sflag:s11] =	ssyncset.done $0x0  }
0x416: {  	s17 =	simm.s32 $0x900;
	[sflag:s11] =	ssyncadd.s32 $0xFFFFF800  }
0x417: {  	[spmem:s3] =	stream.indirect.scatter.add.f32 [tilespmem:s25], [sflag:$0x5], $0x10, s17, s21, $0xb8;
	[tilespmem:$0x1DA38] =	vst v63  }
0x418: {  	_ =	swait.ge [sflag:s18], $0x800  }
0x419: {  	[sflag:s18] =	ssyncset.done $0x0  }
0x41a: {  	s10 =	simm.s32 $0x300;
	[sflag:s18] =	ssyncadd.s32 $0xFFFFF800  }
0x41b: {  	[tilespmem:s25], [sflag:$0x3] =	stream.indirect.gather [spmem:s4], $0x10, s10, s21, $0xb8;
	[tilespmem:$0x1DA38] =	vst v63  }
0x41c: {  	_ =	swait.ge [sflag:s19], $0x800  }
0x41d: {  	[sflag:s19] =	ssyncset.done $0x0  }
0x41e: {  	s1 =	simm.s32 $0x980;
	[sflag:s19] =	ssyncadd.s32 $0xFFFFF800  }
0x41f: {  	[spmem:s3] =	stream.indirect.scatter.add.f32 [tilespmem:s28], [sflag:$0x5], $0x10, s1, s21, $0xb8;
	[tilespmem:$0x1DA38] =	vst v63  }
0x420: {  	_ =	swait.ge [sflag:s18], $0x800  }
0x421: {  	[sflag:s18] =	ssyncset.done $0x0  }
0x422: {  	s6 =	simm.s32 $0x380;
	[sflag:s18] =	ssyncadd.s32 $0xFFFFF800  }
0x423: {  	[tilespmem:s28], [sflag:$0x4] =	stream.indirect.gather [spmem:s4], $0x10, s6, s21, $0xb8;
	[tilespmem:$0x1DA38] =	vst v63  }
0x424: {  	_ =	swait.ge [sflag:s29], $0x800  }
0x425: {  	[sflag:s29] =	ssyncset.done $0x0  }
0x426: {  	s12 =	simm.s32 $0xA00;
	[sflag:s29] =	ssyncadd.s32 $0xFFFFF800  }
0x427: {  	[spmem:s3] =	stream.indirect.scatter.add.f32 [tilespmem:s22], [sflag:$0x5], $0x10, s12, s21, $0xb8;
	[tilespmem:$0x1DA38] =	vst v63  }
0x428: {  	_ =	swait.ge [sflag:s18], $0x800  }
0x429: {  	[sflag:s18] =	ssyncset.done $0x0  }
0x42a: {  	s7 =	simm.s32 $0x400;
	[sflag:s18] =	ssyncadd.s32 $0xFFFFF800  }
0x42b: {  	[tilespmem:s22], [sflag:$0x1] =	stream.indirect.gather [spmem:s4], $0x10, s7, s21, $0xb8;
	[tilespmem:$0x1DA38] =	vst v63  }
0x42c: {  	_ =	swait.ge [sflag:s31], $0x800  }
0x42d: {  	[sflag:s31] =	ssyncset.done $0x0  }
0x42e: {  	s24 =	simm.s32 $0xA80;
	[sflag:s31] =	ssyncadd.s32 $0xFFFFF800  }
0x42f: {  	[spmem:s3] =	stream.indirect.scatter.add.f32 [tilespmem:s23], [sflag:$0x5], $0x10, s24, s21, $0xb8;
	[tilespmem:$0x1DA38] =	vst v63  }
0x430: {  	_ =	swait.ge [sflag:s18], $0x800  }
0x431: {  	[sflag:s18] =	ssyncset.done $0x0  }
0x432: {  	s26 =	simm.s32 $0x480;
	[sflag:s18] =	ssyncadd.s32 $0xFFFFF800  }
0x433: {  	[tilespmem:s23], [sflag:$0x2] =	stream.indirect.gather [spmem:s4], $0x10, s26, s21, $0xb8;
	[tilespmem:$0x1DA38] =	vst v63  }
0x434: {  	_ =	swait.ge [sflag:s11], $0x800  }
0x435: {  	[sflag:s11] =	ssyncset.done $0x0  }
0x436: {  	s2 =	simm.s32 $0xB00;
	[sflag:s11] =	ssyncadd.s32 $0xFFFFF800  }
0x437: {  	[spmem:s3] =	stream.indirect.scatter.add.f32 [tilespmem:s25], [sflag:$0x5], $0x10, s2, s21, $0xb8;
	[tilespmem:$0x1DA38] =	vst v63  }
0x438: {  	_ =	swait.ge [sflag:s18], $0x800  }
0x439: {  	[sflag:s18] =	ssyncset.done $0x0  }
0x43a: {  	s13 =	simm.s32 $0x500;
	[sflag:s18] =	ssyncadd.s32 $0xFFFFF800  }
0x43b: {  	[tilespmem:s25], [sflag:$0x3] =	stream.indirect.gather [spmem:s4], $0x10, s13, s21, $0xb8;
	[tilespmem:$0x1DA38] =	vst v63  }
0x43c: {  	_ =	swait.ge [sflag:s19], $0x800  }
0x43d: {  	[sflag:s19] =	ssyncset.done $0x0  }
0x43e: {  	s24 =	simm.s32 $0xB80;
	[sflag:s19] =	ssyncadd.s32 $0xFFFFF800  }
0x43f: {  	[spmem:s3] =	stream.indirect.scatter.add.f32 [tilespmem:s28], [sflag:$0x5], $0x10, s24, s21, $0xb8;
	[tilespmem:$0x1DA38] =	vst v63  }
0x440: {  	_ =	swait.ge [sflag:s18], $0x800  }
0x441: {  	[sflag:s18] =	ssyncset.done $0x0  }
0x442: {  	s26 =	simm.s32 $0x580;
	[sflag:s18] =	ssyncadd.s32 $0xFFFFF800  }
0x443: {  	[tilespmem:s28], [sflag:$0x4] =	stream.indirect.gather [spmem:s4], $0x10, s26, s21, $0xb8;
	[tilespmem:$0x1DA38] =	vst v63  }
0x444: {  	_ =	swait.ge [sflag:s29], $0x800  }
0x445: {  	[sflag:s29] =	ssyncset.done $0x0  }
0x446: {  	s2 =	simm.s32 $0xC00;
	[sflag:s29] =	ssyncadd.s32 $0xFFFFF800  }
0x447: {  	[spmem:s3] =	stream.indirect.scatter.add.f32 [tilespmem:s22], [sflag:$0x5], $0x10, s2, s21, $0xb8;
	[tilespmem:$0x1DA38] =	vst v63  }
0x448: {  	_ =	swait.ge [sflag:s18], $0x800  }
0x449: {  	[sflag:s18] =	ssyncset.done $0x0  }
0x44a: {  	s13 =	simm.s32 $0x600;
	[sflag:s18] =	ssyncadd.s32 $0xFFFFF800  }
0x44b: {  	[tilespmem:s22], [sflag:$0x1] =	stream.indirect.gather [spmem:s4], $0x10, s13, s21, $0xb8;
	[tilespmem:$0x1DA38] =	vst v63  }
0x44c: {  	_ =	swait.ge [sflag:s31], $0x800  }
0x44d: {  	[sflag:s31] =	ssyncset.done $0x0  }
0x44e: {  	s24 =	simm.s32 $0xC80;
	[sflag:s31] =	ssyncadd.s32 $0xFFFFF800  }
0x44f: {  	[spmem:s3] =	stream.indirect.scatter.add.f32 [tilespmem:s23], [sflag:$0x5], $0x10, s24, s21, $0xb8;
	[tilespmem:$0x1DA38] =	vst v63  }
0x450: {  	_ =	swait.ge [sflag:s18], $0x800  }
0x451: {  	[sflag:s18] =	ssyncset.done $0x0  }
0x452: {  	s26 =	simm.s32 $0x680;
	[sflag:s18] =	ssyncadd.s32 $0xFFFFF800  }
0x453: {  	[tilespmem:s23], [sflag:$0x2] =	stream.indirect.gather [spmem:s4], $0x10, s26, s21, $0xb8;
	[tilespmem:$0x1DA38] =	vst v63  }
0x454: {  	_ =	swait.ge [sflag:s11], $0x800  }
0x455: {  	[sflag:s11] =	ssyncset.done $0x0  }
0x456: {  	s2 =	simm.s32 $0xD00;
	[sflag:s11] =	ssyncadd.s32 $0xFFFFF800  }
0x457: {  	[spmem:s3] =	stream.indirect.scatter.add.f32 [tilespmem:s25], [sflag:$0x5], $0x10, s2, s21, $0xb8;
	[tilespmem:$0x1DA38] =	vst v63  }
0x458: {  	_ =	swait.ge [sflag:s18], $0x800  }
0x459: {  	[sflag:s18] =	ssyncset.done $0x0  }
0x45a: {  	s13 =	simm.s32 $0x700;
	[sflag:s18] =	ssyncadd.s32 $0xFFFFF800  }
0x45b: {  	[tilespmem:s25], [sflag:$0x3] =	stream.indirect.gather [spmem:s4], $0x10, s13, s21, $0xb8;
	[tilespmem:$0x1DA38] =	vst v63  }
0x45c: {  	_ =	swait.ge [sflag:s19], $0x800  }
0x45d: {  	[sflag:s19] =	ssyncset.done $0x0  }
0x45e: {  	s24 =	simm.s32 $0xD80;
	[sflag:s19] =	ssyncadd.s32 $0xFFFFF800  }
0x45f: {  	[spmem:s3] =	stream.indirect.scatter.add.f32 [tilespmem:s28], [sflag:$0x5], $0x10, s24, s21, $0xb8;
	[tilespmem:$0x1DA38] =	vst v63  }
0x460: {  	_ =	swait.ge [sflag:s18], $0x800  }
0x461: {  	[sflag:s18] =	ssyncset.done $0x0  }
0x462: {  	s26 =	simm.s32 $0x780;
	[sflag:s18] =	ssyncadd.s32 $0xFFFFF800  }
0x463: {  	[tilespmem:s28], [sflag:$0x4] =	stream.indirect.gather [spmem:s4], $0x10, s26, s21, $0xb8;
	[tilespmem:$0x1DA38] =	vst v63  }
0x464: {  	_ =	swait.ge [sflag:s29], $0x800  }
0x465: {  	[sflag:s29] =	ssyncset.done $0x0  }
0x466: {  	s2 =	simm.s32 $0xE00;
	[sflag:s29] =	ssyncadd.s32 $0xFFFFF800  }
0x467: {  	[spmem:s3] =	stream.indirect.scatter.add.f32 [tilespmem:s22], [sflag:$0x5], $0x10, s2, s21, $0xb8;
	[tilespmem:$0x1DA38] =	vst v63  }
0x468: {  	_ =	swait.ge [sflag:s18], $0x800  }
0x469: {  	[sflag:s18] =	ssyncset.done $0x0  }
0x46a: {  	[sflag:s18] =	ssyncadd.s32 $0xFFFFF800  }
0x46b: {  	_ =	swait.ge [sflag:s31], $0x800  }
0x46c: {  	[sflag:s31] =	ssyncset.done $0x0  }
0x46d: {  	s13 =	simm.s32 $0xE80;
	[sflag:s31] =	ssyncadd.s32 $0xFFFFF800  }
0x46e: {  	[spmem:s3] =	stream.indirect.scatter.add.f32 [tilespmem:s23], [sflag:$0x5], $0x10, s13, s21, $0xb8;
	[tilespmem:$0x1DA38] =	vst v63  }
0x46f: {  	_ =	swait.ge [sflag:s18], $0x800  }
0x470: {  	[sflag:s18] =	ssyncset.done $0x0  }
0x471: {  	[sflag:s18] =	ssyncadd.s32 $0xFFFFF800  }
0x472: {  	_ =	swait.ge [sflag:s11], $0x800  }
0x473: {  	[sflag:s11] =	ssyncset.done $0x0  }
0x474: {  	s24 =	simm.s32 $0xF00;
	[sflag:s11] =	ssyncadd.s32 $0xFFFFF800  }
0x475: {  	[spmem:s3] =	stream.indirect.scatter.add.f32 [tilespmem:s25], [sflag:$0x5], $0x10, s24, s21, $0xb8;
	[tilespmem:$0x1DA38] =	vst v63  }
0x476: {  	_ =	swait.ge [sflag:s18], $0x800  }
0x477: {  	[sflag:s18] =	ssyncset.done $0x0  }
0x478: {  	[sflag:s18] =	ssyncadd.s32 $0xFFFFF800  }
0x479: {  	_ =	swait.ge [sflag:s19], $0x800  }
0x47a: {  	[sflag:s19] =	ssyncset.done $0x0  }
0x47b: {  	s26 =	simm.s32 $0xF80;
	[sflag:s19] =	ssyncadd.s32 $0xFFFFF800  }
0x47c: {  	[spmem:s3] =	stream.indirect.scatter.add.f32 [tilespmem:s28], [sflag:$0x5], $0x10, s26, s21, $0xb8;
	[tilespmem:$0x1DA38] =	vst v63  }
0x47d: {  	_ =	swait.ge [sflag:s18], $0x800  }
0x47e: {  	s0 =	simm.s32 $0x200;
	s24 =	simm.s32 $0x100;
	[sflag:s18] =	ssyncset.done $0x0  }
.LBB2_14:
0x47f: {  	s2 =	sadd.s32 s24, s16  }
0x480: {  	[sflag:s18] =	ssyncadd.s32 $0xFFFFF800;
	s13 =	smov.u32 s0;
	s26 =	sadd.s32 $0x100, s0  }
0x481: {  	[tilespmem:s5], [sflag:$0x5] =	stream.linear.gather [hbm4b:s2+s5], $0x800, $0x38;
	[tilespmem:$0x1DA38] =	vst v63  }
0x482: {  	s2 =	simm.s32 $0x180  }
0x483: {  	p0 =	sne.s32 s0, $0x1800;
	_ =	swait.ge [sflag:s18], $0x800  }
0x484: {  	s0 =	sadd.s32 s24, s15;
	[sflag:s18] =	ssyncset.done $0x0  }
0x485: {  	s24 =	smov.u32 s13;
	s13 =	simm.s32 $0x200;
	[sflag:s18] =	ssyncadd.s32 $0xFFFFF800  }
0x486: {  	[tilespmem:s20], [sflag:$0x5] =	stream.linear.gather [hbm4b:s0+s5], $0x800, $0x38;
	[tilespmem:$0x1DA38] =	vst v63  }
0x487: {  	_ =	swait.ge [sflag:s18], $0x800  }
0x488: {  	[sflag:s18] =	ssyncset.done $0x0  }
0x489: {  	[sflag:s18] =	ssyncadd.s32 $0xFFFFF800  }
0x48a: {  	[tilespmem:s22], [sflag:$0x1] =	stream.indirect.gather [spmem:s4], $0x10, s5, s21, $0xb8;
	[tilespmem:$0x1DA38] =	vst v63  }
0x48b: {  	_ = 	snop  }
0x48c: {  	[tilespmem:s23], [sflag:$0x2] =	stream.indirect.gather [spmem:s4], $0x10, s21, s21, $0xb8;
	[tilespmem:$0x1DA38] =	vst v63  }
0x48d: {  	_ = 	snop  }
0x48e: {  	[tilespmem:s25], [sflag:$0x3] =	stream.indirect.gather [spmem:s4], $0x10, s30, s21, $0xb8;
	[tilespmem:$0x1DA38] =	vst v63  }
0x48f: {  	_ = 	snop  }
0x490: {  	[tilespmem:s28], [sflag:$0x4] =	stream.indirect.gather [spmem:s4], $0x10, s2, s21, $0xb8;
	[tilespmem:$0x1DA38] =	vst v63  }
0x491: {  	_ =	swait.ge [sflag:s29], $0x800  }
0x492: {  	[sflag:s29] =	ssyncset.done $0x0  }
0x493: {  	[sflag:s29] =	ssyncadd.s32 $0xFFFFF800  }
0x494: {  	[spmem:s3] =	stream.indirect.scatter.add.f32 [tilespmem:s22], [sflag:$0x5], $0x10, s20, s21, $0xb8;
	[tilespmem:$0x1DA38] =	vst v63  }
0x495: {  	_ =	swait.ge [sflag:s18], $0x800  }
0x496: {  	[sflag:s18] =	ssyncset.done $0x0  }
0x497: {  	[sflag:s18] =	ssyncadd.s32 $0xFFFFF800  }
0x498: {  	[tilespmem:s22], [sflag:$0x1] =	stream.indirect.gather [spmem:s4], $0x10, s13, s21, $0xb8;
	[tilespmem:$0x1DA38] =	vst v63  }
0x499: {  	_ =	swait.ge [sflag:s31], $0x800  }
0x49a: {  	[sflag:s31] =	ssyncset.done $0x0  }
0x49b: {  	[sflag:s31] =	ssyncadd.s32 $0xFFFFF800  }
0x49c: {  	[spmem:s3] =	stream.indirect.scatter.add.f32 [tilespmem:s23], [sflag:$0x5], $0x10, s14, s21, $0xb8;
	[tilespmem:$0x1DA38] =	vst v63  }
0x49d: {  	_ =	swait.ge [sflag:s18], $0x800  }
0x49e: {  	[sflag:s18] =	ssyncset.done $0x0  }
0x49f: {  	[sflag:s18] =	ssyncadd.s32 $0xFFFFF800  }
0x4a0: {  	[tilespmem:s23], [sflag:$0x2] =	stream.indirect.gather [spmem:s4], $0x10, s8, s21, $0xb8;
	[tilespmem:$0x1DA38] =	vst v63  }
0x4a1: {  	_ =	swait.ge [sflag:s11], $0x800  }
0x4a2: {  	[sflag:s11] =	ssyncset.done $0x0  }
0x4a3: {  	[sflag:s11] =	ssyncadd.s32 $0xFFFFF800  }
0x4a4: {  	[spmem:s3] =	stream.indirect.scatter.add.f32 [tilespmem:s25], [sflag:$0x5], $0x10, s17, s21, $0xb8;
	[tilespmem:$0x1DA38] =	vst v63  }
0x4a5: {  	_ =	swait.ge [sflag:s18], $0x800  }
0x4a6: {  	[sflag:s18] =	ssyncset.done $0x0  }
0x4a7: {  	[sflag:s18] =	ssyncadd.s32 $0xFFFFF800  }
0x4a8: {  	[tilespmem:s25], [sflag:$0x3] =	stream.indirect.gather [spmem:s4], $0x10, s10, s21, $0xb8;
	[tilespmem:$0x1DA38] =	vst v63  }
0x4a9: {  	_ =	swait.ge [sflag:s19], $0x800  }
0x4aa: {  	[sflag:s19] =	ssyncset.done $0x0  }
0x4ab: {  	[sflag:s19] =	ssyncadd.s32 $0xFFFFF800  }
0x4ac: {  	[spmem:s3] =	stream.indirect.scatter.add.f32 [tilespmem:s28], [sflag:$0x5], $0x10, s1, s21, $0xb8;
	[tilespmem:$0x1DA38] =	vst v63  }
0x4ad: {  	_ =	swait.ge [sflag:s18], $0x800  }
0x4ae: {  	[sflag:s18] =	ssyncset.done $0x0  }
0x4af: {  	[sflag:s18] =	ssyncadd.s32 $0xFFFFF800  }
0x4b0: {  	[tilespmem:s28], [sflag:$0x4] =	stream.indirect.gather [spmem:s4], $0x10, s6, s21, $0xb8;
	[tilespmem:$0x1DA38] =	vst v63  }
0x4b1: {  	_ =	swait.ge [sflag:s29], $0x800  }
0x4b2: {  	[sflag:s29] =	ssyncset.done $0x0  }
0x4b3: {  	[sflag:s29] =	ssyncadd.s32 $0xFFFFF800  }
0x4b4: {  	[spmem:s3] =	stream.indirect.scatter.add.f32 [tilespmem:s22], [sflag:$0x5], $0x10, s12, s21, $0xb8;
	[tilespmem:$0x1DA38] =	vst v63  }
0x4b5: {  	_ =	swait.ge [sflag:s18], $0x800  }
0x4b6: {  	[sflag:s18] =	ssyncset.done $0x0  }
0x4b7: {  	[sflag:s18] =	ssyncadd.s32 $0xFFFFF800  }
0x4b8: {  	[tilespmem:s22], [sflag:$0x1] =	stream.indirect.gather [spmem:s4], $0x10, s7, s21, $0xb8;
	[tilespmem:$0x1DA38] =	vst v63  }
0x4b9: {  	_ =	swait.ge [sflag:s31], $0x800  }
0x4ba: {  	[sflag:s31] =	ssyncset.done $0x0  }
0x4bb: {  	s0 =	simm.s32 $0xA80;
	[sflag:s31] =	ssyncadd.s32 $0xFFFFF800  }
0x4bc: {  	[spmem:s3] =	stream.indirect.scatter.add.f32 [tilespmem:s23], [sflag:$0x5], $0x10, s0, s21, $0xb8;
	[tilespmem:$0x1DA38] =	vst v63  }
0x4bd: {  	_ =	swait.ge [sflag:s18], $0x800  }
0x4be: {  	[sflag:s18] =	ssyncset.done $0x0  }
0x4bf: {  	s0 =	simm.s32 $0x480;
	[sflag:s18] =	ssyncadd.s32 $0xFFFFF800  }
0x4c0: {  	[tilespmem:s23], [sflag:$0x2] =	stream.indirect.gather [spmem:s4], $0x10, s0, s21, $0xb8;
	[tilespmem:$0x1DA38] =	vst v63  }
0x4c1: {  	_ =	swait.ge [sflag:s11], $0x800  }
0x4c2: {  	[sflag:s11] =	ssyncset.done $0x0  }
0x4c3: {  	s0 =	simm.s32 $0xB00;
	[sflag:s11] =	ssyncadd.s32 $0xFFFFF800  }
0x4c4: {  	[spmem:s3] =	stream.indirect.scatter.add.f32 [tilespmem:s25], [sflag:$0x5], $0x10, s0, s21, $0xb8;
	[tilespmem:$0x1DA38] =	vst v63  }
0x4c5: {  	_ =	swait.ge [sflag:s18], $0x800  }
0x4c6: {  	[sflag:s18] =	ssyncset.done $0x0  }
0x4c7: {  	s0 =	simm.s32 $0x500;
	[sflag:s18] =	ssyncadd.s32 $0xFFFFF800  }
0x4c8: {  	[tilespmem:s25], [sflag:$0x3] =	stream.indirect.gather [spmem:s4], $0x10, s0, s21, $0xb8;
	[tilespmem:$0x1DA38] =	vst v63  }
0x4c9: {  	_ =	swait.ge [sflag:s19], $0x800  }
0x4ca: {  	[sflag:s19] =	ssyncset.done $0x0  }
0x4cb: {  	s0 =	simm.s32 $0xB80;
	[sflag:s19] =	ssyncadd.s32 $0xFFFFF800  }
0x4cc: {  	[spmem:s3] =	stream.indirect.scatter.add.f32 [tilespmem:s28], [sflag:$0x5], $0x10, s0, s21, $0xb8;
	[tilespmem:$0x1DA38] =	vst v63  }
0x4cd: {  	_ =	swait.ge [sflag:s18], $0x800  }
0x4ce: {  	[sflag:s18] =	ssyncset.done $0x0  }
0x4cf: {  	s0 =	simm.s32 $0x580;
	[sflag:s18] =	ssyncadd.s32 $0xFFFFF800  }
0x4d0: {  	[tilespmem:s28], [sflag:$0x4] =	stream.indirect.gather [spmem:s4], $0x10, s0, s21, $0xb8;
	[tilespmem:$0x1DA38] =	vst v63  }
0x4d1: {  	_ =	swait.ge [sflag:s29], $0x800  }
0x4d2: {  	[sflag:s29] =	ssyncset.done $0x0  }
0x4d3: {  	s0 =	simm.s32 $0xC00;
	[sflag:s29] =	ssyncadd.s32 $0xFFFFF800  }
0x4d4: {  	[spmem:s3] =	stream.indirect.scatter.add.f32 [tilespmem:s22], [sflag:$0x5], $0x10, s0, s21, $0xb8;
	[tilespmem:$0x1DA38] =	vst v63  }
0x4d5: {  	_ =	swait.ge [sflag:s18], $0x800  }
0x4d6: {  	[sflag:s18] =	ssyncset.done $0x0  }
0x4d7: {  	s0 =	simm.s32 $0x600;
	[sflag:s18] =	ssyncadd.s32 $0xFFFFF800  }
0x4d8: {  	[tilespmem:s22], [sflag:$0x1] =	stream.indirect.gather [spmem:s4], $0x10, s0, s21, $0xb8;
	[tilespmem:$0x1DA38] =	vst v63  }
0x4d9: {  	_ =	swait.ge [sflag:s31], $0x800  }
0x4da: {  	[sflag:s31] =	ssyncset.done $0x0  }
0x4db: {  	s0 =	simm.s32 $0xC80;
	[sflag:s31] =	ssyncadd.s32 $0xFFFFF800  }
0x4dc: {  	[spmem:s3] =	stream.indirect.scatter.add.f32 [tilespmem:s23], [sflag:$0x5], $0x10, s0, s21, $0xb8;
	[tilespmem:$0x1DA38] =	vst v63  }
0x4dd: {  	_ =	swait.ge [sflag:s18], $0x800  }
0x4de: {  	[sflag:s18] =	ssyncset.done $0x0  }
0x4df: {  	s0 =	simm.s32 $0x680;
	[sflag:s18] =	ssyncadd.s32 $0xFFFFF800  }
0x4e0: {  	[tilespmem:s23], [sflag:$0x2] =	stream.indirect.gather [spmem:s4], $0x10, s0, s21, $0xb8;
	[tilespmem:$0x1DA38] =	vst v63  }
0x4e1: {  	_ =	swait.ge [sflag:s11], $0x800  }
0x4e2: {  	[sflag:s11] =	ssyncset.done $0x0  }
0x4e3: {  	s0 =	simm.s32 $0xD00;
	[sflag:s11] =	ssyncadd.s32 $0xFFFFF800  }
0x4e4: {  	[spmem:s3] =	stream.indirect.scatter.add.f32 [tilespmem:s25], [sflag:$0x5], $0x10, s0, s21, $0xb8;
	[tilespmem:$0x1DA38] =	vst v63  }
0x4e5: {  	_ =	swait.ge [sflag:s18], $0x800  }
0x4e6: {  	[sflag:s18] =	ssyncset.done $0x0  }
0x4e7: {  	s0 =	simm.s32 $0x700;
	[sflag:s18] =	ssyncadd.s32 $0xFFFFF800  }
0x4e8: {  	[tilespmem:s25], [sflag:$0x3] =	stream.indirect.gather [spmem:s4], $0x10, s0, s21, $0xb8;
	[tilespmem:$0x1DA38] =	vst v63  }
0x4e9: {  	_ =	swait.ge [sflag:s19], $0x800  }
0x4ea: {  	[sflag:s19] =	ssyncset.done $0x0  }
0x4eb: {  	s0 =	simm.s32 $0xD80;
	[sflag:s19] =	ssyncadd.s32 $0xFFFFF800  }
0x4ec: {  	[spmem:s3] =	stream.indirect.scatter.add.f32 [tilespmem:s28], [sflag:$0x5], $0x10, s0, s21, $0xb8;
	[tilespmem:$0x1DA38] =	vst v63  }
0x4ed: {  	_ =	swait.ge [sflag:s18], $0x800  }
0x4ee: {  	[sflag:s18] =	ssyncset.done $0x0  }
0x4ef: {  	s0 =	simm.s32 $0x780;
	[sflag:s18] =	ssyncadd.s32 $0xFFFFF800  }
0x4f0: {  	[tilespmem:s28], [sflag:$0x4] =	stream.indirect.gather [spmem:s4], $0x10, s0, s21, $0xb8;
	[tilespmem:$0x1DA38] =	vst v63  }
0x4f1: {  	_ =	swait.ge [sflag:s29], $0x800  }
0x4f2: {  	[sflag:s29] =	ssyncset.done $0x0  }
0x4f3: {  	s0 =	simm.s32 $0xE00;
	[sflag:s29] =	ssyncadd.s32 $0xFFFFF800  }
0x4f4: {  	[spmem:s3] =	stream.indirect.scatter.add.f32 [tilespmem:s22], [sflag:$0x5], $0x10, s0, s21, $0xb8;
	[tilespmem:$0x1DA38] =	vst v63  }
0x4f5: {  	_ =	swait.ge [sflag:s18], $0x800  }
0x4f6: {  	[sflag:s18] =	ssyncset.done $0x0  }
0x4f7: {  	[sflag:s18] =	ssyncadd.s32 $0xFFFFF800  }
0x4f8: {  	_ =	swait.ge [sflag:s31], $0x800  }
0x4f9: {  	[sflag:s31] =	ssyncset.done $0x0  }
0x4fa: {  	s0 =	simm.s32 $0xE80;
	[sflag:s31] =	ssyncadd.s32 $0xFFFFF800  }
0x4fb: {  	[spmem:s3] =	stream.indirect.scatter.add.f32 [tilespmem:s23], [sflag:$0x5], $0x10, s0, s21, $0xb8;
	[tilespmem:$0x1DA38] =	vst v63  }
0x4fc: {  	_ =	swait.ge [sflag:s18], $0x800  }
0x4fd: {  	[sflag:s18] =	ssyncset.done $0x0  }
0x4fe: {  	[sflag:s18] =	ssyncadd.s32 $0xFFFFF800  }
0x4ff: {  	_ =	swait.ge [sflag:s11], $0x800  }
0x500: {  	[sflag:s11] =	ssyncset.done $0x0  }
0x501: {  	s0 =	simm.s32 $0xF00;
	[sflag:s11] =	ssyncadd.s32 $0xFFFFF800  }
0x502: {  	[spmem:s3] =	stream.indirect.scatter.add.f32 [tilespmem:s25], [sflag:$0x5], $0x10, s0, s21, $0xb8;
	[tilespmem:$0x1DA38] =	vst v63  }
0x503: {  	_ =	swait.ge [sflag:s18], $0x800  }
0x504: {  	[sflag:s18] =	ssyncset.done $0x0  }
0x505: {  	[sflag:s18] =	ssyncadd.s32 $0xFFFFF800  }
0x506: {  	_ =	swait.ge [sflag:s19], $0x800  }
.Ltmp6:
0x507: {  	[sflag:s19] =	ssyncset.done $0x0;
	(pc) =	sbr.rel @p0 .LBB2_14-.Ltmp6, $4  }
0x508: {  	s0 =	simm.s32 $0xF80;
	[sflag:s19] =	ssyncadd.s32 $0xFFFFF800  }
0x509: {  	[spmem:s3] =	stream.indirect.scatter.add.f32 [tilespmem:s28], [sflag:$0x5], $0x10, s0, s21, $0xb8;
	[tilespmem:$0x1DA38] =	vst v63  }
0x50a: {  	_ =	swait.ge [sflag:s18], $0x800  }
0x50b: {  	s0 =	smov.u32 s26;
	[sflag:s18] =	ssyncset.done $0x0  }
0x50c: {  	s0 =	sadd.s32 s24, s16;
	[sflag:s18] =	ssyncadd.s32 $0xFFFFF800  }
0x50d: {  	[tilespmem:s5], [sflag:$0x5] =	stream.linear.gather [hbm4b:s0+s5], $0x800, $0x38;
	[tilespmem:$0x1DA38] =	vst v63  }
0x50e: {  	_ =	swait.ge [sflag:s18], $0x800  }
0x50f: {  	[sflag:s18] =	ssyncset.done $0x0  }
0x510: {  	s26 =	sadd.s32 s24, s15;
	[sflag:s18] =	ssyncadd.s32 $0xFFFFF800  }
0x511: {  	[tilespmem:s20], [sflag:$0x5] =	stream.linear.gather [hbm4b:s26+s5], $0x800, $0x38;
	[tilespmem:$0x1DA38] =	vst v63  }
0x512: {  	_ =	swait.ge [sflag:s18], $0x800  }
0x513: {  	[sflag:s18] =	ssyncset.done $0x0  }
0x514: {  	[sflag:s18] =	ssyncadd.s32 $0xFFFFF800  }
0x515: {  	[tilespmem:s22], [sflag:$0x1] =	stream.indirect.gather [spmem:s4], $0x10, s5, s21, $0xb8;
	[tilespmem:$0x1DA38] =	vst v63  }
0x516: {  	_ = 	snop  }
0x517: {  	[tilespmem:s23], [sflag:$0x2] =	stream.indirect.gather [spmem:s4], $0x10, s21, s21, $0xb8;
	[tilespmem:$0x1DA38] =	vst v63  }
0x518: {  	_ = 	snop  }
0x519: {  	[tilespmem:s25], [sflag:$0x3] =	stream.indirect.gather [spmem:s4], $0x10, s30, s21, $0xb8;
	[tilespmem:$0x1DA38] =	vst v63  }
0x51a: {  	_ = 	snop  }
0x51b: {  	[tilespmem:s28], [sflag:$0x4] =	stream.indirect.gather [spmem:s4], $0x10, s2, s21, $0xb8;
	[tilespmem:$0x1DA38] =	vst v63  }
0x51c: {  	_ =	swait.ge [sflag:s29], $0x800  }
0x51d: {  	[sflag:s29] =	ssyncset.done $0x0  }
0x51e: {  	[sflag:s29] =	ssyncadd.s32 $0xFFFFF800  }
0x51f: {  	[spmem:s3] =	stream.indirect.scatter.add.f32 [tilespmem:s22], [sflag:$0x5], $0x10, s20, s21, $0xb8;
	[tilespmem:$0x1DA38] =	vst v63  }
0x520: {  	_ =	swait.ge [sflag:s18], $0x800  }
0x521: {  	[sflag:s18] =	ssyncset.done $0x0  }
0x522: {  	[sflag:s18] =	ssyncadd.s32 $0xFFFFF800  }
0x523: {  	[tilespmem:s22], [sflag:$0x1] =	stream.indirect.gather [spmem:s4], $0x10, s13, s21, $0xb8;
	[tilespmem:$0x1DA38] =	vst v63  }
0x524: {  	_ =	swait.ge [sflag:s31], $0x800  }
0x525: {  	[sflag:s31] =	ssyncset.done $0x0  }
0x526: {  	[sflag:s31] =	ssyncadd.s32 $0xFFFFF800  }
0x527: {  	[spmem:s3] =	stream.indirect.scatter.add.f32 [tilespmem:s23], [sflag:$0x5], $0x10, s14, s21, $0xb8;
	[tilespmem:$0x1DA38] =	vst v63  }
0x528: {  	_ =	swait.ge [sflag:s18], $0x800  }
0x529: {  	[sflag:s18] =	ssyncset.done $0x0  }
0x52a: {  	[sflag:s18] =	ssyncadd.s32 $0xFFFFF800  }
0x52b: {  	[tilespmem:s23], [sflag:$0x2] =	stream.indirect.gather [spmem:s4], $0x10, s8, s21, $0xb8;
	[tilespmem:$0x1DA38] =	vst v63  }
0x52c: {  	_ =	swait.ge [sflag:s11], $0x800  }
0x52d: {  	[sflag:s11] =	ssyncset.done $0x0  }
0x52e: {  	[sflag:s11] =	ssyncadd.s32 $0xFFFFF800  }
0x52f: {  	[spmem:s3] =	stream.indirect.scatter.add.f32 [tilespmem:s25], [sflag:$0x5], $0x10, s17, s21, $0xb8;
	[tilespmem:$0x1DA38] =	vst v63  }
0x530: {  	_ =	swait.ge [sflag:s18], $0x800  }
0x531: {  	[sflag:s18] =	ssyncset.done $0x0  }
0x532: {  	[sflag:s18] =	ssyncadd.s32 $0xFFFFF800  }
0x533: {  	[tilespmem:s25], [sflag:$0x3] =	stream.indirect.gather [spmem:s4], $0x10, s10, s21, $0xb8;
	[tilespmem:$0x1DA38] =	vst v63  }
0x534: {  	_ =	swait.ge [sflag:s19], $0x800  }
0x535: {  	[sflag:s19] =	ssyncset.done $0x0  }
0x536: {  	[sflag:s19] =	ssyncadd.s32 $0xFFFFF800  }
0x537: {  	[spmem:s3] =	stream.indirect.scatter.add.f32 [tilespmem:s28], [sflag:$0x5], $0x10, s1, s21, $0xb8;
	[tilespmem:$0x1DA38] =	vst v63  }
0x538: {  	_ =	swait.ge [sflag:s18], $0x800  }
0x539: {  	[sflag:s18] =	ssyncset.done $0x0  }
0x53a: {  	[sflag:s18] =	ssyncadd.s32 $0xFFFFF800  }
0x53b: {  	[tilespmem:s28], [sflag:$0x4] =	stream.indirect.gather [spmem:s4], $0x10, s6, s21, $0xb8;
	[tilespmem:$0x1DA38] =	vst v63  }
0x53c: {  	_ =	swait.ge [sflag:s29], $0x800  }
0x53d: {  	[sflag:s29] =	ssyncset.done $0x0  }
0x53e: {  	[sflag:s29] =	ssyncadd.s32 $0xFFFFF800  }
0x53f: {  	[spmem:s3] =	stream.indirect.scatter.add.f32 [tilespmem:s22], [sflag:$0x5], $0x10, s12, s21, $0xb8;
	[tilespmem:$0x1DA38] =	vst v63  }
0x540: {  	_ =	swait.ge [sflag:s18], $0x800  }
0x541: {  	[sflag:s18] =	ssyncset.done $0x0  }
0x542: {  	[sflag:s18] =	ssyncadd.s32 $0xFFFFF800  }
0x543: {  	[tilespmem:s22], [sflag:$0x1] =	stream.indirect.gather [spmem:s4], $0x10, s7, s21, $0xb8;
	[tilespmem:$0x1DA38] =	vst v63  }
0x544: {  	_ =	swait.ge [sflag:s31], $0x800  }
0x545: {  	[sflag:s31] =	ssyncset.done $0x0  }
0x546: {  	s1 =	simm.s32 $0xA80;
	[sflag:s31] =	ssyncadd.s32 $0xFFFFF800  }
0x547: {  	[spmem:s3] =	stream.indirect.scatter.add.f32 [tilespmem:s23], [sflag:$0x5], $0x10, s1, s21, $0xb8;
	[tilespmem:$0x1DA38] =	vst v63  }
0x548: {  	_ =	swait.ge [sflag:s18], $0x800  }
0x549: {  	[sflag:s18] =	ssyncset.done $0x0  }
0x54a: {  	s2 =	simm.s32 $0x480;
	[sflag:s18] =	ssyncadd.s32 $0xFFFFF800  }
0x54b: {  	[tilespmem:s23], [sflag:$0x2] =	stream.indirect.gather [spmem:s4], $0x10, s2, s21, $0xb8;
	[tilespmem:$0x1DA38] =	vst v63  }
0x54c: {  	_ =	swait.ge [sflag:s11], $0x800  }
0x54d: {  	[sflag:s11] =	ssyncset.done $0x0  }
0x54e: {  	s6 =	simm.s32 $0xB00;
	[sflag:s11] =	ssyncadd.s32 $0xFFFFF800  }
0x54f: {  	[spmem:s3] =	stream.indirect.scatter.add.f32 [tilespmem:s25], [sflag:$0x5], $0x10, s6, s21, $0xb8;
	[tilespmem:$0x1DA38] =	vst v63  }
0x550: {  	_ =	swait.ge [sflag:s18], $0x800  }
0x551: {  	[sflag:s18] =	ssyncset.done $0x0  }
0x552: {  	s7 =	simm.s32 $0x500;
	[sflag:s18] =	ssyncadd.s32 $0xFFFFF800  }
0x553: {  	[tilespmem:s25], [sflag:$0x3] =	stream.indirect.gather [spmem:s4], $0x10, s7, s21, $0xb8;
	[tilespmem:$0x1DA38] =	vst v63  }
0x554: {  	_ =	swait.ge [sflag:s19], $0x800  }
0x555: {  	[sflag:s19] =	ssyncset.done $0x0  }
0x556: {  	s8 =	simm.s32 $0xB80;
	[sflag:s19] =	ssyncadd.s32 $0xFFFFF800  }
0x557: {  	[spmem:s3] =	stream.indirect.scatter.add.f32 [tilespmem:s28], [sflag:$0x5], $0x10, s8, s21, $0xb8;
	[tilespmem:$0x1DA38] =	vst v63  }
0x558: {  	_ =	swait.ge [sflag:s18], $0x800  }
0x559: {  	[sflag:s18] =	ssyncset.done $0x0  }
0x55a: {  	s10 =	simm.s32 $0x580;
	[sflag:s18] =	ssyncadd.s32 $0xFFFFF800  }
0x55b: {  	[tilespmem:s28], [sflag:$0x4] =	stream.indirect.gather [spmem:s4], $0x10, s10, s21, $0xb8;
	[tilespmem:$0x1DA38] =	vst v63  }
0x55c: {  	_ =	swait.ge [sflag:s29], $0x800  }
0x55d: {  	[sflag:s29] =	ssyncset.done $0x0  }
0x55e: {  	s12 =	simm.s32 $0xC00;
	[sflag:s29] =	ssyncadd.s32 $0xFFFFF800  }
0x55f: {  	[spmem:s3] =	stream.indirect.scatter.add.f32 [tilespmem:s22], [sflag:$0x5], $0x10, s12, s21, $0xb8;
	[tilespmem:$0x1DA38] =	vst v63  }
0x560: {  	_ =	swait.ge [sflag:s18], $0x800  }
0x561: {  	[sflag:s18] =	ssyncset.done $0x0  }
0x562: {  	s13 =	simm.s32 $0x600;
	[sflag:s18] =	ssyncadd.s32 $0xFFFFF800  }
0x563: {  	[tilespmem:s22], [sflag:$0x1] =	stream.indirect.gather [spmem:s4], $0x10, s13, s21, $0xb8;
	[tilespmem:$0x1DA38] =	vst v63  }
0x564: {  	_ =	swait.ge [sflag:s31], $0x800  }
0x565: {  	[sflag:s31] =	ssyncset.done $0x0  }
0x566: {  	s14 =	simm.s32 $0xC80;
	[sflag:s31] =	ssyncadd.s32 $0xFFFFF800  }
0x567: {  	[spmem:s3] =	stream.indirect.scatter.add.f32 [tilespmem:s23], [sflag:$0x5], $0x10, s14, s21, $0xb8;
	[tilespmem:$0x1DA38] =	vst v63  }
0x568: {  	_ =	swait.ge [sflag:s18], $0x800  }
0x569: {  	[sflag:s18] =	ssyncset.done $0x0  }
0x56a: {  	s17 =	simm.s32 $0x680;
	[sflag:s18] =	ssyncadd.s32 $0xFFFFF800  }
0x56b: {  	[tilespmem:s23], [sflag:$0x2] =	stream.indirect.gather [spmem:s4], $0x10, s17, s21, $0xb8;
	[tilespmem:$0x1DA38] =	vst v63  }
0x56c: {  	_ =	swait.ge [sflag:s11], $0x800  }
0x56d: {  	[sflag:s11] =	ssyncset.done $0x0  }
0x56e: {  	s24 =	simm.s32 $0xD00;
	[sflag:s11] =	ssyncadd.s32 $0xFFFFF800  }
0x56f: {  	[spmem:s3] =	stream.indirect.scatter.add.f32 [tilespmem:s25], [sflag:$0x5], $0x10, s24, s21, $0xb8;
	[tilespmem:$0x1DA38] =	vst v63  }
0x570: {  	_ =	swait.ge [sflag:s18], $0x800  }
0x571: {  	[sflag:s18] =	ssyncset.done $0x0  }
0x572: {  	s26 =	simm.s32 $0x700;
	[sflag:s18] =	ssyncadd.s32 $0xFFFFF800  }
0x573: {  	[tilespmem:s25], [sflag:$0x3] =	stream.indirect.gather [spmem:s4], $0x10, s26, s21, $0xb8;
	[tilespmem:$0x1DA38] =	vst v63  }
0x574: {  	_ =	swait.ge [sflag:s19], $0x800  }
0x575: {  	[sflag:s19] =	ssyncset.done $0x0  }
0x576: {  	s1 =	simm.s32 $0xD80;
	[sflag:s19] =	ssyncadd.s32 $0xFFFFF800  }
0x577: {  	[spmem:s3] =	stream.indirect.scatter.add.f32 [tilespmem:s28], [sflag:$0x5], $0x10, s1, s21, $0xb8;
	[tilespmem:$0x1DA38] =	vst v63  }
0x578: {  	_ =	swait.ge [sflag:s18], $0x800  }
0x579: {  	[sflag:s18] =	ssyncset.done $0x0  }
0x57a: {  	s2 =	simm.s32 $0x780;
	[sflag:s18] =	ssyncadd.s32 $0xFFFFF800  }
0x57b: {  	[tilespmem:s28], [sflag:$0x4] =	stream.indirect.gather [spmem:s4], $0x10, s2, s21, $0xb8;
	[tilespmem:$0x1DA38] =	vst v63  }
0x57c: {  	_ =	swait.ge [sflag:s29], $0x800  }
0x57d: {  	[sflag:s29] =	ssyncset.done $0x0  }
0x57e: {  	s6 =	simm.s32 $0xE00;
	[sflag:s29] =	ssyncadd.s32 $0xFFFFF800  }
0x57f: {  	[spmem:s3] =	stream.indirect.scatter.add.f32 [tilespmem:s22], [sflag:$0x5], $0x10, s6, s21, $0xb8;
	[tilespmem:$0x1DA38] =	vst v63  }
0x580: {  	_ =	swait.ge [sflag:s18], $0x800  }
0x581: {  	[sflag:s18] =	ssyncset.done $0x0  }
0x582: {  	[sflag:s18] =	ssyncadd.s32 $0xFFFFF800  }
0x583: {  	_ =	swait.ge [sflag:s31], $0x800  }
0x584: {  	[sflag:s31] =	ssyncset.done $0x0  }
0x585: {  	s7 =	simm.s32 $0xE80;
	[sflag:s31] =	ssyncadd.s32 $0xFFFFF800  }
0x586: {  	[spmem:s3] =	stream.indirect.scatter.add.f32 [tilespmem:s23], [sflag:$0x5], $0x10, s7, s21, $0xb8;
	[tilespmem:$0x1DA38] =	vst v63  }
0x587: {  	_ =	swait.ge [sflag:s18], $0x800  }
0x588: {  	[sflag:s18] =	ssyncset.done $0x0  }
0x589: {  	[sflag:s18] =	ssyncadd.s32 $0xFFFFF800  }
0x58a: {  	_ =	swait.ge [sflag:s11], $0x800  }
0x58b: {  	[sflag:s11] =	ssyncset.done $0x0  }
0x58c: {  	s8 =	simm.s32 $0xF00;
	[sflag:s11] =	ssyncadd.s32 $0xFFFFF800  }
0x58d: {  	[spmem:s3] =	stream.indirect.scatter.add.f32 [tilespmem:s25], [sflag:$0x5], $0x10, s8, s21, $0xb8;
	[tilespmem:$0x1DA38] =	vst v63  }
0x58e: {  	_ =	swait.ge [sflag:s18], $0x800  }
0x58f: {  	[sflag:s18] =	ssyncset.done $0x0  }
0x590: {  	[sflag:s18] =	ssyncadd.s32 $0xFFFFF800  }
0x591: {  	_ =	swait.ge [sflag:s19], $0x800  }
0x592: {  	[sflag:s19] =	ssyncset.done $0x0  }
0x593: {  	s10 =	simm.s32 $0xF80;
	[sflag:s19] =	ssyncadd.s32 $0xFFFFF800  }
0x594: {  	[spmem:s3] =	stream.indirect.scatter.add.f32 [tilespmem:s28], [sflag:$0x5], $0x10, s10, s21, $0xb8;
	[tilespmem:$0x1DA38] =	vst v63  }
0x595: {  	_ =	swait.ge [sflag:s18], $0x800  }
0x596: {  	[sflag:s18] =	ssyncset.done $0x0  }
0x597: {  	[sflag:s18] =	ssyncadd.s32 $0xFFFFF800  }
0x598: {  	[bflag:$0x0] =	sbarrier.arrive $0xFFFF  }
0x599: {  	s12 =	rddreg [dreg:$0xc]  }
0x59a: {  	s13 =	rddreg [dreg:$0xe]  }
0x59b: {  	s26 =	rddreg [dreg:$0x9]  }
0x59c: {  	[hbm:s12@s19], [sflag:s26] =	dma.strided [spmem:s13@s31], $0x1870, s29, $0x2   }
0x59d: {  	_ =	swait.ge [sflag:s18], $0x1870  }
0x59e: {  	s14 =	rddreg [dreg:$0x10]  }
0x59f: {  	s17 =	rddreg [dreg:$0xd];
	s2 =	sadd.s32 $0x1, s14  }
0x5a0: {  	p0 =	sne.s32 s2, s17  }
.Ltmp7:
0x5a1: {  	_ = 	snop;
	(pc) =	sbr.rel @p0 .LBB2_1-.Ltmp7, $4  }
0x5a2: {  	s24 =	simm.s32 $0x200;
	s1 =	simm.s32 $0x980  }
0x5a3: {  	s6 =	simm.s32 $0x380;
	s7 =	simm.s32 $0x400;
	s8 =	simm.s32 $0x280  }
0x5a4: {  	s10 =	simm.s32 $0x300;
	s12 =	simm.s32 $0xA00;
	[sflag:s18] =	ssyncset.done $0x0  }
0x5a5: {  	[sflag:s18] =	ssyncadd.s32 $0xFFFFE790;
	s14 =	simm.s32 $0x880;
	s17 =	simm.s32 $0x900  }
0x5a6: {  	_ =	sfence.sel $0x180000  }
0x5a7: {  	[bflag:$0x0] =	sbarrier.arrive $0xFFFF  }
0x5a8: {  	_ =	strace $0x9000004A  }
0x5a9: {  	s0 =	stileid.u32;
	[bflag:$0x2] =	sbarrier.arrive $0xFFFF  }
0x5aa: {  	p0 =	sne.s32 s0, $0x0;
	s0 =	rddreg [dreg:$0x4]  }
0x5ab: {  	s0 =	sadd.s32 @!p0 $0x100000, s0  }
0x5ac: {  	[sflag:s0] =	ssyncadd.tile.s32 @!p0 $0x1;
	_ =	shalt  }
.Lfunc_end2:
_tile_overlayer_lowered:
.L_overlay_start_2:
0x5ad: {  	(tag) =	ssettag $0x2  }
0x5ae: {  	s0 =	rddreg [dreg:$0x0];
	s2 =	stileid.u32  }
0x5af: {  	s1 =	rddreg [dreg:$0x1];
	p0 =	sne.s32 s2, $0x0  }
0x5b0: {  	s3 =	rddreg [dreg:$0x2];
	[bflag:$0x3] =	sbarrier.arrive $0xFFFF;
	s2 =	simm.s32 @!p0 $0x1C05  }
0x5b1: {  	[timem:s3], [sflag:s2] =	dma.local @!p0 [hbm:s0], s1  }
0x5b2: {  	s0 =	simm.s32 @!p0 $0x5  }
0x5b3: {  	_ =	swait.ge @!p0 [sflag:s0], s1  }
0x5b4: {  	s1 =	ssub.s32 @!p0 $0x0, s1;
	[sflag:s0] =	ssyncset.done @!p0 $0x0  }
0x5b5: {  	[sflag:s0] =	ssyncadd.s32 @!p0 s1  }
0x5b6: {  	[bflag:$0x3] =	sbarrier.arrive $0xFFFF  }
0x5b7: {  	_ =	shalt  }

</sc_bundles>
